<compile_context>
chip_gen: v7x
topology: tpu7x:2x2x1
jax: 0.10.2.dev20260603
libtpu: 0.0.44.dev20260713+nightly
codegen_flags: <defaults>
</compile_context>

<pallas_src>
import functools

import jax
import jax.numpy as jnp
from jax import lax
from jax.experimental import pallas as pl
from jax.experimental.pallas import tpu as pltpu
from jax.experimental.pallas import tpu_sc as plsc

PADDING_IDX = 1
LANES = 16
CHUNK = 32


def _make_sc_kernel(bsz, seq_len, n_table, dim, n_workers, n_cores):
    s_per_w = seq_len // n_workers
    n_chunks_per_b = s_per_w // CHUNK
    mesh = plsc.VectorSubcoreMesh(core_axis_name="c", subcore_axis_name="s")

    @functools.partial(
        pl.kernel,
        mesh=mesh,
        out_type=jax.ShapeDtypeStruct((bsz, seq_len, dim), jnp.float32),
        scratch_types=[
            pltpu.VMEM((bsz, s_per_w), jnp.int32),
            pltpu.VMEM((bsz, s_per_w), jnp.int32),
            pltpu.VMEM((CHUNK, dim), jnp.float32),
            pltpu.VMEM((CHUNK, dim), jnp.float32),
            pltpu.SemaphoreType.DMA,
            pltpu.SemaphoreType.DMA,
            pltpu.SemaphoreType.DMA,
            pltpu.SemaphoreType.DMA,
        ],
    )
    def sc_posemb(inp_hbm, w_hbm, out_hbm, inp_v, pos_v, b0, b1, g0, g1, w0, w1):
        wid = lax.axis_index("s") * n_cores + lax.axis_index("c")
        base_s = wid * s_per_w
        for b in range(bsz):
            pltpu.sync_copy(inp_hbm.at[b, pl.ds(base_s, s_per_w)], inp_v.at[b])
        zero = jnp.zeros((LANES,), jnp.int32)
        one = jnp.full((LANES,), 1, jnp.int32)
        pad = jnp.full((LANES,), PADDING_IDX, jnp.int32)
        for j in range(s_per_w // LANES):
            sl = pl.ds(j * LANES, LANES)
            cum = zero
            for b in range(bsz):
                m = jnp.where(inp_v[b, sl] == pad, zero, one)
                cum = cum + m
                pos_v[b, sl] = cum * m + pad

        chunks = [(b, c) for b in range(bsz) for c in range(n_chunks_per_b)]
        bufs, gsem, wsem = [b0, b1], [g0, g1], [w0, w1]
        gh = [None, None]
        wh = [None, None]

        def start_gather(k, i):
            b, c = chunks[k]
            idx = pos_v.at[b, pl.ds(c * CHUNK, CHUNK)]
            gh[i] = pltpu.async_copy(w_hbm.at[idx], bufs[i], gsem[i])

        def start_write(k, i):
            b, c = chunks[k]
            dst = out_hbm.at[b, pl.ds(base_s + c * CHUNK, CHUNK)]
            wh[i] = pltpu.async_copy(bufs[i], dst, wsem[i])

        start_gather(0, 0)
        for k in range(len(chunks)):
            i = k % 2
            gh[i].wait()
            if k + 1 < len(chunks):
                o = (k + 1) % 2
                if wh[o] is not None:
                    wh[o].wait()
                start_gather(k + 1, o)
            start_write(k, i)
        wh[0].wait()
        wh[1].wait()

    return sc_posemb


def kernel(input, weights):
    bsz, seq_len = input.shape
    n_table, dim = weights.shape
    info = plsc.get_sparse_core_info()
    n_workers = info.num_cores * info.num_subcores
    sc = _make_sc_kernel(bsz, seq_len, n_table, dim, n_workers, info.num_cores)
    return sc(input, weights)

# --- scband reference (transcript-rebuilt; emitter-appended) ---
"""Pipeline reference for scband-sinusoidal-positional-embedding-6124623364434 (READ-ONLY COPY).

The authoritative reference and input builder live on the scoring server;
editing this copy changes nothing except your own understanding.
"""

import jax, jax.numpy as jnp
import numpy as np
import math

EMBEDDING_DIM = 1024
PADDING_IDX = 1
BSZ = 4
SEQ_LEN = 8192


def _get_embedding(num_embeddings, embedding_dim, padding_idx=None):
    half_dim = embedding_dim // 2
    emb = math.log(10000) / (half_dim - 1)
    emb = jnp.exp(jnp.arange(half_dim, dtype=jnp.float32) * -emb)
    emb = jnp.arange(num_embeddings, dtype=jnp.float32)[:, None] * emb[None, :]
    emb = jnp.concatenate([jnp.sin(emb), jnp.cos(emb)], axis=1).reshape(num_embeddings, -1)
    if embedding_dim % 2 == 1:
        emb = jnp.concatenate([emb, jnp.zeros((num_embeddings, 1), dtype=jnp.float32)], axis=1)
    if padding_idx is not None:
        emb = emb.at[padding_idx, :].set(0.0)
    return emb


def setup_inputs(seed: int = 0) -> dict:
    key = jax.random.key(seed)
    inp = jax.random.randint(key, (BSZ, SEQ_LEN), 0, 32000, dtype=jnp.int32)
    # forward rebuilds the table because max_pos = padding_idx + 1 + seq_len > init_size
    max_pos = PADDING_IDX + 1 + SEQ_LEN
    weights = _get_embedding(max_pos, EMBEDDING_DIM, PADDING_IDX)
    return {"input": inp, "weights": weights}


def reference(input, weights):
    bsz, seq_len = input.shape
    mask = (input != PADDING_IDX).astype(jnp.int32)
    positions = jnp.cumsum(mask, axis=0) * mask + PADDING_IDX
    out = jnp.take(weights, positions.reshape(-1), axis=0).reshape(bsz, seq_len, -1)
    return out

if __name__ == "__main__":
    import jax
    _d = setup_inputs()
    print(jax.jit(kernel)(*tuple(_d.values())))

</pallas_src>

<mosaic_0001>
#map = affine_map<(d0, d1) -> (0, 0)>
#map1 = affine_map<(d0, d1) -> (0, 0, 0)>
module attributes {stable_mosaic.version = 14 : i64} {
  func.func @sc_posemb(%arg0: i32, %arg1: i32, %arg2: memref<4x8192xi32, #tpu.memory_space<hbm>>, %arg3: memref<8194x1024xf32, #tpu.memory_space<hbm>>, %arg4: memref<4x8192x1024xf32, #tpu.memory_space<hbm>>, %arg5: memref<4x256xi32, #tpu.memory_space<vmem>>, %arg6: memref<4x256xi32, #tpu.memory_space<vmem>>, %arg7: memref<32x1024xf32, #tpu.memory_space<vmem>>, %arg8: memref<32x1024xf32, #tpu.memory_space<vmem>>, %arg9: memref<!tpu.dma_semaphore, #tpu.memory_space<semaphore_mem>>, %arg10: memref<!tpu.dma_semaphore, #tpu.memory_space<semaphore_mem>>, %arg11: memref<!tpu.dma_semaphore, #tpu.memory_space<semaphore_mem>>, %arg12: memref<!tpu.dma_semaphore, #tpu.memory_space<semaphore_mem>>) attributes {dimension_semantics = [#tpu.dimension_semantics<core_parallel>, #tpu.dimension_semantics<subcore_parallel>], iteration_bounds = array<i64: 2, 16>, scalar_prefetch = 0 : i64, scratch_operands = 8 : i64, tpu.core_type = #tpu.core_type<sc_vector_subcore>, window_params = [{transform_indices = #map}, {transform_indices = #map}, {transform_indices = #map1}]} {
    %mul3A = arith.constant 2 : i32
    %mul3A_0 = arith.muli %arg1, %mul3A : i32
    %add3A = arith.addi %mul3A_0, %arg0 : i32
    %mul3A_1 = arith.constant 256 : i32
    %mul3A_2 = arith.muli %add3A, %mul3A_1 : i32
    %run_scoped3A = arith.constant 0 : i32
    %run_scoped3A_3 = arith.constant 0 : i32
    "tpu.region"() ({
      %run_scoped3A_1993 = tpu.sem_alloc : memref<!tpu.dma_semaphore, #tpu.memory_space<semaphore_mem>>
      %dma_start3A_1994 = arith.constant 0 : i32
      %dma_start3A_1995 = tpu.memref_slice %arg5[%run_scoped3A_3, %dma_start3A_1994] : memref<4x256xi32, #tpu.memory_space<vmem>> -> memref<1x256xi32, #tpu.memory_space<vmem>>
      %dma_start3A_1996 = tpu.memref_squeeze %dma_start3A_1995 : memref<1x256xi32, #tpu.memory_space<vmem>> -> memref<256xi32, #tpu.memory_space<vmem>>
      %dma_start3A_1997 = tpu.memref_slice %arg2[%run_scoped3A, %mul3A_2] : memref<4x8192xi32, #tpu.memory_space<hbm>> -> memref<1x256xi32, #tpu.memory_space<hbm>>
      %dma_start3A_1998 = tpu.memref_squeeze %dma_start3A_1997 : memref<1x256xi32, #tpu.memory_space<hbm>> -> memref<256xi32, #tpu.memory_space<hbm>>
      %dma_start3A_1999 = arith.constant 0 : i32
      %dma_start3A_2000 = tpu.memref_slice %arg5[%run_scoped3A_3, %dma_start3A_1999] : memref<4x256xi32, #tpu.memory_space<vmem>> -> memref<1x256xi32, #tpu.memory_space<vmem>>
      %dma_start3A_2001 = tpu.memref_squeeze %dma_start3A_2000 : memref<1x256xi32, #tpu.memory_space<vmem>> -> memref<256xi32, #tpu.memory_space<vmem>>
      %dma_start3A_2002 = tpu.memref_slice %arg2[%run_scoped3A, %mul3A_2] : memref<4x8192xi32, #tpu.memory_space<hbm>> -> memref<1x256xi32, #tpu.memory_space<hbm>>
      %dma_start3A_2003 = tpu.memref_squeeze %dma_start3A_2002 : memref<1x256xi32, #tpu.memory_space<hbm>> -> memref<256xi32, #tpu.memory_space<hbm>>
      tpu.enqueue_dma source(%dma_start3A_2003 : memref<256xi32, #tpu.memory_space<hbm>>) target(%dma_start3A_2001 : memref<256xi32, #tpu.memory_space<vmem>>) target_semaphore(%run_scoped3A_1993 : memref<!tpu.dma_semaphore, #tpu.memory_space<semaphore_mem>>)
      %dma_wait3A_2004 = arith.constant 0 : i32
      %dma_wait3A_2005 = tpu.memref_slice %arg5[%run_scoped3A_3, %dma_wait3A_2004] : memref<4x256xi32, #tpu.memory_space<vmem>> -> memref<1x256xi32, #tpu.memory_space<vmem>>
      %dma_wait3A_2006 = tpu.memref_squeeze %dma_wait3A_2005 : memref<1x256xi32, #tpu.memory_space<vmem>> -> memref<256xi32, #tpu.memory_space<vmem>>
      %dma_wait3A_2007 = tpu.memref_slice %arg2[%run_scoped3A, %mul3A_2] : memref<4x8192xi32, #tpu.memory_space<hbm>> -> memref<1x256xi32, #tpu.memory_space<hbm>>
      %dma_wait3A_2008 = tpu.memref_squeeze %dma_wait3A_2007 : memref<1x256xi32, #tpu.memory_space<hbm>> -> memref<256xi32, #tpu.memory_space<hbm>>
      %dma_wait3A_2009 = arith.constant 0 : i32
      %dma_wait3A_2010 = tpu.memref_slice %arg5[%run_scoped3A_3, %dma_wait3A_2009] : memref<4x256xi32, #tpu.memory_space<vmem>> -> memref<1x256xi32, #tpu.memory_space<vmem>>
      %dma_wait3A_2011 = tpu.memref_squeeze %dma_wait3A_2010 : memref<1x256xi32, #tpu.memory_space<vmem>> -> memref<256xi32, #tpu.memory_space<vmem>>
      %dma_wait3A_2012 = tpu.memref_slice %arg2[%run_scoped3A, %mul3A_2] : memref<4x8192xi32, #tpu.memory_space<hbm>> -> memref<1x256xi32, #tpu.memory_space<hbm>>
      %dma_wait3A_2013 = tpu.memref_squeeze %dma_wait3A_2012 : memref<1x256xi32, #tpu.memory_space<hbm>> -> memref<256xi32, #tpu.memory_space<hbm>>
      tpu.wait_dma2 semaphore(%run_scoped3A_1993 : memref<!tpu.dma_semaphore, #tpu.memory_space<semaphore_mem>>) src(%dma_wait3A_2013 : memref<256xi32, #tpu.memory_space<hbm>>) dst(%dma_wait3A_2011 : memref<256xi32, #tpu.memory_space<vmem>>)
      tpu.yield
    }) : () -> ()
    %run_scoped3A_4 = arith.constant 1 : i32
    %run_scoped3A_5 = arith.constant 1 : i32
    "tpu.region"() ({
      %run_scoped3A_1993 = tpu.sem_alloc : memref<!tpu.dma_semaphore, #tpu.memory_space<semaphore_mem>>
      %dma_start3A_1994 = arith.constant 0 : i32
      %dma_start3A_1995 = tpu.memref_slice %arg5[%run_scoped3A_5, %dma_start3A_1994] : memref<4x256xi32, #tpu.memory_space<vmem>> -> memref<1x256xi32, #tpu.memory_space<vmem>>
      %dma_start3A_1996 = tpu.memref_squeeze %dma_start3A_1995 : memref<1x256xi32, #tpu.memory_space<vmem>> -> memref<256xi32, #tpu.memory_space<vmem>>
      %dma_start3A_1997 = tpu.memref_slice %arg2[%run_scoped3A_4, %mul3A_2] : memref<4x8192xi32, #tpu.memory_space<hbm>> -> memref<1x256xi32, #tpu.memory_space<hbm>>
      %dma_start3A_1998 = tpu.memref_squeeze %dma_start3A_1997 : memref<1x256xi32, #tpu.memory_space<hbm>> -> memref<256xi32, #tpu.memory_space<hbm>>
      %dma_start3A_1999 = arith.constant 0 : i32
      %dma_start3A_2000 = tpu.memref_slice %arg5[%run_scoped3A_5, %dma_start3A_1999] : memref<4x256xi32, #tpu.memory_space<vmem>> -> memref<1x256xi32, #tpu.memory_space<vmem>>
      %dma_start3A_2001 = tpu.memref_squeeze %dma_start3A_2000 : memref<1x256xi32, #tpu.memory_space<vmem>> -> memref<256xi32, #tpu.memory_space<vmem>>
      %dma_start3A_2002 = tpu.memref_slice %arg2[%run_scoped3A_4, %mul3A_2] : memref<4x8192xi32, #tpu.memory_space<hbm>> -> memref<1x256xi32, #tpu.memory_space<hbm>>
      %dma_start3A_2003 = tpu.memref_squeeze %dma_start3A_2002 : memref<1x256xi32, #tpu.memory_space<hbm>> -> memref<256xi32, #tpu.memory_space<hbm>>
      tpu.enqueue_dma source(%dma_start3A_2003 : memref<256xi32, #tpu.memory_space<hbm>>) target(%dma_start3A_2001 : memref<256xi32, #tpu.memory_space<vmem>>) target_semaphore(%run_scoped3A_1993 : memref<!tpu.dma_semaphore, #tpu.memory_space<semaphore_mem>>)
      %dma_wait3A_2004 = arith.constant 0 : i32
      %dma_wait3A_2005 = tpu.memref_slice %arg5[%run_scoped3A_5, %dma_wait3A_2004] : memref<4x256xi32, #tpu.memory_space<vmem>> -> memref<1x256xi32, #tpu.memory_space<vmem>>
      %dma_wait3A_2006 = tpu.memref_squeeze %dma_wait3A_2005 : memref<1x256xi32, #tpu.memory_space<vmem>> -> memref<256xi32, #tpu.memory_space<vmem>>
      %dma_wait3A_2007 = tpu.memref_slice %arg2[%run_scoped3A_4, %mul3A_2] : memref<4x8192xi32, #tpu.memory_space<hbm>> -> memref<1x256xi32, #tpu.memory_space<hbm>>
      %dma_wait3A_2008 = tpu.memref_squeeze %dma_wait3A_2007 : memref<1x256xi32, #tpu.memory_space<hbm>> -> memref<256xi32, #tpu.memory_space<hbm>>
      %dma_wait3A_2009 = arith.constant 0 : i32
      %dma_wait3A_2010 = tpu.memref_slice %arg5[%run_scoped3A_5, %dma_wait3A_2009] : memref<4x256xi32, #tpu.memory_space<vmem>> -> memref<1x256xi32, #tpu.memory_space<vmem>>
      %dma_wait3A_2011 = tpu.memref_squeeze %dma_wait3A_2010 : memref<1x256xi32, #tpu.memory_space<vmem>> -> memref<256xi32, #tpu.memory_space<vmem>>
      %dma_wait3A_2012 = tpu.memref_slice %arg2[%run_scoped3A_4, %mul3A_2] : memref<4x8192xi32, #tpu.memory_space<hbm>> -> memref<1x256xi32, #tpu.memory_space<hbm>>
      %dma_wait3A_2013 = tpu.memref_squeeze %dma_wait3A_2012 : memref<1x256xi32, #tpu.memory_space<hbm>> -> memref<256xi32, #tpu.memory_space<hbm>>
      tpu.wait_dma2 semaphore(%run_scoped3A_1993 : memref<!tpu.dma_semaphore, #tpu.memory_space<semaphore_mem>>) src(%dma_wait3A_2013 : memref<256xi32, #tpu.memory_space<hbm>>) dst(%dma_wait3A_2011 : memref<256xi32, #tpu.memory_space<vmem>>)
      tpu.yield
    }) : () -> ()
    %run_scoped3A_6 = arith.constant 2 : i32
    %run_scoped3A_7 = arith.constant 2 : i32
    "tpu.region"() ({
      %run_scoped3A_1993 = tpu.sem_alloc : memref<!tpu.dma_semaphore, #tpu.memory_space<semaphore_mem>>
      %dma_start3A_1994 = arith.constant 0 : i32
      %dma_start3A_1995 = tpu.memref_slice %arg5[%run_scoped3A_7, %dma_start3A_1994] : memref<4x256xi32, #tpu.memory_space<vmem>> -> memref<1x256xi32, #tpu.memory_space<vmem>>
      %dma_start3A_1996 = tpu.memref_squeeze %dma_start3A_1995 : memref<1x256xi32, #tpu.memory_space<vmem>> -> memref<256xi32, #tpu.memory_space<vmem>>
      %dma_start3A_1997 = tpu.memref_slice %arg2[%run_scoped3A_6, %mul3A_2] : memref<4x8192xi32, #tpu.memory_space<hbm>> -> memref<1x256xi32, #tpu.memory_space<hbm>>
      %dma_start3A_1998 = tpu.memref_squeeze %dma_start3A_1997 : memref<1x256xi32, #tpu.memory_space<hbm>> -> memref<256xi32, #tpu.memory_space<hbm>>
      %dma_start3A_1999 = arith.constant 0 : i32
      %dma_start3A_2000 = tpu.memref_slice %arg5[%run_scoped3A_7, %dma_start3A_1999] : memref<4x256xi32, #tpu.memory_space<vmem>> -> memref<1x256xi32, #tpu.memory_space<vmem>>
      %dma_start3A_2001 = tpu.memref_squeeze %dma_start3A_2000 : memref<1x256xi32, #tpu.memory_space<vmem>> -> memref<256xi32, #tpu.memory_space<vmem>>
      %dma_start3A_2002 = tpu.memref_slice %arg2[%run_scoped3A_6, %mul3A_2] : memref<4x8192xi32, #tpu.memory_space<hbm>> -> memref<1x256xi32, #tpu.memory_space<hbm>>
      %dma_start3A_2003 = tpu.memref_squeeze %dma_start3A_2002 : memref<1x256xi32, #tpu.memory_space<hbm>> -> memref<256xi32, #tpu.memory_space<hbm>>
      tpu.enqueue_dma source(%dma_start3A_2003 : memref<256xi32, #tpu.memory_space<hbm>>) target(%dma_start3A_2001 : memref<256xi32, #tpu.memory_space<vmem>>) target_semaphore(%run_scoped3A_1993 : memref<!tpu.dma_semaphore, #tpu.memory_space<semaphore_mem>>)
      %dma_wait3A_2004 = arith.constant 0 : i32
      %dma_wait3A_2005 = tpu.memref_slice %arg5[%run_scoped3A_7, %dma_wait3A_2004] : memref<4x256xi32, #tpu.memory_space<vmem>> -> memref<1x256xi32, #tpu.memory_space<vmem>>
      %dma_wait3A_2006 = tpu.memref_squeeze %dma_wait3A_2005 : memref<1x256xi32, #tpu.memory_space<vmem>> -> memref<256xi32, #tpu.memory_space<vmem>>
      %dma_wait3A_2007 = tpu.memref_slice %arg2[%run_scoped3A_6, %mul3A_2] : memref<4x8192xi32, #tpu.memory_space<hbm>> -> memref<1x256xi32, #tpu.memory_space<hbm>>
      %dma_wait3A_2008 = tpu.memref_squeeze %dma_wait3A_2007 : memref<1x256xi32, #tpu.memory_space<hbm>> -> memref<256xi32, #tpu.memory_space<hbm>>
      %dma_wait3A_2009 = arith.constant 0 : i32
      %dma_wait3A_2010 = tpu.memref_slice %arg5[%run_scoped3A_7, %dma_wait3A_2009] : memref<4x256xi32, #tpu.memory_space<vmem>> -> memref<1x256xi32, #tpu.memory_space<vmem>>
      %dma_wait3A_2011 = tpu.memref_squeeze %dma_wait3A_2010 : memref<1x256xi32, #tpu.memory_space<vmem>> -> memref<256xi32, #tpu.memory_space<vmem>>
      %dma_wait3A_2012 = tpu.memref_slice %arg2[%run_scoped3A_6, %mul3A_2] : memref<4x8192xi32, #tpu.memory_space<hbm>> -> memref<1x256xi32, #tpu.memory_space<hbm>>
      %dma_wait3A_2013 = tpu.memref_squeeze %dma_wait3A_2012 : memref<1x256xi32, #tpu.memory_space<hbm>> -> memref<256xi32, #tpu.memory_space<hbm>>
      tpu.wait_dma2 semaphore(%run_scoped3A_1993 : memref<!tpu.dma_semaphore, #tpu.memory_space<semaphore_mem>>) src(%dma_wait3A_2013 : memref<256xi32, #tpu.memory_space<hbm>>) dst(%dma_wait3A_2011 : memref<256xi32, #tpu.memory_space<vmem>>)
      tpu.yield
    }) : () -> ()
    %run_scoped3A_8 = arith.constant 3 : i32
    %run_scoped3A_9 = arith.constant 3 : i32
    "tpu.region"() ({
      %run_scoped3A_1993 = tpu.sem_alloc : memref<!tpu.dma_semaphore, #tpu.memory_space<semaphore_mem>>
      %dma_start3A_1994 = arith.constant 0 : i32
      %dma_start3A_1995 = tpu.memref_slice %arg5[%run_scoped3A_9, %dma_start3A_1994] : memref<4x256xi32, #tpu.memory_space<vmem>> -> memref<1x256xi32, #tpu.memory_space<vmem>>
      %dma_start3A_1996 = tpu.memref_squeeze %dma_start3A_1995 : memref<1x256xi32, #tpu.memory_space<vmem>> -> memref<256xi32, #tpu.memory_space<vmem>>
      %dma_start3A_1997 = tpu.memref_slice %arg2[%run_scoped3A_8, %mul3A_2] : memref<4x8192xi32, #tpu.memory_space<hbm>> -> memref<1x256xi32, #tpu.memory_space<hbm>>
      %dma_start3A_1998 = tpu.memref_squeeze %dma_start3A_1997 : memref<1x256xi32, #tpu.memory_space<hbm>> -> memref<256xi32, #tpu.memory_space<hbm>>
      %dma_start3A_1999 = arith.constant 0 : i32
      %dma_start3A_2000 = tpu.memref_slice %arg5[%run_scoped3A_9, %dma_start3A_1999] : memref<4x256xi32, #tpu.memory_space<vmem>> -> memref<1x256xi32, #tpu.memory_space<vmem>>
      %dma_start3A_2001 = tpu.memref_squeeze %dma_start3A_2000 : memref<1x256xi32, #tpu.memory_space<vmem>> -> memref<256xi32, #tpu.memory_space<vmem>>
      %dma_start3A_2002 = tpu.memref_slice %arg2[%run_scoped3A_8, %mul3A_2] : memref<4x8192xi32, #tpu.memory_space<hbm>> -> memref<1x256xi32, #tpu.memory_space<hbm>>
      %dma_start3A_2003 = tpu.memref_squeeze %dma_start3A_2002 : memref<1x256xi32, #tpu.memory_space<hbm>> -> memref<256xi32, #tpu.memory_space<hbm>>
      tpu.enqueue_dma source(%dma_start3A_2003 : memref<256xi32, #tpu.memory_space<hbm>>) target(%dma_start3A_2001 : memref<256xi32, #tpu.memory_space<vmem>>) target_semaphore(%run_scoped3A_1993 : memref<!tpu.dma_semaphore, #tpu.memory_space<semaphore_mem>>)
      %dma_wait3A_2004 = arith.constant 0 : i32
      %dma_wait3A_2005 = tpu.memref_slice %arg5[%run_scoped3A_9, %dma_wait3A_2004] : memref<4x256xi32, #tpu.memory_space<vmem>> -> memref<1x256xi32, #tpu.memory_space<vmem>>
      %dma_wait3A_2006 = tpu.memref_squeeze %dma_wait3A_2005 : memref<1x256xi32, #tpu.memory_space<vmem>> -> memref<256xi32, #tpu.memory_space<vmem>>
      %dma_wait3A_2007 = tpu.memref_slice %arg2[%run_scoped3A_8, %mul3A_2] : memref<4x8192xi32, #tpu.memory_space<hbm>> -> memref<1x256xi32, #tpu.memory_space<hbm>>
      %dma_wait3A_2008 = tpu.memref_squeeze %dma_wait3A_2007 : memref<1x256xi32, #tpu.memory_space<hbm>> -> memref<256xi32, #tpu.memory_space<hbm>>
      %dma_wait3A_2009 = arith.constant 0 : i32
      %dma_wait3A_2010 = tpu.memref_slice %arg5[%run_scoped3A_9, %dma_wait3A_2009] : memref<4x256xi32, #tpu.memory_space<vmem>> -> memref<1x256xi32, #tpu.memory_space<vmem>>
      %dma_wait3A_2011 = tpu.memref_squeeze %dma_wait3A_2010 : memref<1x256xi32, #tpu.memory_space<vmem>> -> memref<256xi32, #tpu.memory_space<vmem>>
      %dma_wait3A_2012 = tpu.memref_slice %arg2[%run_scoped3A_8, %mul3A_2] : memref<4x8192xi32, #tpu.memory_space<hbm>> -> memref<1x256xi32, #tpu.memory_space<hbm>>
      %dma_wait3A_2013 = tpu.memref_squeeze %dma_wait3A_2012 : memref<1x256xi32, #tpu.memory_space<hbm>> -> memref<256xi32, #tpu.memory_space<hbm>>
      tpu.wait_dma2 semaphore(%run_scoped3A_1993 : memref<!tpu.dma_semaphore, #tpu.memory_space<semaphore_mem>>) src(%dma_wait3A_2013 : memref<256xi32, #tpu.memory_space<hbm>>) dst(%dma_wait3A_2011 : memref<256xi32, #tpu.memory_space<vmem>>)
      tpu.yield
    }) : () -> ()
    %broadcast_in_dim3A = arith.constant 0 : i32
    %broadcast_in_dim3A_10 = vector.broadcast %broadcast_in_dim3A : i32 to vector<16xi32>
    %broadcast_in_dim3A_11 = arith.constant 1 : i32
    %broadcast_in_dim3A_12 = vector.broadcast %broadcast_in_dim3A_11 : i32 to vector<16xi32>
    %broadcast_in_dim3A_13 = arith.constant 1 : i32
    %broadcast_in_dim3A_14 = vector.broadcast %broadcast_in_dim3A_13 : i32 to vector<16xi32>
    %get3A = arith.constant 0 : i32
    %get3A_15 = arith.index_cast %get3A : i32 to index
    %get3A_16 = arith.constant 0 : index
    %get3A_17 = tpu.vector_load %arg5[%get3A_15, %get3A_16] {strides = array<i32>} : memref<4x256xi32, #tpu.memory_space<vmem>>, vector<1x16xi32>,
    %get3A_18 = vector.shape_cast %get3A_17 : vector<1x16xi32> to vector<16xi32>
    %eq3A = arith.cmpi eq, %get3A_18, %broadcast_in_dim3A_14 : vector<16xi32>
    %select_n3A = arith.select %eq3A, %broadcast_in_dim3A_10, %broadcast_in_dim3A_12 : vector<16xi1>, vector<16xi32>
    %add3A_19 = arith.addi %broadcast_in_dim3A_10, %select_n3A : vector<16xi32>
    %mul3A_20 = arith.muli %add3A_19, %select_n3A : vector<16xi32>
    %add3A_21 = arith.addi %mul3A_20, %broadcast_in_dim3A_14 : vector<16xi32>
    %swap3A = arith.constant 0 : i32
    %swap3A_22 = arith.index_cast %swap3A : i32 to index
    %swap3A_23 = arith.constant 0 : index
    %swap3A_24 = tpu.vector_load %arg6[%swap3A_22, %swap3A_23] {strides = array<i32>} : memref<4x256xi32, #tpu.memory_space<vmem>>, vector<1x16xi32>,
    %swap3A_25 = vector.shape_cast %swap3A_24 : vector<1x16xi32> to vector<16xi32>
    %swap3A_26 = vector.shape_cast %add3A_21 : vector<16xi32> to vector<1x16xi32>
    tpu.vector_store %arg6[%swap3A_22, %swap3A_23], %swap3A_26 {strides = array<i32>} : memref<4x256xi32, #tpu.memory_space<vmem>>, vector<1x16xi32>,
    %get3A_27 = arith.constant 1 : i32
    %get3A_28 = arith.index_cast %get3A_27 : i32 to index
    %get3A_29 = arith.constant 0 : index
    %get3A_30 = tpu.vector_load %arg5[%get3A_28, %get3A_29] {strides = array<i32>} : memref<4x256xi32, #tpu.memory_space<vmem>>, vector<1x16xi32>,
    %get3A_31 = vector.shape_cast %get3A_30 : vector<1x16xi32> to vector<16xi32>
    %eq3A_32 = arith.cmpi eq, %get3A_31, %broadcast_in_dim3A_14 : vector<16xi32>
    %select_n3A_33 = arith.select %eq3A_32, %broadcast_in_dim3A_10, %broadcast_in_dim3A_12 : vector<16xi1>, vector<16xi32>
    %add3A_34 = arith.addi %add3A_19, %select_n3A_33 : vector<16xi32>
    %mul3A_35 = arith.muli %add3A_34, %select_n3A_33 : vector<16xi32>
    %add3A_36 = arith.addi %mul3A_35, %broadcast_in_dim3A_14 : vector<16xi32>
    %swap3A_37 = arith.constant 1 : i32
    %swap3A_38 = arith.index_cast %swap3A_37 : i32 to index
    %swap3A_39 = arith.constant 0 : index
    %swap3A_40 = tpu.vector_load %arg6[%swap3A_38, %swap3A_39] {strides = array<i32>} : memref<4x256xi32, #tpu.memory_space<vmem>>, vector<1x16xi32>,
    %swap3A_41 = vector.shape_cast %swap3A_40 : vector<1x16xi32> to vector<16xi32>
    %swap3A_42 = vector.shape_cast %add3A_36 : vector<16xi32> to vector<1x16xi32>
    tpu.vector_store %arg6[%swap3A_38, %swap3A_39], %swap3A_42 {strides = array<i32>} : memref<4x256xi32, #tpu.memory_space<vmem>>, vector<1x16xi32>,
    %get3A_43 = arith.constant 2 : i32
    %get3A_44 = arith.index_cast %get3A_43 : i32 to index
    %get3A_45 = arith.constant 0 : index
    %get3A_46 = tpu.vector_load %arg5[%get3A_44, %get3A_45] {strides = array<i32>} : memref<4x256xi32, #tpu.memory_space<vmem>>, vector<1x16xi32>,
    %get3A_47 = vector.shape_cast %get3A_46 : vector<1x16xi32> to vector<16xi32>
    %eq3A_48 = arith.cmpi eq, %get3A_47, %broadcast_in_dim3A_14 : vector<16xi32>
    %select_n3A_49 = arith.select %eq3A_48, %broadcast_in_dim3A_10, %broadcast_in_dim3A_12 : vector<16xi1>, vector<16xi32>
    %add3A_50 = arith.addi %add3A_34, %select_n3A_49 : vector<16xi32>
    %mul3A_51 = arith.muli %add3A_50, %select_n3A_49 : vector<16xi32>
    %add3A_52 = arith.addi %mul3A_51, %broadcast_in_dim3A_14 : vector<16xi32>
    %swap3A_53 = arith.constant 2 : i32
    %swap3A_54 = arith.index_cast %swap3A_53 : i32 to index
    %swap3A_55 = arith.constant 0 : index
    %swap3A_56 = tpu.vector_load %arg6[%swap3A_54, %swap3A_55] {strides = array<i32>} : memref<4x256xi32, #tpu.memory_space<vmem>>, vector<1x16xi32>,
    %swap3A_57 = vector.shape_cast %swap3A_56 : vector<1x16xi32> to vector<16xi32>
    %swap3A_58 = vector.shape_cast %add3A_52 : vector<16xi32> to vector<1x16xi32>
    tpu.vector_store %arg6[%swap3A_54, %swap3A_55], %swap3A_58 {strides = array<i32>} : memref<4x256xi32, #tpu.memory_space<vmem>>, vector<1x16xi32>,
    %get3A_59 = arith.constant 3 : i32
    %get3A_60 = arith.index_cast %get3A_59 : i32 to index
    %get3A_61 = arith.constant 0 : index
    %get3A_62 = tpu.vector_load %arg5[%get3A_60, %get3A_61] {strides = array<i32>} : memref<4x256xi32, #tpu.memory_space<vmem>>, vector<1x16xi32>,
    %get3A_63 = vector.shape_cast %get3A_62 : vector<1x16xi32> to vector<16xi32>
    %eq3A_64 = arith.cmpi eq, %get3A_63, %broadcast_in_dim3A_14 : vector<16xi32>
    %select_n3A_65 = arith.select %eq3A_64, %broadcast_in_dim3A_10, %broadcast_in_dim3A_12 : vector<16xi1>, vector<16xi32>
    %add3A_66 = arith.addi %add3A_50, %select_n3A_65 : vector<16xi32>
    %mul3A_67 = arith.muli %add3A_66, %select_n3A_65 : vector<16xi32>
    %add3A_68 = arith.addi %mul3A_67, %broadcast_in_dim3A_14 : vector<16xi32>
    %swap3A_69 = arith.constant 3 : i32
    %swap3A_70 = arith.index_cast %swap3A_69 : i32 to index
    %swap3A_71 = arith.constant 0 : index
    %swap3A_72 = tpu.vector_load %arg6[%swap3A_70, %swap3A_71] {strides = array<i32>} : memref<4x256xi32, #tpu.memory_space<vmem>>, vector<1x16xi32>,
    %swap3A_73 = vector.shape_cast %swap3A_72 : vector<1x16xi32> to vector<16xi32>
    %swap3A_74 = vector.shape_cast %add3A_68 : vector<16xi32> to vector<1x16xi32>
    tpu.vector_store %arg6[%swap3A_70, %swap3A_71], %swap3A_74 {strides = array<i32>} : memref<4x256xi32, #tpu.memory_space<vmem>>, vector<1x16xi32>,
    %get3A_75 = arith.constant 0 : i32
    %get3A_76 = arith.index_cast %get3A_75 : i32 to index
    %get3A_77 = arith.constant 16 : index
    %get3A_78 = tpu.vector_load %arg5[%get3A_76, %get3A_77] {strides = array<i32>} : memref<4x256xi32, #tpu.memory_space<vmem>>, vector<1x16xi32>,
    %get3A_79 = vector.shape_cast %get3A_78 : vector<1x16xi32> to vector<16xi32>
    %eq3A_80 = arith.cmpi eq, %get3A_79, %broadcast_in_dim3A_14 : vector<16xi32>
    %select_n3A_81 = arith.select %eq3A_80, %broadcast_in_dim3A_10, %broadcast_in_dim3A_12 : vector<16xi1>, vector<16xi32>
    %add3A_82 = arith.addi %broadcast_in_dim3A_10, %select_n3A_81 : vector<16xi32>
    %mul3A_83 = arith.muli %add3A_82, %select_n3A_81 : vector<16xi32>
    %add3A_84 = arith.addi %mul3A_83, %broadcast_in_dim3A_14 : vector<16xi32>
    %swap3A_85 = arith.constant 0 : i32
    %swap3A_86 = arith.index_cast %swap3A_85 : i32 to index
    %swap3A_87 = arith.constant 16 : index
    %swap3A_88 = tpu.vector_load %arg6[%swap3A_86, %swap3A_87] {strides = array<i32>} : memref<4x256xi32, #tpu.memory_space<vmem>>, vector<1x16xi32>,
    %swap3A_89 = vector.shape_cast %swap3A_88 : vector<1x16xi32> to vector<16xi32>
    %swap3A_90 = vector.shape_cast %add3A_84 : vector<16xi32> to vector<1x16xi32>
    tpu.vector_store %arg6[%swap3A_86, %swap3A_87], %swap3A_90 {strides = array<i32>} : memref<4x256xi32, #tpu.memory_space<vmem>>, vector<1x16xi32>,
    %get3A_91 = arith.constant 1 : i32
    %get3A_92 = arith.index_cast %get3A_91 : i32 to index
    %get3A_93 = arith.constant 16 : index
    %get3A_94 = tpu.vector_load %arg5[%get3A_92, %get3A_93] {strides = array<i32>} : memref<4x256xi32, #tpu.memory_space<vmem>>, vector<1x16xi32>,
    %get3A_95 = vector.shape_cast %get3A_94 : vector<1x16xi32> to vector<16xi32>
    %eq3A_96 = arith.cmpi eq, %get3A_95, %broadcast_in_dim3A_14 : vector<16xi32>
    %select_n3A_97 = arith.select %eq3A_96, %broadcast_in_dim3A_10, %broadcast_in_dim3A_12 : vector<16xi1>, vector<16xi32>
    %add3A_98 = arith.addi %add3A_82, %select_n3A_97 : vector<16xi32>
    %mul3A_99 = arith.muli %add3A_98, %select_n3A_97 : vector<16xi32>
    %add3A_100 = arith.addi %mul3A_99, %broadcast_in_dim3A_14 : vector<16xi32>
    %swap3A_101 = arith.constant 1 : i32
    %swap3A_102 = arith.index_cast %swap3A_101 : i32 to index
    %swap3A_103 = arith.constant 16 : index
    %swap3A_104 = tpu.vector_load %arg6[%swap3A_102, %swap3A_103] {strides = array<i32>} : memref<4x256xi32, #tpu.memory_space<vmem>>, vector<1x16xi32>,
    %swap3A_105 = vector.shape_cast %swap3A_104 : vector<1x16xi32> to vector<16xi32>
    %swap3A_106 = vector.shape_cast %add3A_100 : vector<16xi32> to vector<1x16xi32>
    tpu.vector_store %arg6[%swap3A_102, %swap3A_103], %swap3A_106 {strides = array<i32>} : memref<4x256xi32, #tpu.memory_space<vmem>>, vector<1x16xi32>,
    %get3A_107 = arith.constant 2 : i32
    %get3A_108 = arith.index_cast %get3A_107 : i32 to index
    %get3A_109 = arith.constant 16 : index
    %get3A_110 = tpu.vector_load %arg5[%get3A_108, %get3A_109] {strides = array<i32>} : memref<4x256xi32, #tpu.memory_space<vmem>>, vector<1x16xi32>,
    %get3A_111 = vector.shape_cast %get3A_110 : vector<1x16xi32> to vector<16xi32>
    %eq3A_112 = arith.cmpi eq, %get3A_111, %broadcast_in_dim3A_14 : vector<16xi32>
    %select_n3A_113 = arith.select %eq3A_112, %broadcast_in_dim3A_10, %broadcast_in_dim3A_12 : vector<16xi1>, vector<16xi32>
    %add3A_114 = arith.addi %add3A_98, %select_n3A_113 : vector<16xi32>
    %mul3A_115 = arith.muli %add3A_114, %select_n3A_113 : vector<16xi32>
    %add3A_116 = arith.addi %mul3A_115, %broadcast_in_dim3A_14 : vector<16xi32>
    %swap3A_117 = arith.constant 2 : i32
    %swap3A_118 = arith.index_cast %swap3A_117 : i32 to index
    %swap3A_119 = arith.constant 16 : index
    %swap3A_120 = tpu.vector_load %arg6[%swap3A_118, %swap3A_119] {strides = array<i32>} : memref<4x256xi32, #tpu.memory_space<vmem>>, vector<1x16xi32>,
    %swap3A_121 = vector.shape_cast %swap3A_120 : vector<1x16xi32> to vector<16xi32>
    %swap3A_122 = vector.shape_cast %add3A_116 : vector<16xi32> to vector<1x16xi32>
    tpu.vector_store %arg6[%swap3A_118, %swap3A_119], %swap3A_122 {strides = array<i32>} : memref<4x256xi32, #tpu.memory_space<vmem>>, vector<1x16xi32>,
    %get3A_123 = arith.constant 3 : i32
    %get3A_124 = arith.index_cast %get3A_123 : i32 to index
    %get3A_125 = arith.constant 16 : index
    %get3A_126 = tpu.vector_load %arg5[%get3A_124, %get3A_125] {strides = array<i32>} : memref<4x256xi32, #tpu.memory_space<vmem>>, vector<1x16xi32>,
    %get3A_127 = vector.shape_cast %get3A_126 : vector<1x16xi32> to vector<16xi32>
    %eq3A_128 = arith.cmpi eq, %get3A_127, %broadcast_in_dim3A_14 : vector<16xi32>
    %select_n3A_129 = arith.select %eq3A_128, %broadcast_in_dim3A_10, %broadcast_in_dim3A_12 : vector<16xi1>, vector<16xi32>
    %add3A_130 = arith.addi %add3A_114, %select_n3A_129 : vector<16xi32>
    %mul3A_131 = arith.muli %add3A_130, %select_n3A_129 : vector<16xi32>
    %add3A_132 = arith.addi %mul3A_131, %broadcast_in_dim3A_14 : vector<16xi32>
    %swap3A_133 = arith.constant 3 : i32
    %swap3A_134 = arith.index_cast %swap3A_133 : i32 to index
    %swap3A_135 = arith.constant 16 : index
    %swap3A_136 = tpu.vector_load %arg6[%swap3A_134, %swap3A_135] {strides = array<i32>} : memref<4x256xi32, #tpu.memory_space<vmem>>, vector<1x16xi32>,
    %swap3A_137 = vector.shape_cast %swap3A_136 : vector<1x16xi32> to vector<16xi32>
    %swap3A_138 = vector.shape_cast %add3A_132 : vector<16xi32> to vector<1x16xi32>
    tpu.vector_store %arg6[%swap3A_134, %swap3A_135], %swap3A_138 {strides = array<i32>} : memref<4x256xi32, #tpu.memory_space<vmem>>, vector<1x16xi32>,
    %get3A_139 = arith.constant 0 : i32
    %get3A_140 = arith.index_cast %get3A_139 : i32 to index
    %get3A_141 = arith.constant 32 : index
    %get3A_142 = tpu.vector_load %arg5[%get3A_140, %get3A_141] {strides = array<i32>} : memref<4x256xi32, #tpu.memory_space<vmem>>, vector<1x16xi32>,
    %get3A_143 = vector.shape_cast %get3A_142 : vector<1x16xi32> to vector<16xi32>
    %eq3A_144 = arith.cmpi eq, %get3A_143, %broadcast_in_dim3A_14 : vector<16xi32>
    %select_n3A_145 = arith.select %eq3A_144, %broadcast_in_dim3A_10, %broadcast_in_dim3A_12 : vector<16xi1>, vector<16xi32>
    %add3A_146 = arith.addi %broadcast_in_dim3A_10, %select_n3A_145 : vector<16xi32>
    %mul3A_147 = arith.muli %add3A_146, %select_n3A_145 : vector<16xi32>
    %add3A_148 = arith.addi %mul3A_147, %broadcast_in_dim3A_14 : vector<16xi32>
    %swap3A_149 = arith.constant 0 : i32
    %swap3A_150 = arith.index_cast %swap3A_149 : i32 to index
    %swap3A_151 = arith.constant 32 : index
    %swap3A_152 = tpu.vector_load %arg6[%swap3A_150, %swap3A_151] {strides = array<i32>} : memref<4x256xi32, #tpu.memory_space<vmem>>, vector<1x16xi32>,
    %swap3A_153 = vector.shape_cast %swap3A_152 : vector<1x16xi32> to vector<16xi32>
    %swap3A_154 = vector.shape_cast %add3A_148 : vector<16xi32> to vector<1x16xi32>
    tpu.vector_store %arg6[%swap3A_150, %swap3A_151], %swap3A_154 {strides = array<i32>} : memref<4x256xi32, #tpu.memory_space<vmem>>, vector<1x16xi32>,
    %get3A_155 = arith.constant 1 : i32
    %get3A_156 = arith.index_cast %get3A_155 : i32 to index
    %get3A_157 = arith.constant 32 : index
    %get3A_158 = tpu.vector_load %arg5[%get3A_156, %get3A_157] {strides = array<i32>} : memref<4x256xi32, #tpu.memory_space<vmem>>, vector<1x16xi32>,
    %get3A_159 = vector.shape_cast %get3A_158 : vector<1x16xi32> to vector<16xi32>
    %eq3A_160 = arith.cmpi eq, %get3A_159, %broadcast_in_dim3A_14 : vector<16xi32>
    %select_n3A_161 = arith.select %eq3A_160, %broadcast_in_dim3A_10, %broadcast_in_dim3A_12 : vector<16xi1>, vector<16xi32>
    %add3A_162 = arith.addi %add3A_146, %select_n3A_161 : vector<16xi32>
    %mul3A_163 = arith.muli %add3A_162, %select_n3A_161 : vector<16xi32>
    %add3A_164 = arith.addi %mul3A_163, %broadcast_in_dim3A_14 : vector<16xi32>
    %swap3A_165 = arith.constant 1 : i32
    %swap3A_166 = arith.index_cast %swap3A_165 : i32 to index
    %swap3A_167 = arith.constant 32 : index
    %swap3A_168 = tpu.vector_load %arg6[%swap3A_166, %swap3A_167] {strides = array<i32>} : memref<4x256xi32, #tpu.memory_space<vmem>>, vector<1x16xi32>,
    %swap3A_169 = vector.shape_cast %swap3A_168 : vector<1x16xi32> to vector<16xi32>
    %swap3A_170 = vector.shape_cast %add3A_164 : vector<16xi32> to vector<1x16xi32>
    tpu.vector_store %arg6[%swap3A_166, %swap3A_167], %swap3A_170 {strides = array<i32>} : memref<4x256xi32, #tpu.memory_space<vmem>>, vector<1x16xi32>,
    %get3A_171 = arith.constant 2 : i32
    %get3A_172 = arith.index_cast %get3A_171 : i32 to index
    %get3A_173 = arith.constant 32 : index
    %get3A_174 = tpu.vector_load %arg5[%get3A_172, %get3A_173] {strides = array<i32>} : memref<4x256xi32, #tpu.memory_space<vmem>>, vector<1x16xi32>,
    %get3A_175 = vector.shape_cast %get3A_174 : vector<1x16xi32> to vector<16xi32>
    %eq3A_176 = arith.cmpi eq, %get3A_175, %broadcast_in_dim3A_14 : vector<16xi32>
    %select_n3A_177 = arith.select %eq3A_176, %broadcast_in_dim3A_10, %broadcast_in_dim3A_12 : vector<16xi1>, vector<16xi32>
    %add3A_178 = arith.addi %add3A_162, %select_n3A_177 : vector<16xi32>
    %mul3A_179 = arith.muli %add3A_178, %select_n3A_177 : vector<16xi32>
    %add3A_180 = arith.addi %mul3A_179, %broadcast_in_dim3A_14 : vector<16xi32>
    %swap3A_181 = arith.constant 2 : i32
    %swap3A_182 = arith.index_cast %swap3A_181 : i32 to index
    %swap3A_183 = arith.constant 32 : index
    %swap3A_184 = tpu.vector_load %arg6[%swap3A_182, %swap3A_183] {strides = array<i32>} : memref<4x256xi32, #tpu.memory_space<vmem>>, vector<1x16xi32>,
    %swap3A_185 = vector.shape_cast %swap3A_184 : vector<1x16xi32> to vector<16xi32>
    %swap3A_186 = vector.shape_cast %add3A_180 : vector<16xi32> to vector<1x16xi32>
    tpu.vector_store %arg6[%swap3A_182, %swap3A_183], %swap3A_186 {strides = array<i32>} : memref<4x256xi32, #tpu.memory_space<vmem>>, vector<1x16xi32>,
    %get3A_187 = arith.constant 3 : i32
    %get3A_188 = arith.index_cast %get3A_187 : i32 to index
    %get3A_189 = arith.constant 32 : index
    %get3A_190 = tpu.vector_load %arg5[%get3A_188, %get3A_189] {strides = array<i32>} : memref<4x256xi32, #tpu.memory_space<vmem>>, vector<1x16xi32>,
    %get3A_191 = vector.shape_cast %get3A_190 : vector<1x16xi32> to vector<16xi32>
    %eq3A_192 = arith.cmpi eq, %get3A_191, %broadcast_in_dim3A_14 : vector<16xi32>
    %select_n3A_193 = arith.select %eq3A_192, %broadcast_in_dim3A_10, %broadcast_in_dim3A_12 : vector<16xi1>, vector<16xi32>
    %add3A_194 = arith.addi %add3A_178, %select_n3A_193 : vector<16xi32>
    %mul3A_195 = arith.muli %add3A_194, %select_n3A_193 : vector<16xi32>
    %add3A_196 = arith.addi %mul3A_195, %broadcast_in_dim3A_14 : vector<16xi32>
    %swap3A_197 = arith.constant 3 : i32
    %swap3A_198 = arith.index_cast %swap3A_197 : i32 to index
    %swap3A_199 = arith.constant 32 : index
    %swap3A_200 = tpu.vector_load %arg6[%swap3A_198, %swap3A_199] {strides = array<i32>} : memref<4x256xi32, #tpu.memory_space<vmem>>, vector<1x16xi32>,
    %swap3A_201 = vector.shape_cast %swap3A_200 : vector<1x16xi32> to vector<16xi32>
    %swap3A_202 = vector.shape_cast %add3A_196 : vector<16xi32> to vector<1x16xi32>
    tpu.vector_store %arg6[%swap3A_198, %swap3A_199], %swap3A_202 {strides = array<i32>} : memref<4x256xi32, #tpu.memory_space<vmem>>, vector<1x16xi32>,
    %get3A_203 = arith.constant 0 : i32
    %get3A_204 = arith.index_cast %get3A_203 : i32 to index
    %get3A_205 = arith.constant 48 : index
    %get3A_206 = tpu.vector_load %arg5[%get3A_204, %get3A_205] {strides = array<i32>} : memref<4x256xi32, #tpu.memory_space<vmem>>, vector<1x16xi32>,
    %get3A_207 = vector.shape_cast %get3A_206 : vector<1x16xi32> to vector<16xi32>
    %eq3A_208 = arith.cmpi eq, %get3A_207, %broadcast_in_dim3A_14 : vector<16xi32>
    %select_n3A_209 = arith.select %eq3A_208, %broadcast_in_dim3A_10, %broadcast_in_dim3A_12 : vector<16xi1>, vector<16xi32>
    %add3A_210 = arith.addi %broadcast_in_dim3A_10, %select_n3A_209 : vector<16xi32>
    %mul3A_211 = arith.muli %add3A_210, %select_n3A_209 : vector<16xi32>
    %add3A_212 = arith.addi %mul3A_211, %broadcast_in_dim3A_14 : vector<16xi32>
    %swap3A_213 = arith.constant 0 : i32
    %swap3A_214 = arith.index_cast %swap3A_213 : i32 to index
    %swap3A_215 = arith.constant 48 : index
    %swap3A_216 = tpu.vector_load %arg6[%swap3A_214, %swap3A_215] {strides = array<i32>} : memref<4x256xi32, #tpu.memory_space<vmem>>, vector<1x16xi32>,
    %swap3A_217 = vector.shape_cast %swap3A_216 : vector<1x16xi32> to vector<16xi32>
    %swap3A_218 = vector.shape_cast %add3A_212 : vector<16xi32> to vector<1x16xi32>
    tpu.vector_store %arg6[%swap3A_214, %swap3A_215], %swap3A_218 {strides = array<i32>} : memref<4x256xi32, #tpu.memory_space<vmem>>, vector<1x16xi32>,
    %get3A_219 = arith.constant 1 : i32
    %get3A_220 = arith.index_cast %get3A_219 : i32 to index
    %get3A_221 = arith.constant 48 : index
    %get3A_222 = tpu.vector_load %arg5[%get3A_220, %get3A_221] {strides = array<i32>} : memref<4x256xi32, #tpu.memory_space<vmem>>, vector<1x16xi32>,
    %get3A_223 = vector.shape_cast %get3A_222 : vector<1x16xi32> to vector<16xi32>
    %eq3A_224 = arith.cmpi eq, %get3A_223, %broadcast_in_dim3A_14 : vector<16xi32>
    %select_n3A_225 = arith.select %eq3A_224, %broadcast_in_dim3A_10, %broadcast_in_dim3A_12 : vector<16xi1>, vector<16xi32>
    %add3A_226 = arith.addi %add3A_210, %select_n3A_225 : vector<16xi32>
    %mul3A_227 = arith.muli %add3A_226, %select_n3A_225 : vector<16xi32>
    %add3A_228 = arith.addi %mul3A_227, %broadcast_in_dim3A_14 : vector<16xi32>
    %swap3A_229 = arith.constant 1 : i32
    %swap3A_230 = arith.index_cast %swap3A_229 : i32 to index
    %swap3A_231 = arith.constant 48 : index
    %swap3A_232 = tpu.vector_load %arg6[%swap3A_230, %swap3A_231] {strides = array<i32>} : memref<4x256xi32, #tpu.memory_space<vmem>>, vector<1x16xi32>,
    %swap3A_233 = vector.shape_cast %swap3A_232 : vector<1x16xi32> to vector<16xi32>
    %swap3A_234 = vector.shape_cast %add3A_228 : vector<16xi32> to vector<1x16xi32>
    tpu.vector_store %arg6[%swap3A_230, %swap3A_231], %swap3A_234 {strides = array<i32>} : memref<4x256xi32, #tpu.memory_space<vmem>>, vector<1x16xi32>,
    %get3A_235 = arith.constant 2 : i32
    %get3A_236 = arith.index_cast %get3A_235 : i32 to index
    %get3A_237 = arith.constant 48 : index
    %get3A_238 = tpu.vector_load %arg5[%get3A_236, %get3A_237] {strides = array<i32>} : memref<4x256xi32, #tpu.memory_space<vmem>>, vector<1x16xi32>,
    %get3A_239 = vector.shape_cast %get3A_238 : vector<1x16xi32> to vector<16xi32>
    %eq3A_240 = arith.cmpi eq, %get3A_239, %broadcast_in_dim3A_14 : vector<16xi32>
    %select_n3A_241 = arith.select %eq3A_240, %broadcast_in_dim3A_10, %broadcast_in_dim3A_12 : vector<16xi1>, vector<16xi32>
    %add3A_242 = arith.addi %add3A_226, %select_n3A_241 : vector<16xi32>
    %mul3A_243 = arith.muli %add3A_242, %select_n3A_241 : vector<16xi32>
    %add3A_244 = arith.addi %mul3A_243, %broadcast_in_dim3A_14 : vector<16xi32>
    %swap3A_245 = arith.constant 2 : i32
    %swap3A_246 = arith.index_cast %swap3A_245 : i32 to index
    %swap3A_247 = arith.constant 48 : index
    %swap3A_248 = tpu.vector_load %arg6[%swap3A_246, %swap3A_247] {strides = array<i32>} : memref<4x256xi32, #tpu.memory_space<vmem>>, vector<1x16xi32>,
    %swap3A_249 = vector.shape_cast %swap3A_248 : vector<1x16xi32> to vector<16xi32>
    %swap3A_250 = vector.shape_cast %add3A_244 : vector<16xi32> to vector<1x16xi32>
    tpu.vector_store %arg6[%swap3A_246, %swap3A_247], %swap3A_250 {strides = array<i32>} : memref<4x256xi32, #tpu.memory_space<vmem>>, vector<1x16xi32>,
    %get3A_251 = arith.constant 3 : i32
    %get3A_252 = arith.index_cast %get3A_251 : i32 to index
    %get3A_253 = arith.constant 48 : index
    %get3A_254 = tpu.vector_load %arg5[%get3A_252, %get3A_253] {strides = array<i32>} : memref<4x256xi32, #tpu.memory_space<vmem>>, vector<1x16xi32>,
    %get3A_255 = vector.shape_cast %get3A_254 : vector<1x16xi32> to vector<16xi32>
    %eq3A_256 = arith.cmpi eq, %get3A_255, %broadcast_in_dim3A_14 : vector<16xi32>
    %select_n3A_257 = arith.select %eq3A_256, %broadcast_in_dim3A_10, %broadcast_in_dim3A_12 : vector<16xi1>, vector<16xi32>
    %add3A_258 = arith.addi %add3A_242, %select_n3A_257 : vector<16xi32>
    %mul3A_259 = arith.muli %add3A_258, %select_n3A_257 : vector<16xi32>
    %add3A_260 = arith.addi %mul3A_259, %broadcast_in_dim3A_14 : vector<16xi32>
    %swap3A_261 = arith.constant 3 : i32
    %swap3A_262 = arith.index_cast %swap3A_261 : i32 to index
    %swap3A_263 = arith.constant 48 : index
    %swap3A_264 = tpu.vector_load %arg6[%swap3A_262, %swap3A_263] {strides = array<i32>} : memref<4x256xi32, #tpu.memory_space<vmem>>, vector<1x16xi32>,
    %swap3A_265 = vector.shape_cast %swap3A_264 : vector<1x16xi32> to vector<16xi32>
    %swap3A_266 = vector.shape_cast %add3A_260 : vector<16xi32> to vector<1x16xi32>
    tpu.vector_store %arg6[%swap3A_262, %swap3A_263], %swap3A_266 {strides = array<i32>} : memref<4x256xi32, #tpu.memory_space<vmem>>, vector<1x16xi32>,
    %get3A_267 = arith.constant 0 : i32
    %get3A_268 = arith.index_cast %get3A_267 : i32 to index
    %get3A_269 = arith.constant 64 : index
    %get3A_270 = tpu.vector_load %arg5[%get3A_268, %get3A_269] {strides = array<i32>} : memref<4x256xi32, #tpu.memory_space<vmem>>, vector<1x16xi32>,
    %get3A_271 = vector.shape_cast %get3A_270 : vector<1x16xi32> to vector<16xi32>
    %eq3A_272 = arith.cmpi eq, %get3A_271, %broadcast_in_dim3A_14 : vector<16xi32>
    %select_n3A_273 = arith.select %eq3A_272, %broadcast_in_dim3A_10, %broadcast_in_dim3A_12 : vector<16xi1>, vector<16xi32>
    %add3A_274 = arith.addi %broadcast_in_dim3A_10, %select_n3A_273 : vector<16xi32>
    %mul3A_275 = arith.muli %add3A_274, %select_n3A_273 : vector<16xi32>
    %add3A_276 = arith.addi %mul3A_275, %broadcast_in_dim3A_14 : vector<16xi32>
    %swap3A_277 = arith.constant 0 : i32
    %swap3A_278 = arith.index_cast %swap3A_277 : i32 to index
    %swap3A_279 = arith.constant 64 : index
    %swap3A_280 = tpu.vector_load %arg6[%swap3A_278, %swap3A_279] {strides = array<i32>} : memref<4x256xi32, #tpu.memory_space<vmem>>, vector<1x16xi32>,
    %swap3A_281 = vector.shape_cast %swap3A_280 : vector<1x16xi32> to vector<16xi32>
    %swap3A_282 = vector.shape_cast %add3A_276 : vector<16xi32> to vector<1x16xi32>
    tpu.vector_store %arg6[%swap3A_278, %swap3A_279], %swap3A_282 {strides = array<i32>} : memref<4x256xi32, #tpu.memory_space<vmem>>, vector<1x16xi32>,
    %get3A_283 = arith.constant 1 : i32
    %get3A_284 = arith.index_cast %get3A_283 : i32 to index
    %get3A_285 = arith.constant 64 : index
    %get3A_286 = tpu.vector_load %arg5[%get3A_284, %get3A_285] {strides = array<i32>} : memref<4x256xi32, #tpu.memory_space<vmem>>, vector<1x16xi32>,
    %get3A_287 = vector.shape_cast %get3A_286 : vector<1x16xi32> to vector<16xi32>
    %eq3A_288 = arith.cmpi eq, %get3A_287, %broadcast_in_dim3A_14 : vector<16xi32>
    %select_n3A_289 = arith.select %eq3A_288, %broadcast_in_dim3A_10, %broadcast_in_dim3A_12 : vector<16xi1>, vector<16xi32>
    %add3A_290 = arith.addi %add3A_274, %select_n3A_289 : vector<16xi32>
    %mul3A_291 = arith.muli %add3A_290, %select_n3A_289 : vector<16xi32>
    %add3A_292 = arith.addi %mul3A_291, %broadcast_in_dim3A_14 : vector<16xi32>
    %swap3A_293 = arith.constant 1 : i32
    %swap3A_294 = arith.index_cast %swap3A_293 : i32 to index
    %swap3A_295 = arith.constant 64 : index
    %swap3A_296 = tpu.vector_load %arg6[%swap3A_294, %swap3A_295] {strides = array<i32>} : memref<4x256xi32, #tpu.memory_space<vmem>>, vector<1x16xi32>,
    %swap3A_297 = vector.shape_cast %swap3A_296 : vector<1x16xi32> to vector<16xi32>
    %swap3A_298 = vector.shape_cast %add3A_292 : vector<16xi32> to vector<1x16xi32>
    tpu.vector_store %arg6[%swap3A_294, %swap3A_295], %swap3A_298 {strides = array<i32>} : memref<4x256xi32, #tpu.memory_space<vmem>>, vector<1x16xi32>,
    %get3A_299 = arith.constant 2 : i32
    %get3A_300 = arith.index_cast %get3A_299 : i32 to index
    %get3A_301 = arith.constant 64 : index
    %get3A_302 = tpu.vector_load %arg5[%get3A_300, %get3A_301] {strides = array<i32>} : memref<4x256xi32, #tpu.memory_space<vmem>>, vector<1x16xi32>,
    %get3A_303 = vector.shape_cast %get3A_302 : vector<1x16xi32> to vector<16xi32>
    %eq3A_304 = arith.cmpi eq, %get3A_303, %broadcast_in_dim3A_14 : vector<16xi32>
    %select_n3A_305 = arith.select %eq3A_304, %broadcast_in_dim3A_10, %broadcast_in_dim3A_12 : vector<16xi1>, vector<16xi32>
    %add3A_306 = arith.addi %add3A_290, %select_n3A_305 : vector<16xi32>
    %mul3A_307 = arith.muli %add3A_306, %select_n3A_305 : vector<16xi32>
    %add3A_308 = arith.addi %mul3A_307, %broadcast_in_dim3A_14 : vector<16xi32>
    %swap3A_309 = arith.constant 2 : i32
    %swap3A_310 = arith.index_cast %swap3A_309 : i32 to index
    %swap3A_311 = arith.constant 64 : index
    %swap3A_312 = tpu.vector_load %arg6[%swap3A_310, %swap3A_311] {strides = array<i32>} : memref<4x256xi32, #tpu.memory_space<vmem>>, vector<1x16xi32>,
    %swap3A_313 = vector.shape_cast %swap3A_312 : vector<1x16xi32> to vector<16xi32>
    %swap3A_314 = vector.shape_cast %add3A_308 : vector<16xi32> to vector<1x16xi32>
    tpu.vector_store %arg6[%swap3A_310, %swap3A_311], %swap3A_314 {strides = array<i32>} : memref<4x256xi32, #tpu.memory_space<vmem>>, vector<1x16xi32>,
    %get3A_315 = arith.constant 3 : i32
    %get3A_316 = arith.index_cast %get3A_315 : i32 to index
    %get3A_317 = arith.constant 64 : index
    %get3A_318 = tpu.vector_load %arg5[%get3A_316, %get3A_317] {strides = array<i32>} : memref<4x256xi32, #tpu.memory_space<vmem>>, vector<1x16xi32>,
    %get3A_319 = vector.shape_cast %get3A_318 : vector<1x16xi32> to vector<16xi32>
    %eq3A_320 = arith.cmpi eq, %get3A_319, %broadcast_in_dim3A_14 : vector<16xi32>
    %select_n3A_321 = arith.select %eq3A_320, %broadcast_in_dim3A_10, %broadcast_in_dim3A_12 : vector<16xi1>, vector<16xi32>
    %add3A_322 = arith.addi %add3A_306, %select_n3A_321 : vector<16xi32>
    %mul3A_323 = arith.muli %add3A_322, %select_n3A_321 : vector<16xi32>
    %add3A_324 = arith.addi %mul3A_323, %broadcast_in_dim3A_14 : vector<16xi32>
    %swap3A_325 = arith.constant 3 : i32
    %swap3A_326 = arith.index_cast %swap3A_325 : i32 to index
    %swap3A_327 = arith.constant 64 : index
    %swap3A_328 = tpu.vector_load %arg6[%swap3A_326, %swap3A_327] {strides = array<i32>} : memref<4x256xi32, #tpu.memory_space<vmem>>, vector<1x16xi32>,
    %swap3A_329 = vector.shape_cast %swap3A_328 : vector<1x16xi32> to vector<16xi32>
    %swap3A_330 = vector.shape_cast %add3A_324 : vector<16xi32> to vector<1x16xi32>
    tpu.vector_store %arg6[%swap3A_326, %swap3A_327], %swap3A_330 {strides = array<i32>} : memref<4x256xi32, #tpu.memory_space<vmem>>, vector<1x16xi32>,
    %get3A_331 = arith.constant 0 : i32
    %get3A_332 = arith.index_cast %get3A_331 : i32 to index
    %get3A_333 = arith.constant 80 : index
    %get3A_334 = tpu.vector_load %arg5[%get3A_332, %get3A_333] {strides = array<i32>} : memref<4x256xi32, #tpu.memory_space<vmem>>, vector<1x16xi32>,
    %get3A_335 = vector.shape_cast %get3A_334 : vector<1x16xi32> to vector<16xi32>
    %eq3A_336 = arith.cmpi eq, %get3A_335, %broadcast_in_dim3A_14 : vector<16xi32>
    %select_n3A_337 = arith.select %eq3A_336, %broadcast_in_dim3A_10, %broadcast_in_dim3A_12 : vector<16xi1>, vector<16xi32>
    %add3A_338 = arith.addi %broadcast_in_dim3A_10, %select_n3A_337 : vector<16xi32>
    %mul3A_339 = arith.muli %add3A_338, %select_n3A_337 : vector<16xi32>
    %add3A_340 = arith.addi %mul3A_339, %broadcast_in_dim3A_14 : vector<16xi32>
    %swap3A_341 = arith.constant 0 : i32
    %swap3A_342 = arith.index_cast %swap3A_341 : i32 to index
    %swap3A_343 = arith.constant 80 : index
    %swap3A_344 = tpu.vector_load %arg6[%swap3A_342, %swap3A_343] {strides = array<i32>} : memref<4x256xi32, #tpu.memory_space<vmem>>, vector<1x16xi32>,
    %swap3A_345 = vector.shape_cast %swap3A_344 : vector<1x16xi32> to vector<16xi32>
    %swap3A_346 = vector.shape_cast %add3A_340 : vector<16xi32> to vector<1x16xi32>
    tpu.vector_store %arg6[%swap3A_342, %swap3A_343], %swap3A_346 {strides = array<i32>} : memref<4x256xi32, #tpu.memory_space<vmem>>, vector<1x16xi32>,
    %get3A_347 = arith.constant 1 : i32
    %get3A_348 = arith.index_cast %get3A_347 : i32 to index
    %get3A_349 = arith.constant 80 : index
    %get3A_350 = tpu.vector_load %arg5[%get3A_348, %get3A_349] {strides = array<i32>} : memref<4x256xi32, #tpu.memory_space<vmem>>, vector<1x16xi32>,
    %get3A_351 = vector.shape_cast %get3A_350 : vector<1x16xi32> to vector<16xi32>
    %eq3A_352 = arith.cmpi eq, %get3A_351, %broadcast_in_dim3A_14 : vector<16xi32>
    %select_n3A_353 = arith.select %eq3A_352, %broadcast_in_dim3A_10, %broadcast_in_dim3A_12 : vector<16xi1>, vector<16xi32>
    %add3A_354 = arith.addi %add3A_338, %select_n3A_353 : vector<16xi32>
    %mul3A_355 = arith.muli %add3A_354, %select_n3A_353 : vector<16xi32>
    %add3A_356 = arith.addi %mul3A_355, %broadcast_in_dim3A_14 : vector<16xi32>
    %swap3A_357 = arith.constant 1 : i32
    %swap3A_358 = arith.index_cast %swap3A_357 : i32 to index
    %swap3A_359 = arith.constant 80 : index
    %swap3A_360 = tpu.vector_load %arg6[%swap3A_358, %swap3A_359] {strides = array<i32>} : memref<4x256xi32, #tpu.memory_space<vmem>>, vector<1x16xi32>,
    %swap3A_361 = vector.shape_cast %swap3A_360 : vector<1x16xi32> to vector<16xi32>
    %swap3A_362 = vector.shape_cast %add3A_356 : vector<16xi32> to vector<1x16xi32>
    tpu.vector_store %arg6[%swap3A_358, %swap3A_359], %swap3A_362 {strides = array<i32>} : memref<4x256xi32, #tpu.memory_space<vmem>>, vector<1x16xi32>,
    %get3A_363 = arith.constant 2 : i32
    %get3A_364 = arith.index_cast %get3A_363 : i32 to index
    %get3A_365 = arith.constant 80 : index
    %get3A_366 = tpu.vector_load %arg5[%get3A_364, %get3A_365] {strides = array<i32>} : memref<4x256xi32, #tpu.memory_space<vmem>>, vector<1x16xi32>,
    %get3A_367 = vector.shape_cast %get3A_366 : vector<1x16xi32> to vector<16xi32>
    %eq3A_368 = arith.cmpi eq, %get3A_367, %broadcast_in_dim3A_14 : vector<16xi32>
    %select_n3A_369 = arith.select %eq3A_368, %broadcast_in_dim3A_10, %broadcast_in_dim3A_12 : vector<16xi1>, vector<16xi32>
    %add3A_370 = arith.addi %add3A_354, %select_n3A_369 : vector<16xi32>
    %mul3A_371 = arith.muli %add3A_370, %select_n3A_369 : vector<16xi32>
    %add3A_372 = arith.addi %mul3A_371, %broadcast_in_dim3A_14 : vector<16xi32>
    %swap3A_373 = arith.constant 2 : i32
    %swap3A_374 = arith.index_cast %swap3A_373 : i32 to index
    %swap3A_375 = arith.constant 80 : index
    %swap3A_376 = tpu.vector_load %arg6[%swap3A_374, %swap3A_375] {strides = array<i32>} : memref<4x256xi32, #tpu.memory_space<vmem>>, vector<1x16xi32>,
    %swap3A_377 = vector.shape_cast %swap3A_376 : vector<1x16xi32> to vector<16xi32>
    %swap3A_378 = vector.shape_cast %add3A_372 : vector<16xi32> to vector<1x16xi32>
    tpu.vector_store %arg6[%swap3A_374, %swap3A_375], %swap3A_378 {strides = array<i32>} : memref<4x256xi32, #tpu.memory_space<vmem>>, vector<1x16xi32>,
    %get3A_379 = arith.constant 3 : i32
    %get3A_380 = arith.index_cast %get3A_379 : i32 to index
    %get3A_381 = arith.constant 80 : index
    %get3A_382 = tpu.vector_load %arg5[%get3A_380, %get3A_381] {strides = array<i32>} : memref<4x256xi32, #tpu.memory_space<vmem>>, vector<1x16xi32>,
    %get3A_383 = vector.shape_cast %get3A_382 : vector<1x16xi32> to vector<16xi32>
    %eq3A_384 = arith.cmpi eq, %get3A_383, %broadcast_in_dim3A_14 : vector<16xi32>
    %select_n3A_385 = arith.select %eq3A_384, %broadcast_in_dim3A_10, %broadcast_in_dim3A_12 : vector<16xi1>, vector<16xi32>
    %add3A_386 = arith.addi %add3A_370, %select_n3A_385 : vector<16xi32>
    %mul3A_387 = arith.muli %add3A_386, %select_n3A_385 : vector<16xi32>
    %add3A_388 = arith.addi %mul3A_387, %broadcast_in_dim3A_14 : vector<16xi32>
    %swap3A_389 = arith.constant 3 : i32
    %swap3A_390 = arith.index_cast %swap3A_389 : i32 to index
    %swap3A_391 = arith.constant 80 : index
    %swap3A_392 = tpu.vector_load %arg6[%swap3A_390, %swap3A_391] {strides = array<i32>} : memref<4x256xi32, #tpu.memory_space<vmem>>, vector<1x16xi32>,
    %swap3A_393 = vector.shape_cast %swap3A_392 : vector<1x16xi32> to vector<16xi32>
    %swap3A_394 = vector.shape_cast %add3A_388 : vector<16xi32> to vector<1x16xi32>
    tpu.vector_store %arg6[%swap3A_390, %swap3A_391], %swap3A_394 {strides = array<i32>} : memref<4x256xi32, #tpu.memory_space<vmem>>, vector<1x16xi32>,
    %get3A_395 = arith.constant 0 : i32
    %get3A_396 = arith.index_cast %get3A_395 : i32 to index
    %get3A_397 = arith.constant 96 : index
    %get3A_398 = tpu.vector_load %arg5[%get3A_396, %get3A_397] {strides = array<i32>} : memref<4x256xi32, #tpu.memory_space<vmem>>, vector<1x16xi32>,
    %get3A_399 = vector.shape_cast %get3A_398 : vector<1x16xi32> to vector<16xi32>
    %eq3A_400 = arith.cmpi eq, %get3A_399, %broadcast_in_dim3A_14 : vector<16xi32>
    %select_n3A_401 = arith.select %eq3A_400, %broadcast_in_dim3A_10, %broadcast_in_dim3A_12 : vector<16xi1>, vector<16xi32>
    %add3A_402 = arith.addi %broadcast_in_dim3A_10, %select_n3A_401 : vector<16xi32>
    %mul3A_403 = arith.muli %add3A_402, %select_n3A_401 : vector<16xi32>
    %add3A_404 = arith.addi %mul3A_403, %broadcast_in_dim3A_14 : vector<16xi32>
    %swap3A_405 = arith.constant 0 : i32
    %swap3A_406 = arith.index_cast %swap3A_405 : i32 to index
    %swap3A_407 = arith.constant 96 : index
    %swap3A_408 = tpu.vector_load %arg6[%swap3A_406, %swap3A_407] {strides = array<i32>} : memref<4x256xi32, #tpu.memory_space<vmem>>, vector<1x16xi32>,
    %swap3A_409 = vector.shape_cast %swap3A_408 : vector<1x16xi32> to vector<16xi32>
    %swap3A_410 = vector.shape_cast %add3A_404 : vector<16xi32> to vector<1x16xi32>
    tpu.vector_store %arg6[%swap3A_406, %swap3A_407], %swap3A_410 {strides = array<i32>} : memref<4x256xi32, #tpu.memory_space<vmem>>, vector<1x16xi32>,
    %get3A_411 = arith.constant 1 : i32
    %get3A_412 = arith.index_cast %get3A_411 : i32 to index
    %get3A_413 = arith.constant 96 : index
    %get3A_414 = tpu.vector_load %arg5[%get3A_412, %get3A_413] {strides = array<i32>} : memref<4x256xi32, #tpu.memory_space<vmem>>, vector<1x16xi32>,
    %get3A_415 = vector.shape_cast %get3A_414 : vector<1x16xi32> to vector<16xi32>
    %eq3A_416 = arith.cmpi eq, %get3A_415, %broadcast_in_dim3A_14 : vector<16xi32>
    %select_n3A_417 = arith.select %eq3A_416, %broadcast_in_dim3A_10, %broadcast_in_dim3A_12 : vector<16xi1>, vector<16xi32>
    %add3A_418 = arith.addi %add3A_402, %select_n3A_417 : vector<16xi32>
    %mul3A_419 = arith.muli %add3A_418, %select_n3A_417 : vector<16xi32>
    %add3A_420 = arith.addi %mul3A_419, %broadcast_in_dim3A_14 : vector<16xi32>
    %swap3A_421 = arith.constant 1 : i32
    %swap3A_422 = arith.index_cast %swap3A_421 : i32 to index
    %swap3A_423 = arith.constant 96 : index
    %swap3A_424 = tpu.vector_load %arg6[%swap3A_422, %swap3A_423] {strides = array<i32>} : memref<4x256xi32, #tpu.memory_space<vmem>>, vector<1x16xi32>,
    %swap3A_425 = vector.shape_cast %swap3A_424 : vector<1x16xi32> to vector<16xi32>
    %swap3A_426 = vector.shape_cast %add3A_420 : vector<16xi32> to vector<1x16xi32>
    tpu.vector_store %arg6[%swap3A_422, %swap3A_423], %swap3A_426 {strides = array<i32>} : memref<4x256xi32, #tpu.memory_space<vmem>>, vector<1x16xi32>,
    %get3A_427 = arith.constant 2 : i32
    %get3A_428 = arith.index_cast %get3A_427 : i32 to index
    %get3A_429 = arith.constant 96 : index
    %get3A_430 = tpu.vector_load %arg5[%get3A_428, %get3A_429] {strides = array<i32>} : memref<4x256xi32, #tpu.memory_space<vmem>>, vector<1x16xi32>,
    %get3A_431 = vector.shape_cast %get3A_430 : vector<1x16xi32> to vector<16xi32>
    %eq3A_432 = arith.cmpi eq, %get3A_431, %broadcast_in_dim3A_14 : vector<16xi32>
    %select_n3A_433 = arith.select %eq3A_432, %broadcast_in_dim3A_10, %broadcast_in_dim3A_12 : vector<16xi1>, vector<16xi32>
    %add3A_434 = arith.addi %add3A_418, %select_n3A_433 : vector<16xi32>
    %mul3A_435 = arith.muli %add3A_434, %select_n3A_433 : vector<16xi32>
    %add3A_436 = arith.addi %mul3A_435, %broadcast_in_dim3A_14 : vector<16xi32>
    %swap3A_437 = arith.constant 2 : i32
    %swap3A_438 = arith.index_cast %swap3A_437 : i32 to index
    %swap3A_439 = arith.constant 96 : index
    %swap3A_440 = tpu.vector_load %arg6[%swap3A_438, %swap3A_439] {strides = array<i32>} : memref<4x256xi32, #tpu.memory_space<vmem>>, vector<1x16xi32>,
    %swap3A_441 = vector.shape_cast %swap3A_440 : vector<1x16xi32> to vector<16xi32>
    %swap3A_442 = vector.shape_cast %add3A_436 : vector<16xi32> to vector<1x16xi32>
    tpu.vector_store %arg6[%swap3A_438, %swap3A_439], %swap3A_442 {strides = array<i32>} : memref<4x256xi32, #tpu.memory_space<vmem>>, vector<1x16xi32>,
    %get3A_443 = arith.constant 3 : i32
    %get3A_444 = arith.index_cast %get3A_443 : i32 to index
    %get3A_445 = arith.constant 96 : index
    %get3A_446 = tpu.vector_load %arg5[%get3A_444, %get3A_445] {strides = array<i32>} : memref<4x256xi32, #tpu.memory_space<vmem>>, vector<1x16xi32>,
    %get3A_447 = vector.shape_cast %get3A_446 : vector<1x16xi32> to vector<16xi32>
    %eq3A_448 = arith.cmpi eq, %get3A_447, %broadcast_in_dim3A_14 : vector<16xi32>
    %select_n3A_449 = arith.select %eq3A_448, %broadcast_in_dim3A_10, %broadcast_in_dim3A_12 : vector<16xi1>, vector<16xi32>
    %add3A_450 = arith.addi %add3A_434, %select_n3A_449 : vector<16xi32>
    %mul3A_451 = arith.muli %add3A_450, %select_n3A_449 : vector<16xi32>
    %add3A_452 = arith.addi %mul3A_451, %broadcast_in_dim3A_14 : vector<16xi32>
    %swap3A_453 = arith.constant 3 : i32
    %swap3A_454 = arith.index_cast %swap3A_453 : i32 to index
    %swap3A_455 = arith.constant 96 : index
    %swap3A_456 = tpu.vector_load %arg6[%swap3A_454, %swap3A_455] {strides = array<i32>} : memref<4x256xi32, #tpu.memory_space<vmem>>, vector<1x16xi32>,
    %swap3A_457 = vector.shape_cast %swap3A_456 : vector<1x16xi32> to vector<16xi32>
    %swap3A_458 = vector.shape_cast %add3A_452 : vector<16xi32> to vector<1x16xi32>
    tpu.vector_store %arg6[%swap3A_454, %swap3A_455], %swap3A_458 {strides = array<i32>} : memref<4x256xi32, #tpu.memory_space<vmem>>, vector<1x16xi32>,
    %get3A_459 = arith.constant 0 : i32
    %get3A_460 = arith.index_cast %get3A_459 : i32 to index
    %get3A_461 = arith.constant 112 : index
    %get3A_462 = tpu.vector_load %arg5[%get3A_460, %get3A_461] {strides = array<i32>} : memref<4x256xi32, #tpu.memory_space<vmem>>, vector<1x16xi32>,
    %get3A_463 = vector.shape_cast %get3A_462 : vector<1x16xi32> to vector<16xi32>
    %eq3A_464 = arith.cmpi eq, %get3A_463, %broadcast_in_dim3A_14 : vector<16xi32>
    %select_n3A_465 = arith.select %eq3A_464, %broadcast_in_dim3A_10, %broadcast_in_dim3A_12 : vector<16xi1>, vector<16xi32>
    %add3A_466 = arith.addi %broadcast_in_dim3A_10, %select_n3A_465 : vector<16xi32>
    %mul3A_467 = arith.muli %add3A_466, %select_n3A_465 : vector<16xi32>
    %add3A_468 = arith.addi %mul3A_467, %broadcast_in_dim3A_14 : vector<16xi32>
    %swap3A_469 = arith.constant 0 : i32
    %swap3A_470 = arith.index_cast %swap3A_469 : i32 to index
    %swap3A_471 = arith.constant 112 : index
    %swap3A_472 = tpu.vector_load %arg6[%swap3A_470, %swap3A_471] {strides = array<i32>} : memref<4x256xi32, #tpu.memory_space<vmem>>, vector<1x16xi32>,
    %swap3A_473 = vector.shape_cast %swap3A_472 : vector<1x16xi32> to vector<16xi32>
    %swap3A_474 = vector.shape_cast %add3A_468 : vector<16xi32> to vector<1x16xi32>
    tpu.vector_store %arg6[%swap3A_470, %swap3A_471], %swap3A_474 {strides = array<i32>} : memref<4x256xi32, #tpu.memory_space<vmem>>, vector<1x16xi32>,
    %get3A_475 = arith.constant 1 : i32
    %get3A_476 = arith.index_cast %get3A_475 : i32 to index
    %get3A_477 = arith.constant 112 : index
    %get3A_478 = tpu.vector_load %arg5[%get3A_476, %get3A_477] {strides = array<i32>} : memref<4x256xi32, #tpu.memory_space<vmem>>, vector<1x16xi32>,
    %get3A_479 = vector.shape_cast %get3A_478 : vector<1x16xi32> to vector<16xi32>
    %eq3A_480 = arith.cmpi eq, %get3A_479, %broadcast_in_dim3A_14 : vector<16xi32>
    %select_n3A_481 = arith.select %eq3A_480, %broadcast_in_dim3A_10, %broadcast_in_dim3A_12 : vector<16xi1>, vector<16xi32>
    %add3A_482 = arith.addi %add3A_466, %select_n3A_481 : vector<16xi32>
    %mul3A_483 = arith.muli %add3A_482, %select_n3A_481 : vector<16xi32>
    %add3A_484 = arith.addi %mul3A_483, %broadcast_in_dim3A_14 : vector<16xi32>
    %swap3A_485 = arith.constant 1 : i32
    %swap3A_486 = arith.index_cast %swap3A_485 : i32 to index
    %swap3A_487 = arith.constant 112 : index
    %swap3A_488 = tpu.vector_load %arg6[%swap3A_486, %swap3A_487] {strides = array<i32>} : memref<4x256xi32, #tpu.memory_space<vmem>>, vector<1x16xi32>,
    %swap3A_489 = vector.shape_cast %swap3A_488 : vector<1x16xi32> to vector<16xi32>
    %swap3A_490 = vector.shape_cast %add3A_484 : vector<16xi32> to vector<1x16xi32>
    tpu.vector_store %arg6[%swap3A_486, %swap3A_487], %swap3A_490 {strides = array<i32>} : memref<4x256xi32, #tpu.memory_space<vmem>>, vector<1x16xi32>,
    %get3A_491 = arith.constant 2 : i32
    %get3A_492 = arith.index_cast %get3A_491 : i32 to index
    %get3A_493 = arith.constant 112 : index
    %get3A_494 = tpu.vector_load %arg5[%get3A_492, %get3A_493] {strides = array<i32>} : memref<4x256xi32, #tpu.memory_space<vmem>>, vector<1x16xi32>,
    %get3A_495 = vector.shape_cast %get3A_494 : vector<1x16xi32> to vector<16xi32>
    %eq3A_496 = arith.cmpi eq, %get3A_495, %broadcast_in_dim3A_14 : vector<16xi32>
    %select_n3A_497 = arith.select %eq3A_496, %broadcast_in_dim3A_10, %broadcast_in_dim3A_12 : vector<16xi1>, vector<16xi32>
    %add3A_498 = arith.addi %add3A_482, %select_n3A_497 : vector<16xi32>
    %mul3A_499 = arith.muli %add3A_498, %select_n3A_497 : vector<16xi32>
    %add3A_500 = arith.addi %mul3A_499, %broadcast_in_dim3A_14 : vector<16xi32>
    %swap3A_501 = arith.constant 2 : i32
    %swap3A_502 = arith.index_cast %swap3A_501 : i32 to index
    %swap3A_503 = arith.constant 112 : index
    %swap3A_504 = tpu.vector_load %arg6[%swap3A_502, %swap3A_503] {strides = array<i32>} : memref<4x256xi32, #tpu.memory_space<vmem>>, vector<1x16xi32>,
    %swap3A_505 = vector.shape_cast %swap3A_504 : vector<1x16xi32> to vector<16xi32>
    %swap3A_506 = vector.shape_cast %add3A_500 : vector<16xi32> to vector<1x16xi32>
    tpu.vector_store %arg6[%swap3A_502, %swap3A_503], %swap3A_506 {strides = array<i32>} : memref<4x256xi32, #tpu.memory_space<vmem>>, vector<1x16xi32>,
    %get3A_507 = arith.constant 3 : i32
    %get3A_508 = arith.index_cast %get3A_507 : i32 to index
    %get3A_509 = arith.constant 112 : index
    %get3A_510 = tpu.vector_load %arg5[%get3A_508, %get3A_509] {strides = array<i32>} : memref<4x256xi32, #tpu.memory_space<vmem>>, vector<1x16xi32>,
    %get3A_511 = vector.shape_cast %get3A_510 : vector<1x16xi32> to vector<16xi32>
    %eq3A_512 = arith.cmpi eq, %get3A_511, %broadcast_in_dim3A_14 : vector<16xi32>
    %select_n3A_513 = arith.select %eq3A_512, %broadcast_in_dim3A_10, %broadcast_in_dim3A_12 : vector<16xi1>, vector<16xi32>
    %add3A_514 = arith.addi %add3A_498, %select_n3A_513 : vector<16xi32>
    %mul3A_515 = arith.muli %add3A_514, %select_n3A_513 : vector<16xi32>
    %add3A_516 = arith.addi %mul3A_515, %broadcast_in_dim3A_14 : vector<16xi32>
    %swap3A_517 = arith.constant 3 : i32
    %swap3A_518 = arith.index_cast %swap3A_517 : i32 to index
    %swap3A_519 = arith.constant 112 : index
    %swap3A_520 = tpu.vector_load %arg6[%swap3A_518, %swap3A_519] {strides = array<i32>} : memref<4x256xi32, #tpu.memory_space<vmem>>, vector<1x16xi32>,
    %swap3A_521 = vector.shape_cast %swap3A_520 : vector<1x16xi32> to vector<16xi32>
    %swap3A_522 = vector.shape_cast %add3A_516 : vector<16xi32> to vector<1x16xi32>
    tpu.vector_store %arg6[%swap3A_518, %swap3A_519], %swap3A_522 {strides = array<i32>} : memref<4x256xi32, #tpu.memory_space<vmem>>, vector<1x16xi32>,
    %get3A_523 = arith.constant 0 : i32
    %get3A_524 = arith.index_cast %get3A_523 : i32 to index
    %get3A_525 = arith.constant 128 : index
    %get3A_526 = tpu.vector_load %arg5[%get3A_524, %get3A_525] {strides = array<i32>} : memref<4x256xi32, #tpu.memory_space<vmem>>, vector<1x16xi32>,
    %get3A_527 = vector.shape_cast %get3A_526 : vector<1x16xi32> to vector<16xi32>
    %eq3A_528 = arith.cmpi eq, %get3A_527, %broadcast_in_dim3A_14 : vector<16xi32>
    %select_n3A_529 = arith.select %eq3A_528, %broadcast_in_dim3A_10, %broadcast_in_dim3A_12 : vector<16xi1>, vector<16xi32>
    %add3A_530 = arith.addi %broadcast_in_dim3A_10, %select_n3A_529 : vector<16xi32>
    %mul3A_531 = arith.muli %add3A_530, %select_n3A_529 : vector<16xi32>
    %add3A_532 = arith.addi %mul3A_531, %broadcast_in_dim3A_14 : vector<16xi32>
    %swap3A_533 = arith.constant 0 : i32
    %swap3A_534 = arith.index_cast %swap3A_533 : i32 to index
    %swap3A_535 = arith.constant 128 : index
    %swap3A_536 = tpu.vector_load %arg6[%swap3A_534, %swap3A_535] {strides = array<i32>} : memref<4x256xi32, #tpu.memory_space<vmem>>, vector<1x16xi32>,
    %swap3A_537 = vector.shape_cast %swap3A_536 : vector<1x16xi32> to vector<16xi32>
    %swap3A_538 = vector.shape_cast %add3A_532 : vector<16xi32> to vector<1x16xi32>
    tpu.vector_store %arg6[%swap3A_534, %swap3A_535], %swap3A_538 {strides = array<i32>} : memref<4x256xi32, #tpu.memory_space<vmem>>, vector<1x16xi32>,
    %get3A_539 = arith.constant 1 : i32
    %get3A_540 = arith.index_cast %get3A_539 : i32 to index
    %get3A_541 = arith.constant 128 : index
    %get3A_542 = tpu.vector_load %arg5[%get3A_540, %get3A_541] {strides = array<i32>} : memref<4x256xi32, #tpu.memory_space<vmem>>, vector<1x16xi32>,
    %get3A_543 = vector.shape_cast %get3A_542 : vector<1x16xi32> to vector<16xi32>
    %eq3A_544 = arith.cmpi eq, %get3A_543, %broadcast_in_dim3A_14 : vector<16xi32>
    %select_n3A_545 = arith.select %eq3A_544, %broadcast_in_dim3A_10, %broadcast_in_dim3A_12 : vector<16xi1>, vector<16xi32>
    %add3A_546 = arith.addi %add3A_530, %select_n3A_545 : vector<16xi32>
    %mul3A_547 = arith.muli %add3A_546, %select_n3A_545 : vector<16xi32>
    %add3A_548 = arith.addi %mul3A_547, %broadcast_in_dim3A_14 : vector<16xi32>
    %swap3A_549 = arith.constant 1 : i32
    %swap3A_550 = arith.index_cast %swap3A_549 : i32 to index
    %swap3A_551 = arith.constant 128 : index
    %swap3A_552 = tpu.vector_load %arg6[%swap3A_550, %swap3A_551] {strides = array<i32>} : memref<4x256xi32, #tpu.memory_space<vmem>>, vector<1x16xi32>,
    %swap3A_553 = vector.shape_cast %swap3A_552 : vector<1x16xi32> to vector<16xi32>
    %swap3A_554 = vector.shape_cast %add3A_548 : vector<16xi32> to vector<1x16xi32>
    tpu.vector_store %arg6[%swap3A_550, %swap3A_551], %swap3A_554 {strides = array<i32>} : memref<4x256xi32, #tpu.memory_space<vmem>>, vector<1x16xi32>,
    %get3A_555 = arith.constant 2 : i32
    %get3A_556 = arith.index_cast %get3A_555 : i32 to index
    %get3A_557 = arith.constant 128 : index
    %get3A_558 = tpu.vector_load %arg5[%get3A_556, %get3A_557] {strides = array<i32>} : memref<4x256xi32, #tpu.memory_space<vmem>>, vector<1x16xi32>,
    %get3A_559 = vector.shape_cast %get3A_558 : vector<1x16xi32> to vector<16xi32>
    %eq3A_560 = arith.cmpi eq, %get3A_559, %broadcast_in_dim3A_14 : vector<16xi32>
    %select_n3A_561 = arith.select %eq3A_560, %broadcast_in_dim3A_10, %broadcast_in_dim3A_12 : vector<16xi1>, vector<16xi32>
    %add3A_562 = arith.addi %add3A_546, %select_n3A_561 : vector<16xi32>
    %mul3A_563 = arith.muli %add3A_562, %select_n3A_561 : vector<16xi32>
    %add3A_564 = arith.addi %mul3A_563, %broadcast_in_dim3A_14 : vector<16xi32>
    %swap3A_565 = arith.constant 2 : i32
    %swap3A_566 = arith.index_cast %swap3A_565 : i32 to index
    %swap3A_567 = arith.constant 128 : index
    %swap3A_568 = tpu.vector_load %arg6[%swap3A_566, %swap3A_567] {strides = array<i32>} : memref<4x256xi32, #tpu.memory_space<vmem>>, vector<1x16xi32>,
    %swap3A_569 = vector.shape_cast %swap3A_568 : vector<1x16xi32> to vector<16xi32>
    %swap3A_570 = vector.shape_cast %add3A_564 : vector<16xi32> to vector<1x16xi32>
    tpu.vector_store %arg6[%swap3A_566, %swap3A_567], %swap3A_570 {strides = array<i32>} : memref<4x256xi32, #tpu.memory_space<vmem>>, vector<1x16xi32>,
    %get3A_571 = arith.constant 3 : i32
    %get3A_572 = arith.index_cast %get3A_571 : i32 to index
    %get3A_573 = arith.constant 128 : index
    %get3A_574 = tpu.vector_load %arg5[%get3A_572, %get3A_573] {strides = array<i32>} : memref<4x256xi32, #tpu.memory_space<vmem>>, vector<1x16xi32>,
    %get3A_575 = vector.shape_cast %get3A_574 : vector<1x16xi32> to vector<16xi32>
    %eq3A_576 = arith.cmpi eq, %get3A_575, %broadcast_in_dim3A_14 : vector<16xi32>
    %select_n3A_577 = arith.select %eq3A_576, %broadcast_in_dim3A_10, %broadcast_in_dim3A_12 : vector<16xi1>, vector<16xi32>
    %add3A_578 = arith.addi %add3A_562, %select_n3A_577 : vector<16xi32>
    %mul3A_579 = arith.muli %add3A_578, %select_n3A_577 : vector<16xi32>
    %add3A_580 = arith.addi %mul3A_579, %broadcast_in_dim3A_14 : vector<16xi32>
    %swap3A_581 = arith.constant 3 : i32
    %swap3A_582 = arith.index_cast %swap3A_581 : i32 to index
    %swap3A_583 = arith.constant 128 : index
    %swap3A_584 = tpu.vector_load %arg6[%swap3A_582, %swap3A_583] {strides = array<i32>} : memref<4x256xi32, #tpu.memory_space<vmem>>, vector<1x16xi32>,
    %swap3A_585 = vector.shape_cast %swap3A_584 : vector<1x16xi32> to vector<16xi32>
    %swap3A_586 = vector.shape_cast %add3A_580 : vector<16xi32> to vector<1x16xi32>
    tpu.vector_store %arg6[%swap3A_582, %swap3A_583], %swap3A_586 {strides = array<i32>} : memref<4x256xi32, #tpu.memory_space<vmem>>, vector<1x16xi32>,
    %get3A_587 = arith.constant 0 : i32
    %get3A_588 = arith.index_cast %get3A_587 : i32 to index
    %get3A_589 = arith.constant 144 : index
    %get3A_590 = tpu.vector_load %arg5[%get3A_588, %get3A_589] {strides = array<i32>} : memref<4x256xi32, #tpu.memory_space<vmem>>, vector<1x16xi32>,
    %get3A_591 = vector.shape_cast %get3A_590 : vector<1x16xi32> to vector<16xi32>
    %eq3A_592 = arith.cmpi eq, %get3A_591, %broadcast_in_dim3A_14 : vector<16xi32>
    %select_n3A_593 = arith.select %eq3A_592, %broadcast_in_dim3A_10, %broadcast_in_dim3A_12 : vector<16xi1>, vector<16xi32>
    %add3A_594 = arith.addi %broadcast_in_dim3A_10, %select_n3A_593 : vector<16xi32>
    %mul3A_595 = arith.muli %add3A_594, %select_n3A_593 : vector<16xi32>
    %add3A_596 = arith.addi %mul3A_595, %broadcast_in_dim3A_14 : vector<16xi32>
    %swap3A_597 = arith.constant 0 : i32
    %swap3A_598 = arith.index_cast %swap3A_597 : i32 to index
    %swap3A_599 = arith.constant 144 : index
    %swap3A_600 = tpu.vector_load %arg6[%swap3A_598, %swap3A_599] {strides = array<i32>} : memref<4x256xi32, #tpu.memory_space<vmem>>, vector<1x16xi32>,
    %swap3A_601 = vector.shape_cast %swap3A_600 : vector<1x16xi32> to vector<16xi32>
    %swap3A_602 = vector.shape_cast %add3A_596 : vector<16xi32> to vector<1x16xi32>
    tpu.vector_store %arg6[%swap3A_598, %swap3A_599], %swap3A_602 {strides = array<i32>} : memref<4x256xi32, #tpu.memory_space<vmem>>, vector<1x16xi32>,
    %get3A_603 = arith.constant 1 : i32
    %get3A_604 = arith.index_cast %get3A_603 : i32 to index
    %get3A_605 = arith.constant 144 : index
    %get3A_606 = tpu.vector_load %arg5[%get3A_604, %get3A_605] {strides = array<i32>} : memref<4x256xi32, #tpu.memory_space<vmem>>, vector<1x16xi32>,
    %get3A_607 = vector.shape_cast %get3A_606 : vector<1x16xi32> to vector<16xi32>
    %eq3A_608 = arith.cmpi eq, %get3A_607, %broadcast_in_dim3A_14 : vector<16xi32>
    %select_n3A_609 = arith.select %eq3A_608, %broadcast_in_dim3A_10, %broadcast_in_dim3A_12 : vector<16xi1>, vector<16xi32>
    %add3A_610 = arith.addi %add3A_594, %select_n3A_609 : vector<16xi32>
    %mul3A_611 = arith.muli %add3A_610, %select_n3A_609 : vector<16xi32>
    %add3A_612 = arith.addi %mul3A_611, %broadcast_in_dim3A_14 : vector<16xi32>
    %swap3A_613 = arith.constant 1 : i32
    %swap3A_614 = arith.index_cast %swap3A_613 : i32 to index
    %swap3A_615 = arith.constant 144 : index
    %swap3A_616 = tpu.vector_load %arg6[%swap3A_614, %swap3A_615] {strides = array<i32>} : memref<4x256xi32, #tpu.memory_space<vmem>>, vector<1x16xi32>,
    %swap3A_617 = vector.shape_cast %swap3A_616 : vector<1x16xi32> to vector<16xi32>
    %swap3A_618 = vector.shape_cast %add3A_612 : vector<16xi32> to vector<1x16xi32>
    tpu.vector_store %arg6[%swap3A_614, %swap3A_615], %swap3A_618 {strides = array<i32>} : memref<4x256xi32, #tpu.memory_space<vmem>>, vector<1x16xi32>,
    %get3A_619 = arith.constant 2 : i32
    %get3A_620 = arith.index_cast %get3A_619 : i32 to index
    %get3A_621 = arith.constant 144 : index
    %get3A_622 = tpu.vector_load %arg5[%get3A_620, %get3A_621] {strides = array<i32>} : memref<4x256xi32, #tpu.memory_space<vmem>>, vector<1x16xi32>,
    %get3A_623 = vector.shape_cast %get3A_622 : vector<1x16xi32> to vector<16xi32>
    %eq3A_624 = arith.cmpi eq, %get3A_623, %broadcast_in_dim3A_14 : vector<16xi32>
    %select_n3A_625 = arith.select %eq3A_624, %broadcast_in_dim3A_10, %broadcast_in_dim3A_12 : vector<16xi1>, vector<16xi32>
    %add3A_626 = arith.addi %add3A_610, %select_n3A_625 : vector<16xi32>
    %mul3A_627 = arith.muli %add3A_626, %select_n3A_625 : vector<16xi32>
    %add3A_628 = arith.addi %mul3A_627, %broadcast_in_dim3A_14 : vector<16xi32>
    %swap3A_629 = arith.constant 2 : i32
    %swap3A_630 = arith.index_cast %swap3A_629 : i32 to index
    %swap3A_631 = arith.constant 144 : index
    %swap3A_632 = tpu.vector_load %arg6[%swap3A_630, %swap3A_631] {strides = array<i32>} : memref<4x256xi32, #tpu.memory_space<vmem>>, vector<1x16xi32>,
    %swap3A_633 = vector.shape_cast %swap3A_632 : vector<1x16xi32> to vector<16xi32>
    %swap3A_634 = vector.shape_cast %add3A_628 : vector<16xi32> to vector<1x16xi32>
    tpu.vector_store %arg6[%swap3A_630, %swap3A_631], %swap3A_634 {strides = array<i32>} : memref<4x256xi32, #tpu.memory_space<vmem>>, vector<1x16xi32>,
    %get3A_635 = arith.constant 3 : i32
    %get3A_636 = arith.index_cast %get3A_635 : i32 to index
    %get3A_637 = arith.constant 144 : index
    %get3A_638 = tpu.vector_load %arg5[%get3A_636, %get3A_637] {strides = array<i32>} : memref<4x256xi32, #tpu.memory_space<vmem>>, vector<1x16xi32>,
    %get3A_639 = vector.shape_cast %get3A_638 : vector<1x16xi32> to vector<16xi32>
    %eq3A_640 = arith.cmpi eq, %get3A_639, %broadcast_in_dim3A_14 : vector<16xi32>
    %select_n3A_641 = arith.select %eq3A_640, %broadcast_in_dim3A_10, %broadcast_in_dim3A_12 : vector<16xi1>, vector<16xi32>
    %add3A_642 = arith.addi %add3A_626, %select_n3A_641 : vector<16xi32>
    %mul3A_643 = arith.muli %add3A_642, %select_n3A_641 : vector<16xi32>
    %add3A_644 = arith.addi %mul3A_643, %broadcast_in_dim3A_14 : vector<16xi32>
    %swap3A_645 = arith.constant 3 : i32
    %swap3A_646 = arith.index_cast %swap3A_645 : i32 to index
    %swap3A_647 = arith.constant 144 : index
    %swap3A_648 = tpu.vector_load %arg6[%swap3A_646, %swap3A_647] {strides = array<i32>} : memref<4x256xi32, #tpu.memory_space<vmem>>, vector<1x16xi32>,
    %swap3A_649 = vector.shape_cast %swap3A_648 : vector<1x16xi32> to vector<16xi32>
    %swap3A_650 = vector.shape_cast %add3A_644 : vector<16xi32> to vector<1x16xi32>
    tpu.vector_store %arg6[%swap3A_646, %swap3A_647], %swap3A_650 {strides = array<i32>} : memref<4x256xi32, #tpu.memory_space<vmem>>, vector<1x16xi32>,
    %get3A_651 = arith.constant 0 : i32
    %get3A_652 = arith.index_cast %get3A_651 : i32 to index
    %get3A_653 = arith.constant 160 : index
    %get3A_654 = tpu.vector_load %arg5[%get3A_652, %get3A_653] {strides = array<i32>} : memref<4x256xi32, #tpu.memory_space<vmem>>, vector<1x16xi32>,
    %get3A_655 = vector.shape_cast %get3A_654 : vector<1x16xi32> to vector<16xi32>
    %eq3A_656 = arith.cmpi eq, %get3A_655, %broadcast_in_dim3A_14 : vector<16xi32>
    %select_n3A_657 = arith.select %eq3A_656, %broadcast_in_dim3A_10, %broadcast_in_dim3A_12 : vector<16xi1>, vector<16xi32>
    %add3A_658 = arith.addi %broadcast_in_dim3A_10, %select_n3A_657 : vector<16xi32>
    %mul3A_659 = arith.muli %add3A_658, %select_n3A_657 : vector<16xi32>
    %add3A_660 = arith.addi %mul3A_659, %broadcast_in_dim3A_14 : vector<16xi32>
    %swap3A_661 = arith.constant 0 : i32
    %swap3A_662 = arith.index_cast %swap3A_661 : i32 to index
    %swap3A_663 = arith.constant 160 : index
    %swap3A_664 = tpu.vector_load %arg6[%swap3A_662, %swap3A_663] {strides = array<i32>} : memref<4x256xi32, #tpu.memory_space<vmem>>, vector<1x16xi32>,
    %swap3A_665 = vector.shape_cast %swap3A_664 : vector<1x16xi32> to vector<16xi32>
    %swap3A_666 = vector.shape_cast %add3A_660 : vector<16xi32> to vector<1x16xi32>
    tpu.vector_store %arg6[%swap3A_662, %swap3A_663], %swap3A_666 {strides = array<i32>} : memref<4x256xi32, #tpu.memory_space<vmem>>, vector<1x16xi32>,
    %get3A_667 = arith.constant 1 : i32
    %get3A_668 = arith.index_cast %get3A_667 : i32 to index
    %get3A_669 = arith.constant 160 : index
    %get3A_670 = tpu.vector_load %arg5[%get3A_668, %get3A_669] {strides = array<i32>} : memref<4x256xi32, #tpu.memory_space<vmem>>, vector<1x16xi32>,
    %get3A_671 = vector.shape_cast %get3A_670 : vector<1x16xi32> to vector<16xi32>
    %eq3A_672 = arith.cmpi eq, %get3A_671, %broadcast_in_dim3A_14 : vector<16xi32>
    %select_n3A_673 = arith.select %eq3A_672, %broadcast_in_dim3A_10, %broadcast_in_dim3A_12 : vector<16xi1>, vector<16xi32>
    %add3A_674 = arith.addi %add3A_658, %select_n3A_673 : vector<16xi32>
    %mul3A_675 = arith.muli %add3A_674, %select_n3A_673 : vector<16xi32>
    %add3A_676 = arith.addi %mul3A_675, %broadcast_in_dim3A_14 : vector<16xi32>
    %swap3A_677 = arith.constant 1 : i32
    %swap3A_678 = arith.index_cast %swap3A_677 : i32 to index
    %swap3A_679 = arith.constant 160 : index
    %swap3A_680 = tpu.vector_load %arg6[%swap3A_678, %swap3A_679] {strides = array<i32>} : memref<4x256xi32, #tpu.memory_space<vmem>>, vector<1x16xi32>,
    %swap3A_681 = vector.shape_cast %swap3A_680 : vector<1x16xi32> to vector<16xi32>
    %swap3A_682 = vector.shape_cast %add3A_676 : vector<16xi32> to vector<1x16xi32>
    tpu.vector_store %arg6[%swap3A_678, %swap3A_679], %swap3A_682 {strides = array<i32>} : memref<4x256xi32, #tpu.memory_space<vmem>>, vector<1x16xi32>,
    %get3A_683 = arith.constant 2 : i32
    %get3A_684 = arith.index_cast %get3A_683 : i32 to index
    %get3A_685 = arith.constant 160 : index
    %get3A_686 = tpu.vector_load %arg5[%get3A_684, %get3A_685] {strides = array<i32>} : memref<4x256xi32, #tpu.memory_space<vmem>>, vector<1x16xi32>,
    %get3A_687 = vector.shape_cast %get3A_686 : vector<1x16xi32> to vector<16xi32>
    %eq3A_688 = arith.cmpi eq, %get3A_687, %broadcast_in_dim3A_14 : vector<16xi32>
    %select_n3A_689 = arith.select %eq3A_688, %broadcast_in_dim3A_10, %broadcast_in_dim3A_12 : vector<16xi1>, vector<16xi32>
    %add3A_690 = arith.addi %add3A_674, %select_n3A_689 : vector<16xi32>
    %mul3A_691 = arith.muli %add3A_690, %select_n3A_689 : vector<16xi32>
    %add3A_692 = arith.addi %mul3A_691, %broadcast_in_dim3A_14 : vector<16xi32>
    %swap3A_693 = arith.constant 2 : i32
    %swap3A_694 = arith.index_cast %swap3A_693 : i32 to index
    %swap3A_695 = arith.constant 160 : index
    %swap3A_696 = tpu.vector_load %arg6[%swap3A_694, %swap3A_695] {strides = array<i32>} : memref<4x256xi32, #tpu.memory_space<vmem>>, vector<1x16xi32>,
    %swap3A_697 = vector.shape_cast %swap3A_696 : vector<1x16xi32> to vector<16xi32>
    %swap3A_698 = vector.shape_cast %add3A_692 : vector<16xi32> to vector<1x16xi32>
    tpu.vector_store %arg6[%swap3A_694, %swap3A_695], %swap3A_698 {strides = array<i32>} : memref<4x256xi32, #tpu.memory_space<vmem>>, vector<1x16xi32>,
    %get3A_699 = arith.constant 3 : i32
    %get3A_700 = arith.index_cast %get3A_699 : i32 to index
    %get3A_701 = arith.constant 160 : index
    %get3A_702 = tpu.vector_load %arg5[%get3A_700, %get3A_701] {strides = array<i32>} : memref<4x256xi32, #tpu.memory_space<vmem>>, vector<1x16xi32>,
    %get3A_703 = vector.shape_cast %get3A_702 : vector<1x16xi32> to vector<16xi32>
    %eq3A_704 = arith.cmpi eq, %get3A_703, %broadcast_in_dim3A_14 : vector<16xi32>
    %select_n3A_705 = arith.select %eq3A_704, %broadcast_in_dim3A_10, %broadcast_in_dim3A_12 : vector<16xi1>, vector<16xi32>
    %add3A_706 = arith.addi %add3A_690, %select_n3A_705 : vector<16xi32>
    %mul3A_707 = arith.muli %add3A_706, %select_n3A_705 : vector<16xi32>
    %add3A_708 = arith.addi %mul3A_707, %broadcast_in_dim3A_14 : vector<16xi32>
    %swap3A_709 = arith.constant 3 : i32
    %swap3A_710 = arith.index_cast %swap3A_709 : i32 to index
    %swap3A_711 = arith.constant 160 : index
    %swap3A_712 = tpu.vector_load %arg6[%swap3A_710, %swap3A_711] {strides = array<i32>} : memref<4x256xi32, #tpu.memory_space<vmem>>, vector<1x16xi32>,
    %swap3A_713 = vector.shape_cast %swap3A_712 : vector<1x16xi32> to vector<16xi32>
    %swap3A_714 = vector.shape_cast %add3A_708 : vector<16xi32> to vector<1x16xi32>
    tpu.vector_store %arg6[%swap3A_710, %swap3A_711], %swap3A_714 {strides = array<i32>} : memref<4x256xi32, #tpu.memory_space<vmem>>, vector<1x16xi32>,
    %get3A_715 = arith.constant 0 : i32
    %get3A_716 = arith.index_cast %get3A_715 : i32 to index
    %get3A_717 = arith.constant 176 : index
    %get3A_718 = tpu.vector_load %arg5[%get3A_716, %get3A_717] {strides = array<i32>} : memref<4x256xi32, #tpu.memory_space<vmem>>, vector<1x16xi32>,
    %get3A_719 = vector.shape_cast %get3A_718 : vector<1x16xi32> to vector<16xi32>
    %eq3A_720 = arith.cmpi eq, %get3A_719, %broadcast_in_dim3A_14 : vector<16xi32>
    %select_n3A_721 = arith.select %eq3A_720, %broadcast_in_dim3A_10, %broadcast_in_dim3A_12 : vector<16xi1>, vector<16xi32>
    %add3A_722 = arith.addi %broadcast_in_dim3A_10, %select_n3A_721 : vector<16xi32>
    %mul3A_723 = arith.muli %add3A_722, %select_n3A_721 : vector<16xi32>
    %add3A_724 = arith.addi %mul3A_723, %broadcast_in_dim3A_14 : vector<16xi32>
    %swap3A_725 = arith.constant 0 : i32
    %swap3A_726 = arith.index_cast %swap3A_725 : i32 to index
    %swap3A_727 = arith.constant 176 : index
    %swap3A_728 = tpu.vector_load %arg6[%swap3A_726, %swap3A_727] {strides = array<i32>} : memref<4x256xi32, #tpu.memory_space<vmem>>, vector<1x16xi32>,
    %swap3A_729 = vector.shape_cast %swap3A_728 : vector<1x16xi32> to vector<16xi32>
    %swap3A_730 = vector.shape_cast %add3A_724 : vector<16xi32> to vector<1x16xi32>
    tpu.vector_store %arg6[%swap3A_726, %swap3A_727], %swap3A_730 {strides = array<i32>} : memref<4x256xi32, #tpu.memory_space<vmem>>, vector<1x16xi32>,
    %get3A_731 = arith.constant 1 : i32
    %get3A_732 = arith.index_cast %get3A_731 : i32 to index
    %get3A_733 = arith.constant 176 : index
    %get3A_734 = tpu.vector_load %arg5[%get3A_732, %get3A_733] {strides = array<i32>} : memref<4x256xi32, #tpu.memory_space<vmem>>, vector<1x16xi32>,
    %get3A_735 = vector.shape_cast %get3A_734 : vector<1x16xi32> to vector<16xi32>
    %eq3A_736 = arith.cmpi eq, %get3A_735, %broadcast_in_dim3A_14 : vector<16xi32>
    %select_n3A_737 = arith.select %eq3A_736, %broadcast_in_dim3A_10, %broadcast_in_dim3A_12 : vector<16xi1>, vector<16xi32>
    %add3A_738 = arith.addi %add3A_722, %select_n3A_737 : vector<16xi32>
    %mul3A_739 = arith.muli %add3A_738, %select_n3A_737 : vector<16xi32>
    %add3A_740 = arith.addi %mul3A_739, %broadcast_in_dim3A_14 : vector<16xi32>
    %swap3A_741 = arith.constant 1 : i32
    %swap3A_742 = arith.index_cast %swap3A_741 : i32 to index
    %swap3A_743 = arith.constant 176 : index
    %swap3A_744 = tpu.vector_load %arg6[%swap3A_742, %swap3A_743] {strides = array<i32>} : memref<4x256xi32, #tpu.memory_space<vmem>>, vector<1x16xi32>,
    %swap3A_745 = vector.shape_cast %swap3A_744 : vector<1x16xi32> to vector<16xi32>
    %swap3A_746 = vector.shape_cast %add3A_740 : vector<16xi32> to vector<1x16xi32>
    tpu.vector_store %arg6[%swap3A_742, %swap3A_743], %swap3A_746 {strides = array<i32>} : memref<4x256xi32, #tpu.memory_space<vmem>>, vector<1x16xi32>,
    %get3A_747 = arith.constant 2 : i32
    %get3A_748 = arith.index_cast %get3A_747 : i32 to index
    %get3A_749 = arith.constant 176 : index
    %get3A_750 = tpu.vector_load %arg5[%get3A_748, %get3A_749] {strides = array<i32>} : memref<4x256xi32, #tpu.memory_space<vmem>>, vector<1x16xi32>,
    %get3A_751 = vector.shape_cast %get3A_750 : vector<1x16xi32> to vector<16xi32>
    %eq3A_752 = arith.cmpi eq, %get3A_751, %broadcast_in_dim3A_14 : vector<16xi32>
    %select_n3A_753 = arith.select %eq3A_752, %broadcast_in_dim3A_10, %broadcast_in_dim3A_12 : vector<16xi1>, vector<16xi32>
    %add3A_754 = arith.addi %add3A_738, %select_n3A_753 : vector<16xi32>
    %mul3A_755 = arith.muli %add3A_754, %select_n3A_753 : vector<16xi32>
    %add3A_756 = arith.addi %mul3A_755, %broadcast_in_dim3A_14 : vector<16xi32>
    %swap3A_757 = arith.constant 2 : i32
    %swap3A_758 = arith.index_cast %swap3A_757 : i32 to index
    %swap3A_759 = arith.constant 176 : index
    %swap3A_760 = tpu.vector_load %arg6[%swap3A_758, %swap3A_759] {strides = array<i32>} : memref<4x256xi32, #tpu.memory_space<vmem>>, vector<1x16xi32>,
    %swap3A_761 = vector.shape_cast %swap3A_760 : vector<1x16xi32> to vector<16xi32>
    %swap3A_762 = vector.shape_cast %add3A_756 : vector<16xi32> to vector<1x16xi32>
    tpu.vector_store %arg6[%swap3A_758, %swap3A_759], %swap3A_762 {strides = array<i32>} : memref<4x256xi32, #tpu.memory_space<vmem>>, vector<1x16xi32>,
    %get3A_763 = arith.constant 3 : i32
    %get3A_764 = arith.index_cast %get3A_763 : i32 to index
    %get3A_765 = arith.constant 176 : index
    %get3A_766 = tpu.vector_load %arg5[%get3A_764, %get3A_765] {strides = array<i32>} : memref<4x256xi32, #tpu.memory_space<vmem>>, vector<1x16xi32>,
    %get3A_767 = vector.shape_cast %get3A_766 : vector<1x16xi32> to vector<16xi32>
    %eq3A_768 = arith.cmpi eq, %get3A_767, %broadcast_in_dim3A_14 : vector<16xi32>
    %select_n3A_769 = arith.select %eq3A_768, %broadcast_in_dim3A_10, %broadcast_in_dim3A_12 : vector<16xi1>, vector<16xi32>
    %add3A_770 = arith.addi %add3A_754, %select_n3A_769 : vector<16xi32>
    %mul3A_771 = arith.muli %add3A_770, %select_n3A_769 : vector<16xi32>
    %add3A_772 = arith.addi %mul3A_771, %broadcast_in_dim3A_14 : vector<16xi32>
    %swap3A_773 = arith.constant 3 : i32
    %swap3A_774 = arith.index_cast %swap3A_773 : i32 to index
    %swap3A_775 = arith.constant 176 : index
    %swap3A_776 = tpu.vector_load %arg6[%swap3A_774, %swap3A_775] {strides = array<i32>} : memref<4x256xi32, #tpu.memory_space<vmem>>, vector<1x16xi32>,
    %swap3A_777 = vector.shape_cast %swap3A_776 : vector<1x16xi32> to vector<16xi32>
    %swap3A_778 = vector.shape_cast %add3A_772 : vector<16xi32> to vector<1x16xi32>
    tpu.vector_store %arg6[%swap3A_774, %swap3A_775], %swap3A_778 {strides = array<i32>} : memref<4x256xi32, #tpu.memory_space<vmem>>, vector<1x16xi32>,
    %get3A_779 = arith.constant 0 : i32
    %get3A_780 = arith.index_cast %get3A_779 : i32 to index
    %get3A_781 = arith.constant 192 : index
    %get3A_782 = tpu.vector_load %arg5[%get3A_780, %get3A_781] {strides = array<i32>} : memref<4x256xi32, #tpu.memory_space<vmem>>, vector<1x16xi32>,
    %get3A_783 = vector.shape_cast %get3A_782 : vector<1x16xi32> to vector<16xi32>
    %eq3A_784 = arith.cmpi eq, %get3A_783, %broadcast_in_dim3A_14 : vector<16xi32>
    %select_n3A_785 = arith.select %eq3A_784, %broadcast_in_dim3A_10, %broadcast_in_dim3A_12 : vector<16xi1>, vector<16xi32>
    %add3A_786 = arith.addi %broadcast_in_dim3A_10, %select_n3A_785 : vector<16xi32>
    %mul3A_787 = arith.muli %add3A_786, %select_n3A_785 : vector<16xi32>
    %add3A_788 = arith.addi %mul3A_787, %broadcast_in_dim3A_14 : vector<16xi32>
    %swap3A_789 = arith.constant 0 : i32
    %swap3A_790 = arith.index_cast %swap3A_789 : i32 to index
    %swap3A_791 = arith.constant 192 : index
    %swap3A_792 = tpu.vector_load %arg6[%swap3A_790, %swap3A_791] {strides = array<i32>} : memref<4x256xi32, #tpu.memory_space<vmem>>, vector<1x16xi32>,
    %swap3A_793 = vector.shape_cast %swap3A_792 : vector<1x16xi32> to vector<16xi32>
    %swap3A_794 = vector.shape_cast %add3A_788 : vector<16xi32> to vector<1x16xi32>
    tpu.vector_store %arg6[%swap3A_790, %swap3A_791], %swap3A_794 {strides = array<i32>} : memref<4x256xi32, #tpu.memory_space<vmem>>, vector<1x16xi32>,
    %get3A_795 = arith.constant 1 : i32
    %get3A_796 = arith.index_cast %get3A_795 : i32 to index
    %get3A_797 = arith.constant 192 : index
    %get3A_798 = tpu.vector_load %arg5[%get3A_796, %get3A_797] {strides = array<i32>} : memref<4x256xi32, #tpu.memory_space<vmem>>, vector<1x16xi32>,
    %get3A_799 = vector.shape_cast %get3A_798 : vector<1x16xi32> to vector<16xi32>
    %eq3A_800 = arith.cmpi eq, %get3A_799, %broadcast_in_dim3A_14 : vector<16xi32>
    %select_n3A_801 = arith.select %eq3A_800, %broadcast_in_dim3A_10, %broadcast_in_dim3A_12 : vector<16xi1>, vector<16xi32>
    %add3A_802 = arith.addi %add3A_786, %select_n3A_801 : vector<16xi32>
    %mul3A_803 = arith.muli %add3A_802, %select_n3A_801 : vector<16xi32>
    %add3A_804 = arith.addi %mul3A_803, %broadcast_in_dim3A_14 : vector<16xi32>
    %swap3A_805 = arith.constant 1 : i32
    %swap3A_806 = arith.index_cast %swap3A_805 : i32 to index
    %swap3A_807 = arith.constant 192 : index
    %swap3A_808 = tpu.vector_load %arg6[%swap3A_806, %swap3A_807] {strides = array<i32>} : memref<4x256xi32, #tpu.memory_space<vmem>>, vector<1x16xi32>,
    %swap3A_809 = vector.shape_cast %swap3A_808 : vector<1x16xi32> to vector<16xi32>
    %swap3A_810 = vector.shape_cast %add3A_804 : vector<16xi32> to vector<1x16xi32>
    tpu.vector_store %arg6[%swap3A_806, %swap3A_807], %swap3A_810 {strides = array<i32>} : memref<4x256xi32, #tpu.memory_space<vmem>>, vector<1x16xi32>,
    %get3A_811 = arith.constant 2 : i32
    %get3A_812 = arith.index_cast %get3A_811 : i32 to index
    %get3A_813 = arith.constant 192 : index
    %get3A_814 = tpu.vector_load %arg5[%get3A_812, %get3A_813] {strides = array<i32>} : memref<4x256xi32, #tpu.memory_space<vmem>>, vector<1x16xi32>,
    %get3A_815 = vector.shape_cast %get3A_814 : vector<1x16xi32> to vector<16xi32>
    %eq3A_816 = arith.cmpi eq, %get3A_815, %broadcast_in_dim3A_14 : vector<16xi32>
    %select_n3A_817 = arith.select %eq3A_816, %broadcast_in_dim3A_10, %broadcast_in_dim3A_12 : vector<16xi1>, vector<16xi32>
    %add3A_818 = arith.addi %add3A_802, %select_n3A_817 : vector<16xi32>
    %mul3A_819 = arith.muli %add3A_818, %select_n3A_817 : vector<16xi32>
    %add3A_820 = arith.addi %mul3A_819, %broadcast_in_dim3A_14 : vector<16xi32>
    %swap3A_821 = arith.constant 2 : i32
    %swap3A_822 = arith.index_cast %swap3A_821 : i32 to index
    %swap3A_823 = arith.constant 192 : index
    %swap3A_824 = tpu.vector_load %arg6[%swap3A_822, %swap3A_823] {strides = array<i32>} : memref<4x256xi32, #tpu.memory_space<vmem>>, vector<1x16xi32>,
    %swap3A_825 = vector.shape_cast %swap3A_824 : vector<1x16xi32> to vector<16xi32>
    %swap3A_826 = vector.shape_cast %add3A_820 : vector<16xi32> to vector<1x16xi32>
    tpu.vector_store %arg6[%swap3A_822, %swap3A_823], %swap3A_826 {strides = array<i32>} : memref<4x256xi32, #tpu.memory_space<vmem>>, vector<1x16xi32>,
    %get3A_827 = arith.constant 3 : i32
    %get3A_828 = arith.index_cast %get3A_827 : i32 to index
    %get3A_829 = arith.constant 192 : index
    %get3A_830 = tpu.vector_load %arg5[%get3A_828, %get3A_829] {strides = array<i32>} : memref<4x256xi32, #tpu.memory_space<vmem>>, vector<1x16xi32>,
    %get3A_831 = vector.shape_cast %get3A_830 : vector<1x16xi32> to vector<16xi32>
    %eq3A_832 = arith.cmpi eq, %get3A_831, %broadcast_in_dim3A_14 : vector<16xi32>
    %select_n3A_833 = arith.select %eq3A_832, %broadcast_in_dim3A_10, %broadcast_in_dim3A_12 : vector<16xi1>, vector<16xi32>
    %add3A_834 = arith.addi %add3A_818, %select_n3A_833 : vector<16xi32>
    %mul3A_835 = arith.muli %add3A_834, %select_n3A_833 : vector<16xi32>
    %add3A_836 = arith.addi %mul3A_835, %broadcast_in_dim3A_14 : vector<16xi32>
    %swap3A_837 = arith.constant 3 : i32
    %swap3A_838 = arith.index_cast %swap3A_837 : i32 to index
    %swap3A_839 = arith.constant 192 : index
    %swap3A_840 = tpu.vector_load %arg6[%swap3A_838, %swap3A_839] {strides = array<i32>} : memref<4x256xi32, #tpu.memory_space<vmem>>, vector<1x16xi32>,
    %swap3A_841 = vector.shape_cast %swap3A_840 : vector<1x16xi32> to vector<16xi32>
    %swap3A_842 = vector.shape_cast %add3A_836 : vector<16xi32> to vector<1x16xi32>
    tpu.vector_store %arg6[%swap3A_838, %swap3A_839], %swap3A_842 {strides = array<i32>} : memref<4x256xi32, #tpu.memory_space<vmem>>, vector<1x16xi32>,
    %get3A_843 = arith.constant 0 : i32
    %get3A_844 = arith.index_cast %get3A_843 : i32 to index
    %get3A_845 = arith.constant 208 : index
    %get3A_846 = tpu.vector_load %arg5[%get3A_844, %get3A_845] {strides = array<i32>} : memref<4x256xi32, #tpu.memory_space<vmem>>, vector<1x16xi32>,
    %get3A_847 = vector.shape_cast %get3A_846 : vector<1x16xi32> to vector<16xi32>
    %eq3A_848 = arith.cmpi eq, %get3A_847, %broadcast_in_dim3A_14 : vector<16xi32>
    %select_n3A_849 = arith.select %eq3A_848, %broadcast_in_dim3A_10, %broadcast_in_dim3A_12 : vector<16xi1>, vector<16xi32>
    %add3A_850 = arith.addi %broadcast_in_dim3A_10, %select_n3A_849 : vector<16xi32>
    %mul3A_851 = arith.muli %add3A_850, %select_n3A_849 : vector<16xi32>
    %add3A_852 = arith.addi %mul3A_851, %broadcast_in_dim3A_14 : vector<16xi32>
    %swap3A_853 = arith.constant 0 : i32
    %swap3A_854 = arith.index_cast %swap3A_853 : i32 to index
    %swap3A_855 = arith.constant 208 : index
    %swap3A_856 = tpu.vector_load %arg6[%swap3A_854, %swap3A_855] {strides = array<i32>} : memref<4x256xi32, #tpu.memory_space<vmem>>, vector<1x16xi32>,
    %swap3A_857 = vector.shape_cast %swap3A_856 : vector<1x16xi32> to vector<16xi32>
    %swap3A_858 = vector.shape_cast %add3A_852 : vector<16xi32> to vector<1x16xi32>
    tpu.vector_store %arg6[%swap3A_854, %swap3A_855], %swap3A_858 {strides = array<i32>} : memref<4x256xi32, #tpu.memory_space<vmem>>, vector<1x16xi32>,
    %get3A_859 = arith.constant 1 : i32
    %get3A_860 = arith.index_cast %get3A_859 : i32 to index
    %get3A_861 = arith.constant 208 : index
    %get3A_862 = tpu.vector_load %arg5[%get3A_860, %get3A_861] {strides = array<i32>} : memref<4x256xi32, #tpu.memory_space<vmem>>, vector<1x16xi32>,
    %get3A_863 = vector.shape_cast %get3A_862 : vector<1x16xi32> to vector<16xi32>
    %eq3A_864 = arith.cmpi eq, %get3A_863, %broadcast_in_dim3A_14 : vector<16xi32>
    %select_n3A_865 = arith.select %eq3A_864, %broadcast_in_dim3A_10, %broadcast_in_dim3A_12 : vector<16xi1>, vector<16xi32>
    %add3A_866 = arith.addi %add3A_850, %select_n3A_865 : vector<16xi32>
    %mul3A_867 = arith.muli %add3A_866, %select_n3A_865 : vector<16xi32>
    %add3A_868 = arith.addi %mul3A_867, %broadcast_in_dim3A_14 : vector<16xi32>
    %swap3A_869 = arith.constant 1 : i32
    %swap3A_870 = arith.index_cast %swap3A_869 : i32 to index
    %swap3A_871 = arith.constant 208 : index
    %swap3A_872 = tpu.vector_load %arg6[%swap3A_870, %swap3A_871] {strides = array<i32>} : memref<4x256xi32, #tpu.memory_space<vmem>>, vector<1x16xi32>,
    %swap3A_873 = vector.shape_cast %swap3A_872 : vector<1x16xi32> to vector<16xi32>
    %swap3A_874 = vector.shape_cast %add3A_868 : vector<16xi32> to vector<1x16xi32>
    tpu.vector_store %arg6[%swap3A_870, %swap3A_871], %swap3A_874 {strides = array<i32>} : memref<4x256xi32, #tpu.memory_space<vmem>>, vector<1x16xi32>,
    %get3A_875 = arith.constant 2 : i32
    %get3A_876 = arith.index_cast %get3A_875 : i32 to index
    %get3A_877 = arith.constant 208 : index
    %get3A_878 = tpu.vector_load %arg5[%get3A_876, %get3A_877] {strides = array<i32>} : memref<4x256xi32, #tpu.memory_space<vmem>>, vector<1x16xi32>,
    %get3A_879 = vector.shape_cast %get3A_878 : vector<1x16xi32> to vector<16xi32>
    %eq3A_880 = arith.cmpi eq, %get3A_879, %broadcast_in_dim3A_14 : vector<16xi32>
    %select_n3A_881 = arith.select %eq3A_880, %broadcast_in_dim3A_10, %broadcast_in_dim3A_12 : vector<16xi1>, vector<16xi32>
    %add3A_882 = arith.addi %add3A_866, %select_n3A_881 : vector<16xi32>
    %mul3A_883 = arith.muli %add3A_882, %select_n3A_881 : vector<16xi32>
    %add3A_884 = arith.addi %mul3A_883, %broadcast_in_dim3A_14 : vector<16xi32>
    %swap3A_885 = arith.constant 2 : i32
    %swap3A_886 = arith.index_cast %swap3A_885 : i32 to index
    %swap3A_887 = arith.constant 208 : index
    %swap3A_888 = tpu.vector_load %arg6[%swap3A_886, %swap3A_887] {strides = array<i32>} : memref<4x256xi32, #tpu.memory_space<vmem>>, vector<1x16xi32>,
    %swap3A_889 = vector.shape_cast %swap3A_888 : vector<1x16xi32> to vector<16xi32>
    %swap3A_890 = vector.shape_cast %add3A_884 : vector<16xi32> to vector<1x16xi32>
    tpu.vector_store %arg6[%swap3A_886, %swap3A_887], %swap3A_890 {strides = array<i32>} : memref<4x256xi32, #tpu.memory_space<vmem>>, vector<1x16xi32>,
    %get3A_891 = arith.constant 3 : i32
    %get3A_892 = arith.index_cast %get3A_891 : i32 to index
    %get3A_893 = arith.constant 208 : index
    %get3A_894 = tpu.vector_load %arg5[%get3A_892, %get3A_893] {strides = array<i32>} : memref<4x256xi32, #tpu.memory_space<vmem>>, vector<1x16xi32>,
    %get3A_895 = vector.shape_cast %get3A_894 : vector<1x16xi32> to vector<16xi32>
    %eq3A_896 = arith.cmpi eq, %get3A_895, %broadcast_in_dim3A_14 : vector<16xi32>
    %select_n3A_897 = arith.select %eq3A_896, %broadcast_in_dim3A_10, %broadcast_in_dim3A_12 : vector<16xi1>, vector<16xi32>
    %add3A_898 = arith.addi %add3A_882, %select_n3A_897 : vector<16xi32>
    %mul3A_899 = arith.muli %add3A_898, %select_n3A_897 : vector<16xi32>
    %add3A_900 = arith.addi %mul3A_899, %broadcast_in_dim3A_14 : vector<16xi32>
    %swap3A_901 = arith.constant 3 : i32
    %swap3A_902 = arith.index_cast %swap3A_901 : i32 to index
    %swap3A_903 = arith.constant 208 : index
    %swap3A_904 = tpu.vector_load %arg6[%swap3A_902, %swap3A_903] {strides = array<i32>} : memref<4x256xi32, #tpu.memory_space<vmem>>, vector<1x16xi32>,
    %swap3A_905 = vector.shape_cast %swap3A_904 : vector<1x16xi32> to vector<16xi32>
    %swap3A_906 = vector.shape_cast %add3A_900 : vector<16xi32> to vector<1x16xi32>
    tpu.vector_store %arg6[%swap3A_902, %swap3A_903], %swap3A_906 {strides = array<i32>} : memref<4x256xi32, #tpu.memory_space<vmem>>, vector<1x16xi32>,
    %get3A_907 = arith.constant 0 : i32
    %get3A_908 = arith.index_cast %get3A_907 : i32 to index
    %get3A_909 = arith.constant 224 : index
    %get3A_910 = tpu.vector_load %arg5[%get3A_908, %get3A_909] {strides = array<i32>} : memref<4x256xi32, #tpu.memory_space<vmem>>, vector<1x16xi32>,
    %get3A_911 = vector.shape_cast %get3A_910 : vector<1x16xi32> to vector<16xi32>
    %eq3A_912 = arith.cmpi eq, %get3A_911, %broadcast_in_dim3A_14 : vector<16xi32>
    %select_n3A_913 = arith.select %eq3A_912, %broadcast_in_dim3A_10, %broadcast_in_dim3A_12 : vector<16xi1>, vector<16xi32>
    %add3A_914 = arith.addi %broadcast_in_dim3A_10, %select_n3A_913 : vector<16xi32>
    %mul3A_915 = arith.muli %add3A_914, %select_n3A_913 : vector<16xi32>
    %add3A_916 = arith.addi %mul3A_915, %broadcast_in_dim3A_14 : vector<16xi32>
    %swap3A_917 = arith.constant 0 : i32
    %swap3A_918 = arith.index_cast %swap3A_917 : i32 to index
    %swap3A_919 = arith.constant 224 : index
    %swap3A_920 = tpu.vector_load %arg6[%swap3A_918, %swap3A_919] {strides = array<i32>} : memref<4x256xi32, #tpu.memory_space<vmem>>, vector<1x16xi32>,
    %swap3A_921 = vector.shape_cast %swap3A_920 : vector<1x16xi32> to vector<16xi32>
    %swap3A_922 = vector.shape_cast %add3A_916 : vector<16xi32> to vector<1x16xi32>
    tpu.vector_store %arg6[%swap3A_918, %swap3A_919], %swap3A_922 {strides = array<i32>} : memref<4x256xi32, #tpu.memory_space<vmem>>, vector<1x16xi32>,
    %get3A_923 = arith.constant 1 : i32
    %get3A_924 = arith.index_cast %get3A_923 : i32 to index
    %get3A_925 = arith.constant 224 : index
    %get3A_926 = tpu.vector_load %arg5[%get3A_924, %get3A_925] {strides = array<i32>} : memref<4x256xi32, #tpu.memory_space<vmem>>, vector<1x16xi32>,
    %get3A_927 = vector.shape_cast %get3A_926 : vector<1x16xi32> to vector<16xi32>
    %eq3A_928 = arith.cmpi eq, %get3A_927, %broadcast_in_dim3A_14 : vector<16xi32>
    %select_n3A_929 = arith.select %eq3A_928, %broadcast_in_dim3A_10, %broadcast_in_dim3A_12 : vector<16xi1>, vector<16xi32>
    %add3A_930 = arith.addi %add3A_914, %select_n3A_929 : vector<16xi32>
    %mul3A_931 = arith.muli %add3A_930, %select_n3A_929 : vector<16xi32>
    %add3A_932 = arith.addi %mul3A_931, %broadcast_in_dim3A_14 : vector<16xi32>
    %swap3A_933 = arith.constant 1 : i32
    %swap3A_934 = arith.index_cast %swap3A_933 : i32 to index
    %swap3A_935 = arith.constant 224 : index
    %swap3A_936 = tpu.vector_load %arg6[%swap3A_934, %swap3A_935] {strides = array<i32>} : memref<4x256xi32, #tpu.memory_space<vmem>>, vector<1x16xi32>,
    %swap3A_937 = vector.shape_cast %swap3A_936 : vector<1x16xi32> to vector<16xi32>
    %swap3A_938 = vector.shape_cast %add3A_932 : vector<16xi32> to vector<1x16xi32>
    tpu.vector_store %arg6[%swap3A_934, %swap3A_935], %swap3A_938 {strides = array<i32>} : memref<4x256xi32, #tpu.memory_space<vmem>>, vector<1x16xi32>,
    %get3A_939 = arith.constant 2 : i32
    %get3A_940 = arith.index_cast %get3A_939 : i32 to index
    %get3A_941 = arith.constant 224 : index
    %get3A_942 = tpu.vector_load %arg5[%get3A_940, %get3A_941] {strides = array<i32>} : memref<4x256xi32, #tpu.memory_space<vmem>>, vector<1x16xi32>,
    %get3A_943 = vector.shape_cast %get3A_942 : vector<1x16xi32> to vector<16xi32>
    %eq3A_944 = arith.cmpi eq, %get3A_943, %broadcast_in_dim3A_14 : vector<16xi32>
    %select_n3A_945 = arith.select %eq3A_944, %broadcast_in_dim3A_10, %broadcast_in_dim3A_12 : vector<16xi1>, vector<16xi32>
    %add3A_946 = arith.addi %add3A_930, %select_n3A_945 : vector<16xi32>
    %mul3A_947 = arith.muli %add3A_946, %select_n3A_945 : vector<16xi32>
    %add3A_948 = arith.addi %mul3A_947, %broadcast_in_dim3A_14 : vector<16xi32>
    %swap3A_949 = arith.constant 2 : i32
    %swap3A_950 = arith.index_cast %swap3A_949 : i32 to index
    %swap3A_951 = arith.constant 224 : index
    %swap3A_952 = tpu.vector_load %arg6[%swap3A_950, %swap3A_951] {strides = array<i32>} : memref<4x256xi32, #tpu.memory_space<vmem>>, vector<1x16xi32>,
    %swap3A_953 = vector.shape_cast %swap3A_952 : vector<1x16xi32> to vector<16xi32>
    %swap3A_954 = vector.shape_cast %add3A_948 : vector<16xi32> to vector<1x16xi32>
    tpu.vector_store %arg6[%swap3A_950, %swap3A_951], %swap3A_954 {strides = array<i32>} : memref<4x256xi32, #tpu.memory_space<vmem>>, vector<1x16xi32>,
    %get3A_955 = arith.constant 3 : i32
    %get3A_956 = arith.index_cast %get3A_955 : i32 to index
    %get3A_957 = arith.constant 224 : index
    %get3A_958 = tpu.vector_load %arg5[%get3A_956, %get3A_957] {strides = array<i32>} : memref<4x256xi32, #tpu.memory_space<vmem>>, vector<1x16xi32>,
    %get3A_959 = vector.shape_cast %get3A_958 : vector<1x16xi32> to vector<16xi32>
    %eq3A_960 = arith.cmpi eq, %get3A_959, %broadcast_in_dim3A_14 : vector<16xi32>
    %select_n3A_961 = arith.select %eq3A_960, %broadcast_in_dim3A_10, %broadcast_in_dim3A_12 : vector<16xi1>, vector<16xi32>
    %add3A_962 = arith.addi %add3A_946, %select_n3A_961 : vector<16xi32>
    %mul3A_963 = arith.muli %add3A_962, %select_n3A_961 : vector<16xi32>
    %add3A_964 = arith.addi %mul3A_963, %broadcast_in_dim3A_14 : vector<16xi32>
    %swap3A_965 = arith.constant 3 : i32
    %swap3A_966 = arith.index_cast %swap3A_965 : i32 to index
    %swap3A_967 = arith.constant 224 : index
    %swap3A_968 = tpu.vector_load %arg6[%swap3A_966, %swap3A_967] {strides = array<i32>} : memref<4x256xi32, #tpu.memory_space<vmem>>, vector<1x16xi32>,
    %swap3A_969 = vector.shape_cast %swap3A_968 : vector<1x16xi32> to vector<16xi32>
    %swap3A_970 = vector.shape_cast %add3A_964 : vector<16xi32> to vector<1x16xi32>
    tpu.vector_store %arg6[%swap3A_966, %swap3A_967], %swap3A_970 {strides = array<i32>} : memref<4x256xi32, #tpu.memory_space<vmem>>, vector<1x16xi32>,
    %get3A_971 = arith.constant 0 : i32
    %get3A_972 = arith.index_cast %get3A_971 : i32 to index
    %get3A_973 = arith.constant 240 : index
    %get3A_974 = tpu.vector_load %arg5[%get3A_972, %get3A_973] {strides = array<i32>} : memref<4x256xi32, #tpu.memory_space<vmem>>, vector<1x16xi32>,
    %get3A_975 = vector.shape_cast %get3A_974 : vector<1x16xi32> to vector<16xi32>
    %eq3A_976 = arith.cmpi eq, %get3A_975, %broadcast_in_dim3A_14 : vector<16xi32>
    %select_n3A_977 = arith.select %eq3A_976, %broadcast_in_dim3A_10, %broadcast_in_dim3A_12 : vector<16xi1>, vector<16xi32>
    %add3A_978 = arith.addi %broadcast_in_dim3A_10, %select_n3A_977 : vector<16xi32>
    %mul3A_979 = arith.muli %add3A_978, %select_n3A_977 : vector<16xi32>
    %add3A_980 = arith.addi %mul3A_979, %broadcast_in_dim3A_14 : vector<16xi32>
    %swap3A_981 = arith.constant 0 : i32
    %swap3A_982 = arith.index_cast %swap3A_981 : i32 to index
    %swap3A_983 = arith.constant 240 : index
    %swap3A_984 = tpu.vector_load %arg6[%swap3A_982, %swap3A_983] {strides = array<i32>} : memref<4x256xi32, #tpu.memory_space<vmem>>, vector<1x16xi32>,
    %swap3A_985 = vector.shape_cast %swap3A_984 : vector<1x16xi32> to vector<16xi32>
    %swap3A_986 = vector.shape_cast %add3A_980 : vector<16xi32> to vector<1x16xi32>
    tpu.vector_store %arg6[%swap3A_982, %swap3A_983], %swap3A_986 {strides = array<i32>} : memref<4x256xi32, #tpu.memory_space<vmem>>, vector<1x16xi32>,
    %get3A_987 = arith.constant 1 : i32
    %get3A_988 = arith.index_cast %get3A_987 : i32 to index
    %get3A_989 = arith.constant 240 : index
    %get3A_990 = tpu.vector_load %arg5[%get3A_988, %get3A_989] {strides = array<i32>} : memref<4x256xi32, #tpu.memory_space<vmem>>, vector<1x16xi32>,
    %get3A_991 = vector.shape_cast %get3A_990 : vector<1x16xi32> to vector<16xi32>
    %eq3A_992 = arith.cmpi eq, %get3A_991, %broadcast_in_dim3A_14 : vector<16xi32>
    %select_n3A_993 = arith.select %eq3A_992, %broadcast_in_dim3A_10, %broadcast_in_dim3A_12 : vector<16xi1>, vector<16xi32>
    %add3A_994 = arith.addi %add3A_978, %select_n3A_993 : vector<16xi32>
    %mul3A_995 = arith.muli %add3A_994, %select_n3A_993 : vector<16xi32>
    %add3A_996 = arith.addi %mul3A_995, %broadcast_in_dim3A_14 : vector<16xi32>
    %swap3A_997 = arith.constant 1 : i32
    %swap3A_998 = arith.index_cast %swap3A_997 : i32 to index
    %swap3A_999 = arith.constant 240 : index
    %swap3A_1000 = tpu.vector_load %arg6[%swap3A_998, %swap3A_999] {strides = array<i32>} : memref<4x256xi32, #tpu.memory_space<vmem>>, vector<1x16xi32>,
    %swap3A_1001 = vector.shape_cast %swap3A_1000 : vector<1x16xi32> to vector<16xi32>
    %swap3A_1002 = vector.shape_cast %add3A_996 : vector<16xi32> to vector<1x16xi32>
    tpu.vector_store %arg6[%swap3A_998, %swap3A_999], %swap3A_1002 {strides = array<i32>} : memref<4x256xi32, #tpu.memory_space<vmem>>, vector<1x16xi32>,
    %get3A_1003 = arith.constant 2 : i32
    %get3A_1004 = arith.index_cast %get3A_1003 : i32 to index
    %get3A_1005 = arith.constant 240 : index
    %get3A_1006 = tpu.vector_load %arg5[%get3A_1004, %get3A_1005] {strides = array<i32>} : memref<4x256xi32, #tpu.memory_space<vmem>>, vector<1x16xi32>,
    %get3A_1007 = vector.shape_cast %get3A_1006 : vector<1x16xi32> to vector<16xi32>
    %eq3A_1008 = arith.cmpi eq, %get3A_1007, %broadcast_in_dim3A_14 : vector<16xi32>
    %select_n3A_1009 = arith.select %eq3A_1008, %broadcast_in_dim3A_10, %broadcast_in_dim3A_12 : vector<16xi1>, vector<16xi32>
    %add3A_1010 = arith.addi %add3A_994, %select_n3A_1009 : vector<16xi32>
    %mul3A_1011 = arith.muli %add3A_1010, %select_n3A_1009 : vector<16xi32>
    %add3A_1012 = arith.addi %mul3A_1011, %broadcast_in_dim3A_14 : vector<16xi32>
    %swap3A_1013 = arith.constant 2 : i32
    %swap3A_1014 = arith.index_cast %swap3A_1013 : i32 to index
    %swap3A_1015 = arith.constant 240 : index
    %swap3A_1016 = tpu.vector_load %arg6[%swap3A_1014, %swap3A_1015] {strides = array<i32>} : memref<4x256xi32, #tpu.memory_space<vmem>>, vector<1x16xi32>,
    %swap3A_1017 = vector.shape_cast %swap3A_1016 : vector<1x16xi32> to vector<16xi32>
    %swap3A_1018 = vector.shape_cast %add3A_1012 : vector<16xi32> to vector<1x16xi32>
    tpu.vector_store %arg6[%swap3A_1014, %swap3A_1015], %swap3A_1018 {strides = array<i32>} : memref<4x256xi32, #tpu.memory_space<vmem>>, vector<1x16xi32>,
    %get3A_1019 = arith.constant 3 : i32
    %get3A_1020 = arith.index_cast %get3A_1019 : i32 to index
    %get3A_1021 = arith.constant 240 : index
    %get3A_1022 = tpu.vector_load %arg5[%get3A_1020, %get3A_1021] {strides = array<i32>} : memref<4x256xi32, #tpu.memory_space<vmem>>, vector<1x16xi32>,
    %get3A_1023 = vector.shape_cast %get3A_1022 : vector<1x16xi32> to vector<16xi32>
    %eq3A_1024 = arith.cmpi eq, %get3A_1023, %broadcast_in_dim3A_14 : vector<16xi32>
    %select_n3A_1025 = arith.select %eq3A_1024, %broadcast_in_dim3A_10, %broadcast_in_dim3A_12 : vector<16xi1>, vector<16xi32>
    %add3A_1026 = arith.addi %add3A_1010, %select_n3A_1025 : vector<16xi32>
    %mul3A_1027 = arith.muli %add3A_1026, %select_n3A_1025 : vector<16xi32>
    %add3A_1028 = arith.addi %mul3A_1027, %broadcast_in_dim3A_14 : vector<16xi32>
    %swap3A_1029 = arith.constant 3 : i32
    %swap3A_1030 = arith.index_cast %swap3A_1029 : i32 to index
    %swap3A_1031 = arith.constant 240 : index
    %swap3A_1032 = tpu.vector_load %arg6[%swap3A_1030, %swap3A_1031] {strides = array<i32>} : memref<4x256xi32, #tpu.memory_space<vmem>>, vector<1x16xi32>,
    %swap3A_1033 = vector.shape_cast %swap3A_1032 : vector<1x16xi32> to vector<16xi32>
    %swap3A_1034 = vector.shape_cast %add3A_1028 : vector<16xi32> to vector<1x16xi32>
    tpu.vector_store %arg6[%swap3A_1030, %swap3A_1031], %swap3A_1034 {strides = array<i32>} : memref<4x256xi32, #tpu.memory_space<vmem>>, vector<1x16xi32>,
    %dma_start3A = arith.constant 0 : i32
    %dma_start3A_1035 = arith.constant 0 : i32
    %dma_start3A_1036 = tpu.memref_slice %arg6[%dma_start3A, %dma_start3A_1035] : memref<4x256xi32, #tpu.memory_space<vmem>> -> memref<1x32xi32, #tpu.memory_space<vmem>>
    %dma_start3A_1037 = tpu.memref_squeeze %dma_start3A_1036 : memref<1x32xi32, #tpu.memory_space<vmem>> -> memref<32xi32, #tpu.memory_space<vmem>>
    %dma_start3A_1038 = arith.constant 0 : i32
    %dma_start3A_1039 = arith.constant 0 : i32
    %dma_start3A_1040 = tpu.memref_slice %arg3[%dma_start3A_1038, %dma_start3A_1039] : memref<8194x1024xf32, #tpu.memory_space<hbm>> -> memref<8194x1024xf32, #tpu.memory_space<hbm>>
    tpu.enqueue_indirect_dma source(%dma_start3A_1040 : memref<8194x1024xf32, #tpu.memory_space<hbm>>) target(%arg7 : memref<32x1024xf32, #tpu.memory_space<vmem>>) offsets(%dma_start3A_1037 : memref<32xi32, #tpu.memory_space<vmem>>) semaphore(%arg9 : memref<!tpu.dma_semaphore, #tpu.memory_space<semaphore_mem>>)
    %dma_wait3A = arith.constant 0 : i32
    %dma_wait3A_1041 = arith.constant 0 : i32
    %dma_wait3A_1042 = tpu.memref_slice %arg6[%dma_wait3A, %dma_wait3A_1041] : memref<4x256xi32, #tpu.memory_space<vmem>> -> memref<1x32xi32, #tpu.memory_space<vmem>>
    %dma_wait3A_1043 = tpu.memref_squeeze %dma_wait3A_1042 : memref<1x32xi32, #tpu.memory_space<vmem>> -> memref<32xi32, #tpu.memory_space<vmem>>
    %dma_wait3A_1044 = arith.constant 0 : i32
    %dma_wait3A_1045 = arith.constant 0 : i32
    %dma_wait3A_1046 = tpu.memref_slice %arg3[%dma_wait3A_1044, %dma_wait3A_1045] : memref<8194x1024xf32, #tpu.memory_space<hbm>> -> memref<8194x1024xf32, #tpu.memory_space<hbm>>
    tpu.wait_indirect_dma semaphore(%arg9 : memref<!tpu.dma_semaphore, #tpu.memory_space<semaphore_mem>>) src(%dma_wait3A_1046 : memref<8194x1024xf32, #tpu.memory_space<hbm>>) dst(%arg7 : memref<32x1024xf32, #tpu.memory_space<vmem>>)
    %dma_start3A_1047 = arith.constant 0 : i32
    %dma_start3A_1048 = arith.constant 32 : i32
    %dma_start3A_1049 = tpu.memref_slice %arg6[%dma_start3A_1047, %dma_start3A_1048] : memref<4x256xi32, #tpu.memory_space<vmem>> -> memref<1x32xi32, #tpu.memory_space<vmem>>
    %dma_start3A_1050 = tpu.memref_squeeze %dma_start3A_1049 : memref<1x32xi32, #tpu.memory_space<vmem>> -> memref<32xi32, #tpu.memory_space<vmem>>
    %dma_start3A_1051 = arith.constant 0 : i32
    %dma_start3A_1052 = arith.constant 0 : i32
    %dma_start3A_1053 = tpu.memref_slice %arg3[%dma_start3A_1051, %dma_start3A_1052] : memref<8194x1024xf32, #tpu.memory_space<hbm>> -> memref<8194x1024xf32, #tpu.memory_space<hbm>>
    tpu.enqueue_indirect_dma source(%dma_start3A_1053 : memref<8194x1024xf32, #tpu.memory_space<hbm>>) target(%arg8 : memref<32x1024xf32, #tpu.memory_space<vmem>>) offsets(%dma_start3A_1050 : memref<32xi32, #tpu.memory_space<vmem>>) semaphore(%arg10 : memref<!tpu.dma_semaphore, #tpu.memory_space<semaphore_mem>>)
    %add3A_1054 = arith.constant 0 : i32
    %add3A_1055 = arith.addi %mul3A_2, %add3A_1054 : i32
    %dma_start3A_1056 = arith.constant 0 : i32
    %dma_start3A_1057 = arith.constant 0 : i32
    %dma_start3A_1058 = tpu.memref_slice %arg4[%dma_start3A_1056, %add3A_1055, %dma_start3A_1057] : memref<4x8192x1024xf32, #tpu.memory_space<hbm>> -> memref<1x32x1024xf32, #tpu.memory_space<hbm>>
    %dma_start3A_1059 = tpu.memref_squeeze %dma_start3A_1058 : memref<1x32x1024xf32, #tpu.memory_space<hbm>> -> memref<32x1024xf32, #tpu.memory_space<hbm>>
    %dma_start3A_1060 = arith.constant 0 : i32
    %dma_start3A_1061 = tpu.memref_slice %arg4[%dma_start3A_1056, %add3A_1055, %dma_start3A_1060] : memref<4x8192x1024xf32, #tpu.memory_space<hbm>> -> memref<1x32x1024xf32, #tpu.memory_space<hbm>>
    %dma_start3A_1062 = tpu.memref_squeeze %dma_start3A_1061 : memref<1x32x1024xf32, #tpu.memory_space<hbm>> -> memref<32x1024xf32, #tpu.memory_space<hbm>>
    tpu.enqueue_dma source(%arg7 : memref<32x1024xf32, #tpu.memory_space<vmem>>) target(%dma_start3A_1062 : memref<32x1024xf32, #tpu.memory_space<hbm>>) target_semaphore(%arg11 : memref<!tpu.dma_semaphore, #tpu.memory_space<semaphore_mem>>)
    %dma_wait3A_1063 = arith.constant 0 : i32
    %dma_wait3A_1064 = arith.constant 32 : i32
    %dma_wait3A_1065 = tpu.memref_slice %arg6[%dma_wait3A_1063, %dma_wait3A_1064] : memref<4x256xi32, #tpu.memory_space<vmem>> -> memref<1x32xi32, #tpu.memory_space<vmem>>
    %dma_wait3A_1066 = tpu.memref_squeeze %dma_wait3A_1065 : memref<1x32xi32, #tpu.memory_space<vmem>> -> memref<32xi32, #tpu.memory_space<vmem>>
    %dma_wait3A_1067 = arith.constant 0 : i32
    %dma_wait3A_1068 = arith.constant 0 : i32
    %dma_wait3A_1069 = tpu.memref_slice %arg3[%dma_wait3A_1067, %dma_wait3A_1068] : memref<8194x1024xf32, #tpu.memory_space<hbm>> -> memref<8194x1024xf32, #tpu.memory_space<hbm>>
    tpu.wait_indirect_dma semaphore(%arg10 : memref<!tpu.dma_semaphore, #tpu.memory_space<semaphore_mem>>) src(%dma_wait3A_1069 : memref<8194x1024xf32, #tpu.memory_space<hbm>>) dst(%arg8 : memref<32x1024xf32, #tpu.memory_space<vmem>>)
    %dma_wait3A_1070 = arith.constant 0 : i32
    %dma_wait3A_1071 = arith.constant 0 : i32
    %dma_wait3A_1072 = tpu.memref_slice %arg4[%dma_wait3A_1070, %add3A_1055, %dma_wait3A_1071] : memref<4x8192x1024xf32, #tpu.memory_space<hbm>> -> memref<1x32x1024xf32, #tpu.memory_space<hbm>>
    %dma_wait3A_1073 = tpu.memref_squeeze %dma_wait3A_1072 : memref<1x32x1024xf32, #tpu.memory_space<hbm>> -> memref<32x1024xf32, #tpu.memory_space<hbm>>
    %dma_wait3A_1074 = arith.constant 0 : i32
    %dma_wait3A_1075 = tpu.memref_slice %arg4[%dma_wait3A_1070, %add3A_1055, %dma_wait3A_1074] : memref<4x8192x1024xf32, #tpu.memory_space<hbm>> -> memref<1x32x1024xf32, #tpu.memory_space<hbm>>
    %dma_wait3A_1076 = tpu.memref_squeeze %dma_wait3A_1075 : memref<1x32x1024xf32, #tpu.memory_space<hbm>> -> memref<32x1024xf32, #tpu.memory_space<hbm>>
    tpu.wait_dma2 semaphore(%arg11 : memref<!tpu.dma_semaphore, #tpu.memory_space<semaphore_mem>>) src(%arg7 : memref<32x1024xf32, #tpu.memory_space<vmem>>) dst(%dma_wait3A_1076 : memref<32x1024xf32, #tpu.memory_space<hbm>>)
    %dma_start3A_1077 = arith.constant 0 : i32
    %dma_start3A_1078 = arith.constant 64 : i32
    %dma_start3A_1079 = tpu.memref_slice %arg6[%dma_start3A_1077, %dma_start3A_1078] : memref<4x256xi32, #tpu.memory_space<vmem>> -> memref<1x32xi32, #tpu.memory_space<vmem>>
    %dma_start3A_1080 = tpu.memref_squeeze %dma_start3A_1079 : memref<1x32xi32, #tpu.memory_space<vmem>> -> memref<32xi32, #tpu.memory_space<vmem>>
    %dma_start3A_1081 = arith.constant 0 : i32
    %dma_start3A_1082 = arith.constant 0 : i32
    %dma_start3A_1083 = tpu.memref_slice %arg3[%dma_start3A_1081, %dma_start3A_1082] : memref<8194x1024xf32, #tpu.memory_space<hbm>> -> memref<8194x1024xf32, #tpu.memory_space<hbm>>
    tpu.enqueue_indirect_dma source(%dma_start3A_1083 : memref<8194x1024xf32, #tpu.memory_space<hbm>>) target(%arg7 : memref<32x1024xf32, #tpu.memory_space<vmem>>) offsets(%dma_start3A_1080 : memref<32xi32, #tpu.memory_space<vmem>>) semaphore(%arg9 : memref<!tpu.dma_semaphore, #tpu.memory_space<semaphore_mem>>)
    %add3A_1084 = arith.constant 32 : i32
    %add3A_1085 = arith.addi %mul3A_2, %add3A_1084 : i32
    %dma_start3A_1086 = arith.constant 0 : i32
    %dma_start3A_1087 = arith.constant 0 : i32
    %dma_start3A_1088 = tpu.memref_slice %arg4[%dma_start3A_1086, %add3A_1085, %dma_start3A_1087] : memref<4x8192x1024xf32, #tpu.memory_space<hbm>> -> memref<1x32x1024xf32, #tpu.memory_space<hbm>>
    %dma_start3A_1089 = tpu.memref_squeeze %dma_start3A_1088 : memref<1x32x1024xf32, #tpu.memory_space<hbm>> -> memref<32x1024xf32, #tpu.memory_space<hbm>>
    %dma_start3A_1090 = arith.constant 0 : i32
    %dma_start3A_1091 = tpu.memref_slice %arg4[%dma_start3A_1086, %add3A_1085, %dma_start3A_1090] : memref<4x8192x1024xf32, #tpu.memory_space<hbm>> -> memref<1x32x1024xf32, #tpu.memory_space<hbm>>
    %dma_start3A_1092 = tpu.memref_squeeze %dma_start3A_1091 : memref<1x32x1024xf32, #tpu.memory_space<hbm>> -> memref<32x1024xf32, #tpu.memory_space<hbm>>
    tpu.enqueue_dma source(%arg8 : memref<32x1024xf32, #tpu.memory_space<vmem>>) target(%dma_start3A_1092 : memref<32x1024xf32, #tpu.memory_space<hbm>>) target_semaphore(%arg12 : memref<!tpu.dma_semaphore, #tpu.memory_space<semaphore_mem>>)
    %dma_wait3A_1093 = arith.constant 0 : i32
    %dma_wait3A_1094 = arith.constant 64 : i32
    %dma_wait3A_1095 = tpu.memref_slice %arg6[%dma_wait3A_1093, %dma_wait3A_1094] : memref<4x256xi32, #tpu.memory_space<vmem>> -> memref<1x32xi32, #tpu.memory_space<vmem>>
    %dma_wait3A_1096 = tpu.memref_squeeze %dma_wait3A_1095 : memref<1x32xi32, #tpu.memory_space<vmem>> -> memref<32xi32, #tpu.memory_space<vmem>>
    %dma_wait3A_1097 = arith.constant 0 : i32
    %dma_wait3A_1098 = arith.constant 0 : i32
    %dma_wait3A_1099 = tpu.memref_slice %arg3[%dma_wait3A_1097, %dma_wait3A_1098] : memref<8194x1024xf32, #tpu.memory_space<hbm>> -> memref<8194x1024xf32, #tpu.memory_space<hbm>>
    tpu.wait_indirect_dma semaphore(%arg9 : memref<!tpu.dma_semaphore, #tpu.memory_space<semaphore_mem>>) src(%dma_wait3A_1099 : memref<8194x1024xf32, #tpu.memory_space<hbm>>) dst(%arg7 : memref<32x1024xf32, #tpu.memory_space<vmem>>)
    %dma_wait3A_1100 = arith.constant 0 : i32
    %dma_wait3A_1101 = arith.constant 0 : i32
    %dma_wait3A_1102 = tpu.memref_slice %arg4[%dma_wait3A_1100, %add3A_1085, %dma_wait3A_1101] : memref<4x8192x1024xf32, #tpu.memory_space<hbm>> -> memref<1x32x1024xf32, #tpu.memory_space<hbm>>
    %dma_wait3A_1103 = tpu.memref_squeeze %dma_wait3A_1102 : memref<1x32x1024xf32, #tpu.memory_space<hbm>> -> memref<32x1024xf32, #tpu.memory_space<hbm>>
    %dma_wait3A_1104 = arith.constant 0 : i32
    %dma_wait3A_1105 = tpu.memref_slice %arg4[%dma_wait3A_1100, %add3A_1085, %dma_wait3A_1104] : memref<4x8192x1024xf32, #tpu.memory_space<hbm>> -> memref<1x32x1024xf32, #tpu.memory_space<hbm>>
    %dma_wait3A_1106 = tpu.memref_squeeze %dma_wait3A_1105 : memref<1x32x1024xf32, #tpu.memory_space<hbm>> -> memref<32x1024xf32, #tpu.memory_space<hbm>>
    tpu.wait_dma2 semaphore(%arg12 : memref<!tpu.dma_semaphore, #tpu.memory_space<semaphore_mem>>) src(%arg8 : memref<32x1024xf32, #tpu.memory_space<vmem>>) dst(%dma_wait3A_1106 : memref<32x1024xf32, #tpu.memory_space<hbm>>)
    %dma_start3A_1107 = arith.constant 0 : i32
    %dma_start3A_1108 = arith.constant 96 : i32
    %dma_start3A_1109 = tpu.memref_slice %arg6[%dma_start3A_1107, %dma_start3A_1108] : memref<4x256xi32, #tpu.memory_space<vmem>> -> memref<1x32xi32, #tpu.memory_space<vmem>>
    %dma_start3A_1110 = tpu.memref_squeeze %dma_start3A_1109 : memref<1x32xi32, #tpu.memory_space<vmem>> -> memref<32xi32, #tpu.memory_space<vmem>>
    %dma_start3A_1111 = arith.constant 0 : i32
    %dma_start3A_1112 = arith.constant 0 : i32
    %dma_start3A_1113 = tpu.memref_slice %arg3[%dma_start3A_1111, %dma_start3A_1112] : memref<8194x1024xf32, #tpu.memory_space<hbm>> -> memref<8194x1024xf32, #tpu.memory_space<hbm>>
    tpu.enqueue_indirect_dma source(%dma_start3A_1113 : memref<8194x1024xf32, #tpu.memory_space<hbm>>) target(%arg8 : memref<32x1024xf32, #tpu.memory_space<vmem>>) offsets(%dma_start3A_1110 : memref<32xi32, #tpu.memory_space<vmem>>) semaphore(%arg10 : memref<!tpu.dma_semaphore, #tpu.memory_space<semaphore_mem>>)
    %add3A_1114 = arith.constant 64 : i32
    %add3A_1115 = arith.addi %mul3A_2, %add3A_1114 : i32
    %dma_start3A_1116 = arith.constant 0 : i32
    %dma_start3A_1117 = arith.constant 0 : i32
    %dma_start3A_1118 = tpu.memref_slice %arg4[%dma_start3A_1116, %add3A_1115, %dma_start3A_1117] : memref<4x8192x1024xf32, #tpu.memory_space<hbm>> -> memref<1x32x1024xf32, #tpu.memory_space<hbm>>
    %dma_start3A_1119 = tpu.memref_squeeze %dma_start3A_1118 : memref<1x32x1024xf32, #tpu.memory_space<hbm>> -> memref<32x1024xf32, #tpu.memory_space<hbm>>
    %dma_start3A_1120 = arith.constant 0 : i32
    %dma_start3A_1121 = tpu.memref_slice %arg4[%dma_start3A_1116, %add3A_1115, %dma_start3A_1120] : memref<4x8192x1024xf32, #tpu.memory_space<hbm>> -> memref<1x32x1024xf32, #tpu.memory_space<hbm>>
    %dma_start3A_1122 = tpu.memref_squeeze %dma_start3A_1121 : memref<1x32x1024xf32, #tpu.memory_space<hbm>> -> memref<32x1024xf32, #tpu.memory_space<hbm>>
    tpu.enqueue_dma source(%arg7 : memref<32x1024xf32, #tpu.memory_space<vmem>>) target(%dma_start3A_1122 : memref<32x1024xf32, #tpu.memory_space<hbm>>) target_semaphore(%arg11 : memref<!tpu.dma_semaphore, #tpu.memory_space<semaphore_mem>>)
    %dma_wait3A_1123 = arith.constant 0 : i32
    %dma_wait3A_1124 = arith.constant 96 : i32
    %dma_wait3A_1125 = tpu.memref_slice %arg6[%dma_wait3A_1123, %dma_wait3A_1124] : memref<4x256xi32, #tpu.memory_space<vmem>> -> memref<1x32xi32, #tpu.memory_space<vmem>>
    %dma_wait3A_1126 = tpu.memref_squeeze %dma_wait3A_1125 : memref<1x32xi32, #tpu.memory_space<vmem>> -> memref<32xi32, #tpu.memory_space<vmem>>
    %dma_wait3A_1127 = arith.constant 0 : i32
    %dma_wait3A_1128 = arith.constant 0 : i32
    %dma_wait3A_1129 = tpu.memref_slice %arg3[%dma_wait3A_1127, %dma_wait3A_1128] : memref<8194x1024xf32, #tpu.memory_space<hbm>> -> memref<8194x1024xf32, #tpu.memory_space<hbm>>
    tpu.wait_indirect_dma semaphore(%arg10 : memref<!tpu.dma_semaphore, #tpu.memory_space<semaphore_mem>>) src(%dma_wait3A_1129 : memref<8194x1024xf32, #tpu.memory_space<hbm>>) dst(%arg8 : memref<32x1024xf32, #tpu.memory_space<vmem>>)
    %dma_wait3A_1130 = arith.constant 0 : i32
    %dma_wait3A_1131 = arith.constant 0 : i32
    %dma_wait3A_1132 = tpu.memref_slice %arg4[%dma_wait3A_1130, %add3A_1115, %dma_wait3A_1131] : memref<4x8192x1024xf32, #tpu.memory_space<hbm>> -> memref<1x32x1024xf32, #tpu.memory_space<hbm>>
    %dma_wait3A_1133 = tpu.memref_squeeze %dma_wait3A_1132 : memref<1x32x1024xf32, #tpu.memory_space<hbm>> -> memref<32x1024xf32, #tpu.memory_space<hbm>>
    %dma_wait3A_1134 = arith.constant 0 : i32
    %dma_wait3A_1135 = tpu.memref_slice %arg4[%dma_wait3A_1130, %add3A_1115, %dma_wait3A_1134] : memref<4x8192x1024xf32, #tpu.memory_space<hbm>> -> memref<1x32x1024xf32, #tpu.memory_space<hbm>>
    %dma_wait3A_1136 = tpu.memref_squeeze %dma_wait3A_1135 : memref<1x32x1024xf32, #tpu.memory_space<hbm>> -> memref<32x1024xf32, #tpu.memory_space<hbm>>
    tpu.wait_dma2 semaphore(%arg11 : memref<!tpu.dma_semaphore, #tpu.memory_space<semaphore_mem>>) src(%arg7 : memref<32x1024xf32, #tpu.memory_space<vmem>>) dst(%dma_wait3A_1136 : memref<32x1024xf32, #tpu.memory_space<hbm>>)
    %dma_start3A_1137 = arith.constant 0 : i32
    %dma_start3A_1138 = arith.constant 128 : i32
    %dma_start3A_1139 = tpu.memref_slice %arg6[%dma_start3A_1137, %dma_start3A_1138] : memref<4x256xi32, #tpu.memory_space<vmem>> -> memref<1x32xi32, #tpu.memory_space<vmem>>
    %dma_start3A_1140 = tpu.memref_squeeze %dma_start3A_1139 : memref<1x32xi32, #tpu.memory_space<vmem>> -> memref<32xi32, #tpu.memory_space<vmem>>
    %dma_start3A_1141 = arith.constant 0 : i32
    %dma_start3A_1142 = arith.constant 0 : i32
    %dma_start3A_1143 = tpu.memref_slice %arg3[%dma_start3A_1141, %dma_start3A_1142] : memref<8194x1024xf32, #tpu.memory_space<hbm>> -> memref<8194x1024xf32, #tpu.memory_space<hbm>>
    tpu.enqueue_indirect_dma source(%dma_start3A_1143 : memref<8194x1024xf32, #tpu.memory_space<hbm>>) target(%arg7 : memref<32x1024xf32, #tpu.memory_space<vmem>>) offsets(%dma_start3A_1140 : memref<32xi32, #tpu.memory_space<vmem>>) semaphore(%arg9 : memref<!tpu.dma_semaphore, #tpu.memory_space<semaphore_mem>>)
    %add3A_1144 = arith.constant 96 : i32
    %add3A_1145 = arith.addi %mul3A_2, %add3A_1144 : i32
    %dma_start3A_1146 = arith.constant 0 : i32
    %dma_start3A_1147 = arith.constant 0 : i32
    %dma_start3A_1148 = tpu.memref_slice %arg4[%dma_start3A_1146, %add3A_1145, %dma_start3A_1147] : memref<4x8192x1024xf32, #tpu.memory_space<hbm>> -> memref<1x32x1024xf32, #tpu.memory_space<hbm>>
    %dma_start3A_1149 = tpu.memref_squeeze %dma_start3A_1148 : memref<1x32x1024xf32, #tpu.memory_space<hbm>> -> memref<32x1024xf32, #tpu.memory_space<hbm>>
    %dma_start3A_1150 = arith.constant 0 : i32
    %dma_start3A_1151 = tpu.memref_slice %arg4[%dma_start3A_1146, %add3A_1145, %dma_start3A_1150] : memref<4x8192x1024xf32, #tpu.memory_space<hbm>> -> memref<1x32x1024xf32, #tpu.memory_space<hbm>>
    %dma_start3A_1152 = tpu.memref_squeeze %dma_start3A_1151 : memref<1x32x1024xf32, #tpu.memory_space<hbm>> -> memref<32x1024xf32, #tpu.memory_space<hbm>>
    tpu.enqueue_dma source(%arg8 : memref<32x1024xf32, #tpu.memory_space<vmem>>) target(%dma_start3A_1152 : memref<32x1024xf32, #tpu.memory_space<hbm>>) target_semaphore(%arg12 : memref<!tpu.dma_semaphore, #tpu.memory_space<semaphore_mem>>)
    %dma_wait3A_1153 = arith.constant 0 : i32
    %dma_wait3A_1154 = arith.constant 128 : i32
    %dma_wait3A_1155 = tpu.memref_slice %arg6[%dma_wait3A_1153, %dma_wait3A_1154] : memref<4x256xi32, #tpu.memory_space<vmem>> -> memref<1x32xi32, #tpu.memory_space<vmem>>
    %dma_wait3A_1156 = tpu.memref_squeeze %dma_wait3A_1155 : memref<1x32xi32, #tpu.memory_space<vmem>> -> memref<32xi32, #tpu.memory_space<vmem>>
    %dma_wait3A_1157 = arith.constant 0 : i32
    %dma_wait3A_1158 = arith.constant 0 : i32
    %dma_wait3A_1159 = tpu.memref_slice %arg3[%dma_wait3A_1157, %dma_wait3A_1158] : memref<8194x1024xf32, #tpu.memory_space<hbm>> -> memref<8194x1024xf32, #tpu.memory_space<hbm>>
    tpu.wait_indirect_dma semaphore(%arg9 : memref<!tpu.dma_semaphore, #tpu.memory_space<semaphore_mem>>) src(%dma_wait3A_1159 : memref<8194x1024xf32, #tpu.memory_space<hbm>>) dst(%arg7 : memref<32x1024xf32, #tpu.memory_space<vmem>>)
    %dma_wait3A_1160 = arith.constant 0 : i32
    %dma_wait3A_1161 = arith.constant 0 : i32
    %dma_wait3A_1162 = tpu.memref_slice %arg4[%dma_wait3A_1160, %add3A_1145, %dma_wait3A_1161] : memref<4x8192x1024xf32, #tpu.memory_space<hbm>> -> memref<1x32x1024xf32, #tpu.memory_space<hbm>>
    %dma_wait3A_1163 = tpu.memref_squeeze %dma_wait3A_1162 : memref<1x32x1024xf32, #tpu.memory_space<hbm>> -> memref<32x1024xf32, #tpu.memory_space<hbm>>
    %dma_wait3A_1164 = arith.constant 0 : i32
    %dma_wait3A_1165 = tpu.memref_slice %arg4[%dma_wait3A_1160, %add3A_1145, %dma_wait3A_1164] : memref<4x8192x1024xf32, #tpu.memory_space<hbm>> -> memref<1x32x1024xf32, #tpu.memory_space<hbm>>
    %dma_wait3A_1166 = tpu.memref_squeeze %dma_wait3A_1165 : memref<1x32x1024xf32, #tpu.memory_space<hbm>> -> memref<32x1024xf32, #tpu.memory_space<hbm>>
    tpu.wait_dma2 semaphore(%arg12 : memref<!tpu.dma_semaphore, #tpu.memory_space<semaphore_mem>>) src(%arg8 : memref<32x1024xf32, #tpu.memory_space<vmem>>) dst(%dma_wait3A_1166 : memref<32x1024xf32, #tpu.memory_space<hbm>>)
    %dma_start3A_1167 = arith.constant 0 : i32
    %dma_start3A_1168 = arith.constant 160 : i32
    %dma_start3A_1169 = tpu.memref_slice %arg6[%dma_start3A_1167, %dma_start3A_1168] : memref<4x256xi32, #tpu.memory_space<vmem>> -> memref<1x32xi32, #tpu.memory_space<vmem>>
    %dma_start3A_1170 = tpu.memref_squeeze %dma_start3A_1169 : memref<1x32xi32, #tpu.memory_space<vmem>> -> memref<32xi32, #tpu.memory_space<vmem>>
    %dma_start3A_1171 = arith.constant 0 : i32
    %dma_start3A_1172 = arith.constant 0 : i32
    %dma_start3A_1173 = tpu.memref_slice %arg3[%dma_start3A_1171, %dma_start3A_1172] : memref<8194x1024xf32, #tpu.memory_space<hbm>> -> memref<8194x1024xf32, #tpu.memory_space<hbm>>
    tpu.enqueue_indirect_dma source(%dma_start3A_1173 : memref<8194x1024xf32, #tpu.memory_space<hbm>>) target(%arg8 : memref<32x1024xf32, #tpu.memory_space<vmem>>) offsets(%dma_start3A_1170 : memref<32xi32, #tpu.memory_space<vmem>>) semaphore(%arg10 : memref<!tpu.dma_semaphore, #tpu.memory_space<semaphore_mem>>)
    %add3A_1174 = arith.constant 128 : i32
    %add3A_1175 = arith.addi %mul3A_2, %add3A_1174 : i32
    %dma_start3A_1176 = arith.constant 0 : i32
    %dma_start3A_1177 = arith.constant 0 : i32
    %dma_start3A_1178 = tpu.memref_slice %arg4[%dma_start3A_1176, %add3A_1175, %dma_start3A_1177] : memref<4x8192x1024xf32, #tpu.memory_space<hbm>> -> memref<1x32x1024xf32, #tpu.memory_space<hbm>>
    %dma_start3A_1179 = tpu.memref_squeeze %dma_start3A_1178 : memref<1x32x1024xf32, #tpu.memory_space<hbm>> -> memref<32x1024xf32, #tpu.memory_space<hbm>>
    %dma_start3A_1180 = arith.constant 0 : i32
    %dma_start3A_1181 = tpu.memref_slice %arg4[%dma_start3A_1176, %add3A_1175, %dma_start3A_1180] : memref<4x8192x1024xf32, #tpu.memory_space<hbm>> -> memref<1x32x1024xf32, #tpu.memory_space<hbm>>
    %dma_start3A_1182 = tpu.memref_squeeze %dma_start3A_1181 : memref<1x32x1024xf32, #tpu.memory_space<hbm>> -> memref<32x1024xf32, #tpu.memory_space<hbm>>
    tpu.enqueue_dma source(%arg7 : memref<32x1024xf32, #tpu.memory_space<vmem>>) target(%dma_start3A_1182 : memref<32x1024xf32, #tpu.memory_space<hbm>>) target_semaphore(%arg11 : memref<!tpu.dma_semaphore, #tpu.memory_space<semaphore_mem>>)
    %dma_wait3A_1183 = arith.constant 0 : i32
    %dma_wait3A_1184 = arith.constant 160 : i32
    %dma_wait3A_1185 = tpu.memref_slice %arg6[%dma_wait3A_1183, %dma_wait3A_1184] : memref<4x256xi32, #tpu.memory_space<vmem>> -> memref<1x32xi32, #tpu.memory_space<vmem>>
    %dma_wait3A_1186 = tpu.memref_squeeze %dma_wait3A_1185 : memref<1x32xi32, #tpu.memory_space<vmem>> -> memref<32xi32, #tpu.memory_space<vmem>>
    %dma_wait3A_1187 = arith.constant 0 : i32
    %dma_wait3A_1188 = arith.constant 0 : i32
    %dma_wait3A_1189 = tpu.memref_slice %arg3[%dma_wait3A_1187, %dma_wait3A_1188] : memref<8194x1024xf32, #tpu.memory_space<hbm>> -> memref<8194x1024xf32, #tpu.memory_space<hbm>>
    tpu.wait_indirect_dma semaphore(%arg10 : memref<!tpu.dma_semaphore, #tpu.memory_space<semaphore_mem>>) src(%dma_wait3A_1189 : memref<8194x1024xf32, #tpu.memory_space<hbm>>) dst(%arg8 : memref<32x1024xf32, #tpu.memory_space<vmem>>)
    %dma_wait3A_1190 = arith.constant 0 : i32
    %dma_wait3A_1191 = arith.constant 0 : i32
    %dma_wait3A_1192 = tpu.memref_slice %arg4[%dma_wait3A_1190, %add3A_1175, %dma_wait3A_1191] : memref<4x8192x1024xf32, #tpu.memory_space<hbm>> -> memref<1x32x1024xf32, #tpu.memory_space<hbm>>
    %dma_wait3A_1193 = tpu.memref_squeeze %dma_wait3A_1192 : memref<1x32x1024xf32, #tpu.memory_space<hbm>> -> memref<32x1024xf32, #tpu.memory_space<hbm>>
    %dma_wait3A_1194 = arith.constant 0 : i32
    %dma_wait3A_1195 = tpu.memref_slice %arg4[%dma_wait3A_1190, %add3A_1175, %dma_wait3A_1194] : memref<4x8192x1024xf32, #tpu.memory_space<hbm>> -> memref<1x32x1024xf32, #tpu.memory_space<hbm>>
    %dma_wait3A_1196 = tpu.memref_squeeze %dma_wait3A_1195 : memref<1x32x1024xf32, #tpu.memory_space<hbm>> -> memref<32x1024xf32, #tpu.memory_space<hbm>>
    tpu.wait_dma2 semaphore(%arg11 : memref<!tpu.dma_semaphore, #tpu.memory_space<semaphore_mem>>) src(%arg7 : memref<32x1024xf32, #tpu.memory_space<vmem>>) dst(%dma_wait3A_1196 : memref<32x1024xf32, #tpu.memory_space<hbm>>)
    %dma_start3A_1197 = arith.constant 0 : i32
    %dma_start3A_1198 = arith.constant 192 : i32
    %dma_start3A_1199 = tpu.memref_slice %arg6[%dma_start3A_1197, %dma_start3A_1198] : memref<4x256xi32, #tpu.memory_space<vmem>> -> memref<1x32xi32, #tpu.memory_space<vmem>>
    %dma_start3A_1200 = tpu.memref_squeeze %dma_start3A_1199 : memref<1x32xi32, #tpu.memory_space<vmem>> -> memref<32xi32, #tpu.memory_space<vmem>>
    %dma_start3A_1201 = arith.constant 0 : i32
    %dma_start3A_1202 = arith.constant 0 : i32
    %dma_start3A_1203 = tpu.memref_slice %arg3[%dma_start3A_1201, %dma_start3A_1202] : memref<8194x1024xf32, #tpu.memory_space<hbm>> -> memref<8194x1024xf32, #tpu.memory_space<hbm>>
    tpu.enqueue_indirect_dma source(%dma_start3A_1203 : memref<8194x1024xf32, #tpu.memory_space<hbm>>) target(%arg7 : memref<32x1024xf32, #tpu.memory_space<vmem>>) offsets(%dma_start3A_1200 : memref<32xi32, #tpu.memory_space<vmem>>) semaphore(%arg9 : memref<!tpu.dma_semaphore, #tpu.memory_space<semaphore_mem>>)
    %add3A_1204 = arith.constant 160 : i32
    %add3A_1205 = arith.addi %mul3A_2, %add3A_1204 : i32
    %dma_start3A_1206 = arith.constant 0 : i32
    %dma_start3A_1207 = arith.constant 0 : i32
    %dma_start3A_1208 = tpu.memref_slice %arg4[%dma_start3A_1206, %add3A_1205, %dma_start3A_1207] : memref<4x8192x1024xf32, #tpu.memory_space<hbm>> -> memref<1x32x1024xf32, #tpu.memory_space<hbm>>
    %dma_start3A_1209 = tpu.memref_squeeze %dma_start3A_1208 : memref<1x32x1024xf32, #tpu.memory_space<hbm>> -> memref<32x1024xf32, #tpu.memory_space<hbm>>
    %dma_start3A_1210 = arith.constant 0 : i32
    %dma_start3A_1211 = tpu.memref_slice %arg4[%dma_start3A_1206, %add3A_1205, %dma_start3A_1210] : memref<4x8192x1024xf32, #tpu.memory_space<hbm>> -> memref<1x32x1024xf32, #tpu.memory_space<hbm>>
    %dma_start3A_1212 = tpu.memref_squeeze %dma_start3A_1211 : memref<1x32x1024xf32, #tpu.memory_space<hbm>> -> memref<32x1024xf32, #tpu.memory_space<hbm>>
    tpu.enqueue_dma source(%arg8 : memref<32x1024xf32, #tpu.memory_space<vmem>>) target(%dma_start3A_1212 : memref<32x1024xf32, #tpu.memory_space<hbm>>) target_semaphore(%arg12 : memref<!tpu.dma_semaphore, #tpu.memory_space<semaphore_mem>>)
    %dma_wait3A_1213 = arith.constant 0 : i32
    %dma_wait3A_1214 = arith.constant 192 : i32
    %dma_wait3A_1215 = tpu.memref_slice %arg6[%dma_wait3A_1213, %dma_wait3A_1214] : memref<4x256xi32, #tpu.memory_space<vmem>> -> memref<1x32xi32, #tpu.memory_space<vmem>>
    %dma_wait3A_1216 = tpu.memref_squeeze %dma_wait3A_1215 : memref<1x32xi32, #tpu.memory_space<vmem>> -> memref<32xi32, #tpu.memory_space<vmem>>
    %dma_wait3A_1217 = arith.constant 0 : i32
    %dma_wait3A_1218 = arith.constant 0 : i32
    %dma_wait3A_1219 = tpu.memref_slice %arg3[%dma_wait3A_1217, %dma_wait3A_1218] : memref<8194x1024xf32, #tpu.memory_space<hbm>> -> memref<8194x1024xf32, #tpu.memory_space<hbm>>
    tpu.wait_indirect_dma semaphore(%arg9 : memref<!tpu.dma_semaphore, #tpu.memory_space<semaphore_mem>>) src(%dma_wait3A_1219 : memref<8194x1024xf32, #tpu.memory_space<hbm>>) dst(%arg7 : memref<32x1024xf32, #tpu.memory_space<vmem>>)
    %dma_wait3A_1220 = arith.constant 0 : i32
    %dma_wait3A_1221 = arith.constant 0 : i32
    %dma_wait3A_1222 = tpu.memref_slice %arg4[%dma_wait3A_1220, %add3A_1205, %dma_wait3A_1221] : memref<4x8192x1024xf32, #tpu.memory_space<hbm>> -> memref<1x32x1024xf32, #tpu.memory_space<hbm>>
    %dma_wait3A_1223 = tpu.memref_squeeze %dma_wait3A_1222 : memref<1x32x1024xf32, #tpu.memory_space<hbm>> -> memref<32x1024xf32, #tpu.memory_space<hbm>>
    %dma_wait3A_1224 = arith.constant 0 : i32
    %dma_wait3A_1225 = tpu.memref_slice %arg4[%dma_wait3A_1220, %add3A_1205, %dma_wait3A_1224] : memref<4x8192x1024xf32, #tpu.memory_space<hbm>> -> memref<1x32x1024xf32, #tpu.memory_space<hbm>>
    %dma_wait3A_1226 = tpu.memref_squeeze %dma_wait3A_1225 : memref<1x32x1024xf32, #tpu.memory_space<hbm>> -> memref<32x1024xf32, #tpu.memory_space<hbm>>
    tpu.wait_dma2 semaphore(%arg12 : memref<!tpu.dma_semaphore, #tpu.memory_space<semaphore_mem>>) src(%arg8 : memref<32x1024xf32, #tpu.memory_space<vmem>>) dst(%dma_wait3A_1226 : memref<32x1024xf32, #tpu.memory_space<hbm>>)
    %dma_start3A_1227 = arith.constant 0 : i32
    %dma_start3A_1228 = arith.constant 224 : i32
    %dma_start3A_1229 = tpu.memref_slice %arg6[%dma_start3A_1227, %dma_start3A_1228] : memref<4x256xi32, #tpu.memory_space<vmem>> -> memref<1x32xi32, #tpu.memory_space<vmem>>
    %dma_start3A_1230 = tpu.memref_squeeze %dma_start3A_1229 : memref<1x32xi32, #tpu.memory_space<vmem>> -> memref<32xi32, #tpu.memory_space<vmem>>
    %dma_start3A_1231 = arith.constant 0 : i32
    %dma_start3A_1232 = arith.constant 0 : i32
    %dma_start3A_1233 = tpu.memref_slice %arg3[%dma_start3A_1231, %dma_start3A_1232] : memref<8194x1024xf32, #tpu.memory_space<hbm>> -> memref<8194x1024xf32, #tpu.memory_space<hbm>>
    tpu.enqueue_indirect_dma source(%dma_start3A_1233 : memref<8194x1024xf32, #tpu.memory_space<hbm>>) target(%arg8 : memref<32x1024xf32, #tpu.memory_space<vmem>>) offsets(%dma_start3A_1230 : memref<32xi32, #tpu.memory_space<vmem>>) semaphore(%arg10 : memref<!tpu.dma_semaphore, #tpu.memory_space<semaphore_mem>>)
    %add3A_1234 = arith.constant 192 : i32
    %add3A_1235 = arith.addi %mul3A_2, %add3A_1234 : i32
    %dma_start3A_1236 = arith.constant 0 : i32
    %dma_start3A_1237 = arith.constant 0 : i32
    %dma_start3A_1238 = tpu.memref_slice %arg4[%dma_start3A_1236, %add3A_1235, %dma_start3A_1237] : memref<4x8192x1024xf32, #tpu.memory_space<hbm>> -> memref<1x32x1024xf32, #tpu.memory_space<hbm>>
    %dma_start3A_1239 = tpu.memref_squeeze %dma_start3A_1238 : memref<1x32x1024xf32, #tpu.memory_space<hbm>> -> memref<32x1024xf32, #tpu.memory_space<hbm>>
    %dma_start3A_1240 = arith.constant 0 : i32
    %dma_start3A_1241 = tpu.memref_slice %arg4[%dma_start3A_1236, %add3A_1235, %dma_start3A_1240] : memref<4x8192x1024xf32, #tpu.memory_space<hbm>> -> memref<1x32x1024xf32, #tpu.memory_space<hbm>>
    %dma_start3A_1242 = tpu.memref_squeeze %dma_start3A_1241 : memref<1x32x1024xf32, #tpu.memory_space<hbm>> -> memref<32x1024xf32, #tpu.memory_space<hbm>>
    tpu.enqueue_dma source(%arg7 : memref<32x1024xf32, #tpu.memory_space<vmem>>) target(%dma_start3A_1242 : memref<32x1024xf32, #tpu.memory_space<hbm>>) target_semaphore(%arg11 : memref<!tpu.dma_semaphore, #tpu.memory_space<semaphore_mem>>)
    %dma_wait3A_1243 = arith.constant 0 : i32
    %dma_wait3A_1244 = arith.constant 224 : i32
    %dma_wait3A_1245 = tpu.memref_slice %arg6[%dma_wait3A_1243, %dma_wait3A_1244] : memref<4x256xi32, #tpu.memory_space<vmem>> -> memref<1x32xi32, #tpu.memory_space<vmem>>
    %dma_wait3A_1246 = tpu.memref_squeeze %dma_wait3A_1245 : memref<1x32xi32, #tpu.memory_space<vmem>> -> memref<32xi32, #tpu.memory_space<vmem>>
    %dma_wait3A_1247 = arith.constant 0 : i32
    %dma_wait3A_1248 = arith.constant 0 : i32
    %dma_wait3A_1249 = tpu.memref_slice %arg3[%dma_wait3A_1247, %dma_wait3A_1248] : memref<8194x1024xf32, #tpu.memory_space<hbm>> -> memref<8194x1024xf32, #tpu.memory_space<hbm>>
    tpu.wait_indirect_dma semaphore(%arg10 : memref<!tpu.dma_semaphore, #tpu.memory_space<semaphore_mem>>) src(%dma_wait3A_1249 : memref<8194x1024xf32, #tpu.memory_space<hbm>>) dst(%arg8 : memref<32x1024xf32, #tpu.memory_space<vmem>>)
    %dma_wait3A_1250 = arith.constant 0 : i32
    %dma_wait3A_1251 = arith.constant 0 : i32
    %dma_wait3A_1252 = tpu.memref_slice %arg4[%dma_wait3A_1250, %add3A_1235, %dma_wait3A_1251] : memref<4x8192x1024xf32, #tpu.memory_space<hbm>> -> memref<1x32x1024xf32, #tpu.memory_space<hbm>>
    %dma_wait3A_1253 = tpu.memref_squeeze %dma_wait3A_1252 : memref<1x32x1024xf32, #tpu.memory_space<hbm>> -> memref<32x1024xf32, #tpu.memory_space<hbm>>
    %dma_wait3A_1254 = arith.constant 0 : i32
    %dma_wait3A_1255 = tpu.memref_slice %arg4[%dma_wait3A_1250, %add3A_1235, %dma_wait3A_1254] : memref<4x8192x1024xf32, #tpu.memory_space<hbm>> -> memref<1x32x1024xf32, #tpu.memory_space<hbm>>
    %dma_wait3A_1256 = tpu.memref_squeeze %dma_wait3A_1255 : memref<1x32x1024xf32, #tpu.memory_space<hbm>> -> memref<32x1024xf32, #tpu.memory_space<hbm>>
    tpu.wait_dma2 semaphore(%arg11 : memref<!tpu.dma_semaphore, #tpu.memory_space<semaphore_mem>>) src(%arg7 : memref<32x1024xf32, #tpu.memory_space<vmem>>) dst(%dma_wait3A_1256 : memref<32x1024xf32, #tpu.memory_space<hbm>>)
    %dma_start3A_1257 = arith.constant 1 : i32
    %dma_start3A_1258 = arith.constant 0 : i32
    %dma_start3A_1259 = tpu.memref_slice %arg6[%dma_start3A_1257, %dma_start3A_1258] : memref<4x256xi32, #tpu.memory_space<vmem>> -> memref<1x32xi32, #tpu.memory_space<vmem>>
    %dma_start3A_1260 = tpu.memref_squeeze %dma_start3A_1259 : memref<1x32xi32, #tpu.memory_space<vmem>> -> memref<32xi32, #tpu.memory_space<vmem>>
    %dma_start3A_1261 = arith.constant 0 : i32
    %dma_start3A_1262 = arith.constant 0 : i32
    %dma_start3A_1263 = tpu.memref_slice %arg3[%dma_start3A_1261, %dma_start3A_1262] : memref<8194x1024xf32, #tpu.memory_space<hbm>> -> memref<8194x1024xf32, #tpu.memory_space<hbm>>
    tpu.enqueue_indirect_dma source(%dma_start3A_1263 : memref<8194x1024xf32, #tpu.memory_space<hbm>>) target(%arg7 : memref<32x1024xf32, #tpu.memory_space<vmem>>) offsets(%dma_start3A_1260 : memref<32xi32, #tpu.memory_space<vmem>>) semaphore(%arg9 : memref<!tpu.dma_semaphore, #tpu.memory_space<semaphore_mem>>)
    %add3A_1264 = arith.constant 224 : i32
    %add3A_1265 = arith.addi %mul3A_2, %add3A_1264 : i32
    %dma_start3A_1266 = arith.constant 0 : i32
    %dma_start3A_1267 = arith.constant 0 : i32
    %dma_start3A_1268 = tpu.memref_slice %arg4[%dma_start3A_1266, %add3A_1265, %dma_start3A_1267] : memref<4x8192x1024xf32, #tpu.memory_space<hbm>> -> memref<1x32x1024xf32, #tpu.memory_space<hbm>>
    %dma_start3A_1269 = tpu.memref_squeeze %dma_start3A_1268 : memref<1x32x1024xf32, #tpu.memory_space<hbm>> -> memref<32x1024xf32, #tpu.memory_space<hbm>>
    %dma_start3A_1270 = arith.constant 0 : i32
    %dma_start3A_1271 = tpu.memref_slice %arg4[%dma_start3A_1266, %add3A_1265, %dma_start3A_1270] : memref<4x8192x1024xf32, #tpu.memory_space<hbm>> -> memref<1x32x1024xf32, #tpu.memory_space<hbm>>
    %dma_start3A_1272 = tpu.memref_squeeze %dma_start3A_1271 : memref<1x32x1024xf32, #tpu.memory_space<hbm>> -> memref<32x1024xf32, #tpu.memory_space<hbm>>
    tpu.enqueue_dma source(%arg8 : memref<32x1024xf32, #tpu.memory_space<vmem>>) target(%dma_start3A_1272 : memref<32x1024xf32, #tpu.memory_space<hbm>>) target_semaphore(%arg12 : memref<!tpu.dma_semaphore, #tpu.memory_space<semaphore_mem>>)
    %dma_wait3A_1273 = arith.constant 1 : i32
    %dma_wait3A_1274 = arith.constant 0 : i32
    %dma_wait3A_1275 = tpu.memref_slice %arg6[%dma_wait3A_1273, %dma_wait3A_1274] : memref<4x256xi32, #tpu.memory_space<vmem>> -> memref<1x32xi32, #tpu.memory_space<vmem>>
    %dma_wait3A_1276 = tpu.memref_squeeze %dma_wait3A_1275 : memref<1x32xi32, #tpu.memory_space<vmem>> -> memref<32xi32, #tpu.memory_space<vmem>>
    %dma_wait3A_1277 = arith.constant 0 : i32
    %dma_wait3A_1278 = arith.constant 0 : i32
    %dma_wait3A_1279 = tpu.memref_slice %arg3[%dma_wait3A_1277, %dma_wait3A_1278] : memref<8194x1024xf32, #tpu.memory_space<hbm>> -> memref<8194x1024xf32, #tpu.memory_space<hbm>>
    tpu.wait_indirect_dma semaphore(%arg9 : memref<!tpu.dma_semaphore, #tpu.memory_space<semaphore_mem>>) src(%dma_wait3A_1279 : memref<8194x1024xf32, #tpu.memory_space<hbm>>) dst(%arg7 : memref<32x1024xf32, #tpu.memory_space<vmem>>)
    %dma_wait3A_1280 = arith.constant 0 : i32
    %dma_wait3A_1281 = arith.constant 0 : i32
    %dma_wait3A_1282 = tpu.memref_slice %arg4[%dma_wait3A_1280, %add3A_1265, %dma_wait3A_1281] : memref<4x8192x1024xf32, #tpu.memory_space<hbm>> -> memref<1x32x1024xf32, #tpu.memory_space<hbm>>
    %dma_wait3A_1283 = tpu.memref_squeeze %dma_wait3A_1282 : memref<1x32x1024xf32, #tpu.memory_space<hbm>> -> memref<32x1024xf32, #tpu.memory_space<hbm>>
    %dma_wait3A_1284 = arith.constant 0 : i32
    %dma_wait3A_1285 = tpu.memref_slice %arg4[%dma_wait3A_1280, %add3A_1265, %dma_wait3A_1284] : memref<4x8192x1024xf32, #tpu.memory_space<hbm>> -> memref<1x32x1024xf32, #tpu.memory_space<hbm>>
    %dma_wait3A_1286 = tpu.memref_squeeze %dma_wait3A_1285 : memref<1x32x1024xf32, #tpu.memory_space<hbm>> -> memref<32x1024xf32, #tpu.memory_space<hbm>>
    tpu.wait_dma2 semaphore(%arg12 : memref<!tpu.dma_semaphore, #tpu.memory_space<semaphore_mem>>) src(%arg8 : memref<32x1024xf32, #tpu.memory_space<vmem>>) dst(%dma_wait3A_1286 : memref<32x1024xf32, #tpu.memory_space<hbm>>)
    %dma_start3A_1287 = arith.constant 1 : i32
    %dma_start3A_1288 = arith.constant 32 : i32
    %dma_start3A_1289 = tpu.memref_slice %arg6[%dma_start3A_1287, %dma_start3A_1288] : memref<4x256xi32, #tpu.memory_space<vmem>> -> memref<1x32xi32, #tpu.memory_space<vmem>>
    %dma_start3A_1290 = tpu.memref_squeeze %dma_start3A_1289 : memref<1x32xi32, #tpu.memory_space<vmem>> -> memref<32xi32, #tpu.memory_space<vmem>>
    %dma_start3A_1291 = arith.constant 0 : i32
    %dma_start3A_1292 = arith.constant 0 : i32
    %dma_start3A_1293 = tpu.memref_slice %arg3[%dma_start3A_1291, %dma_start3A_1292] : memref<8194x1024xf32, #tpu.memory_space<hbm>> -> memref<8194x1024xf32, #tpu.memory_space<hbm>>
    tpu.enqueue_indirect_dma source(%dma_start3A_1293 : memref<8194x1024xf32, #tpu.memory_space<hbm>>) target(%arg8 : memref<32x1024xf32, #tpu.memory_space<vmem>>) offsets(%dma_start3A_1290 : memref<32xi32, #tpu.memory_space<vmem>>) semaphore(%arg10 : memref<!tpu.dma_semaphore, #tpu.memory_space<semaphore_mem>>)
    %add3A_1294 = arith.constant 0 : i32
    %add3A_1295 = arith.addi %mul3A_2, %add3A_1294 : i32
    %dma_start3A_1296 = arith.constant 1 : i32
    %dma_start3A_1297 = arith.constant 0 : i32
    %dma_start3A_1298 = tpu.memref_slice %arg4[%dma_start3A_1296, %add3A_1295, %dma_start3A_1297] : memref<4x8192x1024xf32, #tpu.memory_space<hbm>> -> memref<1x32x1024xf32, #tpu.memory_space<hbm>>
    %dma_start3A_1299 = tpu.memref_squeeze %dma_start3A_1298 : memref<1x32x1024xf32, #tpu.memory_space<hbm>> -> memref<32x1024xf32, #tpu.memory_space<hbm>>
    %dma_start3A_1300 = arith.constant 0 : i32
    %dma_start3A_1301 = tpu.memref_slice %arg4[%dma_start3A_1296, %add3A_1295, %dma_start3A_1300] : memref<4x8192x1024xf32, #tpu.memory_space<hbm>> -> memref<1x32x1024xf32, #tpu.memory_space<hbm>>
    %dma_start3A_1302 = tpu.memref_squeeze %dma_start3A_1301 : memref<1x32x1024xf32, #tpu.memory_space<hbm>> -> memref<32x1024xf32, #tpu.memory_space<hbm>>
    tpu.enqueue_dma source(%arg7 : memref<32x1024xf32, #tpu.memory_space<vmem>>) target(%dma_start3A_1302 : memref<32x1024xf32, #tpu.memory_space<hbm>>) target_semaphore(%arg11 : memref<!tpu.dma_semaphore, #tpu.memory_space<semaphore_mem>>)
    %dma_wait3A_1303 = arith.constant 1 : i32
    %dma_wait3A_1304 = arith.constant 32 : i32
    %dma_wait3A_1305 = tpu.memref_slice %arg6[%dma_wait3A_1303, %dma_wait3A_1304] : memref<4x256xi32, #tpu.memory_space<vmem>> -> memref<1x32xi32, #tpu.memory_space<vmem>>
    %dma_wait3A_1306 = tpu.memref_squeeze %dma_wait3A_1305 : memref<1x32xi32, #tpu.memory_space<vmem>> -> memref<32xi32, #tpu.memory_space<vmem>>
    %dma_wait3A_1307 = arith.constant 0 : i32
    %dma_wait3A_1308 = arith.constant 0 : i32
    %dma_wait3A_1309 = tpu.memref_slice %arg3[%dma_wait3A_1307, %dma_wait3A_1308] : memref<8194x1024xf32, #tpu.memory_space<hbm>> -> memref<8194x1024xf32, #tpu.memory_space<hbm>>
    tpu.wait_indirect_dma semaphore(%arg10 : memref<!tpu.dma_semaphore, #tpu.memory_space<semaphore_mem>>) src(%dma_wait3A_1309 : memref<8194x1024xf32, #tpu.memory_space<hbm>>) dst(%arg8 : memref<32x1024xf32, #tpu.memory_space<vmem>>)
    %dma_wait3A_1310 = arith.constant 1 : i32
    %dma_wait3A_1311 = arith.constant 0 : i32
    %dma_wait3A_1312 = tpu.memref_slice %arg4[%dma_wait3A_1310, %add3A_1295, %dma_wait3A_1311] : memref<4x8192x1024xf32, #tpu.memory_space<hbm>> -> memref<1x32x1024xf32, #tpu.memory_space<hbm>>
    %dma_wait3A_1313 = tpu.memref_squeeze %dma_wait3A_1312 : memref<1x32x1024xf32, #tpu.memory_space<hbm>> -> memref<32x1024xf32, #tpu.memory_space<hbm>>
    %dma_wait3A_1314 = arith.constant 0 : i32
    %dma_wait3A_1315 = tpu.memref_slice %arg4[%dma_wait3A_1310, %add3A_1295, %dma_wait3A_1314] : memref<4x8192x1024xf32, #tpu.memory_space<hbm>> -> memref<1x32x1024xf32, #tpu.memory_space<hbm>>
    %dma_wait3A_1316 = tpu.memref_squeeze %dma_wait3A_1315 : memref<1x32x1024xf32, #tpu.memory_space<hbm>> -> memref<32x1024xf32, #tpu.memory_space<hbm>>
    tpu.wait_dma2 semaphore(%arg11 : memref<!tpu.dma_semaphore, #tpu.memory_space<semaphore_mem>>) src(%arg7 : memref<32x1024xf32, #tpu.memory_space<vmem>>) dst(%dma_wait3A_1316 : memref<32x1024xf32, #tpu.memory_space<hbm>>)
    %dma_start3A_1317 = arith.constant 1 : i32
    %dma_start3A_1318 = arith.constant 64 : i32
    %dma_start3A_1319 = tpu.memref_slice %arg6[%dma_start3A_1317, %dma_start3A_1318] : memref<4x256xi32, #tpu.memory_space<vmem>> -> memref<1x32xi32, #tpu.memory_space<vmem>>
    %dma_start3A_1320 = tpu.memref_squeeze %dma_start3A_1319 : memref<1x32xi32, #tpu.memory_space<vmem>> -> memref<32xi32, #tpu.memory_space<vmem>>
    %dma_start3A_1321 = arith.constant 0 : i32
    %dma_start3A_1322 = arith.constant 0 : i32
    %dma_start3A_1323 = tpu.memref_slice %arg3[%dma_start3A_1321, %dma_start3A_1322] : memref<8194x1024xf32, #tpu.memory_space<hbm>> -> memref<8194x1024xf32, #tpu.memory_space<hbm>>
    tpu.enqueue_indirect_dma source(%dma_start3A_1323 : memref<8194x1024xf32, #tpu.memory_space<hbm>>) target(%arg7 : memref<32x1024xf32, #tpu.memory_space<vmem>>) offsets(%dma_start3A_1320 : memref<32xi32, #tpu.memory_space<vmem>>) semaphore(%arg9 : memref<!tpu.dma_semaphore, #tpu.memory_space<semaphore_mem>>)
    %add3A_1324 = arith.constant 32 : i32
    %add3A_1325 = arith.addi %mul3A_2, %add3A_1324 : i32
    %dma_start3A_1326 = arith.constant 1 : i32
    %dma_start3A_1327 = arith.constant 0 : i32
    %dma_start3A_1328 = tpu.memref_slice %arg4[%dma_start3A_1326, %add3A_1325, %dma_start3A_1327] : memref<4x8192x1024xf32, #tpu.memory_space<hbm>> -> memref<1x32x1024xf32, #tpu.memory_space<hbm>>
    %dma_start3A_1329 = tpu.memref_squeeze %dma_start3A_1328 : memref<1x32x1024xf32, #tpu.memory_space<hbm>> -> memref<32x1024xf32, #tpu.memory_space<hbm>>
    %dma_start3A_1330 = arith.constant 0 : i32
    %dma_start3A_1331 = tpu.memref_slice %arg4[%dma_start3A_1326, %add3A_1325, %dma_start3A_1330] : memref<4x8192x1024xf32, #tpu.memory_space<hbm>> -> memref<1x32x1024xf32, #tpu.memory_space<hbm>>
    %dma_start3A_1332 = tpu.memref_squeeze %dma_start3A_1331 : memref<1x32x1024xf32, #tpu.memory_space<hbm>> -> memref<32x1024xf32, #tpu.memory_space<hbm>>
    tpu.enqueue_dma source(%arg8 : memref<32x1024xf32, #tpu.memory_space<vmem>>) target(%dma_start3A_1332 : memref<32x1024xf32, #tpu.memory_space<hbm>>) target_semaphore(%arg12 : memref<!tpu.dma_semaphore, #tpu.memory_space<semaphore_mem>>)
    %dma_wait3A_1333 = arith.constant 1 : i32
    %dma_wait3A_1334 = arith.constant 64 : i32
    %dma_wait3A_1335 = tpu.memref_slice %arg6[%dma_wait3A_1333, %dma_wait3A_1334] : memref<4x256xi32, #tpu.memory_space<vmem>> -> memref<1x32xi32, #tpu.memory_space<vmem>>
    %dma_wait3A_1336 = tpu.memref_squeeze %dma_wait3A_1335 : memref<1x32xi32, #tpu.memory_space<vmem>> -> memref<32xi32, #tpu.memory_space<vmem>>
    %dma_wait3A_1337 = arith.constant 0 : i32
    %dma_wait3A_1338 = arith.constant 0 : i32
    %dma_wait3A_1339 = tpu.memref_slice %arg3[%dma_wait3A_1337, %dma_wait3A_1338] : memref<8194x1024xf32, #tpu.memory_space<hbm>> -> memref<8194x1024xf32, #tpu.memory_space<hbm>>
    tpu.wait_indirect_dma semaphore(%arg9 : memref<!tpu.dma_semaphore, #tpu.memory_space<semaphore_mem>>) src(%dma_wait3A_1339 : memref<8194x1024xf32, #tpu.memory_space<hbm>>) dst(%arg7 : memref<32x1024xf32, #tpu.memory_space<vmem>>)
    %dma_wait3A_1340 = arith.constant 1 : i32
    %dma_wait3A_1341 = arith.constant 0 : i32
    %dma_wait3A_1342 = tpu.memref_slice %arg4[%dma_wait3A_1340, %add3A_1325, %dma_wait3A_1341] : memref<4x8192x1024xf32, #tpu.memory_space<hbm>> -> memref<1x32x1024xf32, #tpu.memory_space<hbm>>
    %dma_wait3A_1343 = tpu.memref_squeeze %dma_wait3A_1342 : memref<1x32x1024xf32, #tpu.memory_space<hbm>> -> memref<32x1024xf32, #tpu.memory_space<hbm>>
    %dma_wait3A_1344 = arith.constant 0 : i32
    %dma_wait3A_1345 = tpu.memref_slice %arg4[%dma_wait3A_1340, %add3A_1325, %dma_wait3A_1344] : memref<4x8192x1024xf32, #tpu.memory_space<hbm>> -> memref<1x32x1024xf32, #tpu.memory_space<hbm>>
    %dma_wait3A_1346 = tpu.memref_squeeze %dma_wait3A_1345 : memref<1x32x1024xf32, #tpu.memory_space<hbm>> -> memref<32x1024xf32, #tpu.memory_space<hbm>>
    tpu.wait_dma2 semaphore(%arg12 : memref<!tpu.dma_semaphore, #tpu.memory_space<semaphore_mem>>) src(%arg8 : memref<32x1024xf32, #tpu.memory_space<vmem>>) dst(%dma_wait3A_1346 : memref<32x1024xf32, #tpu.memory_space<hbm>>)
    %dma_start3A_1347 = arith.constant 1 : i32
    %dma_start3A_1348 = arith.constant 96 : i32
    %dma_start3A_1349 = tpu.memref_slice %arg6[%dma_start3A_1347, %dma_start3A_1348] : memref<4x256xi32, #tpu.memory_space<vmem>> -> memref<1x32xi32, #tpu.memory_space<vmem>>
    %dma_start3A_1350 = tpu.memref_squeeze %dma_start3A_1349 : memref<1x32xi32, #tpu.memory_space<vmem>> -> memref<32xi32, #tpu.memory_space<vmem>>
    %dma_start3A_1351 = arith.constant 0 : i32
    %dma_start3A_1352 = arith.constant 0 : i32
    %dma_start3A_1353 = tpu.memref_slice %arg3[%dma_start3A_1351, %dma_start3A_1352] : memref<8194x1024xf32, #tpu.memory_space<hbm>> -> memref<8194x1024xf32, #tpu.memory_space<hbm>>
    tpu.enqueue_indirect_dma source(%dma_start3A_1353 : memref<8194x1024xf32, #tpu.memory_space<hbm>>) target(%arg8 : memref<32x1024xf32, #tpu.memory_space<vmem>>) offsets(%dma_start3A_1350 : memref<32xi32, #tpu.memory_space<vmem>>) semaphore(%arg10 : memref<!tpu.dma_semaphore, #tpu.memory_space<semaphore_mem>>)
    %add3A_1354 = arith.constant 64 : i32
    %add3A_1355 = arith.addi %mul3A_2, %add3A_1354 : i32
    %dma_start3A_1356 = arith.constant 1 : i32
    %dma_start3A_1357 = arith.constant 0 : i32
    %dma_start3A_1358 = tpu.memref_slice %arg4[%dma_start3A_1356, %add3A_1355, %dma_start3A_1357] : memref<4x8192x1024xf32, #tpu.memory_space<hbm>> -> memref<1x32x1024xf32, #tpu.memory_space<hbm>>
    %dma_start3A_1359 = tpu.memref_squeeze %dma_start3A_1358 : memref<1x32x1024xf32, #tpu.memory_space<hbm>> -> memref<32x1024xf32, #tpu.memory_space<hbm>>
    %dma_start3A_1360 = arith.constant 0 : i32
    %dma_start3A_1361 = tpu.memref_slice %arg4[%dma_start3A_1356, %add3A_1355, %dma_start3A_1360] : memref<4x8192x1024xf32, #tpu.memory_space<hbm>> -> memref<1x32x1024xf32, #tpu.memory_space<hbm>>
    %dma_start3A_1362 = tpu.memref_squeeze %dma_start3A_1361 : memref<1x32x1024xf32, #tpu.memory_space<hbm>> -> memref<32x1024xf32, #tpu.memory_space<hbm>>
    tpu.enqueue_dma source(%arg7 : memref<32x1024xf32, #tpu.memory_space<vmem>>) target(%dma_start3A_1362 : memref<32x1024xf32, #tpu.memory_space<hbm>>) target_semaphore(%arg11 : memref<!tpu.dma_semaphore, #tpu.memory_space<semaphore_mem>>)
    %dma_wait3A_1363 = arith.constant 1 : i32
    %dma_wait3A_1364 = arith.constant 96 : i32
    %dma_wait3A_1365 = tpu.memref_slice %arg6[%dma_wait3A_1363, %dma_wait3A_1364] : memref<4x256xi32, #tpu.memory_space<vmem>> -> memref<1x32xi32, #tpu.memory_space<vmem>>
    %dma_wait3A_1366 = tpu.memref_squeeze %dma_wait3A_1365 : memref<1x32xi32, #tpu.memory_space<vmem>> -> memref<32xi32, #tpu.memory_space<vmem>>
    %dma_wait3A_1367 = arith.constant 0 : i32
    %dma_wait3A_1368 = arith.constant 0 : i32
    %dma_wait3A_1369 = tpu.memref_slice %arg3[%dma_wait3A_1367, %dma_wait3A_1368] : memref<8194x1024xf32, #tpu.memory_space<hbm>> -> memref<8194x1024xf32, #tpu.memory_space<hbm>>
    tpu.wait_indirect_dma semaphore(%arg10 : memref<!tpu.dma_semaphore, #tpu.memory_space<semaphore_mem>>) src(%dma_wait3A_1369 : memref<8194x1024xf32, #tpu.memory_space<hbm>>) dst(%arg8 : memref<32x1024xf32, #tpu.memory_space<vmem>>)
    %dma_wait3A_1370 = arith.constant 1 : i32
    %dma_wait3A_1371 = arith.constant 0 : i32
    %dma_wait3A_1372 = tpu.memref_slice %arg4[%dma_wait3A_1370, %add3A_1355, %dma_wait3A_1371] : memref<4x8192x1024xf32, #tpu.memory_space<hbm>> -> memref<1x32x1024xf32, #tpu.memory_space<hbm>>
    %dma_wait3A_1373 = tpu.memref_squeeze %dma_wait3A_1372 : memref<1x32x1024xf32, #tpu.memory_space<hbm>> -> memref<32x1024xf32, #tpu.memory_space<hbm>>
    %dma_wait3A_1374 = arith.constant 0 : i32
    %dma_wait3A_1375 = tpu.memref_slice %arg4[%dma_wait3A_1370, %add3A_1355, %dma_wait3A_1374] : memref<4x8192x1024xf32, #tpu.memory_space<hbm>> -> memref<1x32x1024xf32, #tpu.memory_space<hbm>>
    %dma_wait3A_1376 = tpu.memref_squeeze %dma_wait3A_1375 : memref<1x32x1024xf32, #tpu.memory_space<hbm>> -> memref<32x1024xf32, #tpu.memory_space<hbm>>
    tpu.wait_dma2 semaphore(%arg11 : memref<!tpu.dma_semaphore, #tpu.memory_space<semaphore_mem>>) src(%arg7 : memref<32x1024xf32, #tpu.memory_space<vmem>>) dst(%dma_wait3A_1376 : memref<32x1024xf32, #tpu.memory_space<hbm>>)
    %dma_start3A_1377 = arith.constant 1 : i32
    %dma_start3A_1378 = arith.constant 128 : i32
    %dma_start3A_1379 = tpu.memref_slice %arg6[%dma_start3A_1377, %dma_start3A_1378] : memref<4x256xi32, #tpu.memory_space<vmem>> -> memref<1x32xi32, #tpu.memory_space<vmem>>
    %dma_start3A_1380 = tpu.memref_squeeze %dma_start3A_1379 : memref<1x32xi32, #tpu.memory_space<vmem>> -> memref<32xi32, #tpu.memory_space<vmem>>
    %dma_start3A_1381 = arith.constant 0 : i32
    %dma_start3A_1382 = arith.constant 0 : i32
    %dma_start3A_1383 = tpu.memref_slice %arg3[%dma_start3A_1381, %dma_start3A_1382] : memref<8194x1024xf32, #tpu.memory_space<hbm>> -> memref<8194x1024xf32, #tpu.memory_space<hbm>>
    tpu.enqueue_indirect_dma source(%dma_start3A_1383 : memref<8194x1024xf32, #tpu.memory_space<hbm>>) target(%arg7 : memref<32x1024xf32, #tpu.memory_space<vmem>>) offsets(%dma_start3A_1380 : memref<32xi32, #tpu.memory_space<vmem>>) semaphore(%arg9 : memref<!tpu.dma_semaphore, #tpu.memory_space<semaphore_mem>>)
    %add3A_1384 = arith.constant 96 : i32
    %add3A_1385 = arith.addi %mul3A_2, %add3A_1384 : i32
    %dma_start3A_1386 = arith.constant 1 : i32
    %dma_start3A_1387 = arith.constant 0 : i32
    %dma_start3A_1388 = tpu.memref_slice %arg4[%dma_start3A_1386, %add3A_1385, %dma_start3A_1387] : memref<4x8192x1024xf32, #tpu.memory_space<hbm>> -> memref<1x32x1024xf32, #tpu.memory_space<hbm>>
    %dma_start3A_1389 = tpu.memref_squeeze %dma_start3A_1388 : memref<1x32x1024xf32, #tpu.memory_space<hbm>> -> memref<32x1024xf32, #tpu.memory_space<hbm>>
    %dma_start3A_1390 = arith.constant 0 : i32
    %dma_start3A_1391 = tpu.memref_slice %arg4[%dma_start3A_1386, %add3A_1385, %dma_start3A_1390] : memref<4x8192x1024xf32, #tpu.memory_space<hbm>> -> memref<1x32x1024xf32, #tpu.memory_space<hbm>>
    %dma_start3A_1392 = tpu.memref_squeeze %dma_start3A_1391 : memref<1x32x1024xf32, #tpu.memory_space<hbm>> -> memref<32x1024xf32, #tpu.memory_space<hbm>>
    tpu.enqueue_dma source(%arg8 : memref<32x1024xf32, #tpu.memory_space<vmem>>) target(%dma_start3A_1392 : memref<32x1024xf32, #tpu.memory_space<hbm>>) target_semaphore(%arg12 : memref<!tpu.dma_semaphore, #tpu.memory_space<semaphore_mem>>)
    %dma_wait3A_1393 = arith.constant 1 : i32
    %dma_wait3A_1394 = arith.constant 128 : i32
    %dma_wait3A_1395 = tpu.memref_slice %arg6[%dma_wait3A_1393, %dma_wait3A_1394] : memref<4x256xi32, #tpu.memory_space<vmem>> -> memref<1x32xi32, #tpu.memory_space<vmem>>
    %dma_wait3A_1396 = tpu.memref_squeeze %dma_wait3A_1395 : memref<1x32xi32, #tpu.memory_space<vmem>> -> memref<32xi32, #tpu.memory_space<vmem>>
    %dma_wait3A_1397 = arith.constant 0 : i32
    %dma_wait3A_1398 = arith.constant 0 : i32
    %dma_wait3A_1399 = tpu.memref_slice %arg3[%dma_wait3A_1397, %dma_wait3A_1398] : memref<8194x1024xf32, #tpu.memory_space<hbm>> -> memref<8194x1024xf32, #tpu.memory_space<hbm>>
    tpu.wait_indirect_dma semaphore(%arg9 : memref<!tpu.dma_semaphore, #tpu.memory_space<semaphore_mem>>) src(%dma_wait3A_1399 : memref<8194x1024xf32, #tpu.memory_space<hbm>>) dst(%arg7 : memref<32x1024xf32, #tpu.memory_space<vmem>>)
    %dma_wait3A_1400 = arith.constant 1 : i32
    %dma_wait3A_1401 = arith.constant 0 : i32
    %dma_wait3A_1402 = tpu.memref_slice %arg4[%dma_wait3A_1400, %add3A_1385, %dma_wait3A_1401] : memref<4x8192x1024xf32, #tpu.memory_space<hbm>> -> memref<1x32x1024xf32, #tpu.memory_space<hbm>>
    %dma_wait3A_1403 = tpu.memref_squeeze %dma_wait3A_1402 : memref<1x32x1024xf32, #tpu.memory_space<hbm>> -> memref<32x1024xf32, #tpu.memory_space<hbm>>
    %dma_wait3A_1404 = arith.constant 0 : i32
    %dma_wait3A_1405 = tpu.memref_slice %arg4[%dma_wait3A_1400, %add3A_1385, %dma_wait3A_1404] : memref<4x8192x1024xf32, #tpu.memory_space<hbm>> -> memref<1x32x1024xf32, #tpu.memory_space<hbm>>
    %dma_wait3A_1406 = tpu.memref_squeeze %dma_wait3A_1405 : memref<1x32x1024xf32, #tpu.memory_space<hbm>> -> memref<32x1024xf32, #tpu.memory_space<hbm>>
    tpu.wait_dma2 semaphore(%arg12 : memref<!tpu.dma_semaphore, #tpu.memory_space<semaphore_mem>>) src(%arg8 : memref<32x1024xf32, #tpu.memory_space<vmem>>) dst(%dma_wait3A_1406 : memref<32x1024xf32, #tpu.memory_space<hbm>>)
    %dma_start3A_1407 = arith.constant 1 : i32
    %dma_start3A_1408 = arith.constant 160 : i32
    %dma_start3A_1409 = tpu.memref_slice %arg6[%dma_start3A_1407, %dma_start3A_1408] : memref<4x256xi32, #tpu.memory_space<vmem>> -> memref<1x32xi32, #tpu.memory_space<vmem>>
    %dma_start3A_1410 = tpu.memref_squeeze %dma_start3A_1409 : memref<1x32xi32, #tpu.memory_space<vmem>> -> memref<32xi32, #tpu.memory_space<vmem>>
    %dma_start3A_1411 = arith.constant 0 : i32
    %dma_start3A_1412 = arith.constant 0 : i32
    %dma_start3A_1413 = tpu.memref_slice %arg3[%dma_start3A_1411, %dma_start3A_1412] : memref<8194x1024xf32, #tpu.memory_space<hbm>> -> memref<8194x1024xf32, #tpu.memory_space<hbm>>
    tpu.enqueue_indirect_dma source(%dma_start3A_1413 : memref<8194x1024xf32, #tpu.memory_space<hbm>>) target(%arg8 : memref<32x1024xf32, #tpu.memory_space<vmem>>) offsets(%dma_start3A_1410 : memref<32xi32, #tpu.memory_space<vmem>>) semaphore(%arg10 : memref<!tpu.dma_semaphore, #tpu.memory_space<semaphore_mem>>)
    %add3A_1414 = arith.constant 128 : i32
    %add3A_1415 = arith.addi %mul3A_2, %add3A_1414 : i32
    %dma_start3A_1416 = arith.constant 1 : i32
    %dma_start3A_1417 = arith.constant 0 : i32
    %dma_start3A_1418 = tpu.memref_slice %arg4[%dma_start3A_1416, %add3A_1415, %dma_start3A_1417] : memref<4x8192x1024xf32, #tpu.memory_space<hbm>> -> memref<1x32x1024xf32, #tpu.memory_space<hbm>>
    %dma_start3A_1419 = tpu.memref_squeeze %dma_start3A_1418 : memref<1x32x1024xf32, #tpu.memory_space<hbm>> -> memref<32x1024xf32, #tpu.memory_space<hbm>>
    %dma_start3A_1420 = arith.constant 0 : i32
    %dma_start3A_1421 = tpu.memref_slice %arg4[%dma_start3A_1416, %add3A_1415, %dma_start3A_1420] : memref<4x8192x1024xf32, #tpu.memory_space<hbm>> -> memref<1x32x1024xf32, #tpu.memory_space<hbm>>
    %dma_start3A_1422 = tpu.memref_squeeze %dma_start3A_1421 : memref<1x32x1024xf32, #tpu.memory_space<hbm>> -> memref<32x1024xf32, #tpu.memory_space<hbm>>
    tpu.enqueue_dma source(%arg7 : memref<32x1024xf32, #tpu.memory_space<vmem>>) target(%dma_start3A_1422 : memref<32x1024xf32, #tpu.memory_space<hbm>>) target_semaphore(%arg11 : memref<!tpu.dma_semaphore, #tpu.memory_space<semaphore_mem>>)
    %dma_wait3A_1423 = arith.constant 1 : i32
    %dma_wait3A_1424 = arith.constant 160 : i32
    %dma_wait3A_1425 = tpu.memref_slice %arg6[%dma_wait3A_1423, %dma_wait3A_1424] : memref<4x256xi32, #tpu.memory_space<vmem>> -> memref<1x32xi32, #tpu.memory_space<vmem>>
    %dma_wait3A_1426 = tpu.memref_squeeze %dma_wait3A_1425 : memref<1x32xi32, #tpu.memory_space<vmem>> -> memref<32xi32, #tpu.memory_space<vmem>>
    %dma_wait3A_1427 = arith.constant 0 : i32
    %dma_wait3A_1428 = arith.constant 0 : i32
    %dma_wait3A_1429 = tpu.memref_slice %arg3[%dma_wait3A_1427, %dma_wait3A_1428] : memref<8194x1024xf32, #tpu.memory_space<hbm>> -> memref<8194x1024xf32, #tpu.memory_space<hbm>>
    tpu.wait_indirect_dma semaphore(%arg10 : memref<!tpu.dma_semaphore, #tpu.memory_space<semaphore_mem>>) src(%dma_wait3A_1429 : memref<8194x1024xf32, #tpu.memory_space<hbm>>) dst(%arg8 : memref<32x1024xf32, #tpu.memory_space<vmem>>)
    %dma_wait3A_1430 = arith.constant 1 : i32
    %dma_wait3A_1431 = arith.constant 0 : i32
    %dma_wait3A_1432 = tpu.memref_slice %arg4[%dma_wait3A_1430, %add3A_1415, %dma_wait3A_1431] : memref<4x8192x1024xf32, #tpu.memory_space<hbm>> -> memref<1x32x1024xf32, #tpu.memory_space<hbm>>
    %dma_wait3A_1433 = tpu.memref_squeeze %dma_wait3A_1432 : memref<1x32x1024xf32, #tpu.memory_space<hbm>> -> memref<32x1024xf32, #tpu.memory_space<hbm>>
    %dma_wait3A_1434 = arith.constant 0 : i32
    %dma_wait3A_1435 = tpu.memref_slice %arg4[%dma_wait3A_1430, %add3A_1415, %dma_wait3A_1434] : memref<4x8192x1024xf32, #tpu.memory_space<hbm>> -> memref<1x32x1024xf32, #tpu.memory_space<hbm>>
    %dma_wait3A_1436 = tpu.memref_squeeze %dma_wait3A_1435 : memref<1x32x1024xf32, #tpu.memory_space<hbm>> -> memref<32x1024xf32, #tpu.memory_space<hbm>>
    tpu.wait_dma2 semaphore(%arg11 : memref<!tpu.dma_semaphore, #tpu.memory_space<semaphore_mem>>) src(%arg7 : memref<32x1024xf32, #tpu.memory_space<vmem>>) dst(%dma_wait3A_1436 : memref<32x1024xf32, #tpu.memory_space<hbm>>)
    %dma_start3A_1437 = arith.constant 1 : i32
    %dma_start3A_1438 = arith.constant 192 : i32
    %dma_start3A_1439 = tpu.memref_slice %arg6[%dma_start3A_1437, %dma_start3A_1438] : memref<4x256xi32, #tpu.memory_space<vmem>> -> memref<1x32xi32, #tpu.memory_space<vmem>>
    %dma_start3A_1440 = tpu.memref_squeeze %dma_start3A_1439 : memref<1x32xi32, #tpu.memory_space<vmem>> -> memref<32xi32, #tpu.memory_space<vmem>>
    %dma_start3A_1441 = arith.constant 0 : i32
    %dma_start3A_1442 = arith.constant 0 : i32
    %dma_start3A_1443 = tpu.memref_slice %arg3[%dma_start3A_1441, %dma_start3A_1442] : memref<8194x1024xf32, #tpu.memory_space<hbm>> -> memref<8194x1024xf32, #tpu.memory_space<hbm>>
    tpu.enqueue_indirect_dma source(%dma_start3A_1443 : memref<8194x1024xf32, #tpu.memory_space<hbm>>) target(%arg7 : memref<32x1024xf32, #tpu.memory_space<vmem>>) offsets(%dma_start3A_1440 : memref<32xi32, #tpu.memory_space<vmem>>) semaphore(%arg9 : memref<!tpu.dma_semaphore, #tpu.memory_space<semaphore_mem>>)
    %add3A_1444 = arith.constant 160 : i32
    %add3A_1445 = arith.addi %mul3A_2, %add3A_1444 : i32
    %dma_start3A_1446 = arith.constant 1 : i32
    %dma_start3A_1447 = arith.constant 0 : i32
    %dma_start3A_1448 = tpu.memref_slice %arg4[%dma_start3A_1446, %add3A_1445, %dma_start3A_1447] : memref<4x8192x1024xf32, #tpu.memory_space<hbm>> -> memref<1x32x1024xf32, #tpu.memory_space<hbm>>
    %dma_start3A_1449 = tpu.memref_squeeze %dma_start3A_1448 : memref<1x32x1024xf32, #tpu.memory_space<hbm>> -> memref<32x1024xf32, #tpu.memory_space<hbm>>
    %dma_start3A_1450 = arith.constant 0 : i32
    %dma_start3A_1451 = tpu.memref_slice %arg4[%dma_start3A_1446, %add3A_1445, %dma_start3A_1450] : memref<4x8192x1024xf32, #tpu.memory_space<hbm>> -> memref<1x32x1024xf32, #tpu.memory_space<hbm>>
    %dma_start3A_1452 = tpu.memref_squeeze %dma_start3A_1451 : memref<1x32x1024xf32, #tpu.memory_space<hbm>> -> memref<32x1024xf32, #tpu.memory_space<hbm>>
    tpu.enqueue_dma source(%arg8 : memref<32x1024xf32, #tpu.memory_space<vmem>>) target(%dma_start3A_1452 : memref<32x1024xf32, #tpu.memory_space<hbm>>) target_semaphore(%arg12 : memref<!tpu.dma_semaphore, #tpu.memory_space<semaphore_mem>>)
    %dma_wait3A_1453 = arith.constant 1 : i32
    %dma_wait3A_1454 = arith.constant 192 : i32
    %dma_wait3A_1455 = tpu.memref_slice %arg6[%dma_wait3A_1453, %dma_wait3A_1454] : memref<4x256xi32, #tpu.memory_space<vmem>> -> memref<1x32xi32, #tpu.memory_space<vmem>>
    %dma_wait3A_1456 = tpu.memref_squeeze %dma_wait3A_1455 : memref<1x32xi32, #tpu.memory_space<vmem>> -> memref<32xi32, #tpu.memory_space<vmem>>
    %dma_wait3A_1457 = arith.constant 0 : i32
    %dma_wait3A_1458 = arith.constant 0 : i32
    %dma_wait3A_1459 = tpu.memref_slice %arg3[%dma_wait3A_1457, %dma_wait3A_1458] : memref<8194x1024xf32, #tpu.memory_space<hbm>> -> memref<8194x1024xf32, #tpu.memory_space<hbm>>
    tpu.wait_indirect_dma semaphore(%arg9 : memref<!tpu.dma_semaphore, #tpu.memory_space<semaphore_mem>>) src(%dma_wait3A_1459 : memref<8194x1024xf32, #tpu.memory_space<hbm>>) dst(%arg7 : memref<32x1024xf32, #tpu.memory_space<vmem>>)
    %dma_wait3A_1460 = arith.constant 1 : i32
    %dma_wait3A_1461 = arith.constant 0 : i32
    %dma_wait3A_1462 = tpu.memref_slice %arg4[%dma_wait3A_1460, %add3A_1445, %dma_wait3A_1461] : memref<4x8192x1024xf32, #tpu.memory_space<hbm>> -> memref<1x32x1024xf32, #tpu.memory_space<hbm>>
    %dma_wait3A_1463 = tpu.memref_squeeze %dma_wait3A_1462 : memref<1x32x1024xf32, #tpu.memory_space<hbm>> -> memref<32x1024xf32, #tpu.memory_space<hbm>>
    %dma_wait3A_1464 = arith.constant 0 : i32
    %dma_wait3A_1465 = tpu.memref_slice %arg4[%dma_wait3A_1460, %add3A_1445, %dma_wait3A_1464] : memref<4x8192x1024xf32, #tpu.memory_space<hbm>> -> memref<1x32x1024xf32, #tpu.memory_space<hbm>>
    %dma_wait3A_1466 = tpu.memref_squeeze %dma_wait3A_1465 : memref<1x32x1024xf32, #tpu.memory_space<hbm>> -> memref<32x1024xf32, #tpu.memory_space<hbm>>
    tpu.wait_dma2 semaphore(%arg12 : memref<!tpu.dma_semaphore, #tpu.memory_space<semaphore_mem>>) src(%arg8 : memref<32x1024xf32, #tpu.memory_space<vmem>>) dst(%dma_wait3A_1466 : memref<32x1024xf32, #tpu.memory_space<hbm>>)
    %dma_start3A_1467 = arith.constant 1 : i32
    %dma_start3A_1468 = arith.constant 224 : i32
    %dma_start3A_1469 = tpu.memref_slice %arg6[%dma_start3A_1467, %dma_start3A_1468] : memref<4x256xi32, #tpu.memory_space<vmem>> -> memref<1x32xi32, #tpu.memory_space<vmem>>
    %dma_start3A_1470 = tpu.memref_squeeze %dma_start3A_1469 : memref<1x32xi32, #tpu.memory_space<vmem>> -> memref<32xi32, #tpu.memory_space<vmem>>
    %dma_start3A_1471 = arith.constant 0 : i32
    %dma_start3A_1472 = arith.constant 0 : i32
    %dma_start3A_1473 = tpu.memref_slice %arg3[%dma_start3A_1471, %dma_start3A_1472] : memref<8194x1024xf32, #tpu.memory_space<hbm>> -> memref<8194x1024xf32, #tpu.memory_space<hbm>>
    tpu.enqueue_indirect_dma source(%dma_start3A_1473 : memref<8194x1024xf32, #tpu.memory_space<hbm>>) target(%arg8 : memref<32x1024xf32, #tpu.memory_space<vmem>>) offsets(%dma_start3A_1470 : memref<32xi32, #tpu.memory_space<vmem>>) semaphore(%arg10 : memref<!tpu.dma_semaphore, #tpu.memory_space<semaphore_mem>>)
    %add3A_1474 = arith.constant 192 : i32
    %add3A_1475 = arith.addi %mul3A_2, %add3A_1474 : i32
    %dma_start3A_1476 = arith.constant 1 : i32
    %dma_start3A_1477 = arith.constant 0 : i32
    %dma_start3A_1478 = tpu.memref_slice %arg4[%dma_start3A_1476, %add3A_1475, %dma_start3A_1477] : memref<4x8192x1024xf32, #tpu.memory_space<hbm>> -> memref<1x32x1024xf32, #tpu.memory_space<hbm>>
    %dma_start3A_1479 = tpu.memref_squeeze %dma_start3A_1478 : memref<1x32x1024xf32, #tpu.memory_space<hbm>> -> memref<32x1024xf32, #tpu.memory_space<hbm>>
    %dma_start3A_1480 = arith.constant 0 : i32
    %dma_start3A_1481 = tpu.memref_slice %arg4[%dma_start3A_1476, %add3A_1475, %dma_start3A_1480] : memref<4x8192x1024xf32, #tpu.memory_space<hbm>> -> memref<1x32x1024xf32, #tpu.memory_space<hbm>>
    %dma_start3A_1482 = tpu.memref_squeeze %dma_start3A_1481 : memref<1x32x1024xf32, #tpu.memory_space<hbm>> -> memref<32x1024xf32, #tpu.memory_space<hbm>>
    tpu.enqueue_dma source(%arg7 : memref<32x1024xf32, #tpu.memory_space<vmem>>) target(%dma_start3A_1482 : memref<32x1024xf32, #tpu.memory_space<hbm>>) target_semaphore(%arg11 : memref<!tpu.dma_semaphore, #tpu.memory_space<semaphore_mem>>)
    %dma_wait3A_1483 = arith.constant 1 : i32
    %dma_wait3A_1484 = arith.constant 224 : i32
    %dma_wait3A_1485 = tpu.memref_slice %arg6[%dma_wait3A_1483, %dma_wait3A_1484] : memref<4x256xi32, #tpu.memory_space<vmem>> -> memref<1x32xi32, #tpu.memory_space<vmem>>
    %dma_wait3A_1486 = tpu.memref_squeeze %dma_wait3A_1485 : memref<1x32xi32, #tpu.memory_space<vmem>> -> memref<32xi32, #tpu.memory_space<vmem>>
    %dma_wait3A_1487 = arith.constant 0 : i32
    %dma_wait3A_1488 = arith.constant 0 : i32
    %dma_wait3A_1489 = tpu.memref_slice %arg3[%dma_wait3A_1487, %dma_wait3A_1488] : memref<8194x1024xf32, #tpu.memory_space<hbm>> -> memref<8194x1024xf32, #tpu.memory_space<hbm>>
    tpu.wait_indirect_dma semaphore(%arg10 : memref<!tpu.dma_semaphore, #tpu.memory_space<semaphore_mem>>) src(%dma_wait3A_1489 : memref<8194x1024xf32, #tpu.memory_space<hbm>>) dst(%arg8 : memref<32x1024xf32, #tpu.memory_space<vmem>>)
    %dma_wait3A_1490 = arith.constant 1 : i32
    %dma_wait3A_1491 = arith.constant 0 : i32
    %dma_wait3A_1492 = tpu.memref_slice %arg4[%dma_wait3A_1490, %add3A_1475, %dma_wait3A_1491] : memref<4x8192x1024xf32, #tpu.memory_space<hbm>> -> memref<1x32x1024xf32, #tpu.memory_space<hbm>>
    %dma_wait3A_1493 = tpu.memref_squeeze %dma_wait3A_1492 : memref<1x32x1024xf32, #tpu.memory_space<hbm>> -> memref<32x1024xf32, #tpu.memory_space<hbm>>
    %dma_wait3A_1494 = arith.constant 0 : i32
    %dma_wait3A_1495 = tpu.memref_slice %arg4[%dma_wait3A_1490, %add3A_1475, %dma_wait3A_1494] : memref<4x8192x1024xf32, #tpu.memory_space<hbm>> -> memref<1x32x1024xf32, #tpu.memory_space<hbm>>
    %dma_wait3A_1496 = tpu.memref_squeeze %dma_wait3A_1495 : memref<1x32x1024xf32, #tpu.memory_space<hbm>> -> memref<32x1024xf32, #tpu.memory_space<hbm>>
    tpu.wait_dma2 semaphore(%arg11 : memref<!tpu.dma_semaphore, #tpu.memory_space<semaphore_mem>>) src(%arg7 : memref<32x1024xf32, #tpu.memory_space<vmem>>) dst(%dma_wait3A_1496 : memref<32x1024xf32, #tpu.memory_space<hbm>>)
    %dma_start3A_1497 = arith.constant 2 : i32
    %dma_start3A_1498 = arith.constant 0 : i32
    %dma_start3A_1499 = tpu.memref_slice %arg6[%dma_start3A_1497, %dma_start3A_1498] : memref<4x256xi32, #tpu.memory_space<vmem>> -> memref<1x32xi32, #tpu.memory_space<vmem>>
    %dma_start3A_1500 = tpu.memref_squeeze %dma_start3A_1499 : memref<1x32xi32, #tpu.memory_space<vmem>> -> memref<32xi32, #tpu.memory_space<vmem>>
    %dma_start3A_1501 = arith.constant 0 : i32
    %dma_start3A_1502 = arith.constant 0 : i32
    %dma_start3A_1503 = tpu.memref_slice %arg3[%dma_start3A_1501, %dma_start3A_1502] : memref<8194x1024xf32, #tpu.memory_space<hbm>> -> memref<8194x1024xf32, #tpu.memory_space<hbm>>
    tpu.enqueue_indirect_dma source(%dma_start3A_1503 : memref<8194x1024xf32, #tpu.memory_space<hbm>>) target(%arg7 : memref<32x1024xf32, #tpu.memory_space<vmem>>) offsets(%dma_start3A_1500 : memref<32xi32, #tpu.memory_space<vmem>>) semaphore(%arg9 : memref<!tpu.dma_semaphore, #tpu.memory_space<semaphore_mem>>)
    %add3A_1504 = arith.constant 224 : i32
    %add3A_1505 = arith.addi %mul3A_2, %add3A_1504 : i32
    %dma_start3A_1506 = arith.constant 1 : i32
    %dma_start3A_1507 = arith.constant 0 : i32
    %dma_start3A_1508 = tpu.memref_slice %arg4[%dma_start3A_1506, %add3A_1505, %dma_start3A_1507] : memref<4x8192x1024xf32, #tpu.memory_space<hbm>> -> memref<1x32x1024xf32, #tpu.memory_space<hbm>>
    %dma_start3A_1509 = tpu.memref_squeeze %dma_start3A_1508 : memref<1x32x1024xf32, #tpu.memory_space<hbm>> -> memref<32x1024xf32, #tpu.memory_space<hbm>>
    %dma_start3A_1510 = arith.constant 0 : i32
    %dma_start3A_1511 = tpu.memref_slice %arg4[%dma_start3A_1506, %add3A_1505, %dma_start3A_1510] : memref<4x8192x1024xf32, #tpu.memory_space<hbm>> -> memref<1x32x1024xf32, #tpu.memory_space<hbm>>
    %dma_start3A_1512 = tpu.memref_squeeze %dma_start3A_1511 : memref<1x32x1024xf32, #tpu.memory_space<hbm>> -> memref<32x1024xf32, #tpu.memory_space<hbm>>
    tpu.enqueue_dma source(%arg8 : memref<32x1024xf32, #tpu.memory_space<vmem>>) target(%dma_start3A_1512 : memref<32x1024xf32, #tpu.memory_space<hbm>>) target_semaphore(%arg12 : memref<!tpu.dma_semaphore, #tpu.memory_space<semaphore_mem>>)
    %dma_wait3A_1513 = arith.constant 2 : i32
    %dma_wait3A_1514 = arith.constant 0 : i32
    %dma_wait3A_1515 = tpu.memref_slice %arg6[%dma_wait3A_1513, %dma_wait3A_1514] : memref<4x256xi32, #tpu.memory_space<vmem>> -> memref<1x32xi32, #tpu.memory_space<vmem>>
    %dma_wait3A_1516 = tpu.memref_squeeze %dma_wait3A_1515 : memref<1x32xi32, #tpu.memory_space<vmem>> -> memref<32xi32, #tpu.memory_space<vmem>>
    %dma_wait3A_1517 = arith.constant 0 : i32
    %dma_wait3A_1518 = arith.constant 0 : i32
    %dma_wait3A_1519 = tpu.memref_slice %arg3[%dma_wait3A_1517, %dma_wait3A_1518] : memref<8194x1024xf32, #tpu.memory_space<hbm>> -> memref<8194x1024xf32, #tpu.memory_space<hbm>>
    tpu.wait_indirect_dma semaphore(%arg9 : memref<!tpu.dma_semaphore, #tpu.memory_space<semaphore_mem>>) src(%dma_wait3A_1519 : memref<8194x1024xf32, #tpu.memory_space<hbm>>) dst(%arg7 : memref<32x1024xf32, #tpu.memory_space<vmem>>)
    %dma_wait3A_1520 = arith.constant 1 : i32
    %dma_wait3A_1521 = arith.constant 0 : i32
    %dma_wait3A_1522 = tpu.memref_slice %arg4[%dma_wait3A_1520, %add3A_1505, %dma_wait3A_1521] : memref<4x8192x1024xf32, #tpu.memory_space<hbm>> -> memref<1x32x1024xf32, #tpu.memory_space<hbm>>
    %dma_wait3A_1523 = tpu.memref_squeeze %dma_wait3A_1522 : memref<1x32x1024xf32, #tpu.memory_space<hbm>> -> memref<32x1024xf32, #tpu.memory_space<hbm>>
    %dma_wait3A_1524 = arith.constant 0 : i32
    %dma_wait3A_1525 = tpu.memref_slice %arg4[%dma_wait3A_1520, %add3A_1505, %dma_wait3A_1524] : memref<4x8192x1024xf32, #tpu.memory_space<hbm>> -> memref<1x32x1024xf32, #tpu.memory_space<hbm>>
    %dma_wait3A_1526 = tpu.memref_squeeze %dma_wait3A_1525 : memref<1x32x1024xf32, #tpu.memory_space<hbm>> -> memref<32x1024xf32, #tpu.memory_space<hbm>>
    tpu.wait_dma2 semaphore(%arg12 : memref<!tpu.dma_semaphore, #tpu.memory_space<semaphore_mem>>) src(%arg8 : memref<32x1024xf32, #tpu.memory_space<vmem>>) dst(%dma_wait3A_1526 : memref<32x1024xf32, #tpu.memory_space<hbm>>)
    %dma_start3A_1527 = arith.constant 2 : i32
    %dma_start3A_1528 = arith.constant 32 : i32
    %dma_start3A_1529 = tpu.memref_slice %arg6[%dma_start3A_1527, %dma_start3A_1528] : memref<4x256xi32, #tpu.memory_space<vmem>> -> memref<1x32xi32, #tpu.memory_space<vmem>>
    %dma_start3A_1530 = tpu.memref_squeeze %dma_start3A_1529 : memref<1x32xi32, #tpu.memory_space<vmem>> -> memref<32xi32, #tpu.memory_space<vmem>>
    %dma_start3A_1531 = arith.constant 0 : i32
    %dma_start3A_1532 = arith.constant 0 : i32
    %dma_start3A_1533 = tpu.memref_slice %arg3[%dma_start3A_1531, %dma_start3A_1532] : memref<8194x1024xf32, #tpu.memory_space<hbm>> -> memref<8194x1024xf32, #tpu.memory_space<hbm>>
    tpu.enqueue_indirect_dma source(%dma_start3A_1533 : memref<8194x1024xf32, #tpu.memory_space<hbm>>) target(%arg8 : memref<32x1024xf32, #tpu.memory_space<vmem>>) offsets(%dma_start3A_1530 : memref<32xi32, #tpu.memory_space<vmem>>) semaphore(%arg10 : memref<!tpu.dma_semaphore, #tpu.memory_space<semaphore_mem>>)
    %add3A_1534 = arith.constant 0 : i32
    %add3A_1535 = arith.addi %mul3A_2, %add3A_1534 : i32
    %dma_start3A_1536 = arith.constant 2 : i32
    %dma_start3A_1537 = arith.constant 0 : i32
    %dma_start3A_1538 = tpu.memref_slice %arg4[%dma_start3A_1536, %add3A_1535, %dma_start3A_1537] : memref<4x8192x1024xf32, #tpu.memory_space<hbm>> -> memref<1x32x1024xf32, #tpu.memory_space<hbm>>
    %dma_start3A_1539 = tpu.memref_squeeze %dma_start3A_1538 : memref<1x32x1024xf32, #tpu.memory_space<hbm>> -> memref<32x1024xf32, #tpu.memory_space<hbm>>
    %dma_start3A_1540 = arith.constant 0 : i32
    %dma_start3A_1541 = tpu.memref_slice %arg4[%dma_start3A_1536, %add3A_1535, %dma_start3A_1540] : memref<4x8192x1024xf32, #tpu.memory_space<hbm>> -> memref<1x32x1024xf32, #tpu.memory_space<hbm>>
    %dma_start3A_1542 = tpu.memref_squeeze %dma_start3A_1541 : memref<1x32x1024xf32, #tpu.memory_space<hbm>> -> memref<32x1024xf32, #tpu.memory_space<hbm>>
    tpu.enqueue_dma source(%arg7 : memref<32x1024xf32, #tpu.memory_space<vmem>>) target(%dma_start3A_1542 : memref<32x1024xf32, #tpu.memory_space<hbm>>) target_semaphore(%arg11 : memref<!tpu.dma_semaphore, #tpu.memory_space<semaphore_mem>>)
    %dma_wait3A_1543 = arith.constant 2 : i32
    %dma_wait3A_1544 = arith.constant 32 : i32
    %dma_wait3A_1545 = tpu.memref_slice %arg6[%dma_wait3A_1543, %dma_wait3A_1544] : memref<4x256xi32, #tpu.memory_space<vmem>> -> memref<1x32xi32, #tpu.memory_space<vmem>>
    %dma_wait3A_1546 = tpu.memref_squeeze %dma_wait3A_1545 : memref<1x32xi32, #tpu.memory_space<vmem>> -> memref<32xi32, #tpu.memory_space<vmem>>
    %dma_wait3A_1547 = arith.constant 0 : i32
    %dma_wait3A_1548 = arith.constant 0 : i32
    %dma_wait3A_1549 = tpu.memref_slice %arg3[%dma_wait3A_1547, %dma_wait3A_1548] : memref<8194x1024xf32, #tpu.memory_space<hbm>> -> memref<8194x1024xf32, #tpu.memory_space<hbm>>
    tpu.wait_indirect_dma semaphore(%arg10 : memref<!tpu.dma_semaphore, #tpu.memory_space<semaphore_mem>>) src(%dma_wait3A_1549 : memref<8194x1024xf32, #tpu.memory_space<hbm>>) dst(%arg8 : memref<32x1024xf32, #tpu.memory_space<vmem>>)
    %dma_wait3A_1550 = arith.constant 2 : i32
    %dma_wait3A_1551 = arith.constant 0 : i32
    %dma_wait3A_1552 = tpu.memref_slice %arg4[%dma_wait3A_1550, %add3A_1535, %dma_wait3A_1551] : memref<4x8192x1024xf32, #tpu.memory_space<hbm>> -> memref<1x32x1024xf32, #tpu.memory_space<hbm>>
    %dma_wait3A_1553 = tpu.memref_squeeze %dma_wait3A_1552 : memref<1x32x1024xf32, #tpu.memory_space<hbm>> -> memref<32x1024xf32, #tpu.memory_space<hbm>>
    %dma_wait3A_1554 = arith.constant 0 : i32
    %dma_wait3A_1555 = tpu.memref_slice %arg4[%dma_wait3A_1550, %add3A_1535, %dma_wait3A_1554] : memref<4x8192x1024xf32, #tpu.memory_space<hbm>> -> memref<1x32x1024xf32, #tpu.memory_space<hbm>>
    %dma_wait3A_1556 = tpu.memref_squeeze %dma_wait3A_1555 : memref<1x32x1024xf32, #tpu.memory_space<hbm>> -> memref<32x1024xf32, #tpu.memory_space<hbm>>
    tpu.wait_dma2 semaphore(%arg11 : memref<!tpu.dma_semaphore, #tpu.memory_space<semaphore_mem>>) src(%arg7 : memref<32x1024xf32, #tpu.memory_space<vmem>>) dst(%dma_wait3A_1556 : memref<32x1024xf32, #tpu.memory_space<hbm>>)
    %dma_start3A_1557 = arith.constant 2 : i32
    %dma_start3A_1558 = arith.constant 64 : i32
    %dma_start3A_1559 = tpu.memref_slice %arg6[%dma_start3A_1557, %dma_start3A_1558] : memref<4x256xi32, #tpu.memory_space<vmem>> -> memref<1x32xi32, #tpu.memory_space<vmem>>
    %dma_start3A_1560 = tpu.memref_squeeze %dma_start3A_1559 : memref<1x32xi32, #tpu.memory_space<vmem>> -> memref<32xi32, #tpu.memory_space<vmem>>
    %dma_start3A_1561 = arith.constant 0 : i32
    %dma_start3A_1562 = arith.constant 0 : i32
    %dma_start3A_1563 = tpu.memref_slice %arg3[%dma_start3A_1561, %dma_start3A_1562] : memref<8194x1024xf32, #tpu.memory_space<hbm>> -> memref<8194x1024xf32, #tpu.memory_space<hbm>>
    tpu.enqueue_indirect_dma source(%dma_start3A_1563 : memref<8194x1024xf32, #tpu.memory_space<hbm>>) target(%arg7 : memref<32x1024xf32, #tpu.memory_space<vmem>>) offsets(%dma_start3A_1560 : memref<32xi32, #tpu.memory_space<vmem>>) semaphore(%arg9 : memref<!tpu.dma_semaphore, #tpu.memory_space<semaphore_mem>>)
    %add3A_1564 = arith.constant 32 : i32
    %add3A_1565 = arith.addi %mul3A_2, %add3A_1564 : i32
    %dma_start3A_1566 = arith.constant 2 : i32
    %dma_start3A_1567 = arith.constant 0 : i32
    %dma_start3A_1568 = tpu.memref_slice %arg4[%dma_start3A_1566, %add3A_1565, %dma_start3A_1567] : memref<4x8192x1024xf32, #tpu.memory_space<hbm>> -> memref<1x32x1024xf32, #tpu.memory_space<hbm>>
    %dma_start3A_1569 = tpu.memref_squeeze %dma_start3A_1568 : memref<1x32x1024xf32, #tpu.memory_space<hbm>> -> memref<32x1024xf32, #tpu.memory_space<hbm>>
    %dma_start3A_1570 = arith.constant 0 : i32
    %dma_start3A_1571 = tpu.memref_slice %arg4[%dma_start3A_1566, %add3A_1565, %dma_start3A_1570] : memref<4x8192x1024xf32, #tpu.memory_space<hbm>> -> memref<1x32x1024xf32, #tpu.memory_space<hbm>>
    %dma_start3A_1572 = tpu.memref_squeeze %dma_start3A_1571 : memref<1x32x1024xf32, #tpu.memory_space<hbm>> -> memref<32x1024xf32, #tpu.memory_space<hbm>>
    tpu.enqueue_dma source(%arg8 : memref<32x1024xf32, #tpu.memory_space<vmem>>) target(%dma_start3A_1572 : memref<32x1024xf32, #tpu.memory_space<hbm>>) target_semaphore(%arg12 : memref<!tpu.dma_semaphore, #tpu.memory_space<semaphore_mem>>)
    %dma_wait3A_1573 = arith.constant 2 : i32
    %dma_wait3A_1574 = arith.constant 64 : i32
    %dma_wait3A_1575 = tpu.memref_slice %arg6[%dma_wait3A_1573, %dma_wait3A_1574] : memref<4x256xi32, #tpu.memory_space<vmem>> -> memref<1x32xi32, #tpu.memory_space<vmem>>
    %dma_wait3A_1576 = tpu.memref_squeeze %dma_wait3A_1575 : memref<1x32xi32, #tpu.memory_space<vmem>> -> memref<32xi32, #tpu.memory_space<vmem>>
    %dma_wait3A_1577 = arith.constant 0 : i32
    %dma_wait3A_1578 = arith.constant 0 : i32
    %dma_wait3A_1579 = tpu.memref_slice %arg3[%dma_wait3A_1577, %dma_wait3A_1578] : memref<8194x1024xf32, #tpu.memory_space<hbm>> -> memref<8194x1024xf32, #tpu.memory_space<hbm>>
    tpu.wait_indirect_dma semaphore(%arg9 : memref<!tpu.dma_semaphore, #tpu.memory_space<semaphore_mem>>) src(%dma_wait3A_1579 : memref<8194x1024xf32, #tpu.memory_space<hbm>>) dst(%arg7 : memref<32x1024xf32, #tpu.memory_space<vmem>>)
    %dma_wait3A_1580 = arith.constant 2 : i32
    %dma_wait3A_1581 = arith.constant 0 : i32
    %dma_wait3A_1582 = tpu.memref_slice %arg4[%dma_wait3A_1580, %add3A_1565, %dma_wait3A_1581] : memref<4x8192x1024xf32, #tpu.memory_space<hbm>> -> memref<1x32x1024xf32, #tpu.memory_space<hbm>>
    %dma_wait3A_1583 = tpu.memref_squeeze %dma_wait3A_1582 : memref<1x32x1024xf32, #tpu.memory_space<hbm>> -> memref<32x1024xf32, #tpu.memory_space<hbm>>
    %dma_wait3A_1584 = arith.constant 0 : i32
    %dma_wait3A_1585 = tpu.memref_slice %arg4[%dma_wait3A_1580, %add3A_1565, %dma_wait3A_1584] : memref<4x8192x1024xf32, #tpu.memory_space<hbm>> -> memref<1x32x1024xf32, #tpu.memory_space<hbm>>
    %dma_wait3A_1586 = tpu.memref_squeeze %dma_wait3A_1585 : memref<1x32x1024xf32, #tpu.memory_space<hbm>> -> memref<32x1024xf32, #tpu.memory_space<hbm>>
    tpu.wait_dma2 semaphore(%arg12 : memref<!tpu.dma_semaphore, #tpu.memory_space<semaphore_mem>>) src(%arg8 : memref<32x1024xf32, #tpu.memory_space<vmem>>) dst(%dma_wait3A_1586 : memref<32x1024xf32, #tpu.memory_space<hbm>>)
    %dma_start3A_1587 = arith.constant 2 : i32
    %dma_start3A_1588 = arith.constant 96 : i32
    %dma_start3A_1589 = tpu.memref_slice %arg6[%dma_start3A_1587, %dma_start3A_1588] : memref<4x256xi32, #tpu.memory_space<vmem>> -> memref<1x32xi32, #tpu.memory_space<vmem>>
    %dma_start3A_1590 = tpu.memref_squeeze %dma_start3A_1589 : memref<1x32xi32, #tpu.memory_space<vmem>> -> memref<32xi32, #tpu.memory_space<vmem>>
    %dma_start3A_1591 = arith.constant 0 : i32
    %dma_start3A_1592 = arith.constant 0 : i32
    %dma_start3A_1593 = tpu.memref_slice %arg3[%dma_start3A_1591, %dma_start3A_1592] : memref<8194x1024xf32, #tpu.memory_space<hbm>> -> memref<8194x1024xf32, #tpu.memory_space<hbm>>
    tpu.enqueue_indirect_dma source(%dma_start3A_1593 : memref<8194x1024xf32, #tpu.memory_space<hbm>>) target(%arg8 : memref<32x1024xf32, #tpu.memory_space<vmem>>) offsets(%dma_start3A_1590 : memref<32xi32, #tpu.memory_space<vmem>>) semaphore(%arg10 : memref<!tpu.dma_semaphore, #tpu.memory_space<semaphore_mem>>)
    %add3A_1594 = arith.constant 64 : i32
    %add3A_1595 = arith.addi %mul3A_2, %add3A_1594 : i32
    %dma_start3A_1596 = arith.constant 2 : i32
    %dma_start3A_1597 = arith.constant 0 : i32
    %dma_start3A_1598 = tpu.memref_slice %arg4[%dma_start3A_1596, %add3A_1595, %dma_start3A_1597] : memref<4x8192x1024xf32, #tpu.memory_space<hbm>> -> memref<1x32x1024xf32, #tpu.memory_space<hbm>>
    %dma_start3A_1599 = tpu.memref_squeeze %dma_start3A_1598 : memref<1x32x1024xf32, #tpu.memory_space<hbm>> -> memref<32x1024xf32, #tpu.memory_space<hbm>>
    %dma_start3A_1600 = arith.constant 0 : i32
    %dma_start3A_1601 = tpu.memref_slice %arg4[%dma_start3A_1596, %add3A_1595, %dma_start3A_1600] : memref<4x8192x1024xf32, #tpu.memory_space<hbm>> -> memref<1x32x1024xf32, #tpu.memory_space<hbm>>
    %dma_start3A_1602 = tpu.memref_squeeze %dma_start3A_1601 : memref<1x32x1024xf32, #tpu.memory_space<hbm>> -> memref<32x1024xf32, #tpu.memory_space<hbm>>
    tpu.enqueue_dma source(%arg7 : memref<32x1024xf32, #tpu.memory_space<vmem>>) target(%dma_start3A_1602 : memref<32x1024xf32, #tpu.memory_space<hbm>>) target_semaphore(%arg11 : memref<!tpu.dma_semaphore, #tpu.memory_space<semaphore_mem>>)
    %dma_wait3A_1603 = arith.constant 2 : i32
    %dma_wait3A_1604 = arith.constant 96 : i32
    %dma_wait3A_1605 = tpu.memref_slice %arg6[%dma_wait3A_1603, %dma_wait3A_1604] : memref<4x256xi32, #tpu.memory_space<vmem>> -> memref<1x32xi32, #tpu.memory_space<vmem>>
    %dma_wait3A_1606 = tpu.memref_squeeze %dma_wait3A_1605 : memref<1x32xi32, #tpu.memory_space<vmem>> -> memref<32xi32, #tpu.memory_space<vmem>>
    %dma_wait3A_1607 = arith.constant 0 : i32
    %dma_wait3A_1608 = arith.constant 0 : i32
    %dma_wait3A_1609 = tpu.memref_slice %arg3[%dma_wait3A_1607, %dma_wait3A_1608] : memref<8194x1024xf32, #tpu.memory_space<hbm>> -> memref<8194x1024xf32, #tpu.memory_space<hbm>>
    tpu.wait_indirect_dma semaphore(%arg10 : memref<!tpu.dma_semaphore, #tpu.memory_space<semaphore_mem>>) src(%dma_wait3A_1609 : memref<8194x1024xf32, #tpu.memory_space<hbm>>) dst(%arg8 : memref<32x1024xf32, #tpu.memory_space<vmem>>)
    %dma_wait3A_1610 = arith.constant 2 : i32
    %dma_wait3A_1611 = arith.constant 0 : i32
    %dma_wait3A_1612 = tpu.memref_slice %arg4[%dma_wait3A_1610, %add3A_1595, %dma_wait3A_1611] : memref<4x8192x1024xf32, #tpu.memory_space<hbm>> -> memref<1x32x1024xf32, #tpu.memory_space<hbm>>
    %dma_wait3A_1613 = tpu.memref_squeeze %dma_wait3A_1612 : memref<1x32x1024xf32, #tpu.memory_space<hbm>> -> memref<32x1024xf32, #tpu.memory_space<hbm>>
    %dma_wait3A_1614 = arith.constant 0 : i32
    %dma_wait3A_1615 = tpu.memref_slice %arg4[%dma_wait3A_1610, %add3A_1595, %dma_wait3A_1614] : memref<4x8192x1024xf32, #tpu.memory_space<hbm>> -> memref<1x32x1024xf32, #tpu.memory_space<hbm>>
    %dma_wait3A_1616 = tpu.memref_squeeze %dma_wait3A_1615 : memref<1x32x1024xf32, #tpu.memory_space<hbm>> -> memref<32x1024xf32, #tpu.memory_space<hbm>>
    tpu.wait_dma2 semaphore(%arg11 : memref<!tpu.dma_semaphore, #tpu.memory_space<semaphore_mem>>) src(%arg7 : memref<32x1024xf32, #tpu.memory_space<vmem>>) dst(%dma_wait3A_1616 : memref<32x1024xf32, #tpu.memory_space<hbm>>)
    %dma_start3A_1617 = arith.constant 2 : i32
    %dma_start3A_1618 = arith.constant 128 : i32
    %dma_start3A_1619 = tpu.memref_slice %arg6[%dma_start3A_1617, %dma_start3A_1618] : memref<4x256xi32, #tpu.memory_space<vmem>> -> memref<1x32xi32, #tpu.memory_space<vmem>>
    %dma_start3A_1620 = tpu.memref_squeeze %dma_start3A_1619 : memref<1x32xi32, #tpu.memory_space<vmem>> -> memref<32xi32, #tpu.memory_space<vmem>>
    %dma_start3A_1621 = arith.constant 0 : i32
    %dma_start3A_1622 = arith.constant 0 : i32
    %dma_start3A_1623 = tpu.memref_slice %arg3[%dma_start3A_1621, %dma_start3A_1622] : memref<8194x1024xf32, #tpu.memory_space<hbm>> -> memref<8194x1024xf32, #tpu.memory_space<hbm>>
    tpu.enqueue_indirect_dma source(%dma_start3A_1623 : memref<8194x1024xf32, #tpu.memory_space<hbm>>) target(%arg7 : memref<32x1024xf32, #tpu.memory_space<vmem>>) offsets(%dma_start3A_1620 : memref<32xi32, #tpu.memory_space<vmem>>) semaphore(%arg9 : memref<!tpu.dma_semaphore, #tpu.memory_space<semaphore_mem>>)
    %add3A_1624 = arith.constant 96 : i32
    %add3A_1625 = arith.addi %mul3A_2, %add3A_1624 : i32
    %dma_start3A_1626 = arith.constant 2 : i32
    %dma_start3A_1627 = arith.constant 0 : i32
    %dma_start3A_1628 = tpu.memref_slice %arg4[%dma_start3A_1626, %add3A_1625, %dma_start3A_1627] : memref<4x8192x1024xf32, #tpu.memory_space<hbm>> -> memref<1x32x1024xf32, #tpu.memory_space<hbm>>
    %dma_start3A_1629 = tpu.memref_squeeze %dma_start3A_1628 : memref<1x32x1024xf32, #tpu.memory_space<hbm>> -> memref<32x1024xf32, #tpu.memory_space<hbm>>
    %dma_start3A_1630 = arith.constant 0 : i32
    %dma_start3A_1631 = tpu.memref_slice %arg4[%dma_start3A_1626, %add3A_1625, %dma_start3A_1630] : memref<4x8192x1024xf32, #tpu.memory_space<hbm>> -> memref<1x32x1024xf32, #tpu.memory_space<hbm>>
    %dma_start3A_1632 = tpu.memref_squeeze %dma_start3A_1631 : memref<1x32x1024xf32, #tpu.memory_space<hbm>> -> memref<32x1024xf32, #tpu.memory_space<hbm>>
    tpu.enqueue_dma source(%arg8 : memref<32x1024xf32, #tpu.memory_space<vmem>>) target(%dma_start3A_1632 : memref<32x1024xf32, #tpu.memory_space<hbm>>) target_semaphore(%arg12 : memref<!tpu.dma_semaphore, #tpu.memory_space<semaphore_mem>>)
    %dma_wait3A_1633 = arith.constant 2 : i32
    %dma_wait3A_1634 = arith.constant 128 : i32
    %dma_wait3A_1635 = tpu.memref_slice %arg6[%dma_wait3A_1633, %dma_wait3A_1634] : memref<4x256xi32, #tpu.memory_space<vmem>> -> memref<1x32xi32, #tpu.memory_space<vmem>>
    %dma_wait3A_1636 = tpu.memref_squeeze %dma_wait3A_1635 : memref<1x32xi32, #tpu.memory_space<vmem>> -> memref<32xi32, #tpu.memory_space<vmem>>
    %dma_wait3A_1637 = arith.constant 0 : i32
    %dma_wait3A_1638 = arith.constant 0 : i32
    %dma_wait3A_1639 = tpu.memref_slice %arg3[%dma_wait3A_1637, %dma_wait3A_1638] : memref<8194x1024xf32, #tpu.memory_space<hbm>> -> memref<8194x1024xf32, #tpu.memory_space<hbm>>
    tpu.wait_indirect_dma semaphore(%arg9 : memref<!tpu.dma_semaphore, #tpu.memory_space<semaphore_mem>>) src(%dma_wait3A_1639 : memref<8194x1024xf32, #tpu.memory_space<hbm>>) dst(%arg7 : memref<32x1024xf32, #tpu.memory_space<vmem>>)
    %dma_wait3A_1640 = arith.constant 2 : i32
    %dma_wait3A_1641 = arith.constant 0 : i32
    %dma_wait3A_1642 = tpu.memref_slice %arg4[%dma_wait3A_1640, %add3A_1625, %dma_wait3A_1641] : memref<4x8192x1024xf32, #tpu.memory_space<hbm>> -> memref<1x32x1024xf32, #tpu.memory_space<hbm>>
    %dma_wait3A_1643 = tpu.memref_squeeze %dma_wait3A_1642 : memref<1x32x1024xf32, #tpu.memory_space<hbm>> -> memref<32x1024xf32, #tpu.memory_space<hbm>>
    %dma_wait3A_1644 = arith.constant 0 : i32
    %dma_wait3A_1645 = tpu.memref_slice %arg4[%dma_wait3A_1640, %add3A_1625, %dma_wait3A_1644] : memref<4x8192x1024xf32, #tpu.memory_space<hbm>> -> memref<1x32x1024xf32, #tpu.memory_space<hbm>>
    %dma_wait3A_1646 = tpu.memref_squeeze %dma_wait3A_1645 : memref<1x32x1024xf32, #tpu.memory_space<hbm>> -> memref<32x1024xf32, #tpu.memory_space<hbm>>
    tpu.wait_dma2 semaphore(%arg12 : memref<!tpu.dma_semaphore, #tpu.memory_space<semaphore_mem>>) src(%arg8 : memref<32x1024xf32, #tpu.memory_space<vmem>>) dst(%dma_wait3A_1646 : memref<32x1024xf32, #tpu.memory_space<hbm>>)
    %dma_start3A_1647 = arith.constant 2 : i32
    %dma_start3A_1648 = arith.constant 160 : i32
    %dma_start3A_1649 = tpu.memref_slice %arg6[%dma_start3A_1647, %dma_start3A_1648] : memref<4x256xi32, #tpu.memory_space<vmem>> -> memref<1x32xi32, #tpu.memory_space<vmem>>
    %dma_start3A_1650 = tpu.memref_squeeze %dma_start3A_1649 : memref<1x32xi32, #tpu.memory_space<vmem>> -> memref<32xi32, #tpu.memory_space<vmem>>
    %dma_start3A_1651 = arith.constant 0 : i32
    %dma_start3A_1652 = arith.constant 0 : i32
    %dma_start3A_1653 = tpu.memref_slice %arg3[%dma_start3A_1651, %dma_start3A_1652] : memref<8194x1024xf32, #tpu.memory_space<hbm>> -> memref<8194x1024xf32, #tpu.memory_space<hbm>>
    tpu.enqueue_indirect_dma source(%dma_start3A_1653 : memref<8194x1024xf32, #tpu.memory_space<hbm>>) target(%arg8 : memref<32x1024xf32, #tpu.memory_space<vmem>>) offsets(%dma_start3A_1650 : memref<32xi32, #tpu.memory_space<vmem>>) semaphore(%arg10 : memref<!tpu.dma_semaphore, #tpu.memory_space<semaphore_mem>>)
    %add3A_1654 = arith.constant 128 : i32
    %add3A_1655 = arith.addi %mul3A_2, %add3A_1654 : i32
    %dma_start3A_1656 = arith.constant 2 : i32
    %dma_start3A_1657 = arith.constant 0 : i32
    %dma_start3A_1658 = tpu.memref_slice %arg4[%dma_start3A_1656, %add3A_1655, %dma_start3A_1657] : memref<4x8192x1024xf32, #tpu.memory_space<hbm>> -> memref<1x32x1024xf32, #tpu.memory_space<hbm>>
    %dma_start3A_1659 = tpu.memref_squeeze %dma_start3A_1658 : memref<1x32x1024xf32, #tpu.memory_space<hbm>> -> memref<32x1024xf32, #tpu.memory_space<hbm>>
    %dma_start3A_1660 = arith.constant 0 : i32
    %dma_start3A_1661 = tpu.memref_slice %arg4[%dma_start3A_1656, %add3A_1655, %dma_start3A_1660] : memref<4x8192x1024xf32, #tpu.memory_space<hbm>> -> memref<1x32x1024xf32, #tpu.memory_space<hbm>>
    %dma_start3A_1662 = tpu.memref_squeeze %dma_start3A_1661 : memref<1x32x1024xf32, #tpu.memory_space<hbm>> -> memref<32x1024xf32, #tpu.memory_space<hbm>>
    tpu.enqueue_dma source(%arg7 : memref<32x1024xf32, #tpu.memory_space<vmem>>) target(%dma_start3A_1662 : memref<32x1024xf32, #tpu.memory_space<hbm>>) target_semaphore(%arg11 : memref<!tpu.dma_semaphore, #tpu.memory_space<semaphore_mem>>)
    %dma_wait3A_1663 = arith.constant 2 : i32
    %dma_wait3A_1664 = arith.constant 160 : i32
    %dma_wait3A_1665 = tpu.memref_slice %arg6[%dma_wait3A_1663, %dma_wait3A_1664] : memref<4x256xi32, #tpu.memory_space<vmem>> -> memref<1x32xi32, #tpu.memory_space<vmem>>
    %dma_wait3A_1666 = tpu.memref_squeeze %dma_wait3A_1665 : memref<1x32xi32, #tpu.memory_space<vmem>> -> memref<32xi32, #tpu.memory_space<vmem>>
    %dma_wait3A_1667 = arith.constant 0 : i32
    %dma_wait3A_1668 = arith.constant 0 : i32
    %dma_wait3A_1669 = tpu.memref_slice %arg3[%dma_wait3A_1667, %dma_wait3A_1668] : memref<8194x1024xf32, #tpu.memory_space<hbm>> -> memref<8194x1024xf32, #tpu.memory_space<hbm>>
    tpu.wait_indirect_dma semaphore(%arg10 : memref<!tpu.dma_semaphore, #tpu.memory_space<semaphore_mem>>) src(%dma_wait3A_1669 : memref<8194x1024xf32, #tpu.memory_space<hbm>>) dst(%arg8 : memref<32x1024xf32, #tpu.memory_space<vmem>>)
    %dma_wait3A_1670 = arith.constant 2 : i32
    %dma_wait3A_1671 = arith.constant 0 : i32
    %dma_wait3A_1672 = tpu.memref_slice %arg4[%dma_wait3A_1670, %add3A_1655, %dma_wait3A_1671] : memref<4x8192x1024xf32, #tpu.memory_space<hbm>> -> memref<1x32x1024xf32, #tpu.memory_space<hbm>>
    %dma_wait3A_1673 = tpu.memref_squeeze %dma_wait3A_1672 : memref<1x32x1024xf32, #tpu.memory_space<hbm>> -> memref<32x1024xf32, #tpu.memory_space<hbm>>
    %dma_wait3A_1674 = arith.constant 0 : i32
    %dma_wait3A_1675 = tpu.memref_slice %arg4[%dma_wait3A_1670, %add3A_1655, %dma_wait3A_1674] : memref<4x8192x1024xf32, #tpu.memory_space<hbm>> -> memref<1x32x1024xf32, #tpu.memory_space<hbm>>
    %dma_wait3A_1676 = tpu.memref_squeeze %dma_wait3A_1675 : memref<1x32x1024xf32, #tpu.memory_space<hbm>> -> memref<32x1024xf32, #tpu.memory_space<hbm>>
    tpu.wait_dma2 semaphore(%arg11 : memref<!tpu.dma_semaphore, #tpu.memory_space<semaphore_mem>>) src(%arg7 : memref<32x1024xf32, #tpu.memory_space<vmem>>) dst(%dma_wait3A_1676 : memref<32x1024xf32, #tpu.memory_space<hbm>>)
    %dma_start3A_1677 = arith.constant 2 : i32
    %dma_start3A_1678 = arith.constant 192 : i32
    %dma_start3A_1679 = tpu.memref_slice %arg6[%dma_start3A_1677, %dma_start3A_1678] : memref<4x256xi32, #tpu.memory_space<vmem>> -> memref<1x32xi32, #tpu.memory_space<vmem>>
    %dma_start3A_1680 = tpu.memref_squeeze %dma_start3A_1679 : memref<1x32xi32, #tpu.memory_space<vmem>> -> memref<32xi32, #tpu.memory_space<vmem>>
    %dma_start3A_1681 = arith.constant 0 : i32
    %dma_start3A_1682 = arith.constant 0 : i32
    %dma_start3A_1683 = tpu.memref_slice %arg3[%dma_start3A_1681, %dma_start3A_1682] : memref<8194x1024xf32, #tpu.memory_space<hbm>> -> memref<8194x1024xf32, #tpu.memory_space<hbm>>
    tpu.enqueue_indirect_dma source(%dma_start3A_1683 : memref<8194x1024xf32, #tpu.memory_space<hbm>>) target(%arg7 : memref<32x1024xf32, #tpu.memory_space<vmem>>) offsets(%dma_start3A_1680 : memref<32xi32, #tpu.memory_space<vmem>>) semaphore(%arg9 : memref<!tpu.dma_semaphore, #tpu.memory_space<semaphore_mem>>)
    %add3A_1684 = arith.constant 160 : i32
    %add3A_1685 = arith.addi %mul3A_2, %add3A_1684 : i32
    %dma_start3A_1686 = arith.constant 2 : i32
    %dma_start3A_1687 = arith.constant 0 : i32
    %dma_start3A_1688 = tpu.memref_slice %arg4[%dma_start3A_1686, %add3A_1685, %dma_start3A_1687] : memref<4x8192x1024xf32, #tpu.memory_space<hbm>> -> memref<1x32x1024xf32, #tpu.memory_space<hbm>>
    %dma_start3A_1689 = tpu.memref_squeeze %dma_start3A_1688 : memref<1x32x1024xf32, #tpu.memory_space<hbm>> -> memref<32x1024xf32, #tpu.memory_space<hbm>>
    %dma_start3A_1690 = arith.constant 0 : i32
    %dma_start3A_1691 = tpu.memref_slice %arg4[%dma_start3A_1686, %add3A_1685, %dma_start3A_1690] : memref<4x8192x1024xf32, #tpu.memory_space<hbm>> -> memref<1x32x1024xf32, #tpu.memory_space<hbm>>
    %dma_start3A_1692 = tpu.memref_squeeze %dma_start3A_1691 : memref<1x32x1024xf32, #tpu.memory_space<hbm>> -> memref<32x1024xf32, #tpu.memory_space<hbm>>
    tpu.enqueue_dma source(%arg8 : memref<32x1024xf32, #tpu.memory_space<vmem>>) target(%dma_start3A_1692 : memref<32x1024xf32, #tpu.memory_space<hbm>>) target_semaphore(%arg12 : memref<!tpu.dma_semaphore, #tpu.memory_space<semaphore_mem>>)
    %dma_wait3A_1693 = arith.constant 2 : i32
    %dma_wait3A_1694 = arith.constant 192 : i32
    %dma_wait3A_1695 = tpu.memref_slice %arg6[%dma_wait3A_1693, %dma_wait3A_1694] : memref<4x256xi32, #tpu.memory_space<vmem>> -> memref<1x32xi32, #tpu.memory_space<vmem>>
    %dma_wait3A_1696 = tpu.memref_squeeze %dma_wait3A_1695 : memref<1x32xi32, #tpu.memory_space<vmem>> -> memref<32xi32, #tpu.memory_space<vmem>>
    %dma_wait3A_1697 = arith.constant 0 : i32
    %dma_wait3A_1698 = arith.constant 0 : i32
    %dma_wait3A_1699 = tpu.memref_slice %arg3[%dma_wait3A_1697, %dma_wait3A_1698] : memref<8194x1024xf32, #tpu.memory_space<hbm>> -> memref<8194x1024xf32, #tpu.memory_space<hbm>>
    tpu.wait_indirect_dma semaphore(%arg9 : memref<!tpu.dma_semaphore, #tpu.memory_space<semaphore_mem>>) src(%dma_wait3A_1699 : memref<8194x1024xf32, #tpu.memory_space<hbm>>) dst(%arg7 : memref<32x1024xf32, #tpu.memory_space<vmem>>)
    %dma_wait3A_1700 = arith.constant 2 : i32
    %dma_wait3A_1701 = arith.constant 0 : i32
    %dma_wait3A_1702 = tpu.memref_slice %arg4[%dma_wait3A_1700, %add3A_1685, %dma_wait3A_1701] : memref<4x8192x1024xf32, #tpu.memory_space<hbm>> -> memref<1x32x1024xf32, #tpu.memory_space<hbm>>
    %dma_wait3A_1703 = tpu.memref_squeeze %dma_wait3A_1702 : memref<1x32x1024xf32, #tpu.memory_space<hbm>> -> memref<32x1024xf32, #tpu.memory_space<hbm>>
    %dma_wait3A_1704 = arith.constant 0 : i32
    %dma_wait3A_1705 = tpu.memref_slice %arg4[%dma_wait3A_1700, %add3A_1685, %dma_wait3A_1704] : memref<4x8192x1024xf32, #tpu.memory_space<hbm>> -> memref<1x32x1024xf32, #tpu.memory_space<hbm>>
    %dma_wait3A_1706 = tpu.memref_squeeze %dma_wait3A_1705 : memref<1x32x1024xf32, #tpu.memory_space<hbm>> -> memref<32x1024xf32, #tpu.memory_space<hbm>>
    tpu.wait_dma2 semaphore(%arg12 : memref<!tpu.dma_semaphore, #tpu.memory_space<semaphore_mem>>) src(%arg8 : memref<32x1024xf32, #tpu.memory_space<vmem>>) dst(%dma_wait3A_1706 : memref<32x1024xf32, #tpu.memory_space<hbm>>)
    %dma_start3A_1707 = arith.constant 2 : i32
    %dma_start3A_1708 = arith.constant 224 : i32
    %dma_start3A_1709 = tpu.memref_slice %arg6[%dma_start3A_1707, %dma_start3A_1708] : memref<4x256xi32, #tpu.memory_space<vmem>> -> memref<1x32xi32, #tpu.memory_space<vmem>>
    %dma_start3A_1710 = tpu.memref_squeeze %dma_start3A_1709 : memref<1x32xi32, #tpu.memory_space<vmem>> -> memref<32xi32, #tpu.memory_space<vmem>>
    %dma_start3A_1711 = arith.constant 0 : i32
    %dma_start3A_1712 = arith.constant 0 : i32
    %dma_start3A_1713 = tpu.memref_slice %arg3[%dma_start3A_1711, %dma_start3A_1712] : memref<8194x1024xf32, #tpu.memory_space<hbm>> -> memref<8194x1024xf32, #tpu.memory_space<hbm>>
    tpu.enqueue_indirect_dma source(%dma_start3A_1713 : memref<8194x1024xf32, #tpu.memory_space<hbm>>) target(%arg8 : memref<32x1024xf32, #tpu.memory_space<vmem>>) offsets(%dma_start3A_1710 : memref<32xi32, #tpu.memory_space<vmem>>) semaphore(%arg10 : memref<!tpu.dma_semaphore, #tpu.memory_space<semaphore_mem>>)
    %add3A_1714 = arith.constant 192 : i32
    %add3A_1715 = arith.addi %mul3A_2, %add3A_1714 : i32
    %dma_start3A_1716 = arith.constant 2 : i32
    %dma_start3A_1717 = arith.constant 0 : i32
    %dma_start3A_1718 = tpu.memref_slice %arg4[%dma_start3A_1716, %add3A_1715, %dma_start3A_1717] : memref<4x8192x1024xf32, #tpu.memory_space<hbm>> -> memref<1x32x1024xf32, #tpu.memory_space<hbm>>
    %dma_start3A_1719 = tpu.memref_squeeze %dma_start3A_1718 : memref<1x32x1024xf32, #tpu.memory_space<hbm>> -> memref<32x1024xf32, #tpu.memory_space<hbm>>
    %dma_start3A_1720 = arith.constant 0 : i32
    %dma_start3A_1721 = tpu.memref_slice %arg4[%dma_start3A_1716, %add3A_1715, %dma_start3A_1720] : memref<4x8192x1024xf32, #tpu.memory_space<hbm>> -> memref<1x32x1024xf32, #tpu.memory_space<hbm>>
    %dma_start3A_1722 = tpu.memref_squeeze %dma_start3A_1721 : memref<1x32x1024xf32, #tpu.memory_space<hbm>> -> memref<32x1024xf32, #tpu.memory_space<hbm>>
    tpu.enqueue_dma source(%arg7 : memref<32x1024xf32, #tpu.memory_space<vmem>>) target(%dma_start3A_1722 : memref<32x1024xf32, #tpu.memory_space<hbm>>) target_semaphore(%arg11 : memref<!tpu.dma_semaphore, #tpu.memory_space<semaphore_mem>>)
    %dma_wait3A_1723 = arith.constant 2 : i32
    %dma_wait3A_1724 = arith.constant 224 : i32
    %dma_wait3A_1725 = tpu.memref_slice %arg6[%dma_wait3A_1723, %dma_wait3A_1724] : memref<4x256xi32, #tpu.memory_space<vmem>> -> memref<1x32xi32, #tpu.memory_space<vmem>>
    %dma_wait3A_1726 = tpu.memref_squeeze %dma_wait3A_1725 : memref<1x32xi32, #tpu.memory_space<vmem>> -> memref<32xi32, #tpu.memory_space<vmem>>
    %dma_wait3A_1727 = arith.constant 0 : i32
    %dma_wait3A_1728 = arith.constant 0 : i32
    %dma_wait3A_1729 = tpu.memref_slice %arg3[%dma_wait3A_1727, %dma_wait3A_1728] : memref<8194x1024xf32, #tpu.memory_space<hbm>> -> memref<8194x1024xf32, #tpu.memory_space<hbm>>
    tpu.wait_indirect_dma semaphore(%arg10 : memref<!tpu.dma_semaphore, #tpu.memory_space<semaphore_mem>>) src(%dma_wait3A_1729 : memref<8194x1024xf32, #tpu.memory_space<hbm>>) dst(%arg8 : memref<32x1024xf32, #tpu.memory_space<vmem>>)
    %dma_wait3A_1730 = arith.constant 2 : i32
    %dma_wait3A_1731 = arith.constant 0 : i32
    %dma_wait3A_1732 = tpu.memref_slice %arg4[%dma_wait3A_1730, %add3A_1715, %dma_wait3A_1731] : memref<4x8192x1024xf32, #tpu.memory_space<hbm>> -> memref<1x32x1024xf32, #tpu.memory_space<hbm>>
    %dma_wait3A_1733 = tpu.memref_squeeze %dma_wait3A_1732 : memref<1x32x1024xf32, #tpu.memory_space<hbm>> -> memref<32x1024xf32, #tpu.memory_space<hbm>>
    %dma_wait3A_1734 = arith.constant 0 : i32
    %dma_wait3A_1735 = tpu.memref_slice %arg4[%dma_wait3A_1730, %add3A_1715, %dma_wait3A_1734] : memref<4x8192x1024xf32, #tpu.memory_space<hbm>> -> memref<1x32x1024xf32, #tpu.memory_space<hbm>>
    %dma_wait3A_1736 = tpu.memref_squeeze %dma_wait3A_1735 : memref<1x32x1024xf32, #tpu.memory_space<hbm>> -> memref<32x1024xf32, #tpu.memory_space<hbm>>
    tpu.wait_dma2 semaphore(%arg11 : memref<!tpu.dma_semaphore, #tpu.memory_space<semaphore_mem>>) src(%arg7 : memref<32x1024xf32, #tpu.memory_space<vmem>>) dst(%dma_wait3A_1736 : memref<32x1024xf32, #tpu.memory_space<hbm>>)
    %dma_start3A_1737 = arith.constant 3 : i32
    %dma_start3A_1738 = arith.constant 0 : i32
    %dma_start3A_1739 = tpu.memref_slice %arg6[%dma_start3A_1737, %dma_start3A_1738] : memref<4x256xi32, #tpu.memory_space<vmem>> -> memref<1x32xi32, #tpu.memory_space<vmem>>
    %dma_start3A_1740 = tpu.memref_squeeze %dma_start3A_1739 : memref<1x32xi32, #tpu.memory_space<vmem>> -> memref<32xi32, #tpu.memory_space<vmem>>
    %dma_start3A_1741 = arith.constant 0 : i32
    %dma_start3A_1742 = arith.constant 0 : i32
    %dma_start3A_1743 = tpu.memref_slice %arg3[%dma_start3A_1741, %dma_start3A_1742] : memref<8194x1024xf32, #tpu.memory_space<hbm>> -> memref<8194x1024xf32, #tpu.memory_space<hbm>>
    tpu.enqueue_indirect_dma source(%dma_start3A_1743 : memref<8194x1024xf32, #tpu.memory_space<hbm>>) target(%arg7 : memref<32x1024xf32, #tpu.memory_space<vmem>>) offsets(%dma_start3A_1740 : memref<32xi32, #tpu.memory_space<vmem>>) semaphore(%arg9 : memref<!tpu.dma_semaphore, #tpu.memory_space<semaphore_mem>>)
    %add3A_1744 = arith.constant 224 : i32
    %add3A_1745 = arith.addi %mul3A_2, %add3A_1744 : i32
    %dma_start3A_1746 = arith.constant 2 : i32
    %dma_start3A_1747 = arith.constant 0 : i32
    %dma_start3A_1748 = tpu.memref_slice %arg4[%dma_start3A_1746, %add3A_1745, %dma_start3A_1747] : memref<4x8192x1024xf32, #tpu.memory_space<hbm>> -> memref<1x32x1024xf32, #tpu.memory_space<hbm>>
    %dma_start3A_1749 = tpu.memref_squeeze %dma_start3A_1748 : memref<1x32x1024xf32, #tpu.memory_space<hbm>> -> memref<32x1024xf32, #tpu.memory_space<hbm>>
    %dma_start3A_1750 = arith.constant 0 : i32
    %dma_start3A_1751 = tpu.memref_slice %arg4[%dma_start3A_1746, %add3A_1745, %dma_start3A_1750] : memref<4x8192x1024xf32, #tpu.memory_space<hbm>> -> memref<1x32x1024xf32, #tpu.memory_space<hbm>>
    %dma_start3A_1752 = tpu.memref_squeeze %dma_start3A_1751 : memref<1x32x1024xf32, #tpu.memory_space<hbm>> -> memref<32x1024xf32, #tpu.memory_space<hbm>>
    tpu.enqueue_dma source(%arg8 : memref<32x1024xf32, #tpu.memory_space<vmem>>) target(%dma_start3A_1752 : memref<32x1024xf32, #tpu.memory_space<hbm>>) target_semaphore(%arg12 : memref<!tpu.dma_semaphore, #tpu.memory_space<semaphore_mem>>)
    %dma_wait3A_1753 = arith.constant 3 : i32
    %dma_wait3A_1754 = arith.constant 0 : i32
    %dma_wait3A_1755 = tpu.memref_slice %arg6[%dma_wait3A_1753, %dma_wait3A_1754] : memref<4x256xi32, #tpu.memory_space<vmem>> -> memref<1x32xi32, #tpu.memory_space<vmem>>
    %dma_wait3A_1756 = tpu.memref_squeeze %dma_wait3A_1755 : memref<1x32xi32, #tpu.memory_space<vmem>> -> memref<32xi32, #tpu.memory_space<vmem>>
    %dma_wait3A_1757 = arith.constant 0 : i32
    %dma_wait3A_1758 = arith.constant 0 : i32
    %dma_wait3A_1759 = tpu.memref_slice %arg3[%dma_wait3A_1757, %dma_wait3A_1758] : memref<8194x1024xf32, #tpu.memory_space<hbm>> -> memref<8194x1024xf32, #tpu.memory_space<hbm>>
    tpu.wait_indirect_dma semaphore(%arg9 : memref<!tpu.dma_semaphore, #tpu.memory_space<semaphore_mem>>) src(%dma_wait3A_1759 : memref<8194x1024xf32, #tpu.memory_space<hbm>>) dst(%arg7 : memref<32x1024xf32, #tpu.memory_space<vmem>>)
    %dma_wait3A_1760 = arith.constant 2 : i32
    %dma_wait3A_1761 = arith.constant 0 : i32
    %dma_wait3A_1762 = tpu.memref_slice %arg4[%dma_wait3A_1760, %add3A_1745, %dma_wait3A_1761] : memref<4x8192x1024xf32, #tpu.memory_space<hbm>> -> memref<1x32x1024xf32, #tpu.memory_space<hbm>>
    %dma_wait3A_1763 = tpu.memref_squeeze %dma_wait3A_1762 : memref<1x32x1024xf32, #tpu.memory_space<hbm>> -> memref<32x1024xf32, #tpu.memory_space<hbm>>
    %dma_wait3A_1764 = arith.constant 0 : i32
    %dma_wait3A_1765 = tpu.memref_slice %arg4[%dma_wait3A_1760, %add3A_1745, %dma_wait3A_1764] : memref<4x8192x1024xf32, #tpu.memory_space<hbm>> -> memref<1x32x1024xf32, #tpu.memory_space<hbm>>
    %dma_wait3A_1766 = tpu.memref_squeeze %dma_wait3A_1765 : memref<1x32x1024xf32, #tpu.memory_space<hbm>> -> memref<32x1024xf32, #tpu.memory_space<hbm>>
    tpu.wait_dma2 semaphore(%arg12 : memref<!tpu.dma_semaphore, #tpu.memory_space<semaphore_mem>>) src(%arg8 : memref<32x1024xf32, #tpu.memory_space<vmem>>) dst(%dma_wait3A_1766 : memref<32x1024xf32, #tpu.memory_space<hbm>>)
    %dma_start3A_1767 = arith.constant 3 : i32
    %dma_start3A_1768 = arith.constant 32 : i32
    %dma_start3A_1769 = tpu.memref_slice %arg6[%dma_start3A_1767, %dma_start3A_1768] : memref<4x256xi32, #tpu.memory_space<vmem>> -> memref<1x32xi32, #tpu.memory_space<vmem>>
    %dma_start3A_1770 = tpu.memref_squeeze %dma_start3A_1769 : memref<1x32xi32, #tpu.memory_space<vmem>> -> memref<32xi32, #tpu.memory_space<vmem>>
    %dma_start3A_1771 = arith.constant 0 : i32
    %dma_start3A_1772 = arith.constant 0 : i32
    %dma_start3A_1773 = tpu.memref_slice %arg3[%dma_start3A_1771, %dma_start3A_1772] : memref<8194x1024xf32, #tpu.memory_space<hbm>> -> memref<8194x1024xf32, #tpu.memory_space<hbm>>
    tpu.enqueue_indirect_dma source(%dma_start3A_1773 : memref<8194x1024xf32, #tpu.memory_space<hbm>>) target(%arg8 : memref<32x1024xf32, #tpu.memory_space<vmem>>) offsets(%dma_start3A_1770 : memref<32xi32, #tpu.memory_space<vmem>>) semaphore(%arg10 : memref<!tpu.dma_semaphore, #tpu.memory_space<semaphore_mem>>)
    %add3A_1774 = arith.constant 0 : i32
    %add3A_1775 = arith.addi %mul3A_2, %add3A_1774 : i32
    %dma_start3A_1776 = arith.constant 3 : i32
    %dma_start3A_1777 = arith.constant 0 : i32
    %dma_start3A_1778 = tpu.memref_slice %arg4[%dma_start3A_1776, %add3A_1775, %dma_start3A_1777] : memref<4x8192x1024xf32, #tpu.memory_space<hbm>> -> memref<1x32x1024xf32, #tpu.memory_space<hbm>>
    %dma_start3A_1779 = tpu.memref_squeeze %dma_start3A_1778 : memref<1x32x1024xf32, #tpu.memory_space<hbm>> -> memref<32x1024xf32, #tpu.memory_space<hbm>>
    %dma_start3A_1780 = arith.constant 0 : i32
    %dma_start3A_1781 = tpu.memref_slice %arg4[%dma_start3A_1776, %add3A_1775, %dma_start3A_1780] : memref<4x8192x1024xf32, #tpu.memory_space<hbm>> -> memref<1x32x1024xf32, #tpu.memory_space<hbm>>
    %dma_start3A_1782 = tpu.memref_squeeze %dma_start3A_1781 : memref<1x32x1024xf32, #tpu.memory_space<hbm>> -> memref<32x1024xf32, #tpu.memory_space<hbm>>
    tpu.enqueue_dma source(%arg7 : memref<32x1024xf32, #tpu.memory_space<vmem>>) target(%dma_start3A_1782 : memref<32x1024xf32, #tpu.memory_space<hbm>>) target_semaphore(%arg11 : memref<!tpu.dma_semaphore, #tpu.memory_space<semaphore_mem>>)
    %dma_wait3A_1783 = arith.constant 3 : i32
    %dma_wait3A_1784 = arith.constant 32 : i32
    %dma_wait3A_1785 = tpu.memref_slice %arg6[%dma_wait3A_1783, %dma_wait3A_1784] : memref<4x256xi32, #tpu.memory_space<vmem>> -> memref<1x32xi32, #tpu.memory_space<vmem>>
    %dma_wait3A_1786 = tpu.memref_squeeze %dma_wait3A_1785 : memref<1x32xi32, #tpu.memory_space<vmem>> -> memref<32xi32, #tpu.memory_space<vmem>>
    %dma_wait3A_1787 = arith.constant 0 : i32
    %dma_wait3A_1788 = arith.constant 0 : i32
    %dma_wait3A_1789 = tpu.memref_slice %arg3[%dma_wait3A_1787, %dma_wait3A_1788] : memref<8194x1024xf32, #tpu.memory_space<hbm>> -> memref<8194x1024xf32, #tpu.memory_space<hbm>>
    tpu.wait_indirect_dma semaphore(%arg10 : memref<!tpu.dma_semaphore, #tpu.memory_space<semaphore_mem>>) src(%dma_wait3A_1789 : memref<8194x1024xf32, #tpu.memory_space<hbm>>) dst(%arg8 : memref<32x1024xf32, #tpu.memory_space<vmem>>)
    %dma_wait3A_1790 = arith.constant 3 : i32
    %dma_wait3A_1791 = arith.constant 0 : i32
    %dma_wait3A_1792 = tpu.memref_slice %arg4[%dma_wait3A_1790, %add3A_1775, %dma_wait3A_1791] : memref<4x8192x1024xf32, #tpu.memory_space<hbm>> -> memref<1x32x1024xf32, #tpu.memory_space<hbm>>
    %dma_wait3A_1793 = tpu.memref_squeeze %dma_wait3A_1792 : memref<1x32x1024xf32, #tpu.memory_space<hbm>> -> memref<32x1024xf32, #tpu.memory_space<hbm>>
    %dma_wait3A_1794 = arith.constant 0 : i32
    %dma_wait3A_1795 = tpu.memref_slice %arg4[%dma_wait3A_1790, %add3A_1775, %dma_wait3A_1794] : memref<4x8192x1024xf32, #tpu.memory_space<hbm>> -> memref<1x32x1024xf32, #tpu.memory_space<hbm>>
    %dma_wait3A_1796 = tpu.memref_squeeze %dma_wait3A_1795 : memref<1x32x1024xf32, #tpu.memory_space<hbm>> -> memref<32x1024xf32, #tpu.memory_space<hbm>>
    tpu.wait_dma2 semaphore(%arg11 : memref<!tpu.dma_semaphore, #tpu.memory_space<semaphore_mem>>) src(%arg7 : memref<32x1024xf32, #tpu.memory_space<vmem>>) dst(%dma_wait3A_1796 : memref<32x1024xf32, #tpu.memory_space<hbm>>)
    %dma_start3A_1797 = arith.constant 3 : i32
    %dma_start3A_1798 = arith.constant 64 : i32
    %dma_start3A_1799 = tpu.memref_slice %arg6[%dma_start3A_1797, %dma_start3A_1798] : memref<4x256xi32, #tpu.memory_space<vmem>> -> memref<1x32xi32, #tpu.memory_space<vmem>>
    %dma_start3A_1800 = tpu.memref_squeeze %dma_start3A_1799 : memref<1x32xi32, #tpu.memory_space<vmem>> -> memref<32xi32, #tpu.memory_space<vmem>>
    %dma_start3A_1801 = arith.constant 0 : i32
    %dma_start3A_1802 = arith.constant 0 : i32
    %dma_start3A_1803 = tpu.memref_slice %arg3[%dma_start3A_1801, %dma_start3A_1802] : memref<8194x1024xf32, #tpu.memory_space<hbm>> -> memref<8194x1024xf32, #tpu.memory_space<hbm>>
    tpu.enqueue_indirect_dma source(%dma_start3A_1803 : memref<8194x1024xf32, #tpu.memory_space<hbm>>) target(%arg7 : memref<32x1024xf32, #tpu.memory_space<vmem>>) offsets(%dma_start3A_1800 : memref<32xi32, #tpu.memory_space<vmem>>) semaphore(%arg9 : memref<!tpu.dma_semaphore, #tpu.memory_space<semaphore_mem>>)
    %add3A_1804 = arith.constant 32 : i32
    %add3A_1805 = arith.addi %mul3A_2, %add3A_1804 : i32
    %dma_start3A_1806 = arith.constant 3 : i32
    %dma_start3A_1807 = arith.constant 0 : i32
    %dma_start3A_1808 = tpu.memref_slice %arg4[%dma_start3A_1806, %add3A_1805, %dma_start3A_1807] : memref<4x8192x1024xf32, #tpu.memory_space<hbm>> -> memref<1x32x1024xf32, #tpu.memory_space<hbm>>
    %dma_start3A_1809 = tpu.memref_squeeze %dma_start3A_1808 : memref<1x32x1024xf32, #tpu.memory_space<hbm>> -> memref<32x1024xf32, #tpu.memory_space<hbm>>
    %dma_start3A_1810 = arith.constant 0 : i32
    %dma_start3A_1811 = tpu.memref_slice %arg4[%dma_start3A_1806, %add3A_1805, %dma_start3A_1810] : memref<4x8192x1024xf32, #tpu.memory_space<hbm>> -> memref<1x32x1024xf32, #tpu.memory_space<hbm>>
    %dma_start3A_1812 = tpu.memref_squeeze %dma_start3A_1811 : memref<1x32x1024xf32, #tpu.memory_space<hbm>> -> memref<32x1024xf32, #tpu.memory_space<hbm>>
    tpu.enqueue_dma source(%arg8 : memref<32x1024xf32, #tpu.memory_space<vmem>>) target(%dma_start3A_1812 : memref<32x1024xf32, #tpu.memory_space<hbm>>) target_semaphore(%arg12 : memref<!tpu.dma_semaphore, #tpu.memory_space<semaphore_mem>>)
    %dma_wait3A_1813 = arith.constant 3 : i32
    %dma_wait3A_1814 = arith.constant 64 : i32
    %dma_wait3A_1815 = tpu.memref_slice %arg6[%dma_wait3A_1813, %dma_wait3A_1814] : memref<4x256xi32, #tpu.memory_space<vmem>> -> memref<1x32xi32, #tpu.memory_space<vmem>>
    %dma_wait3A_1816 = tpu.memref_squeeze %dma_wait3A_1815 : memref<1x32xi32, #tpu.memory_space<vmem>> -> memref<32xi32, #tpu.memory_space<vmem>>
    %dma_wait3A_1817 = arith.constant 0 : i32
    %dma_wait3A_1818 = arith.constant 0 : i32
    %dma_wait3A_1819 = tpu.memref_slice %arg3[%dma_wait3A_1817, %dma_wait3A_1818] : memref<8194x1024xf32, #tpu.memory_space<hbm>> -> memref<8194x1024xf32, #tpu.memory_space<hbm>>
    tpu.wait_indirect_dma semaphore(%arg9 : memref<!tpu.dma_semaphore, #tpu.memory_space<semaphore_mem>>) src(%dma_wait3A_1819 : memref<8194x1024xf32, #tpu.memory_space<hbm>>) dst(%arg7 : memref<32x1024xf32, #tpu.memory_space<vmem>>)
    %dma_wait3A_1820 = arith.constant 3 : i32
    %dma_wait3A_1821 = arith.constant 0 : i32
    %dma_wait3A_1822 = tpu.memref_slice %arg4[%dma_wait3A_1820, %add3A_1805, %dma_wait3A_1821] : memref<4x8192x1024xf32, #tpu.memory_space<hbm>> -> memref<1x32x1024xf32, #tpu.memory_space<hbm>>
    %dma_wait3A_1823 = tpu.memref_squeeze %dma_wait3A_1822 : memref<1x32x1024xf32, #tpu.memory_space<hbm>> -> memref<32x1024xf32, #tpu.memory_space<hbm>>
    %dma_wait3A_1824 = arith.constant 0 : i32
    %dma_wait3A_1825 = tpu.memref_slice %arg4[%dma_wait3A_1820, %add3A_1805, %dma_wait3A_1824] : memref<4x8192x1024xf32, #tpu.memory_space<hbm>> -> memref<1x32x1024xf32, #tpu.memory_space<hbm>>
    %dma_wait3A_1826 = tpu.memref_squeeze %dma_wait3A_1825 : memref<1x32x1024xf32, #tpu.memory_space<hbm>> -> memref<32x1024xf32, #tpu.memory_space<hbm>>
    tpu.wait_dma2 semaphore(%arg12 : memref<!tpu.dma_semaphore, #tpu.memory_space<semaphore_mem>>) src(%arg8 : memref<32x1024xf32, #tpu.memory_space<vmem>>) dst(%dma_wait3A_1826 : memref<32x1024xf32, #tpu.memory_space<hbm>>)
    %dma_start3A_1827 = arith.constant 3 : i32
    %dma_start3A_1828 = arith.constant 96 : i32
    %dma_start3A_1829 = tpu.memref_slice %arg6[%dma_start3A_1827, %dma_start3A_1828] : memref<4x256xi32, #tpu.memory_space<vmem>> -> memref<1x32xi32, #tpu.memory_space<vmem>>
    %dma_start3A_1830 = tpu.memref_squeeze %dma_start3A_1829 : memref<1x32xi32, #tpu.memory_space<vmem>> -> memref<32xi32, #tpu.memory_space<vmem>>
    %dma_start3A_1831 = arith.constant 0 : i32
    %dma_start3A_1832 = arith.constant 0 : i32
    %dma_start3A_1833 = tpu.memref_slice %arg3[%dma_start3A_1831, %dma_start3A_1832] : memref<8194x1024xf32, #tpu.memory_space<hbm>> -> memref<8194x1024xf32, #tpu.memory_space<hbm>>
    tpu.enqueue_indirect_dma source(%dma_start3A_1833 : memref<8194x1024xf32, #tpu.memory_space<hbm>>) target(%arg8 : memref<32x1024xf32, #tpu.memory_space<vmem>>) offsets(%dma_start3A_1830 : memref<32xi32, #tpu.memory_space<vmem>>) semaphore(%arg10 : memref<!tpu.dma_semaphore, #tpu.memory_space<semaphore_mem>>)
    %add3A_1834 = arith.constant 64 : i32
    %add3A_1835 = arith.addi %mul3A_2, %add3A_1834 : i32
    %dma_start3A_1836 = arith.constant 3 : i32
    %dma_start3A_1837 = arith.constant 0 : i32
    %dma_start3A_1838 = tpu.memref_slice %arg4[%dma_start3A_1836, %add3A_1835, %dma_start3A_1837] : memref<4x8192x1024xf32, #tpu.memory_space<hbm>> -> memref<1x32x1024xf32, #tpu.memory_space<hbm>>
    %dma_start3A_1839 = tpu.memref_squeeze %dma_start3A_1838 : memref<1x32x1024xf32, #tpu.memory_space<hbm>> -> memref<32x1024xf32, #tpu.memory_space<hbm>>
    %dma_start3A_1840 = arith.constant 0 : i32
    %dma_start3A_1841 = tpu.memref_slice %arg4[%dma_start3A_1836, %add3A_1835, %dma_start3A_1840] : memref<4x8192x1024xf32, #tpu.memory_space<hbm>> -> memref<1x32x1024xf32, #tpu.memory_space<hbm>>
    %dma_start3A_1842 = tpu.memref_squeeze %dma_start3A_1841 : memref<1x32x1024xf32, #tpu.memory_space<hbm>> -> memref<32x1024xf32, #tpu.memory_space<hbm>>
    tpu.enqueue_dma source(%arg7 : memref<32x1024xf32, #tpu.memory_space<vmem>>) target(%dma_start3A_1842 : memref<32x1024xf32, #tpu.memory_space<hbm>>) target_semaphore(%arg11 : memref<!tpu.dma_semaphore, #tpu.memory_space<semaphore_mem>>)
    %dma_wait3A_1843 = arith.constant 3 : i32
    %dma_wait3A_1844 = arith.constant 96 : i32
    %dma_wait3A_1845 = tpu.memref_slice %arg6[%dma_wait3A_1843, %dma_wait3A_1844] : memref<4x256xi32, #tpu.memory_space<vmem>> -> memref<1x32xi32, #tpu.memory_space<vmem>>
    %dma_wait3A_1846 = tpu.memref_squeeze %dma_wait3A_1845 : memref<1x32xi32, #tpu.memory_space<vmem>> -> memref<32xi32, #tpu.memory_space<vmem>>
    %dma_wait3A_1847 = arith.constant 0 : i32
    %dma_wait3A_1848 = arith.constant 0 : i32
    %dma_wait3A_1849 = tpu.memref_slice %arg3[%dma_wait3A_1847, %dma_wait3A_1848] : memref<8194x1024xf32, #tpu.memory_space<hbm>> -> memref<8194x1024xf32, #tpu.memory_space<hbm>>
    tpu.wait_indirect_dma semaphore(%arg10 : memref<!tpu.dma_semaphore, #tpu.memory_space<semaphore_mem>>) src(%dma_wait3A_1849 : memref<8194x1024xf32, #tpu.memory_space<hbm>>) dst(%arg8 : memref<32x1024xf32, #tpu.memory_space<vmem>>)
    %dma_wait3A_1850 = arith.constant 3 : i32
    %dma_wait3A_1851 = arith.constant 0 : i32
    %dma_wait3A_1852 = tpu.memref_slice %arg4[%dma_wait3A_1850, %add3A_1835, %dma_wait3A_1851] : memref<4x8192x1024xf32, #tpu.memory_space<hbm>> -> memref<1x32x1024xf32, #tpu.memory_space<hbm>>
    %dma_wait3A_1853 = tpu.memref_squeeze %dma_wait3A_1852 : memref<1x32x1024xf32, #tpu.memory_space<hbm>> -> memref<32x1024xf32, #tpu.memory_space<hbm>>
    %dma_wait3A_1854 = arith.constant 0 : i32
    %dma_wait3A_1855 = tpu.memref_slice %arg4[%dma_wait3A_1850, %add3A_1835, %dma_wait3A_1854] : memref<4x8192x1024xf32, #tpu.memory_space<hbm>> -> memref<1x32x1024xf32, #tpu.memory_space<hbm>>
    %dma_wait3A_1856 = tpu.memref_squeeze %dma_wait3A_1855 : memref<1x32x1024xf32, #tpu.memory_space<hbm>> -> memref<32x1024xf32, #tpu.memory_space<hbm>>
    tpu.wait_dma2 semaphore(%arg11 : memref<!tpu.dma_semaphore, #tpu.memory_space<semaphore_mem>>) src(%arg7 : memref<32x1024xf32, #tpu.memory_space<vmem>>) dst(%dma_wait3A_1856 : memref<32x1024xf32, #tpu.memory_space<hbm>>)
    %dma_start3A_1857 = arith.constant 3 : i32
    %dma_start3A_1858 = arith.constant 128 : i32
    %dma_start3A_1859 = tpu.memref_slice %arg6[%dma_start3A_1857, %dma_start3A_1858] : memref<4x256xi32, #tpu.memory_space<vmem>> -> memref<1x32xi32, #tpu.memory_space<vmem>>
    %dma_start3A_1860 = tpu.memref_squeeze %dma_start3A_1859 : memref<1x32xi32, #tpu.memory_space<vmem>> -> memref<32xi32, #tpu.memory_space<vmem>>
    %dma_start3A_1861 = arith.constant 0 : i32
    %dma_start3A_1862 = arith.constant 0 : i32
    %dma_start3A_1863 = tpu.memref_slice %arg3[%dma_start3A_1861, %dma_start3A_1862] : memref<8194x1024xf32, #tpu.memory_space<hbm>> -> memref<8194x1024xf32, #tpu.memory_space<hbm>>
    tpu.enqueue_indirect_dma source(%dma_start3A_1863 : memref<8194x1024xf32, #tpu.memory_space<hbm>>) target(%arg7 : memref<32x1024xf32, #tpu.memory_space<vmem>>) offsets(%dma_start3A_1860 : memref<32xi32, #tpu.memory_space<vmem>>) semaphore(%arg9 : memref<!tpu.dma_semaphore, #tpu.memory_space<semaphore_mem>>)
    %add3A_1864 = arith.constant 96 : i32
    %add3A_1865 = arith.addi %mul3A_2, %add3A_1864 : i32
    %dma_start3A_1866 = arith.constant 3 : i32
    %dma_start3A_1867 = arith.constant 0 : i32
    %dma_start3A_1868 = tpu.memref_slice %arg4[%dma_start3A_1866, %add3A_1865, %dma_start3A_1867] : memref<4x8192x1024xf32, #tpu.memory_space<hbm>> -> memref<1x32x1024xf32, #tpu.memory_space<hbm>>
    %dma_start3A_1869 = tpu.memref_squeeze %dma_start3A_1868 : memref<1x32x1024xf32, #tpu.memory_space<hbm>> -> memref<32x1024xf32, #tpu.memory_space<hbm>>
    %dma_start3A_1870 = arith.constant 0 : i32
    %dma_start3A_1871 = tpu.memref_slice %arg4[%dma_start3A_1866, %add3A_1865, %dma_start3A_1870] : memref<4x8192x1024xf32, #tpu.memory_space<hbm>> -> memref<1x32x1024xf32, #tpu.memory_space<hbm>>
    %dma_start3A_1872 = tpu.memref_squeeze %dma_start3A_1871 : memref<1x32x1024xf32, #tpu.memory_space<hbm>> -> memref<32x1024xf32, #tpu.memory_space<hbm>>
    tpu.enqueue_dma source(%arg8 : memref<32x1024xf32, #tpu.memory_space<vmem>>) target(%dma_start3A_1872 : memref<32x1024xf32, #tpu.memory_space<hbm>>) target_semaphore(%arg12 : memref<!tpu.dma_semaphore, #tpu.memory_space<semaphore_mem>>)
    %dma_wait3A_1873 = arith.constant 3 : i32
    %dma_wait3A_1874 = arith.constant 128 : i32
    %dma_wait3A_1875 = tpu.memref_slice %arg6[%dma_wait3A_1873, %dma_wait3A_1874] : memref<4x256xi32, #tpu.memory_space<vmem>> -> memref<1x32xi32, #tpu.memory_space<vmem>>
    %dma_wait3A_1876 = tpu.memref_squeeze %dma_wait3A_1875 : memref<1x32xi32, #tpu.memory_space<vmem>> -> memref<32xi32, #tpu.memory_space<vmem>>
    %dma_wait3A_1877 = arith.constant 0 : i32
    %dma_wait3A_1878 = arith.constant 0 : i32
    %dma_wait3A_1879 = tpu.memref_slice %arg3[%dma_wait3A_1877, %dma_wait3A_1878] : memref<8194x1024xf32, #tpu.memory_space<hbm>> -> memref<8194x1024xf32, #tpu.memory_space<hbm>>
    tpu.wait_indirect_dma semaphore(%arg9 : memref<!tpu.dma_semaphore, #tpu.memory_space<semaphore_mem>>) src(%dma_wait3A_1879 : memref<8194x1024xf32, #tpu.memory_space<hbm>>) dst(%arg7 : memref<32x1024xf32, #tpu.memory_space<vmem>>)
    %dma_wait3A_1880 = arith.constant 3 : i32
    %dma_wait3A_1881 = arith.constant 0 : i32
    %dma_wait3A_1882 = tpu.memref_slice %arg4[%dma_wait3A_1880, %add3A_1865, %dma_wait3A_1881] : memref<4x8192x1024xf32, #tpu.memory_space<hbm>> -> memref<1x32x1024xf32, #tpu.memory_space<hbm>>
    %dma_wait3A_1883 = tpu.memref_squeeze %dma_wait3A_1882 : memref<1x32x1024xf32, #tpu.memory_space<hbm>> -> memref<32x1024xf32, #tpu.memory_space<hbm>>
    %dma_wait3A_1884 = arith.constant 0 : i32
    %dma_wait3A_1885 = tpu.memref_slice %arg4[%dma_wait3A_1880, %add3A_1865, %dma_wait3A_1884] : memref<4x8192x1024xf32, #tpu.memory_space<hbm>> -> memref<1x32x1024xf32, #tpu.memory_space<hbm>>
    %dma_wait3A_1886 = tpu.memref_squeeze %dma_wait3A_1885 : memref<1x32x1024xf32, #tpu.memory_space<hbm>> -> memref<32x1024xf32, #tpu.memory_space<hbm>>
    tpu.wait_dma2 semaphore(%arg12 : memref<!tpu.dma_semaphore, #tpu.memory_space<semaphore_mem>>) src(%arg8 : memref<32x1024xf32, #tpu.memory_space<vmem>>) dst(%dma_wait3A_1886 : memref<32x1024xf32, #tpu.memory_space<hbm>>)
    %dma_start3A_1887 = arith.constant 3 : i32
    %dma_start3A_1888 = arith.constant 160 : i32
    %dma_start3A_1889 = tpu.memref_slice %arg6[%dma_start3A_1887, %dma_start3A_1888] : memref<4x256xi32, #tpu.memory_space<vmem>> -> memref<1x32xi32, #tpu.memory_space<vmem>>
    %dma_start3A_1890 = tpu.memref_squeeze %dma_start3A_1889 : memref<1x32xi32, #tpu.memory_space<vmem>> -> memref<32xi32, #tpu.memory_space<vmem>>
    %dma_start3A_1891 = arith.constant 0 : i32
    %dma_start3A_1892 = arith.constant 0 : i32
    %dma_start3A_1893 = tpu.memref_slice %arg3[%dma_start3A_1891, %dma_start3A_1892] : memref<8194x1024xf32, #tpu.memory_space<hbm>> -> memref<8194x1024xf32, #tpu.memory_space<hbm>>
    tpu.enqueue_indirect_dma source(%dma_start3A_1893 : memref<8194x1024xf32, #tpu.memory_space<hbm>>) target(%arg8 : memref<32x1024xf32, #tpu.memory_space<vmem>>) offsets(%dma_start3A_1890 : memref<32xi32, #tpu.memory_space<vmem>>) semaphore(%arg10 : memref<!tpu.dma_semaphore, #tpu.memory_space<semaphore_mem>>)
    %add3A_1894 = arith.constant 128 : i32
    %add3A_1895 = arith.addi %mul3A_2, %add3A_1894 : i32
    %dma_start3A_1896 = arith.constant 3 : i32
    %dma_start3A_1897 = arith.constant 0 : i32
    %dma_start3A_1898 = tpu.memref_slice %arg4[%dma_start3A_1896, %add3A_1895, %dma_start3A_1897] : memref<4x8192x1024xf32, #tpu.memory_space<hbm>> -> memref<1x32x1024xf32, #tpu.memory_space<hbm>>
    %dma_start3A_1899 = tpu.memref_squeeze %dma_start3A_1898 : memref<1x32x1024xf32, #tpu.memory_space<hbm>> -> memref<32x1024xf32, #tpu.memory_space<hbm>>
    %dma_start3A_1900 = arith.constant 0 : i32
    %dma_start3A_1901 = tpu.memref_slice %arg4[%dma_start3A_1896, %add3A_1895, %dma_start3A_1900] : memref<4x8192x1024xf32, #tpu.memory_space<hbm>> -> memref<1x32x1024xf32, #tpu.memory_space<hbm>>
    %dma_start3A_1902 = tpu.memref_squeeze %dma_start3A_1901 : memref<1x32x1024xf32, #tpu.memory_space<hbm>> -> memref<32x1024xf32, #tpu.memory_space<hbm>>
    tpu.enqueue_dma source(%arg7 : memref<32x1024xf32, #tpu.memory_space<vmem>>) target(%dma_start3A_1902 : memref<32x1024xf32, #tpu.memory_space<hbm>>) target_semaphore(%arg11 : memref<!tpu.dma_semaphore, #tpu.memory_space<semaphore_mem>>)
    %dma_wait3A_1903 = arith.constant 3 : i32
    %dma_wait3A_1904 = arith.constant 160 : i32
    %dma_wait3A_1905 = tpu.memref_slice %arg6[%dma_wait3A_1903, %dma_wait3A_1904] : memref<4x256xi32, #tpu.memory_space<vmem>> -> memref<1x32xi32, #tpu.memory_space<vmem>>
    %dma_wait3A_1906 = tpu.memref_squeeze %dma_wait3A_1905 : memref<1x32xi32, #tpu.memory_space<vmem>> -> memref<32xi32, #tpu.memory_space<vmem>>
    %dma_wait3A_1907 = arith.constant 0 : i32
    %dma_wait3A_1908 = arith.constant 0 : i32
    %dma_wait3A_1909 = tpu.memref_slice %arg3[%dma_wait3A_1907, %dma_wait3A_1908] : memref<8194x1024xf32, #tpu.memory_space<hbm>> -> memref<8194x1024xf32, #tpu.memory_space<hbm>>
    tpu.wait_indirect_dma semaphore(%arg10 : memref<!tpu.dma_semaphore, #tpu.memory_space<semaphore_mem>>) src(%dma_wait3A_1909 : memref<8194x1024xf32, #tpu.memory_space<hbm>>) dst(%arg8 : memref<32x1024xf32, #tpu.memory_space<vmem>>)
    %dma_wait3A_1910 = arith.constant 3 : i32
    %dma_wait3A_1911 = arith.constant 0 : i32
    %dma_wait3A_1912 = tpu.memref_slice %arg4[%dma_wait3A_1910, %add3A_1895, %dma_wait3A_1911] : memref<4x8192x1024xf32, #tpu.memory_space<hbm>> -> memref<1x32x1024xf32, #tpu.memory_space<hbm>>
    %dma_wait3A_1913 = tpu.memref_squeeze %dma_wait3A_1912 : memref<1x32x1024xf32, #tpu.memory_space<hbm>> -> memref<32x1024xf32, #tpu.memory_space<hbm>>
    %dma_wait3A_1914 = arith.constant 0 : i32
    %dma_wait3A_1915 = tpu.memref_slice %arg4[%dma_wait3A_1910, %add3A_1895, %dma_wait3A_1914] : memref<4x8192x1024xf32, #tpu.memory_space<hbm>> -> memref<1x32x1024xf32, #tpu.memory_space<hbm>>
    %dma_wait3A_1916 = tpu.memref_squeeze %dma_wait3A_1915 : memref<1x32x1024xf32, #tpu.memory_space<hbm>> -> memref<32x1024xf32, #tpu.memory_space<hbm>>
    tpu.wait_dma2 semaphore(%arg11 : memref<!tpu.dma_semaphore, #tpu.memory_space<semaphore_mem>>) src(%arg7 : memref<32x1024xf32, #tpu.memory_space<vmem>>) dst(%dma_wait3A_1916 : memref<32x1024xf32, #tpu.memory_space<hbm>>)
    %dma_start3A_1917 = arith.constant 3 : i32
    %dma_start3A_1918 = arith.constant 192 : i32
    %dma_start3A_1919 = tpu.memref_slice %arg6[%dma_start3A_1917, %dma_start3A_1918] : memref<4x256xi32, #tpu.memory_space<vmem>> -> memref<1x32xi32, #tpu.memory_space<vmem>>
    %dma_start3A_1920 = tpu.memref_squeeze %dma_start3A_1919 : memref<1x32xi32, #tpu.memory_space<vmem>> -> memref<32xi32, #tpu.memory_space<vmem>>
    %dma_start3A_1921 = arith.constant 0 : i32
    %dma_start3A_1922 = arith.constant 0 : i32
    %dma_start3A_1923 = tpu.memref_slice %arg3[%dma_start3A_1921, %dma_start3A_1922] : memref<8194x1024xf32, #tpu.memory_space<hbm>> -> memref<8194x1024xf32, #tpu.memory_space<hbm>>
    tpu.enqueue_indirect_dma source(%dma_start3A_1923 : memref<8194x1024xf32, #tpu.memory_space<hbm>>) target(%arg7 : memref<32x1024xf32, #tpu.memory_space<vmem>>) offsets(%dma_start3A_1920 : memref<32xi32, #tpu.memory_space<vmem>>) semaphore(%arg9 : memref<!tpu.dma_semaphore, #tpu.memory_space<semaphore_mem>>)
    %add3A_1924 = arith.constant 160 : i32
    %add3A_1925 = arith.addi %mul3A_2, %add3A_1924 : i32
    %dma_start3A_1926 = arith.constant 3 : i32
    %dma_start3A_1927 = arith.constant 0 : i32
    %dma_start3A_1928 = tpu.memref_slice %arg4[%dma_start3A_1926, %add3A_1925, %dma_start3A_1927] : memref<4x8192x1024xf32, #tpu.memory_space<hbm>> -> memref<1x32x1024xf32, #tpu.memory_space<hbm>>
    %dma_start3A_1929 = tpu.memref_squeeze %dma_start3A_1928 : memref<1x32x1024xf32, #tpu.memory_space<hbm>> -> memref<32x1024xf32, #tpu.memory_space<hbm>>
    %dma_start3A_1930 = arith.constant 0 : i32
    %dma_start3A_1931 = tpu.memref_slice %arg4[%dma_start3A_1926, %add3A_1925, %dma_start3A_1930] : memref<4x8192x1024xf32, #tpu.memory_space<hbm>> -> memref<1x32x1024xf32, #tpu.memory_space<hbm>>
    %dma_start3A_1932 = tpu.memref_squeeze %dma_start3A_1931 : memref<1x32x1024xf32, #tpu.memory_space<hbm>> -> memref<32x1024xf32, #tpu.memory_space<hbm>>
    tpu.enqueue_dma source(%arg8 : memref<32x1024xf32, #tpu.memory_space<vmem>>) target(%dma_start3A_1932 : memref<32x1024xf32, #tpu.memory_space<hbm>>) target_semaphore(%arg12 : memref<!tpu.dma_semaphore, #tpu.memory_space<semaphore_mem>>)
    %dma_wait3A_1933 = arith.constant 3 : i32
    %dma_wait3A_1934 = arith.constant 192 : i32
    %dma_wait3A_1935 = tpu.memref_slice %arg6[%dma_wait3A_1933, %dma_wait3A_1934] : memref<4x256xi32, #tpu.memory_space<vmem>> -> memref<1x32xi32, #tpu.memory_space<vmem>>
    %dma_wait3A_1936 = tpu.memref_squeeze %dma_wait3A_1935 : memref<1x32xi32, #tpu.memory_space<vmem>> -> memref<32xi32, #tpu.memory_space<vmem>>
    %dma_wait3A_1937 = arith.constant 0 : i32
    %dma_wait3A_1938 = arith.constant 0 : i32
    %dma_wait3A_1939 = tpu.memref_slice %arg3[%dma_wait3A_1937, %dma_wait3A_1938] : memref<8194x1024xf32, #tpu.memory_space<hbm>> -> memref<8194x1024xf32, #tpu.memory_space<hbm>>
    tpu.wait_indirect_dma semaphore(%arg9 : memref<!tpu.dma_semaphore, #tpu.memory_space<semaphore_mem>>) src(%dma_wait3A_1939 : memref<8194x1024xf32, #tpu.memory_space<hbm>>) dst(%arg7 : memref<32x1024xf32, #tpu.memory_space<vmem>>)
    %dma_wait3A_1940 = arith.constant 3 : i32
    %dma_wait3A_1941 = arith.constant 0 : i32
    %dma_wait3A_1942 = tpu.memref_slice %arg4[%dma_wait3A_1940, %add3A_1925, %dma_wait3A_1941] : memref<4x8192x1024xf32, #tpu.memory_space<hbm>> -> memref<1x32x1024xf32, #tpu.memory_space<hbm>>
    %dma_wait3A_1943 = tpu.memref_squeeze %dma_wait3A_1942 : memref<1x32x1024xf32, #tpu.memory_space<hbm>> -> memref<32x1024xf32, #tpu.memory_space<hbm>>
    %dma_wait3A_1944 = arith.constant 0 : i32
    %dma_wait3A_1945 = tpu.memref_slice %arg4[%dma_wait3A_1940, %add3A_1925, %dma_wait3A_1944] : memref<4x8192x1024xf32, #tpu.memory_space<hbm>> -> memref<1x32x1024xf32, #tpu.memory_space<hbm>>
    %dma_wait3A_1946 = tpu.memref_squeeze %dma_wait3A_1945 : memref<1x32x1024xf32, #tpu.memory_space<hbm>> -> memref<32x1024xf32, #tpu.memory_space<hbm>>
    tpu.wait_dma2 semaphore(%arg12 : memref<!tpu.dma_semaphore, #tpu.memory_space<semaphore_mem>>) src(%arg8 : memref<32x1024xf32, #tpu.memory_space<vmem>>) dst(%dma_wait3A_1946 : memref<32x1024xf32, #tpu.memory_space<hbm>>)
    %dma_start3A_1947 = arith.constant 3 : i32
    %dma_start3A_1948 = arith.constant 224 : i32
    %dma_start3A_1949 = tpu.memref_slice %arg6[%dma_start3A_1947, %dma_start3A_1948] : memref<4x256xi32, #tpu.memory_space<vmem>> -> memref<1x32xi32, #tpu.memory_space<vmem>>
    %dma_start3A_1950 = tpu.memref_squeeze %dma_start3A_1949 : memref<1x32xi32, #tpu.memory_space<vmem>> -> memref<32xi32, #tpu.memory_space<vmem>>
    %dma_start3A_1951 = arith.constant 0 : i32
    %dma_start3A_1952 = arith.constant 0 : i32
    %dma_start3A_1953 = tpu.memref_slice %arg3[%dma_start3A_1951, %dma_start3A_1952] : memref<8194x1024xf32, #tpu.memory_space<hbm>> -> memref<8194x1024xf32, #tpu.memory_space<hbm>>
    tpu.enqueue_indirect_dma source(%dma_start3A_1953 : memref<8194x1024xf32, #tpu.memory_space<hbm>>) target(%arg8 : memref<32x1024xf32, #tpu.memory_space<vmem>>) offsets(%dma_start3A_1950 : memref<32xi32, #tpu.memory_space<vmem>>) semaphore(%arg10 : memref<!tpu.dma_semaphore, #tpu.memory_space<semaphore_mem>>)
    %add3A_1954 = arith.constant 192 : i32
    %add3A_1955 = arith.addi %mul3A_2, %add3A_1954 : i32
    %dma_start3A_1956 = arith.constant 3 : i32
    %dma_start3A_1957 = arith.constant 0 : i32
    %dma_start3A_1958 = tpu.memref_slice %arg4[%dma_start3A_1956, %add3A_1955, %dma_start3A_1957] : memref<4x8192x1024xf32, #tpu.memory_space<hbm>> -> memref<1x32x1024xf32, #tpu.memory_space<hbm>>
    %dma_start3A_1959 = tpu.memref_squeeze %dma_start3A_1958 : memref<1x32x1024xf32, #tpu.memory_space<hbm>> -> memref<32x1024xf32, #tpu.memory_space<hbm>>
    %dma_start3A_1960 = arith.constant 0 : i32
    %dma_start3A_1961 = tpu.memref_slice %arg4[%dma_start3A_1956, %add3A_1955, %dma_start3A_1960] : memref<4x8192x1024xf32, #tpu.memory_space<hbm>> -> memref<1x32x1024xf32, #tpu.memory_space<hbm>>
    %dma_start3A_1962 = tpu.memref_squeeze %dma_start3A_1961 : memref<1x32x1024xf32, #tpu.memory_space<hbm>> -> memref<32x1024xf32, #tpu.memory_space<hbm>>
    tpu.enqueue_dma source(%arg7 : memref<32x1024xf32, #tpu.memory_space<vmem>>) target(%dma_start3A_1962 : memref<32x1024xf32, #tpu.memory_space<hbm>>) target_semaphore(%arg11 : memref<!tpu.dma_semaphore, #tpu.memory_space<semaphore_mem>>)
    %dma_wait3A_1963 = arith.constant 3 : i32
    %dma_wait3A_1964 = arith.constant 224 : i32
    %dma_wait3A_1965 = tpu.memref_slice %arg6[%dma_wait3A_1963, %dma_wait3A_1964] : memref<4x256xi32, #tpu.memory_space<vmem>> -> memref<1x32xi32, #tpu.memory_space<vmem>>
    %dma_wait3A_1966 = tpu.memref_squeeze %dma_wait3A_1965 : memref<1x32xi32, #tpu.memory_space<vmem>> -> memref<32xi32, #tpu.memory_space<vmem>>
    %dma_wait3A_1967 = arith.constant 0 : i32
    %dma_wait3A_1968 = arith.constant 0 : i32
    %dma_wait3A_1969 = tpu.memref_slice %arg3[%dma_wait3A_1967, %dma_wait3A_1968] : memref<8194x1024xf32, #tpu.memory_space<hbm>> -> memref<8194x1024xf32, #tpu.memory_space<hbm>>
    tpu.wait_indirect_dma semaphore(%arg10 : memref<!tpu.dma_semaphore, #tpu.memory_space<semaphore_mem>>) src(%dma_wait3A_1969 : memref<8194x1024xf32, #tpu.memory_space<hbm>>) dst(%arg8 : memref<32x1024xf32, #tpu.memory_space<vmem>>)
    %add3A_1970 = arith.constant 224 : i32
    %add3A_1971 = arith.addi %mul3A_2, %add3A_1970 : i32
    %dma_start3A_1972 = arith.constant 3 : i32
    %dma_start3A_1973 = arith.constant 0 : i32
    %dma_start3A_1974 = tpu.memref_slice %arg4[%dma_start3A_1972, %add3A_1971, %dma_start3A_1973] : memref<4x8192x1024xf32, #tpu.memory_space<hbm>> -> memref<1x32x1024xf32, #tpu.memory_space<hbm>>
    %dma_start3A_1975 = tpu.memref_squeeze %dma_start3A_1974 : memref<1x32x1024xf32, #tpu.memory_space<hbm>> -> memref<32x1024xf32, #tpu.memory_space<hbm>>
    %dma_start3A_1976 = arith.constant 0 : i32
    %dma_start3A_1977 = tpu.memref_slice %arg4[%dma_start3A_1972, %add3A_1971, %dma_start3A_1976] : memref<4x8192x1024xf32, #tpu.memory_space<hbm>> -> memref<1x32x1024xf32, #tpu.memory_space<hbm>>
    %dma_start3A_1978 = tpu.memref_squeeze %dma_start3A_1977 : memref<1x32x1024xf32, #tpu.memory_space<hbm>> -> memref<32x1024xf32, #tpu.memory_space<hbm>>
    tpu.enqueue_dma source(%arg8 : memref<32x1024xf32, #tpu.memory_space<vmem>>) target(%dma_start3A_1978 : memref<32x1024xf32, #tpu.memory_space<hbm>>) target_semaphore(%arg12 : memref<!tpu.dma_semaphore, #tpu.memory_space<semaphore_mem>>)
    %dma_wait3A_1979 = arith.constant 3 : i32
    %dma_wait3A_1980 = arith.constant 0 : i32
    %dma_wait3A_1981 = tpu.memref_slice %arg4[%dma_wait3A_1979, %add3A_1955, %dma_wait3A_1980] : memref<4x8192x1024xf32, #tpu.memory_space<hbm>> -> memref<1x32x1024xf32, #tpu.memory_space<hbm>>
    %dma_wait3A_1982 = tpu.memref_squeeze %dma_wait3A_1981 : memref<1x32x1024xf32, #tpu.memory_space<hbm>> -> memref<32x1024xf32, #tpu.memory_space<hbm>>
    %dma_wait3A_1983 = arith.constant 0 : i32
    %dma_wait3A_1984 = tpu.memref_slice %arg4[%dma_wait3A_1979, %add3A_1955, %dma_wait3A_1983] : memref<4x8192x1024xf32, #tpu.memory_space<hbm>> -> memref<1x32x1024xf32, #tpu.memory_space<hbm>>
    %dma_wait3A_1985 = tpu.memref_squeeze %dma_wait3A_1984 : memref<1x32x1024xf32, #tpu.memory_space<hbm>> -> memref<32x1024xf32, #tpu.memory_space<hbm>>
    tpu.wait_dma2 semaphore(%arg11 : memref<!tpu.dma_semaphore, #tpu.memory_space<semaphore_mem>>) src(%arg7 : memref<32x1024xf32, #tpu.memory_space<vmem>>) dst(%dma_wait3A_1985 : memref<32x1024xf32, #tpu.memory_space<hbm>>)
    %dma_wait3A_1986 = arith.constant 3 : i32
    %dma_wait3A_1987 = arith.constant 0 : i32
    %dma_wait3A_1988 = tpu.memref_slice %arg4[%dma_wait3A_1986, %add3A_1971, %dma_wait3A_1987] : memref<4x8192x1024xf32, #tpu.memory_space<hbm>> -> memref<1x32x1024xf32, #tpu.memory_space<hbm>>
    %dma_wait3A_1989 = tpu.memref_squeeze %dma_wait3A_1988 : memref<1x32x1024xf32, #tpu.memory_space<hbm>> -> memref<32x1024xf32, #tpu.memory_space<hbm>>
    %dma_wait3A_1990 = arith.constant 0 : i32
    %dma_wait3A_1991 = tpu.memref_slice %arg4[%dma_wait3A_1986, %add3A_1971, %dma_wait3A_1990] : memref<4x8192x1024xf32, #tpu.memory_space<hbm>> -> memref<1x32x1024xf32, #tpu.memory_space<hbm>>
    %dma_wait3A_1992 = tpu.memref_squeeze %dma_wait3A_1991 : memref<1x32x1024xf32, #tpu.memory_space<hbm>> -> memref<32x1024xf32, #tpu.memory_space<hbm>>
    tpu.wait_dma2 semaphore(%arg12 : memref<!tpu.dma_semaphore, #tpu.memory_space<semaphore_mem>>) src(%arg8 : memref<32x1024xf32, #tpu.memory_space<vmem>>) dst(%dma_wait3A_1992 : memref<32x1024xf32, #tpu.memory_space<hbm>>)
    return
  }
}

</mosaic_0001>

<sc_bundles>
// kernel: kernel.3.cloned.1.call-start
scs
__scs_entry_jumppad:
0x0: {  	(pc) =	sbr.rel $0x88, $3  }
0x1: {  	(tag) =	ssettag $0x0;
	lr =	simm.s32 $0x1  }
0x2: {  	[smem:$0x3F9F] =	sst lr;
	_ =	strace $0xD0000000  }
0x3: {  	_ = 	snop  }
0x4: {  	_ = 	snop  }
0x5: {  	_ = 	snop  }
0x6: {  	_ = 	snop  }
0x7: {  	_ = 	snop  }
__scs_overlays_trampoline_lowered:
0x8: {  	[smem:$0x3FAE] =	sst s0  }
0x9: {  	[smem:$0x3FAF] =	sst s1  }
0xa: {  	[smem:$0x3FB0] =	sst s2  }
0xb: {  	[smem:$0x3FB1] =	sst s3  }
0xc: {  	[smem:$0x3FB2] =	sst s4  }
0xd: {  	[smem:$0x3FB3] =	sst s5  }
0xe: {  	[smem:$0x3FB4] =	sst s6  }
0xf: {  	[smem:$0x3FB5] =	sst s7  }
0x10: {  	[smem:$0x3FB6] =	sst s8  }
0x11: {  	[smem:$0x3FB7] =	sst s9;
	s0 =	simm.s32 @!p0 $0x0  }
0x12: {  	s1 =	sld [smem:$0x3F9D];
	s0 =	simm.s32 @p0 $0x1  }
0x13: {  	[smem:$0x3FB8] =	sst s0;
	s0 =	simm.s32 @!p1 $0x0  }
0x14: {  	s2 =	sld [smem:$0x3F9C];
	s0 =	simm.s32 @p1 $0x1  }
0x15: {  	[smem:$0x3FB9] =	sst s0;
	s0 =	simm.s32 @!p2 $0x0  }
0x16: {  	s3 =	sld [smem:$0x3FDB];
	s0 =	simm.s32 @p2 $0x1  }
0x17: {  	s4 =	simm.s32 $0x1BF5;
	[smem:$0x3FBB] =	sst s0  }
0x18: {  	s0 =	sld [smem:$0x3F9E];
	_ =	swait.ge [sflag:s4], $0x0  }
0x19: {  	s7 =	sld [smem:$0x3F9F]  }
0x1a: {  	s8 =	sadd.s32 $0xFFFFE003, lr  }
0x1b: {  	s9 =	sadd.s32 $0xFFFFFEF7, lr;
	s5 =	simm.s32 $0xFFFFFFFF;
	p2 =	slt.u32 s8, $0xFFFFF086  }
0x1c: {  	p1 =	slt.u32 s9, $0xF7A;
	s5 =	simm.s32 @!p2 $0x0  }
0x1d: {  	s5 =	simm.s32 @p1 $0x1;
	p0 =	seq.s32 s7, s2  }
0x1e: {  	s7 =	smul.u32 @!p0 $0xF7A, s2;
	p2 =	seq.s32 @!p0 s5, $0x0  }
0x1f: {  	s9 =	smul.u32 $0xF7A, s1;
	s8 =	simm.s32 @!p0 $0x1BF5;
	p2 =	por !p2, p0  }
0x20: {  	[sflag:s8] =	ssyncset.s32 @!p0 $0xFFFFF086;
	s6 =	sadd.s32 @!p0 s3, s7;
	s7 =	simm.s32 @!p0 $0x108  }
0x21: {  	s3 =	sadd.s32 s3, s9;
	s6 =	sadd.s32 @!p0 $0x88, s6;
	s7 =	simm.s32 @p2 $0x1082  }
0x22: {  	[simem:s7], [sflag:s8] =	dma.local @!p0 [hbm:s6], $0xF7A  }
0x23: {  	s9 =	sor.u32 $0xD0000000, s2;
	s6 =	simm.s32 $0x108;
	_ =	swait.ge @!p0 [sflag:s8], $0x0  }
0x24: {  	s3 =	sadd.s32 $0x88, s3;
	s6 =	simm.s32 @!p1 $0x1082;
	[sflag:s4] =	ssyncset.s32 $0xFFFFF086  }
0x25: {  	[simem:s6], [sflag:s4] =	dma.local [hbm:s3], $0xF7A  }
0x26: {  	[smem:$0x3F9F] =	sst s1;
	(tag) =	ssettag s2;
	_ =	strace s9  }
0x27: {  	s1 =	sld [smem:$0x3FAF]  }
0x28: {  	s2 =	sld [smem:$0x3FB0]  }
0x29: {  	s4 =	sld [smem:$0x3FB2]  }
0x2a: {  	p0 =	seq.s32 s5, $0x0;
	s5 =	sld [smem:$0x3FB3]  }
0x2b: {  	s6 =	sld [smem:$0x3FB4]  }
0x2c: {  	s7 =	sld [smem:$0x3FB5]  }
0x2d: {  	s3 =	simm.s32 $0x108;
	s8 =	sld [smem:$0x3FB6]  }
0x2e: {  	s3 =	simm.s32 @!p0 $0x1082;
	s9 =	sld [smem:$0x3FB7]  }
0x2f: {  	lr =	sadd.s32 s0, s3;
	s0 =	sld [smem:$0x3FAE]  }
0x30: {  	s3 =	sld [smem:$0x3FB1]  }
0x31: {  	[smem:$0x3FBA] =	sst s10  }
0x32: {  	s10 =	sld [smem:$0x3FB8];
	_ =	sdelay $0x3  }
0x33: {  	p0 =	seq.s32 s10, $0x1;
	s10 =	sld [smem:$0x3FBA];
	_ =	sdelay $0x3  }
0x34: {  	[smem:$0x3FBA] =	sst s10  }
0x35: {  	s10 =	sld [smem:$0x3FB9];
	_ =	sdelay $0x3  }
0x36: {  	p1 =	seq.s32 s10, $0x1;
	s10 =	sld [smem:$0x3FBA];
	_ =	sdelay $0x3  }
0x37: {  	[smem:$0x3FBA] =	sst s10  }
0x38: {  	s10 =	sld [smem:$0x3FBB]  }
0x39: {  	_ = 	snop;
	(pc) =	sbr.ind lr, $3  }
0x3a: {  	_ = 	snop  }
0x3b: {  	_ = 	snop  }
0x3c: {  	p2 =	seq.s32 s10, $0x1;
	s10 =	sld [smem:$0x3FBA]  }
0x3d: {  	_ =	shalt  }
0x3e: {  	_ =	shalt  }
0x3f: {  	_ =	shalt  }
0x40: {  	_ =	shalt  }
0x41: {  	_ =	shalt  }
0x42: {  	_ =	shalt  }
0x43: {  	_ =	shalt  }
0x44: {  	_ =	shalt  }
0x45: {  	_ =	shalt  }
0x46: {  	_ =	shalt  }
0x47: {  	_ =	shalt  }
0x48: {  	_ =	shalt  }
0x49: {  	_ =	shalt  }
0x4a: {  	_ =	shalt  }
0x4b: {  	_ =	shalt  }
0x4c: {  	_ =	shalt  }
0x4d: {  	_ =	shalt  }
0x4e: {  	_ =	shalt  }
0x4f: {  	_ =	shalt  }
0x50: {  	_ =	shalt  }
0x51: {  	_ =	shalt  }
0x52: {  	_ =	shalt  }
0x53: {  	_ =	shalt  }
0x54: {  	_ =	shalt  }
0x55: {  	_ =	shalt  }
0x56: {  	_ =	shalt  }
0x57: {  	_ =	shalt  }
0x58: {  	_ =	shalt  }
0x59: {  	_ =	shalt  }
0x5a: {  	_ =	shalt  }
0x5b: {  	_ =	shalt  }
0x5c: {  	_ =	shalt  }
0x5d: {  	_ =	shalt  }
0x5e: {  	_ =	shalt  }
0x5f: {  	_ =	shalt  }
0x60: {  	_ =	shalt  }
0x61: {  	_ =	shalt  }
0x62: {  	_ =	shalt  }
0x63: {  	_ =	shalt  }
0x64: {  	_ =	shalt  }
0x65: {  	_ =	shalt  }
0x66: {  	_ =	shalt  }
0x67: {  	_ =	shalt  }
0x68: {  	_ =	shalt  }
0x69: {  	_ =	shalt  }
0x6a: {  	_ =	shalt  }
0x6b: {  	_ =	shalt  }
0x6c: {  	_ =	shalt  }
0x6d: {  	_ =	shalt  }
0x6e: {  	_ =	shalt  }
0x6f: {  	_ =	shalt  }
0x70: {  	_ =	shalt  }
0x71: {  	_ =	shalt  }
0x72: {  	_ =	shalt  }
0x73: {  	_ =	shalt  }
0x74: {  	_ =	shalt  }
0x75: {  	_ =	shalt  }
0x76: {  	_ =	shalt  }
0x77: {  	_ =	shalt  }
0x78: {  	_ =	shalt  }
0x79: {  	_ =	shalt  }
0x7a: {  	_ =	shalt  }
0x7b: {  	_ =	shalt  }
0x7c: {  	_ =	shalt  }
0x7d: {  	_ =	shalt  }
0x7e: {  	_ =	shalt  }
0x7f: {  	_ =	shalt  }
0x80: {  	_ =	shalt  }
0x81: {  	_ =	shalt  }
0x82: {  	_ =	shalt  }
0x83: {  	_ =	shalt  }
0x84: {  	_ =	shalt  }
0x85: {  	_ =	shalt  }
0x86: {  	_ =	shalt  }
0x87: {  	_ =	shalt  }
.Lfunc_end0:
.L_simem_size_0:
called_computation_lowered:
.L_overlay_start_0:
0x88: {  	s2 =	sld [smem:$0x3FD9]  }
0x89: {  	s3 =	sld [smem:$0x3FFE];
	_ =	sdelay $0x1  }
0x8a: {  	s1 =	srdreg.scid  }
0x8b: {  	s0 =	sand.u32 $0x1, s1  }
0x8c: {  	s18 =	sshll.u32 s0, $0xA;
	s2 =	sadd.s32 s3, s2  }
0x8d: {  	s2 =	sadd.s32 s2, s18  }
0x8e: {  	[smem:$0x3FC6] =	sst s2  }
0x8f: {  	_ = 	snop  }
0x90: {  	s2 =	sld [smem:$0x3FC9]  }
0x91: {  	s19 =	sld [smem:$0x3FC8]  }
0x92: {  	s4 =	sld [smem:$0x3FD0];
	(tm) =	ssettm $0x1  }
0x93: {  	s5 =	sld [smem:$0x3FFB];
	_ =	sdelay $0x3  }
0x94: {  	_ =	strace s5  }
0x95: {  	s5 =	sld [smem:$0x3FFC];
	_ =	sdelay $0x3  }
0x96: {  	_ =	strace s5  }
0x97: {  	s5 =	sld [smem:$0x3FFD];
	_ =	sdelay $0x3  }
0x98: {  	_ =	strace s5  }
0x99: {  	_ =	strace $0x8FFFFFFF  }
0x9a: {  	s20 =	sld [smem:$0x3FDB];
	_ =	sdelay $0x1  }
0x9b: {  	s6 =	simm.s32 $_scs_section_size  }
0x9c: {  	s7 =	simm.s32 $_size__tile_overlayer_lowered;
	s8 =	simm.s32 $_tile_overlayer_lowered  }
0x9d: {  	s23 =	simm.s32 $0x1BFF;
	s22 =	sshll.u32 s8, $0x1;
	s5 =	sadd.s32 s6, s20  }
0x9e: {  	s9 =	simm.s32 $0x0;
	s21 =	sshll.u32 s7, $0x1;
	s7 =	sadd.s32 s22, s5  }
0x9f: {  	[timem:s9], [sflag:s23] =	dma.local [hbm:s7], s21  }
0xa0: {  	_ =	swait.ge [sflag:s23], s21  }
0xa1: {  	s6 =	ssub.s32 $0x0, s21;
	[sflag:s23] =	ssyncset.done $0x0  }
0xa2: {  	[sflag:s23] =	ssyncadd.s32 s6;
	_ =	sdelay $0x1  }
0xa3: {  	s24 =	simm.s32 $0x1B8B  }
0xa4: {  	_ =	swait.ge [sflag:s24], $0x1  }
0xa5: {  	[sflag:s24] =	ssyncset.done $0x0  }
0xa6: {  	s25 =	simm.s32 $0x1B8E;
	[sflag:s24] =	ssyncadd.s32 $0xFFFFFFFF  }
0xa7: {  	s26 =	simm.s32 $execute0_lowered;
	[smem:$0x3FD2] =	sst s25  }
0xa8: {  	s6 =	sshll.u32 s26, $0x1;
	_ =	strace $0x80000046;
	[dreg:$0x1] =	wrdreg $0xFFFFFFFF  }
0xa9: {  	s28 =	simm.s32 $_size_execute0_lowered;
	s5 =	sadd.s32 s5, s6;
	[dreg:$0x0] =	wrdreg $0x0  }
0xaa: {  	s6 =	sshll.u32 s28, $0x1;
	[dreg:$0x2] =	wrdreg s5  }
0xab: {  	[dreg:$0x3] =	wrdreg s6  }
0xac: {  	[dreg:$0x4] =	wrdreg $0xC0  }
0xad: {  	_ =	task [dreg:s9], $0x5FFFF  }
0xae: {  	[dreg:$0x1] =	wrdreg $0xFFFFFFFF  }
0xaf: {  	[dreg:$0x0] =	wrdreg $0x60  }
0xb0: {  	[dreg:$0x2] =	wrdreg s2  }
0xb1: {  	[dreg:$0x3] =	wrdreg s19  }
0xb2: {  	[dreg:$0x4] =	wrdreg s4  }
0xb3: {  	[dreg:$0x5] =	wrdreg $0x9  }
0xb4: {  	_ =	task.clear_ibuf [dreg:s9], $0x6FFFF;
	_ =	strace $0x90000046  }
0xb5: {  	s29 =	simm.s32 $0x9;
	_ =	strace $0x80000048  }
0xb6: {  	_ =	swait.ge [sflag:s29], $0x1  }
0xb7: {  	[sflag:s29] =	ssyncadd.s32 $0xFFFFFFFF  }
0xb8: {  	_ =	strace $0x90000048  }
0xb9: {  	_ =	sfence  }
0xba: {  	s30 =	sld [smem:$0x0];
	_ =	sdelay $0x2  }
0xbb: {  	s31 =	sshll.u32 s1, $0xD;
	s1 =	sshrl.u32 s1, $0x2  }
0xbc: {  	s3 =	sand.u32 $0x4000, s31;
	s1 =	sadd.s32 s1, s30  }
0xbd: {  	s0 =	sor.u32 s3, s0;
	s1 =	sshll.u32 s1, $0x11  }
0xbe: {  	s0 =	sor.u32 s1, s0  }
0xbf: {  	s0 =	sadd.s32 $0x8F2B, s0  }
0xc0: {  	[sflag:s0] =	ssyncadd.remote.s32 $0x1  }
0xc1: {  	_ =	sfence.sel $0xFFFF  }
0xc2: {  	[dreg:$0x0] =	wrdreg $0xFFFFFFFF;
	(pc) =	sbr.abs _section_cstart, $3  }
0xc3: {  	[dreg:$0x1] =	wrdreg $0xFFFFFFFF  }
0xc4: {  	_ =	task.clear_ibuf [dreg:s9], $0x2FFFF;
	_ =	strace $0x9FFFFFFF  }
0xc5: {  	(tm) =	ssettm $0x7FFFFFFF  }
tec
execute0_lowered:
.L_overlay_start_1:
0x0: {  	(tag) =	ssettag $0x1  }
0x1: {  	s1 =	srdreg.scid  }
0x2: {  	s3 =	stileid.u32;
	s1 =	sand.u32 $0x1, s1  }
0x3: {  	s0 =	rddreg [dreg:$0x0];
	s3 =	sshll.u32 s3, $0x9;
	s4 =	sshll.u32 s1, $0x8  }
0x4: {  	s2 =	rddreg [dreg:$0x1];
	s4 =	sor.u32 s4, s3  }
0x5: {  	s5 =	rddreg [dreg:$0x2];
	s3 =	simm.s32 $0x0;
	s6 =	sshll.u32 s4, $0x7  }
0x6: {  	[smem:$0x7FF] =	sst s3;
	s6 =	sadd.s32 s5, s6  }
0x7: {  	_ =	strace $0x80000047;
	s5 =	sadd.s32 $0x1000, s6;
	[smem:$0x7F0] =	sst s6  }
0x8: {  	s11 =	sadd.s32 $0x2000, s6;
	[dreg:$0x4] =	wrdreg s5  }
0x9: {  	s12 =	sadd.s32 $0x3000, s6;
	[dreg:$0x5] =	wrdreg s11  }
0xa: {  	s13 =	sadd.s32 $0x4000, s6;
	[dreg:$0x6] =	wrdreg s12  }
0xb: {  	s14 =	sadd.s32 $0x5000, s6;
	[dreg:$0x7] =	wrdreg s13  }
0xc: {  	s15 =	sadd.s32 $0x6000, s6;
	[dreg:$0x8] =	wrdreg s14  }
0xd: {  	s16 =	sadd.s32 $0x7000, s6;
	[dreg:$0x9] =	wrdreg s15  }
0xe: {  	s17 =	sadd.s32 $0x100000, s6;
	[dreg:$0xa] =	wrdreg s16  }
0xf: {  	s18 =	sadd.s32 $0x101000, s6;
	[dreg:$0xb] =	wrdreg s17  }
0x10: {  	s19 =	sadd.s32 $0x102000, s6;
	[dreg:$0xc] =	wrdreg s18  }
0x11: {  	s20 =	sadd.s32 $0x103000, s6;
	[dreg:$0xd] =	wrdreg s19  }
0x12: {  	s21 =	sadd.s32 $0x104000, s6;
	[dreg:$0xe] =	wrdreg s20  }
0x13: {  	s22 =	sadd.s32 $0x105000, s6;
	[dreg:$0xf] =	wrdreg s21  }
0x14: {  	s23 =	sadd.s32 $0x106000, s6;
	[dreg:$0x10] =	wrdreg s22  }
0x15: {  	s24 =	sadd.s32 $0x107000, s6;
	[dreg:$0x11] =	wrdreg s23  }
0x16: {  	s25 =	sadd.s32 $0x200000, s6;
	[dreg:$0x12] =	wrdreg s24  }
0x17: {  	s26 =	sadd.s32 $0x201000, s6;
	[dreg:$0x13] =	wrdreg s25  }
0x18: {  	s28 =	sadd.s32 $0x202000, s6;
	[dreg:$0x14] =	wrdreg s26  }
0x19: {  	s29 =	sadd.s32 $0x203000, s6;
	[dreg:$0x15] =	wrdreg s28  }
0x1a: {  	s30 =	sadd.s32 $0x204000, s6;
	[dreg:$0x16] =	wrdreg s29  }
0x1b: {  	s7 =	sadd.s32 $0x205000, s6;
	[dreg:$0x17] =	wrdreg s30  }
0x1c: {  	s8 =	sadd.s32 $0x206000, s6;
	[dreg:$0x18] =	wrdreg s7  }
0x1d: {  	s9 =	sadd.s32 $0x207000, s6;
	[dreg:$0x19] =	wrdreg s8  }
0x1e: {  	s10 =	sadd.s32 $0x300000, s6;
	[dreg:$0x1a] =	wrdreg s9  }
0x1f: {  	[dreg:$0x1b] =	wrdreg s10;
	s11 =	sadd.s32 $0x301000, s6  }
0x20: {  	s12 =	sadd.s32 $0x302000, s6;
	[dreg:$0x1c] =	wrdreg s11  }
0x21: {  	s13 =	sadd.s32 $0x303000, s6;
	[dreg:$0x1d] =	wrdreg s12  }
0x22: {  	s14 =	sadd.s32 $0x304000, s6;
	[dreg:$0x1e] =	wrdreg s13  }
0x23: {  	s15 =	sadd.s32 $0x305000, s6;
	[dreg:$0x1f] =	wrdreg s14  }
0x24: {  	s16 =	sadd.s32 $0x306000, s6;
	[smem:$0x7EE] =	sst s15  }
0x25: {  	s17 =	sadd.s32 $0x307000, s6;
	[smem:$0x7EF] =	sst s16  }
0x26: {  	s20 =	simm.s32 $0x200;
	[smem:$0x7F1] =	sst s17  }
0x27: {  	s4 =	sshrl.u32 s4, $0x1;
	s22 =	simm.s32 $0x80;
	[smem:$0x7F4] =	sst s20  }
0x28: {  	s7 =	sadd.s32 s0, s4;
	[smem:$0x7F6] =	sst s22  }
0x29: {  	s24 =	simm.s32 $0x280;
	[smem:$0x7F7] =	sst s7  }
0x2a: {  	s31 =	simm.s32 $0x1;
	s26 =	simm.s32 $0x100;
	[smem:$0x7F9] =	sst s24  }
0x2b: {  	s1 =	ssub.s32 $0x2, s1;
	s28 =	simm.s32 $0x300;
	[smem:$0x7FA] =	sst s26  }
0x2c: {  	s18 =	sshrl.u32 s1, $0x1;
	s29 =	simm.s32 $0x180;
	[smem:$0x7FB] =	sst s28  }
0x2d: {  	s9 =	sadd.s32 $0x100, s2;
	s30 =	simm.s32 $0x380;
	[smem:$0x7FC] =	sst s29  }
0x2e: {  	s10 =	sadd.s32 $0x200, s2;
	s19 =	sadd.s32 $0x40, s7;
	[smem:$0x7FD] =	sst s30  }
0x2f: {  	s5 =	simm.s32 $0x800;
	s21 =	sadd.s32 $0x10, s7;
	[smem:$0x7F2] =	sst s19  }
0x30: {  	s1 =	ssub.s32 s1, s18;
	s23 =	sadd.s32 $0x20, s7;
	[smem:$0x7F3] =	sst s21  }
0x31: {  	v0 =	vimm.s32 $0x1;
	v4 =	vlaneseq.u32;
	s25 =	sadd.s32 $0x30, s7;
	s11 =	sadd.s32 $0x300, s2;
	[smem:$0x7F5] =	sst s23  }
0x32: {  	v1 =	vimm.s32 $0x0;
	vm0 =	vmmov $0xffff;
	v3 =	vshrl.u32 v4, $0x3;
	s22 =	simm.s32 $0x2;
	s24 =	simm.s32 $0x4;
	[smem:$0x7F8] =	sst s25  }
0x33: {  	v2 =	vand.u32 $0x7, v4;
	v4 =	vor.u32 $0x8, v4;
	v3 =	vmul.u32 $0x8, v3;
	s25 =	smax.u32 s1, $0x1;
	s23 =	simm.s32 $0x3;
	s1 =	simm.s32 $0x8800  }
.LBB2_1:
0x34: {  	s28 =	sld [smem:$0x7F7]  }
0x35: {  	s21 =	sld [smem:$0x7F2]  }
0x36: {  	s26 =	sld [smem:$0x7F4]  }
0x37: {  	[tilespmem:s3], [sflag:$0x5] =	stream.linear.gather [hbm4b:s28+s3], $0x80, $0x38;
	[tilespmem:$0x10800] =	vst v63  }
0x38: {  	[smem:$0x7ED] =	sst s25;
	s29 =	simm.s32 $0x5  }
0x39: {  	[tilespmem:s26], [sflag:$0x5] =	stream.linear.gather [hbm4b:s21+s3], $0x80, $0x38;
	[tilespmem:$0x10800] =	vst v63  }
0x3a: {  	_ =	swait.ge [sflag:s29], $0x100  }
0x3b: {  	s26 =	sld [smem:$0x7F6]  }
0x3c: {  	s0 =	sld [smem:$0x7F3]  }
0x3d: {  	[sflag:s29] =	ssyncset.done $0x0  }
0x3e: {  	s30 =	sld [smem:$0x7F9];
	[sflag:s29] =	ssyncadd.s32 $0xFFFFFF00  }
0x3f: {  	[tilespmem:s26], [sflag:$0x5] =	stream.linear.gather [hbm4b:s0+s3], $0x80, $0x38;
	[tilespmem:$0x10800] =	vst v63  }
0x40: {  	s4 =	sadd.s32 $0x40, s0  }
0x41: {  	[tilespmem:s30], [sflag:$0x5] =	stream.linear.gather [hbm4b:s4+s3], $0x80, $0x38;
	[tilespmem:$0x10800] =	vst v63  }
0x42: {  	_ =	swait.ge [sflag:s29], $0x100  }
0x43: {  	s6 =	sld [smem:$0x7FA]  }
0x44: {  	s8 =	sld [smem:$0x7F5]  }
0x45: {  	[sflag:s29] =	ssyncset.done $0x0  }
0x46: {  	s7 =	sld [smem:$0x7FB];
	[sflag:s29] =	ssyncadd.s32 $0xFFFFFF00  }
0x47: {  	[tilespmem:s6], [sflag:$0x5] =	stream.linear.gather [hbm4b:s8+s3], $0x80, $0x38;
	[tilespmem:$0x10800] =	vst v63  }
0x48: {  	s12 =	sadd.s32 $0x40, s8  }
0x49: {  	[tilespmem:s7], [sflag:$0x5] =	stream.linear.gather [hbm4b:s12+s3], $0x80, $0x38;
	[tilespmem:$0x10800] =	vst v63  }
0x4a: {  	_ =	swait.ge [sflag:s29], $0x100  }
0x4b: {  	s13 =	sld [smem:$0x7FC]  }
0x4c: {  	s15 =	sld [smem:$0x7F8]  }
0x4d: {  	[sflag:s29] =	ssyncset.done $0x0  }
0x4e: {  	s14 =	sld [smem:$0x7FD];
	[sflag:s29] =	ssyncadd.s32 $0xFFFFFF00  }
0x4f: {  	[tilespmem:s13], [sflag:$0x5] =	stream.linear.gather [hbm4b:s15+s3], $0x80, $0x38;
	[tilespmem:$0x10800] =	vst v63  }
0x50: {  	s16 =	sadd.s32 $0x40, s15  }
0x51: {  	[tilespmem:s14], [sflag:$0x5] =	stream.linear.gather [hbm4b:s16+s3], $0x80, $0x38;
	[tilespmem:$0x10800] =	vst v63  }
0x52: {  	_ =	swait.ge [sflag:s29], $0x100  }
0x53: {  	[sflag:s29] =	ssyncset.done $0x0  }
0x54: {  	[sflag:s29] =	ssyncadd.s32 $0xFFFFFF00  }
0x55: {  	v5 =	vld [tilespmem:$0x0]  }
0x56: {  	v6 =	vld [tilespmem:$0x80]  }
0x57: {  	v7 =	vld [tilespmem:$0x100]  }
0x58: {  	v10 =	vld [tilespmem:$0x110]  }
0x59: {  	v13 =	vld [tilespmem:$0x120]  }
0x5a: {  	v14 =	vld [tilespmem:$0x190]  }
0x5b: {  	v33 =	vld [tilespmem:$0xB0]  }
0x5c: {  	v18 =	vld [tilespmem:$0x130]  }
0x5d: {  	v37 =	vld [tilespmem:$0x1B0]  }
0x5e: {  	v21 =	vld [tilespmem:$0x140]  }
0x5f: {  	v25 =	vld [tilespmem:$0x150]  }
0x60: {  	v26 =	vld [tilespmem:$0x1C0];
	_ =	sdelay $0x1  }
0x61: {  	vm1 =	vne.s32 v5, $0x1;
	vm2 =	vne.s32 v6, $0x1;
	vm3 =	vne.s32 v7, $0x1  }
0x62: {  	vm5 =	vne.s32 v10, $0x1;
	vm14 =	vne.s32 v13, $0x1;
	vm15 =	veq.s32 v14, $0x1  }
0x63: {  	vm8 =	vne.s32 v33, $0x1;
	vm9 =	vne.s32 v18, $0x1;
	vm10 =	veq.s32 v37, $0x1  }
0x64: {  	v8 =	vld [tilespmem:$0x10];
	vm11 =	vne.s32 v21, $0x1;
	vm12 =	vne.s32 v25, $0x1;
	vm13 =	veq.s32 v26, $0x1  }
0x65: {  	v5 =	vld [tilespmem:$0x90];
	v6 =	vsel vm1, $0x1, v1;
	v9 =	vsel vm2, $0x1, v1;
	v62 =	vsel vm3, $0x1, v1  }
0x66: {  	v7 =	vld [tilespmem:$0x180];
	v10 =	vsel vm5, $0x1, v1;
	v34 =	vsel vm14, $0x1, v1;
	v13 =	vsel vm8, $0x1, v1  }
0x67: {  	v12 =	vld [tilespmem:$0x20];
	v38 =	vsel vm9, $0x1, v1;
	v21 =	vsel vm11, $0x1, v1;
	v6 =	vadd.s32 v6, v9  }
0x68: {  	v48 =	vsel vm12, $0x1, v1;
	v11 =	vadd.s32 $0x1, v6;
	v6 =	vadd.s32 v62, v6  }
0x69: {  	v32 =	vld [tilespmem:$0x1A0];
	v63 =	vnsel vm2, $0x1, v11;
	v30 =	vadd.s32 $0x1, v6;
	vm2 =	vne.s32 v8, $0x1  }
0x6a: {  	v6 =	vadd.s32 $0x2, v6;
	v11 =	vnsel vm3, $0x1, v30;
	vm3 =	vne.s32 v5, $0x1;
	v5 =	vld [tilespmem:$0xA0]  }
0x6b: {  	vm4 =	veq.s32 v7, $0x1;
	v7 =	vsel vm2, $0x1, v1;
	v15 =	vsel vm2, $0x2, v0  }
0x6c: {  	v49 =	vld [tilespmem:$0x160];
	vm2 =	vne.s32 v12, $0x1;
	v31 =	vsel vm3, $0x1, v1;
	v6 =	vsel vm4, $0x1, v6  }
0x6d: {  	v12 =	vsel vm2, $0x1, v1;
	v19 =	vsel vm2, $0x2, v0;
	v7 =	vadd.s32 v7, v31  }
0x6e: {  	v20 =	vld [tilespmem:$0x40];
	vm2 =	veq.s32 v32, $0x1;
	v8 =	vadd.s32 $0x1, v7;
	v7 =	vadd.s32 v10, v7  }
0x6f: {  	v8 =	vnsel vm3, $0x1, v8;
	v16 =	vadd.s32 $0x1, v7;
	vm3 =	vne.s32 v5, $0x1;
	v5 =	vld [tilespmem:$0x30]  }
0x70: {  	v46 =	vld [tilespmem:$0xE0];
	v7 =	vadd.s32 $0x2, v7;
	v16 =	vnsel vm5, $0x1, v16;
	v17 =	vsel vm3, $0x1, v1  }
0x71: {  	v7 =	vsel vm15, $0x1, v7;
	vm15 =	vne.s32 v49, $0x1;
	v12 =	vadd.s32 v12, v17  }
0x72: {  	v24 =	vld [tilespmem:$0x50];
	v57 =	vsel vm15, $0x1, v1;
	v35 =	vadd.s32 v34, v12;
	v12 =	vadd.s32 $0x1, v12  }
0x73: {  	v42 =	vld [tilespmem:$0x1D0];
	v17 =	vadd.s32 $0x1, v35;
	v12 =	vnsel vm3, $0x1, v12;
	v14 =	vadd.s32 $0x2, v35  }
0x74: {  	v17 =	vnsel vm14, $0x1, v17;
	vm3 =	vne.s32 v5, $0x1;
	v5 =	vld [tilespmem:$0xC0];
	v14 =	vsel vm2, $0x1, v14  }
0x75: {  	vm2 =	vne.s32 v20, $0x1;
	vm14 =	vne.s32 v46, $0x1;
	v36 =	vsel vm3, $0x1, v1  }
0x76: {  	v56 =	vld [tilespmem:$0x1E0];
	v39 =	vsel vm3, $0x2, v0;
	v40 =	vsel vm2, $0x1, v1;
	v27 =	vsel vm2, $0x2, v0  }
0x77: {  	v58 =	vld [tilespmem:$0x170];
	vm2 =	vne.s32 v24, $0x1;
	v55 =	vsel vm14, $0x1, v1;
	v10 =	vadd.s32 v36, v13  }
0x78: {  	v29 =	vld [tilespmem:$0x300];
	v44 =	vsel vm2, $0x1, v1;
	v53 =	vsel vm2, $0x2, v0;
	vm2 =	veq.s32 v42, $0x1  }
0x79: {  	[tilespmem:$0x480] =	vst v63;
	v22 =	vadd.s32 $0x1, v10;
	v10 =	vadd.s32 v38, v10;
	vm3 =	vne.s32 v5, $0x1;
	v5 =	vld [tilespmem:$0xD0]  }
0x7a: {  	[tilespmem:$0x500] =	vst v11;
	v22 =	vnsel vm8, $0x1, v22;
	v23 =	vadd.s32 $0x1, v10;
	v10 =	vadd.s32 $0x2, v10  }
0x7b: {  	[tilespmem:$0x410] =	vst v15;
	vm8 =	veq.s32 v56, $0x1;
	v23 =	vnsel vm9, $0x1, v23;
	v41 =	vsel vm3, $0x1, v1  }
0x7c: {  	v32 =	vld [tilespmem:$0x1F0];
	[tilespmem:$0x580] =	vst v6;
	v10 =	vsel vm10, $0x1, v10;
	vm9 =	vne.s32 v58, $0x1;
	v18 =	vadd.s32 v40, v41  }
0x7d: {  	[tilespmem:$0x420] =	vst v19;
	vm10 =	vne.s32 v29, $0x1;
	v31 =	vsel vm9, $0x1, v1;
	v40 =	vld [tilespmem:$0x310];
	v20 =	vadd.s32 $0x1, v18  }
0x7e: {  	[tilespmem:$0x490] =	vst v8;
	v18 =	vadd.s32 v21, v18;
	v20 =	vnsel vm3, $0x1, v20;
	vm3 =	vne.s32 v5, $0x1;
	v5 =	vld [tilespmem:$0x60]  }
0x7f: {  	v54 =	vld [tilespmem:$0x70];
	[tilespmem:$0x430] =	vst v39;
	v39 =	vsel vm10, $0x1, v1;
	v43 =	vadd.s32 $0x1, v18;
	v45 =	vsel vm3, $0x1, v1  }
0x80: {  	v37 =	vld [tilespmem:$0x290];
	[tilespmem:$0x510] =	vst v16;
	v50 =	vadd.s32 $0x2, v18;
	v6 =	vnsel vm11, $0x1, v43;
	v47 =	vadd.s32 v44, v45  }
0x81: {  	[tilespmem:$0x590] =	vst v7;
	v51 =	vsel vm13, $0x1, v50;
	vm11 =	veq.s32 v32, $0x1;
	v11 =	vadd.s32 v48, v47  }
0x82: {  	v63 =	vld [tilespmem:$0x200];
	[tilespmem:$0x4A0] =	vst v12;
	vm13 =	vne.s32 v40, $0x1;
	v9 =	vadd.s32 $0x1, v47;
	v52 =	vadd.s32 $0x1, v11  }
0x83: {  	[tilespmem:$0x520] =	vst v17;
	v9 =	vnsel vm3, $0x1, v9;
	v11 =	vadd.s32 $0x2, v11;
	vm3 =	vne.s32 v5, $0x1;
	v5 =	vld [tilespmem:$0xF0]  }
0x84: {  	v34 =	vld [tilespmem:$0x380];
	[tilespmem:$0x5C0] =	vst v51;
	v51 =	vsel vm13, $0x1, v1;
	v15 =	vnsel vm12, $0x1, v52;
	v11 =	vsel vm2, $0x1, v11  }
0x85: {  	[tilespmem:$0x5A0] =	vst v14;
	vm2 =	vne.s32 v54, $0x1;
	vm12 =	vne.s32 v37, $0x1;
	v7 =	vsel vm3, $0x1, v1  }
0x86: {  	v49 =	vld [tilespmem:$0x390];
	[tilespmem:$0x440] =	vst v27;
	v60 =	vsel vm3, $0x2, v0;
	v26 =	vsel vm2, $0x1, v1;
	v33 =	vsel vm2, $0x2, v0  }
0x87: {  	[tilespmem:$0x450] =	vst v53;
	v52 =	vld [tilespmem:$0x320];
	vm2 =	vne.s32 v63, $0x1;
	v48 =	vsel vm12, $0x1, v1;
	v7 =	vadd.s32 v7, v55  }
0x88: {  	[tilespmem:$0x540] =	vst v6;
	v6 =	vsel vm2, $0x1, v1;
	v45 =	vsel vm2, $0x2, v0;
	vm3 =	vne.s32 v5, $0x1;
	v5 =	vld [tilespmem:$0x280]  }
0x89: {  	vm2 =	veq.s32 v34, $0x1;
	[tilespmem:$0x460] =	vst v60;
	v60 =	vld [tilespmem:$0x330];
	v59 =	vadd.s32 $0x1, v7;
	v7 =	vadd.s32 v57, v7  }
0x8a: {  	[tilespmem:$0x4B0] =	vst v22;
	v61 =	vnsel vm14, $0x1, v59;
	v62 =	vadd.s32 $0x1, v7;
	v28 =	vsel vm3, $0x1, v1  }
0x8b: {  	[tilespmem:$0x530] =	vst v23;
	v7 =	vadd.s32 $0x2, v7;
	vm14 =	veq.s32 v49, $0x1;
	v17 =	vadd.s32 v26, v28  }
0x8c: {  	[tilespmem:$0x5B0] =	vst v10;
	v21 =	vld [tilespmem:$0x3A0];
	v25 =	vnsel vm15, $0x1, v62;
	v7 =	vsel vm8, $0x1, v7;
	v30 =	vadd.s32 $0x1, v17  }
0x8d: {  	[tilespmem:$0x4C0] =	vst v20;
	vm15 =	vne.s32 v52, $0x1;
	v10 =	vnsel vm3, $0x1, v30;
	vm3 =	vne.s32 v5, $0x1;
	v5 =	vld [tilespmem:$0x210]  }
0x8e: {  	v29 =	vld [tilespmem:$0x340];
	[tilespmem:$0x4D0] =	vst v9;
	v63 =	vsel vm15, $0x1, v1;
	vm8 =	vne.s32 v60, $0x1;
	v17 =	vadd.s32 v31, v17  }
0x8f: {  	v46 =	vld [tilespmem:$0x220];
	[tilespmem:$0x550] =	vst v15;
	v28 =	vsel vm8, $0x1, v1;
	v35 =	vadd.s32 $0x1, v17;
	v36 =	vsel vm3, $0x1, v1  }
0x90: {  	[tilespmem:$0x5D0] =	vst v11;
	v26 =	vld [tilespmem:$0x2C0];
	v41 =	vadd.s32 $0x2, v17;
	v38 =	vnsel vm9, $0x1, v35;
	v6 =	vadd.s32 v6, v36  }
0x91: {  	[tilespmem:$0x470] =	vst v33;
	v57 =	vld [tilespmem:$0x230];
	v43 =	vsel vm11, $0x1, v41;
	v42 =	vadd.s32 v39, v6;
	v6 =	vadd.s32 $0x1, v6  }
0x92: {  	[tilespmem:$0x600] =	vst v45;
	vm9 =	veq.s32 v21, $0x1;
	v6 =	vnsel vm3, $0x1, v6;
	vm3 =	vne.s32 v5, $0x1;
	v5 =	vld [tilespmem:$0x2A0]  }
0x93: {  	[tilespmem:$0x4E0] =	vst v61;
	vm11 =	vne.s32 v29, $0x1;
	v44 =	vadd.s32 $0x1, v42;
	v50 =	vadd.s32 $0x2, v42  }
0x94: {  	v23 =	vld [tilespmem:$0x3B0];
	[tilespmem:$0x560] =	vst v25;
	v39 =	vsel vm11, $0x1, v1;
	v16 =	vnsel vm10, $0x1, v44;
	v53 =	vsel vm2, $0x1, v50  }
0x95: {  	[tilespmem:$0x5E0] =	vst v7;
	vm2 =	vne.s32 v46, $0x1;
	vm10 =	vne.s32 v26, $0x1;
	v47 =	vsel vm3, $0x1, v1  }
0x96: {  	v37 =	vld [tilespmem:$0x3C0];
	[tilespmem:$0x4F0] =	vst v10;
	v7 =	vsel vm3, $0x2, v0;
	v58 =	vsel vm2, $0x1, v1;
	v22 =	vsel vm2, $0x2, v0  }
0x97: {  	[tilespmem:$0x570] =	vst v38;
	vm2 =	vne.s32 v57, $0x1;
	v36 =	vsel vm10, $0x1, v1;
	vm3 =	vne.s32 v5, $0x1;
	v5 =	vld [tilespmem:$0x2B0]  }
0x98: {  	v40 =	vld [tilespmem:$0x350];
	[tilespmem:$0x5F0] =	vst v43;
	v11 =	vadd.s32 v47, v48;
	v24 =	vsel vm2, $0x1, v1;
	v33 =	vsel vm2, $0x2, v0  }
0x99: {  	v45 =	vld [tilespmem:$0x360];
	[tilespmem:$0x680] =	vst v6;
	vm2 =	veq.s32 v23, $0x1;
	v54 =	vadd.s32 $0x1, v11;
	v59 =	vsel vm3, $0x1, v1  }
0x9a: {  	[tilespmem:$0x700] =	vst v16;
	v11 =	vadd.s32 v51, v11;
	v55 =	vnsel vm12, $0x1, v54;
	v10 =	vadd.s32 v58, v59  }
0x9b: {  	[tilespmem:$0x780] =	vst v53;
	v56 =	vadd.s32 $0x1, v11;
	v61 =	vadd.s32 $0x2, v11;
	v62 =	vadd.s32 $0x1, v10  }
0x9c: {  	[tilespmem:$0x610] =	vst v7;
	vm12 =	veq.s32 v37, $0x1;
	v9 =	vnsel vm3, $0x1, v62;
	vm3 =	vne.s32 v5, $0x1;
	v5 =	vld [tilespmem:$0x240]  }
0x9d: {  	[tilespmem:$0x620] =	vst v22;
	v14 =	vnsel vm13, $0x1, v56;
	v8 =	vsel vm14, $0x1, v61;
	vm13 =	vne.s32 v40, $0x1  }
0x9e: {  	[tilespmem:$0x630] =	vst v33;
	vm14 =	vne.s32 v45, $0x1;
	v11 =	vsel vm13, $0x1, v1;
	v25 =	vsel vm3, $0x1, v1  }
0x9f: {  	v47 =	vld [tilespmem:$0x3D0];
	[tilespmem:$0x690] =	vst v55;
	v54 =	vsel vm14, $0x1, v1;
	v10 =	vadd.s32 v63, v10;
	v27 =	vadd.s32 v24, v25  }
0xa0: {  	v34 =	vld [tilespmem:$0x250];
	[tilespmem:$0x710] =	vst v14;
	v59 =	vsel vm1, $0x2, v0;
	v6 =	vadd.s32 $0x1, v10;
	v31 =	vadd.s32 $0x1, v27  }
0xa1: {  	[tilespmem:$0x790] =	vst v8;
	v7 =	vadd.s32 $0x2, v10;
	v12 =	vnsel vm3, $0x1, v31;
	vm3 =	vne.s32 v5, $0x1;
	v5 =	vld [tilespmem:$0x2D0]  }
0xa2: {  	v42 =	vld [tilespmem:$0x260];
	[tilespmem:$0x400] =	vst v59;
	v62 =	vperm.xlane v59, v2;
	v6 =	vnsel vm15, $0x1, v6;
	v30 =	vadd.s32 v28, v27  }
0xa3: {  	v7 =	vsel vm9, $0x1, v7;
	[tilespmem:$0x6A0] =	vst v9;
	v32 =	vadd.s32 $0x1, v30;
	v38 =	vadd.s32 $0x2, v30  }
0xa4: {  	vm15 =	veq.s32 v47, $0x1;
	[tilespmem:$0x720] =	vst v6;
	v13 =	vnsel vm8, $0x1, v32;
	v6 =	vsel vm2, $0x1, v38  }
0xa5: {  	[tilespmem:$0x7A0] =	vst v7;
	vm2 =	vne.s32 v34, $0x1;
	v35 =	vsel vm3, $0x1, v1;
	v7 =	vsel vm3, $0x2, v0  }
0xa6: {  	[tilespmem:$0x6B0] =	vst v12;
	v43 =	vsel vm2, $0x1, v1;
	v8 =	vadd.s32 v35, v36;
	vm3 =	vne.s32 v5, $0x1;
	v5 =	vld [tilespmem:$0x2E0]  }
0xa7: {  	[tilespmem:$0x730] =	vst v13;
	v48 =	vsel vm2, $0x2, v0;
	vm2 =	vne.s32 v42, $0x1;
	v41 =	vadd.s32 $0x1, v8  }
0xa8: {  	[tilespmem:$0x7B0] =	vst v6;
	v8 =	vadd.s32 v39, v8;
	v9 =	vnsel vm10, $0x1, v41;
	v44 =	vsel vm3, $0x1, v1  }
0xa9: {  	v52 =	vld [tilespmem:$0x270];
	[tilespmem:$0x640] =	vst v7;
	v10 =	vadd.s32 $0x1, v8;
	v8 =	vadd.s32 $0x2, v8;
	v12 =	vadd.s32 v43, v44  }
0xaa: {  	v56 =	vld [tilespmem:$0x370];
	[tilespmem:$0x650] =	vst v48;
	v10 =	vnsel vm11, $0x1, v10;
	v6 =	vsel vm12, $0x1, v8;
	v46 =	vadd.s32 $0x1, v12  }
0xab: {  	[tilespmem:$0x6C0] =	vst v9;
	v7 =	vadd.s32 v11, v12;
	v8 =	vnsel vm3, $0x1, v46;
	vm3 =	vne.s32 v5, $0x1;
	v5 =	vld [tilespmem:$0x3E0]  }
0xac: {  	v55 =	vld [tilespmem:$0x2F0];
	v50 =	vsel vm2, $0x1, v1;
	[tilespmem:$0x740] =	vst v10;
	v49 =	vadd.s32 $0x1, v7;
	v51 =	vsel vm3, $0x1, v1  }
0xad: {  	[tilespmem:$0x7C0] =	vst v6;
	v7 =	vadd.s32 $0x2, v7;
	v6 =	vnsel vm13, $0x1, v49;
	v53 =	vadd.s32 v50, v51  }
0xae: {  	v7 =	vsel vm15, $0x1, v7;
	[tilespmem:$0x6D0] =	vst v8;
	v10 =	vadd.s32 v54, v53;
	v57 =	vadd.s32 $0x1, v53  }
0xaf: {  	[tilespmem:$0x7D0] =	vst v7;
	v58 =	vadd.s32 $0x1, v10;
	v8 =	vnsel vm3, $0x1, v57;
	v7 =	vadd.s32 $0x2, v10  }
0xb0: {  	[tilespmem:$0x750] =	vst v6;
	vm3 =	vne.s32 v56, $0x1;
	vm1 =	veq.s32 v5, $0x1;
	v5 =	vsel vm2, $0x2, v0  }
0xb1: {  	v61 =	vld [tilespmem:$0x3F0];
	vm2 =	vne.s32 v55, $0x1;
	[tilespmem:$0x660] =	vst v5;
	v5 =	vsel vm1, $0x1, v7;
	vm1 =	vne.s32 v52, $0x1  }
0xb2: {  	v6 =	vnsel vm14, $0x1, v58;
	[tilespmem:$0x6E0] =	vst v8;
	v60 =	vsel vm2, $0x1, v1;
	v7 =	vsel vm1, $0x1, v1  }
0xb3: {  	v8 =	vadd.s32 v3, v62;
	[tilespmem:$0x760] =	vst v6;
	v6 =	vadd.s32 v7, v60;
	v7 =	vsel vm3, $0x1, v1  }
0xb4: {  	v63 =	vsel vm1, $0x2, v0;
	[tilespmem:$0x7E0] =	vst v5;
	v5 =	vadd.s32 v7, v6;
	v6 =	vadd.s32 $0x1, v6  }
0xb5: {  	[tilespmem:$0x670] =	vst v63;
	v6 =	vnsel vm2, $0x1, v6;
	v7 =	vadd.s32 $0x1, v5  }
0xb6: {  	vm1 =	veq.s32 v61, $0x1;
	v5 =	vadd.s32 $0x2, v5;
	[tilespmem:$0x6F0] =	vst v6;
	v6 =	vnsel vm3, $0x1, v7  }
0xb7: {  	v5 =	vsel vm1, $0x1, v5;
	[tilespmem:$0x770] =	vst v6  }
0xb8: {  	[tilespmem:$0x7F0] =	vst v5  }
0xb9: {  	[tilespmem:s5], [sflag:$0x1] =	stream.indirect_vreg.gather [hbm4b:s2+s3], $0x80, v8, vm0, $0xb8;
	[tilespmem:$0x10800] =	vst v63  }
0xba: {  	s0 =	simm.s32 $0x1000;
	v5 =	vperm.xlane v59, v4  }
0xbb: {  	[tilespmem:s0], [sflag:$0x1] =	stream.indirect_vreg.gather [hbm4b:s9+s3], $0x80, v8, vm0, $0xb8;
	[tilespmem:$0x10800] =	vst v63  }
0xbc: {  	s17 =	simm.s32 $0x1800;
	v5 =	vadd.s32 v3, v5  }
0xbd: {  	[tilespmem:s17], [sflag:$0x1] =	stream.indirect_vreg.gather [hbm4b:s10+s3], $0x80, v8, vm0, $0xb8;
	[tilespmem:$0x10800] =	vst v63  }
0xbe: {  	s18 =	simm.s32 $0x2000  }
0xbf: {  	[tilespmem:s18], [sflag:$0x1] =	stream.indirect_vreg.gather [hbm4b:s11+s3], $0x80, v8, vm0, $0xb8;
	[tilespmem:$0x10800] =	vst v63  }
0xc0: {  	s19 =	simm.s32 $0x2800  }
0xc1: {  	[tilespmem:s19], [sflag:$0x1] =	stream.indirect_vreg.gather [hbm4b:s2+s3], $0x80, v5, vm0, $0xb8;
	[tilespmem:$0x10800] =	vst v63  }
0xc2: {  	s20 =	simm.s32 $0x3000  }
0xc3: {  	[tilespmem:s20], [sflag:$0x1] =	stream.indirect_vreg.gather [hbm4b:s9+s3], $0x80, v5, vm0, $0xb8;
	[tilespmem:$0x10800] =	vst v63  }
0xc4: {  	s21 =	simm.s32 $0x3800  }
0xc5: {  	[tilespmem:s21], [sflag:$0x1] =	stream.indirect_vreg.gather [hbm4b:s10+s3], $0x80, v5, vm0, $0xb8;
	[tilespmem:$0x10800] =	vst v63  }
0xc6: {  	s25 =	simm.s32 $0x4000  }
0xc7: {  	[tilespmem:s25], [sflag:$0x1] =	stream.indirect_vreg.gather [hbm4b:s11+s3], $0x80, v5, vm0, $0xb8;
	[tilespmem:$0x10800] =	vst v63  }
0xc8: {  	v5 =	vld [tilespmem:$0x410];
	_ =	sdelay $0x4  }
0xc9: {  	v6 =	vshll.u32 v5, $0x3  }
0xca: {  	v5 =	vand.u32 $0x7, v5;
	v6 =	vand.u32 $0xFFFFFFC0, v6  }
0xcb: {  	v5 =	vor.u32 v5, v6  }
0xcc: {  	v6 =	vperm.xlane v5, v2;
	_ =	sdelay $0x1  }
0xcd: {  	v6 =	vadd.s32 v3, v6;
	_ =	sdelay $0x3  }
0xce: {  	s26 =	simm.s32 $0x4800  }
0xcf: {  	[tilespmem:s26], [sflag:$0x1] =	stream.indirect_vreg.gather [hbm4b:s2+s3], $0x80, v6, vm0, $0xb8;
	[tilespmem:$0x10800] =	vst v63  }
0xd0: {  	s29 =	simm.s32 $0x5000;
	v5 =	vperm.xlane v5, v4  }
0xd1: {  	[tilespmem:s29], [sflag:$0x1] =	stream.indirect_vreg.gather [hbm4b:s9+s3], $0x80, v6, vm0, $0xb8;
	[tilespmem:$0x10800] =	vst v63  }
0xd2: {  	s30 =	simm.s32 $0x5800;
	v5 =	vadd.s32 v3, v5  }
0xd3: {  	[tilespmem:s30], [sflag:$0x1] =	stream.indirect_vreg.gather [hbm4b:s10+s3], $0x80, v6, vm0, $0xb8;
	[tilespmem:$0x10800] =	vst v63  }
0xd4: {  	s4 =	simm.s32 $0x6000  }
0xd5: {  	[tilespmem:s4], [sflag:$0x1] =	stream.indirect_vreg.gather [hbm4b:s11+s3], $0x80, v6, vm0, $0xb8;
	[tilespmem:$0x10800] =	vst v63  }
0xd6: {  	s6 =	simm.s32 $0x6800  }
0xd7: {  	[tilespmem:s6], [sflag:$0x1] =	stream.indirect_vreg.gather [hbm4b:s2+s3], $0x80, v5, vm0, $0xb8;
	[tilespmem:$0x10800] =	vst v63  }
0xd8: {  	s14 =	simm.s32 $0x7000  }
0xd9: {  	[tilespmem:s14], [sflag:$0x1] =	stream.indirect_vreg.gather [hbm4b:s9+s3], $0x80, v5, vm0, $0xb8;
	[tilespmem:$0x10800] =	vst v63  }
0xda: {  	s18 =	simm.s32 $0x7800  }
0xdb: {  	[tilespmem:s18], [sflag:$0x1] =	stream.indirect_vreg.gather [hbm4b:s10+s3], $0x80, v5, vm0, $0xb8;
	[tilespmem:$0x10800] =	vst v63  }
0xdc: {  	s19 =	simm.s32 $0x8000  }
0xdd: {  	[tilespmem:s19], [sflag:$0x1] =	stream.indirect_vreg.gather [hbm4b:s11+s3], $0x80, v5, vm0, $0xb8;
	[tilespmem:$0x10800] =	vst v63  }
0xde: {  	_ =	swait.ge [sflag:s31], $0x8000  }
0xdf: {  	[sflag:s31] =	ssyncset.done $0x0  }
0xe0: {  	[sflag:s31] =	ssyncadd.s32 $0xFFFF8000  }
0xe1: {  	v5 =	vld [tilespmem:$0x420];
	_ =	sdelay $0x4  }
0xe2: {  	v6 =	vshll.u32 v5, $0x3  }
0xe3: {  	v5 =	vand.u32 $0x7, v5;
	v6 =	vand.u32 $0xFFFFFFC0, v6  }
0xe4: {  	v5 =	vor.u32 v5, v6  }
0xe5: {  	v6 =	vperm.xlane v5, v2;
	_ =	sdelay $0x1  }
0xe6: {  	v6 =	vadd.s32 v3, v6;
	_ =	sdelay $0x4  }
0xe7: {  	[tilespmem:s1], [sflag:$0x2] =	stream.indirect_vreg.gather [hbm4b:s2+s3], $0x80, v6, vm0, $0xb8;
	[tilespmem:$0x10800] =	vst v63  }
0xe8: {  	s20 =	simm.s32 $0x9000;
	v5 =	vperm.xlane v5, v4  }
0xe9: {  	[tilespmem:s20], [sflag:$0x2] =	stream.indirect_vreg.gather [hbm4b:s9+s3], $0x80, v6, vm0, $0xb8;
	[tilespmem:$0x10800] =	vst v63  }
0xea: {  	s21 =	simm.s32 $0x9800;
	v5 =	vadd.s32 v3, v5  }
0xeb: {  	[tilespmem:s21], [sflag:$0x2] =	stream.indirect_vreg.gather [hbm4b:s10+s3], $0x80, v6, vm0, $0xb8;
	[tilespmem:$0x10800] =	vst v63  }
0xec: {  	s25 =	simm.s32 $0xA000  }
0xed: {  	[tilespmem:s25], [sflag:$0x2] =	stream.indirect_vreg.gather [hbm4b:s11+s3], $0x80, v6, vm0, $0xb8;
	[tilespmem:$0x10800] =	vst v63  }
0xee: {  	s26 =	simm.s32 $0xA800  }
0xef: {  	[tilespmem:s26], [sflag:$0x2] =	stream.indirect_vreg.gather [hbm4b:s2+s3], $0x80, v5, vm0, $0xb8;
	[tilespmem:$0x10800] =	vst v63  }
0xf0: {  	s29 =	simm.s32 $0xB000  }
0xf1: {  	[tilespmem:s29], [sflag:$0x2] =	stream.indirect_vreg.gather [hbm4b:s9+s3], $0x80, v5, vm0, $0xb8;
	[tilespmem:$0x10800] =	vst v63  }
0xf2: {  	s30 =	simm.s32 $0xB800  }
0xf3: {  	[tilespmem:s30], [sflag:$0x2] =	stream.indirect_vreg.gather [hbm4b:s10+s3], $0x80, v5, vm0, $0xb8;
	[tilespmem:$0x10800] =	vst v63  }
0xf4: {  	s20 =	simm.s32 $0xC000  }
0xf5: {  	[tilespmem:s20], [sflag:$0x2] =	stream.indirect_vreg.gather [hbm4b:s11+s3], $0x80, v5, vm0, $0xb8;
	[tilespmem:$0x10800] =	vst v63  }
0xf6: {  	v5 =	vld [tilespmem:$0x430];
	_ =	sdelay $0x4  }
0xf7: {  	v6 =	vshll.u32 v5, $0x3  }
0xf8: {  	v5 =	vand.u32 $0x7, v5;
	v6 =	vand.u32 $0xFFFFFFC0, v6  }
0xf9: {  	v5 =	vor.u32 v5, v6  }
0xfa: {  	v6 =	vperm.xlane v5, v2;
	_ =	sdelay $0x1  }
0xfb: {  	v6 =	vadd.s32 v3, v6;
	_ =	sdelay $0x3  }
0xfc: {  	s21 =	simm.s32 $0xC800  }
0xfd: {  	[tilespmem:s21], [sflag:$0x2] =	stream.indirect_vreg.gather [hbm4b:s2+s3], $0x80, v6, vm0, $0xb8;
	[tilespmem:$0x10800] =	vst v63  }
0xfe: {  	s25 =	simm.s32 $0xD000;
	v5 =	vperm.xlane v5, v4  }
0xff: {  	[tilespmem:s25], [sflag:$0x2] =	stream.indirect_vreg.gather [hbm4b:s9+s3], $0x80, v6, vm0, $0xb8;
	[tilespmem:$0x10800] =	vst v63  }
0x100: {  	s26 =	simm.s32 $0xD800;
	v5 =	vadd.s32 v3, v5  }
0x101: {  	[tilespmem:s26], [sflag:$0x2] =	stream.indirect_vreg.gather [hbm4b:s10+s3], $0x80, v6, vm0, $0xb8;
	[tilespmem:$0x10800] =	vst v63  }
0x102: {  	s29 =	simm.s32 $0xE000  }
0x103: {  	[tilespmem:s29], [sflag:$0x2] =	stream.indirect_vreg.gather [hbm4b:s11+s3], $0x80, v6, vm0, $0xb8;
	[tilespmem:$0x10800] =	vst v63  }
0x104: {  	s30 =	simm.s32 $0xE800  }
0x105: {  	[tilespmem:s30], [sflag:$0x2] =	stream.indirect_vreg.gather [hbm4b:s2+s3], $0x80, v5, vm0, $0xb8;
	[tilespmem:$0x10800] =	vst v63  }
0x106: {  	s25 =	simm.s32 $0xF000  }
0x107: {  	[tilespmem:s25], [sflag:$0x2] =	stream.indirect_vreg.gather [hbm4b:s9+s3], $0x80, v5, vm0, $0xb8;
	[tilespmem:$0x10800] =	vst v63  }
0x108: {  	s26 =	simm.s32 $0xF800  }
0x109: {  	[tilespmem:s26], [sflag:$0x2] =	stream.indirect_vreg.gather [hbm4b:s10+s3], $0x80, v5, vm0, $0xb8;
	[tilespmem:$0x10800] =	vst v63  }
0x10a: {  	s29 =	simm.s32 $0x10000;
	s30 =	sld [smem:$0x7F0]  }
0x10b: {  	[tilespmem:s29], [sflag:$0x2] =	stream.indirect_vreg.gather [hbm4b:s11+s3], $0x80, v5, vm0, $0xb8;
	[tilespmem:$0x10800] =	vst v63  }
0x10c: {  	_ = 	snop  }
0x10d: {  	[hbm4b:s30+s3] =	stream.linear.scatter [tilespmem:s5], [sflag:$0x3], $0x8000, $0x38;
	[tilespmem:$0x10800] =	vst v63  }
0x10e: {  	_ =	swait.ge [sflag:s22], $0x8000  }
0x10f: {  	[sflag:s22] =	ssyncset.done $0x0  }
0x110: {  	[sflag:s22] =	ssyncadd.s32 $0xFFFF8000  }
0x111: {  	_ =	swait.ge [sflag:s23], $0x8000  }
0x112: {  	[sflag:s23] =	ssyncset.done $0x0  }
0x113: {  	[sflag:s23] =	ssyncadd.s32 $0xFFFF8000  }
0x114: {  	v5 =	vld [tilespmem:$0x440];
	_ =	sdelay $0x4  }
0x115: {  	v6 =	vshll.u32 v5, $0x3  }
0x116: {  	v5 =	vand.u32 $0x7, v5;
	v6 =	vand.u32 $0xFFFFFFC0, v6  }
0x117: {  	v5 =	vor.u32 v5, v6  }
0x118: {  	v6 =	vperm.xlane v5, v2;
	_ =	sdelay $0x1  }
0x119: {  	v6 =	vadd.s32 v3, v6;
	_ =	sdelay $0x4  }
0x11a: {  	[tilespmem:s5], [sflag:$0x1] =	stream.indirect_vreg.gather [hbm4b:s2+s3], $0x80, v6, vm0, $0xb8;
	[tilespmem:$0x10800] =	vst v63  }
0x11b: {  	s16 =	simm.s32 $0x1000;
	v5 =	vperm.xlane v5, v4  }
0x11c: {  	[tilespmem:s16], [sflag:$0x1] =	stream.indirect_vreg.gather [hbm4b:s9+s3], $0x80, v6, vm0, $0xb8;
	[tilespmem:$0x10800] =	vst v63  }
0x11d: {  	s17 =	simm.s32 $0x1800;
	v5 =	vadd.s32 v3, v5  }
0x11e: {  	[tilespmem:s17], [sflag:$0x1] =	stream.indirect_vreg.gather [hbm4b:s10+s3], $0x80, v6, vm0, $0xb8;
	[tilespmem:$0x10800] =	vst v63  }
0x11f: {  	s28 =	simm.s32 $0x2000  }
0x120: {  	[tilespmem:s28], [sflag:$0x1] =	stream.indirect_vreg.gather [hbm4b:s11+s3], $0x80, v6, vm0, $0xb8;
	[tilespmem:$0x10800] =	vst v63  }
0x121: {  	s13 =	simm.s32 $0x2800  }
0x122: {  	[tilespmem:s13], [sflag:$0x1] =	stream.indirect_vreg.gather [hbm4b:s2+s3], $0x80, v5, vm0, $0xb8;
	[tilespmem:$0x10800] =	vst v63  }
0x123: {  	s7 =	simm.s32 $0x3000  }
0x124: {  	[tilespmem:s7], [sflag:$0x1] =	stream.indirect_vreg.gather [hbm4b:s9+s3], $0x80, v5, vm0, $0xb8;
	[tilespmem:$0x10800] =	vst v63  }
0x125: {  	s7 =	simm.s32 $0x3800  }
0x126: {  	[tilespmem:s7], [sflag:$0x1] =	stream.indirect_vreg.gather [hbm4b:s10+s3], $0x80, v5, vm0, $0xb8;
	[tilespmem:$0x10800] =	vst v63  }
0x127: {  	s8 =	simm.s32 $0x4000  }
0x128: {  	[tilespmem:s8], [sflag:$0x1] =	stream.indirect_vreg.gather [hbm4b:s11+s3], $0x80, v5, vm0, $0xb8;
	[tilespmem:$0x10800] =	vst v63  }
0x129: {  	v5 =	vld [tilespmem:$0x450];
	_ =	sdelay $0x4  }
0x12a: {  	v6 =	vshll.u32 v5, $0x3  }
0x12b: {  	v5 =	vand.u32 $0x7, v5;
	v6 =	vand.u32 $0xFFFFFFC0, v6  }
0x12c: {  	v5 =	vor.u32 v5, v6  }
0x12d: {  	v6 =	vperm.xlane v5, v2;
	_ =	sdelay $0x1  }
0x12e: {  	v6 =	vadd.s32 v3, v6;
	_ =	sdelay $0x3  }
0x12f: {  	s13 =	simm.s32 $0x4800  }
0x130: {  	[tilespmem:s13], [sflag:$0x1] =	stream.indirect_vreg.gather [hbm4b:s2+s3], $0x80, v6, vm0, $0xb8;
	[tilespmem:$0x10800] =	vst v63  }
0x131: {  	s15 =	simm.s32 $0x5000;
	v5 =	vperm.xlane v5, v4  }
0x132: {  	[tilespmem:s15], [sflag:$0x1] =	stream.indirect_vreg.gather [hbm4b:s9+s3], $0x80, v6, vm0, $0xb8;
	[tilespmem:$0x10800] =	vst v63  }
0x133: {  	s8 =	simm.s32 $0x5800;
	v5 =	vadd.s32 v3, v5  }
0x134: {  	[tilespmem:s8], [sflag:$0x1] =	stream.indirect_vreg.gather [hbm4b:s10+s3], $0x80, v6, vm0, $0xb8;
	[tilespmem:$0x10800] =	vst v63  }
0x135: {  	s12 =	simm.s32 $0x6000  }
0x136: {  	[tilespmem:s12], [sflag:$0x1] =	stream.indirect_vreg.gather [hbm4b:s11+s3], $0x80, v6, vm0, $0xb8;
	[tilespmem:$0x10800] =	vst v63  }
0x137: {  	s12 =	simm.s32 $0x6800  }
0x138: {  	[tilespmem:s12], [sflag:$0x1] =	stream.indirect_vreg.gather [hbm4b:s2+s3], $0x80, v5, vm0, $0xb8;
	[tilespmem:$0x10800] =	vst v63  }
0x139: {  	s15 =	simm.s32 $0x7000  }
0x13a: {  	[tilespmem:s15], [sflag:$0x1] =	stream.indirect_vreg.gather [hbm4b:s9+s3], $0x80, v5, vm0, $0xb8;
	[tilespmem:$0x10800] =	vst v63  }
0x13b: {  	s16 =	simm.s32 $0x7800  }
0x13c: {  	[tilespmem:s16], [sflag:$0x1] =	stream.indirect_vreg.gather [hbm4b:s10+s3], $0x80, v5, vm0, $0xb8;
	[tilespmem:$0x10800] =	vst v63  }
0x13d: {  	s6 =	simm.s32 $0x8000  }
0x13e: {  	[tilespmem:s6], [sflag:$0x1] =	stream.indirect_vreg.gather [hbm4b:s11+s3], $0x80, v5, vm0, $0xb8;
	[tilespmem:$0x10800] =	vst v63  }
0x13f: {  	s17 =	rddreg [dreg:$0x4]  }
0x140: {  	[hbm4b:s17+s3] =	stream.linear.scatter [tilespmem:s1], [sflag:$0x4], $0x8000, $0x38;
	[tilespmem:$0x10800] =	vst v63  }
0x141: {  	_ =	swait.ge [sflag:s31], $0x8000  }
0x142: {  	[sflag:s31] =	ssyncset.done $0x0  }
0x143: {  	[sflag:s31] =	ssyncadd.s32 $0xFFFF8000  }
0x144: {  	_ =	swait.ge [sflag:s24], $0x8000  }
0x145: {  	[sflag:s24] =	ssyncset.done $0x0  }
0x146: {  	[sflag:s24] =	ssyncadd.s32 $0xFFFF8000  }
0x147: {  	v5 =	vld [tilespmem:$0x460];
	_ =	sdelay $0x4  }
0x148: {  	v6 =	vshll.u32 v5, $0x3  }
0x149: {  	v5 =	vand.u32 $0x7, v5;
	v6 =	vand.u32 $0xFFFFFFC0, v6  }
0x14a: {  	v5 =	vor.u32 v5, v6  }
0x14b: {  	v6 =	vperm.xlane v5, v2;
	_ =	sdelay $0x1  }
0x14c: {  	v6 =	vadd.s32 v3, v6;
	_ =	sdelay $0x4  }
0x14d: {  	[tilespmem:s1], [sflag:$0x2] =	stream.indirect_vreg.gather [hbm4b:s2+s3], $0x80, v6, vm0, $0xb8;
	[tilespmem:$0x10800] =	vst v63  }
0x14e: {  	s19 =	simm.s32 $0x9000;
	v5 =	vperm.xlane v5, v4  }
0x14f: {  	[tilespmem:s19], [sflag:$0x2] =	stream.indirect_vreg.gather [hbm4b:s9+s3], $0x80, v6, vm0, $0xb8;
	[tilespmem:$0x10800] =	vst v63  }
0x150: {  	s4 =	simm.s32 $0x9800;
	v5 =	vadd.s32 v3, v5  }
0x151: {  	[tilespmem:s4], [sflag:$0x2] =	stream.indirect_vreg.gather [hbm4b:s10+s3], $0x80, v6, vm0, $0xb8;
	[tilespmem:$0x10800] =	vst v63  }
0x152: {  	s14 =	simm.s32 $0xA000  }
0x153: {  	[tilespmem:s14], [sflag:$0x2] =	stream.indirect_vreg.gather [hbm4b:s11+s3], $0x80, v6, vm0, $0xb8;
	[tilespmem:$0x10800] =	vst v63  }
0x154: {  	s18 =	simm.s32 $0xA800  }
0x155: {  	[tilespmem:s18], [sflag:$0x2] =	stream.indirect_vreg.gather [hbm4b:s2+s3], $0x80, v5, vm0, $0xb8;
	[tilespmem:$0x10800] =	vst v63  }
0x156: {  	s14 =	simm.s32 $0xB000  }
0x157: {  	[tilespmem:s14], [sflag:$0x2] =	stream.indirect_vreg.gather [hbm4b:s9+s3], $0x80, v5, vm0, $0xb8;
	[tilespmem:$0x10800] =	vst v63  }
0x158: {  	s19 =	simm.s32 $0xB800  }
0x159: {  	[tilespmem:s19], [sflag:$0x2] =	stream.indirect_vreg.gather [hbm4b:s10+s3], $0x80, v5, vm0, $0xb8;
	[tilespmem:$0x10800] =	vst v63  }
0x15a: {  	s20 =	simm.s32 $0xC000  }
0x15b: {  	[tilespmem:s20], [sflag:$0x2] =	stream.indirect_vreg.gather [hbm4b:s11+s3], $0x80, v5, vm0, $0xb8;
	[tilespmem:$0x10800] =	vst v63  }
0x15c: {  	v5 =	vld [tilespmem:$0x470];
	_ =	sdelay $0x4  }
0x15d: {  	v6 =	vshll.u32 v5, $0x3  }
0x15e: {  	v5 =	vand.u32 $0x7, v5;
	v6 =	vand.u32 $0xFFFFFFC0, v6  }
0x15f: {  	v5 =	vor.u32 v5, v6  }
0x160: {  	v6 =	vperm.xlane v5, v2;
	_ =	sdelay $0x1  }
0x161: {  	v6 =	vadd.s32 v3, v6;
	_ =	sdelay $0x3  }
0x162: {  	s21 =	simm.s32 $0xC800  }
0x163: {  	[tilespmem:s21], [sflag:$0x2] =	stream.indirect_vreg.gather [hbm4b:s2+s3], $0x80, v6, vm0, $0xb8;
	[tilespmem:$0x10800] =	vst v63  }
0x164: {  	s6 =	simm.s32 $0xD000;
	v5 =	vperm.xlane v5, v4  }
0x165: {  	[tilespmem:s6], [sflag:$0x2] =	stream.indirect_vreg.gather [hbm4b:s9+s3], $0x80, v6, vm0, $0xb8;
	[tilespmem:$0x10800] =	vst v63  }
0x166: {  	s20 =	simm.s32 $0xD800;
	v5 =	vadd.s32 v3, v5  }
0x167: {  	[tilespmem:s20], [sflag:$0x2] =	stream.indirect_vreg.gather [hbm4b:s10+s3], $0x80, v6, vm0, $0xb8;
	[tilespmem:$0x10800] =	vst v63  }
0x168: {  	s21 =	simm.s32 $0xE000  }
0x169: {  	[tilespmem:s21], [sflag:$0x2] =	stream.indirect_vreg.gather [hbm4b:s11+s3], $0x80, v6, vm0, $0xb8;
	[tilespmem:$0x10800] =	vst v63  }
0x16a: {  	s18 =	simm.s32 $0xE800  }
0x16b: {  	[tilespmem:s18], [sflag:$0x2] =	stream.indirect_vreg.gather [hbm4b:s2+s3], $0x80, v5, vm0, $0xb8;
	[tilespmem:$0x10800] =	vst v63  }
0x16c: {  	s4 =	simm.s32 $0xF000  }
0x16d: {  	[tilespmem:s4], [sflag:$0x2] =	stream.indirect_vreg.gather [hbm4b:s9+s3], $0x80, v5, vm0, $0xb8;
	[tilespmem:$0x10800] =	vst v63  }
0x16e: {  	s0 =	simm.s32 $0xF800  }
0x16f: {  	[tilespmem:s0], [sflag:$0x2] =	stream.indirect_vreg.gather [hbm4b:s10+s3], $0x80, v5, vm0, $0xb8;
	[tilespmem:$0x10800] =	vst v63  }
0x170: {  	s0 =	simm.s32 $0x10000  }
0x171: {  	[tilespmem:s0], [sflag:$0x2] =	stream.indirect_vreg.gather [hbm4b:s11+s3], $0x80, v5, vm0, $0xb8;
	[tilespmem:$0x10800] =	vst v63  }
0x172: {  	s25 =	rddreg [dreg:$0x5]  }
0x173: {  	[hbm4b:s25+s3] =	stream.linear.scatter [tilespmem:s5], [sflag:$0x3], $0x8000, $0x38;
	[tilespmem:$0x10800] =	vst v63  }
0x174: {  	_ =	swait.ge [sflag:s22], $0x8000  }
0x175: {  	[sflag:s22] =	ssyncset.done $0x0  }
0x176: {  	[sflag:s22] =	ssyncadd.s32 $0xFFFF8000  }
0x177: {  	_ =	swait.ge [sflag:s23], $0x8000  }
0x178: {  	[sflag:s23] =	ssyncset.done $0x0  }
0x179: {  	[sflag:s23] =	ssyncadd.s32 $0xFFFF8000  }
0x17a: {  	v5 =	vld [tilespmem:$0x600];
	_ =	sdelay $0x4  }
0x17b: {  	v6 =	vshll.u32 v5, $0x3  }
0x17c: {  	v5 =	vand.u32 $0x7, v5;
	v6 =	vand.u32 $0xFFFFFFC0, v6  }
0x17d: {  	v5 =	vor.u32 v5, v6  }
0x17e: {  	v6 =	vperm.xlane v5, v2;
	_ =	sdelay $0x1  }
0x17f: {  	v6 =	vadd.s32 v3, v6;
	_ =	sdelay $0x4  }
0x180: {  	[tilespmem:s5], [sflag:$0x1] =	stream.indirect_vreg.gather [hbm4b:s2+s3], $0x80, v6, vm0, $0xb8;
	[tilespmem:$0x10800] =	vst v63  }
0x181: {  	s25 =	simm.s32 $0x1000;
	v5 =	vperm.xlane v5, v4  }
0x182: {  	[tilespmem:s25], [sflag:$0x1] =	stream.indirect_vreg.gather [hbm4b:s9+s3], $0x80, v6, vm0, $0xb8;
	[tilespmem:$0x10800] =	vst v63  }
0x183: {  	v5 =	vadd.s32 v3, v5;
	s25 =	simm.s32 $0x1800  }
0x184: {  	[tilespmem:s25], [sflag:$0x1] =	stream.indirect_vreg.gather [hbm4b:s10+s3], $0x80, v6, vm0, $0xb8;
	[tilespmem:$0x10800] =	vst v63  }
0x185: {  	s25 =	simm.s32 $0x2000  }
0x186: {  	[tilespmem:s25], [sflag:$0x1] =	stream.indirect_vreg.gather [hbm4b:s11+s3], $0x80, v6, vm0, $0xb8;
	[tilespmem:$0x10800] =	vst v63  }
0x187: {  	s25 =	simm.s32 $0x2800  }
0x188: {  	[tilespmem:s25], [sflag:$0x1] =	stream.indirect_vreg.gather [hbm4b:s2+s3], $0x80, v5, vm0, $0xb8;
	[tilespmem:$0x10800] =	vst v63  }
0x189: {  	s0 =	simm.s32 $0x3000  }
0x18a: {  	[tilespmem:s0], [sflag:$0x1] =	stream.indirect_vreg.gather [hbm4b:s9+s3], $0x80, v5, vm0, $0xb8;
	[tilespmem:$0x10800] =	vst v63  }
0x18b: {  	_ = 	snop  }
0x18c: {  	[tilespmem:s7], [sflag:$0x1] =	stream.indirect_vreg.gather [hbm4b:s10+s3], $0x80, v5, vm0, $0xb8;
	[tilespmem:$0x10800] =	vst v63  }
0x18d: {  	s25 =	simm.s32 $0x4000  }
0x18e: {  	[tilespmem:s25], [sflag:$0x1] =	stream.indirect_vreg.gather [hbm4b:s11+s3], $0x80, v5, vm0, $0xb8;
	[tilespmem:$0x10800] =	vst v63  }
0x18f: {  	v5 =	vld [tilespmem:$0x610];
	_ =	sdelay $0x4  }
0x190: {  	v6 =	vshll.u32 v5, $0x3  }
0x191: {  	v5 =	vand.u32 $0x7, v5;
	v6 =	vand.u32 $0xFFFFFFC0, v6  }
0x192: {  	v5 =	vor.u32 v5, v6  }
0x193: {  	v6 =	vperm.xlane v5, v2;
	_ =	sdelay $0x1  }
0x194: {  	v6 =	vadd.s32 v3, v6;
	_ =	sdelay $0x4  }
0x195: {  	[tilespmem:s13], [sflag:$0x1] =	stream.indirect_vreg.gather [hbm4b:s2+s3], $0x80, v6, vm0, $0xb8;
	[tilespmem:$0x10800] =	vst v63  }
0x196: {  	s25 =	simm.s32 $0x5000;
	v5 =	vperm.xlane v5, v4  }
0x197: {  	[tilespmem:s25], [sflag:$0x1] =	stream.indirect_vreg.gather [hbm4b:s9+s3], $0x80, v6, vm0, $0xb8;
	[tilespmem:$0x10800] =	vst v63  }
0x198: {  	v5 =	vadd.s32 v3, v5  }
0x199: {  	[tilespmem:s8], [sflag:$0x1] =	stream.indirect_vreg.gather [hbm4b:s10+s3], $0x80, v6, vm0, $0xb8;
	[tilespmem:$0x10800] =	vst v63  }
0x19a: {  	s0 =	simm.s32 $0x6000  }
0x19b: {  	[tilespmem:s0], [sflag:$0x1] =	stream.indirect_vreg.gather [hbm4b:s11+s3], $0x80, v6, vm0, $0xb8;
	[tilespmem:$0x10800] =	vst v63  }
0x19c: {  	_ = 	snop  }
0x19d: {  	[tilespmem:s12], [sflag:$0x1] =	stream.indirect_vreg.gather [hbm4b:s2+s3], $0x80, v5, vm0, $0xb8;
	[tilespmem:$0x10800] =	vst v63  }
0x19e: {  	_ = 	snop  }
0x19f: {  	[tilespmem:s15], [sflag:$0x1] =	stream.indirect_vreg.gather [hbm4b:s9+s3], $0x80, v5, vm0, $0xb8;
	[tilespmem:$0x10800] =	vst v63  }
0x1a0: {  	_ = 	snop  }
0x1a1: {  	[tilespmem:s16], [sflag:$0x1] =	stream.indirect_vreg.gather [hbm4b:s10+s3], $0x80, v5, vm0, $0xb8;
	[tilespmem:$0x10800] =	vst v63  }
0x1a2: {  	s0 =	simm.s32 $0x8000  }
0x1a3: {  	[tilespmem:s0], [sflag:$0x1] =	stream.indirect_vreg.gather [hbm4b:s11+s3], $0x80, v5, vm0, $0xb8;
	[tilespmem:$0x10800] =	vst v63  }
0x1a4: {  	s25 =	rddreg [dreg:$0x6]  }
0x1a5: {  	[hbm4b:s25+s3] =	stream.linear.scatter [tilespmem:s1], [sflag:$0x4], $0x8000, $0x38;
	[tilespmem:$0x10800] =	vst v63  }
0x1a6: {  	_ =	swait.ge [sflag:s31], $0x8000  }
0x1a7: {  	[sflag:s31] =	ssyncset.done $0x0  }
0x1a8: {  	[sflag:s31] =	ssyncadd.s32 $0xFFFF8000  }
0x1a9: {  	_ =	swait.ge [sflag:s24], $0x8000  }
0x1aa: {  	[sflag:s24] =	ssyncset.done $0x0  }
0x1ab: {  	[sflag:s24] =	ssyncadd.s32 $0xFFFF8000  }
0x1ac: {  	v5 =	vld [tilespmem:$0x620];
	_ =	sdelay $0x4  }
0x1ad: {  	v6 =	vshll.u32 v5, $0x3  }
0x1ae: {  	v5 =	vand.u32 $0x7, v5;
	v6 =	vand.u32 $0xFFFFFFC0, v6  }
0x1af: {  	v5 =	vor.u32 v5, v6  }
0x1b0: {  	v6 =	vperm.xlane v5, v2;
	_ =	sdelay $0x1  }
0x1b1: {  	v6 =	vadd.s32 v3, v6;
	_ =	sdelay $0x4  }
0x1b2: {  	[tilespmem:s1], [sflag:$0x2] =	stream.indirect_vreg.gather [hbm4b:s2+s3], $0x80, v6, vm0, $0xb8;
	[tilespmem:$0x10800] =	vst v63  }
0x1b3: {  	s29 =	simm.s32 $0x9000;
	v5 =	vperm.xlane v5, v4  }
0x1b4: {  	[tilespmem:s29], [sflag:$0x2] =	stream.indirect_vreg.gather [hbm4b:s9+s3], $0x80, v6, vm0, $0xb8;
	[tilespmem:$0x10800] =	vst v63  }
0x1b5: {  	s26 =	simm.s32 $0x9800;
	v5 =	vadd.s32 v3, v5  }
0x1b6: {  	[tilespmem:s26], [sflag:$0x2] =	stream.indirect_vreg.gather [hbm4b:s10+s3], $0x80, v6, vm0, $0xb8;
	[tilespmem:$0x10800] =	vst v63  }
0x1b7: {  	s28 =	simm.s32 $0xA000  }
0x1b8: {  	[tilespmem:s28], [sflag:$0x2] =	stream.indirect_vreg.gather [hbm4b:s11+s3], $0x80, v6, vm0, $0xb8;
	[tilespmem:$0x10800] =	vst v63  }
0x1b9: {  	s28 =	simm.s32 $0xA800  }
0x1ba: {  	[tilespmem:s28], [sflag:$0x2] =	stream.indirect_vreg.gather [hbm4b:s2+s3], $0x80, v5, vm0, $0xb8;
	[tilespmem:$0x10800] =	vst v63  }
0x1bb: {  	_ = 	snop  }
0x1bc: {  	[tilespmem:s14], [sflag:$0x2] =	stream.indirect_vreg.gather [hbm4b:s9+s3], $0x80, v5, vm0, $0xb8;
	[tilespmem:$0x10800] =	vst v63  }
0x1bd: {  	_ = 	snop  }
0x1be: {  	[tilespmem:s19], [sflag:$0x2] =	stream.indirect_vreg.gather [hbm4b:s10+s3], $0x80, v5, vm0, $0xb8;
	[tilespmem:$0x10800] =	vst v63  }
0x1bf: {  	s30 =	simm.s32 $0xC000  }
0x1c0: {  	[tilespmem:s30], [sflag:$0x2] =	stream.indirect_vreg.gather [hbm4b:s11+s3], $0x80, v5, vm0, $0xb8;
	[tilespmem:$0x10800] =	vst v63  }
0x1c1: {  	v5 =	vld [tilespmem:$0x630];
	_ =	sdelay $0x4  }
0x1c2: {  	v6 =	vshll.u32 v5, $0x3  }
0x1c3: {  	v5 =	vand.u32 $0x7, v5;
	v6 =	vand.u32 $0xFFFFFFC0, v6  }
0x1c4: {  	v5 =	vor.u32 v5, v6  }
0x1c5: {  	v6 =	vperm.xlane v5, v2;
	_ =	sdelay $0x1  }
0x1c6: {  	v6 =	vadd.s32 v3, v6;
	_ =	sdelay $0x3  }
0x1c7: {  	s0 =	simm.s32 $0xC800  }
0x1c8: {  	[tilespmem:s0], [sflag:$0x2] =	stream.indirect_vreg.gather [hbm4b:s2+s3], $0x80, v6, vm0, $0xb8;
	[tilespmem:$0x10800] =	vst v63  }
0x1c9: {  	v5 =	vperm.xlane v5, v4  }
0x1ca: {  	[tilespmem:s6], [sflag:$0x2] =	stream.indirect_vreg.gather [hbm4b:s9+s3], $0x80, v6, vm0, $0xb8;
	[tilespmem:$0x10800] =	vst v63  }
0x1cb: {  	v5 =	vadd.s32 v3, v5  }
0x1cc: {  	[tilespmem:s20], [sflag:$0x2] =	stream.indirect_vreg.gather [hbm4b:s10+s3], $0x80, v6, vm0, $0xb8;
	[tilespmem:$0x10800] =	vst v63  }
0x1cd: {  	_ = 	snop  }
0x1ce: {  	[tilespmem:s21], [sflag:$0x2] =	stream.indirect_vreg.gather [hbm4b:s11+s3], $0x80, v6, vm0, $0xb8;
	[tilespmem:$0x10800] =	vst v63  }
0x1cf: {  	_ = 	snop  }
0x1d0: {  	[tilespmem:s18], [sflag:$0x2] =	stream.indirect_vreg.gather [hbm4b:s2+s3], $0x80, v5, vm0, $0xb8;
	[tilespmem:$0x10800] =	vst v63  }
0x1d1: {  	_ = 	snop  }
0x1d2: {  	[tilespmem:s4], [sflag:$0x2] =	stream.indirect_vreg.gather [hbm4b:s9+s3], $0x80, v5, vm0, $0xb8;
	[tilespmem:$0x10800] =	vst v63  }
0x1d3: {  	s17 =	simm.s32 $0xF800  }
0x1d4: {  	[tilespmem:s17], [sflag:$0x2] =	stream.indirect_vreg.gather [hbm4b:s10+s3], $0x80, v5, vm0, $0xb8;
	[tilespmem:$0x10800] =	vst v63  }
0x1d5: {  	s21 =	simm.s32 $0x10000  }
0x1d6: {  	[tilespmem:s21], [sflag:$0x2] =	stream.indirect_vreg.gather [hbm4b:s11+s3], $0x80, v5, vm0, $0xb8;
	[tilespmem:$0x10800] =	vst v63  }
0x1d7: {  	s25 =	rddreg [dreg:$0x7]  }
0x1d8: {  	[hbm4b:s25+s3] =	stream.linear.scatter [tilespmem:s5], [sflag:$0x3], $0x8000, $0x38;
	[tilespmem:$0x10800] =	vst v63  }
0x1d9: {  	_ =	swait.ge [sflag:s22], $0x8000  }
0x1da: {  	[sflag:s22] =	ssyncset.done $0x0  }
0x1db: {  	[sflag:s22] =	ssyncadd.s32 $0xFFFF8000  }
0x1dc: {  	_ =	swait.ge [sflag:s23], $0x8000  }
0x1dd: {  	[sflag:s23] =	ssyncset.done $0x0  }
0x1de: {  	[sflag:s23] =	ssyncadd.s32 $0xFFFF8000  }
0x1df: {  	v5 =	vld [tilespmem:$0x640];
	_ =	sdelay $0x4  }
0x1e0: {  	v6 =	vshll.u32 v5, $0x3  }
0x1e1: {  	v5 =	vand.u32 $0x7, v5;
	v6 =	vand.u32 $0xFFFFFFC0, v6  }
0x1e2: {  	v5 =	vor.u32 v5, v6  }
0x1e3: {  	v6 =	vperm.xlane v5, v2;
	_ =	sdelay $0x1  }
0x1e4: {  	v6 =	vadd.s32 v3, v6;
	_ =	sdelay $0x4  }
0x1e5: {  	[tilespmem:s5], [sflag:$0x1] =	stream.indirect_vreg.gather [hbm4b:s2+s3], $0x80, v6, vm0, $0xb8;
	[tilespmem:$0x10800] =	vst v63  }
0x1e6: {  	s25 =	simm.s32 $0x1000;
	v5 =	vperm.xlane v5, v4  }
0x1e7: {  	[tilespmem:s25], [sflag:$0x1] =	stream.indirect_vreg.gather [hbm4b:s9+s3], $0x80, v6, vm0, $0xb8;
	[tilespmem:$0x10800] =	vst v63  }
0x1e8: {  	v5 =	vadd.s32 v3, v5;
	s25 =	simm.s32 $0x1800  }
0x1e9: {  	[tilespmem:s25], [sflag:$0x1] =	stream.indirect_vreg.gather [hbm4b:s10+s3], $0x80, v6, vm0, $0xb8;
	[tilespmem:$0x10800] =	vst v63  }
0x1ea: {  	s25 =	simm.s32 $0x2000  }
0x1eb: {  	[tilespmem:s25], [sflag:$0x1] =	stream.indirect_vreg.gather [hbm4b:s11+s3], $0x80, v6, vm0, $0xb8;
	[tilespmem:$0x10800] =	vst v63  }
0x1ec: {  	s25 =	simm.s32 $0x2800  }
0x1ed: {  	[tilespmem:s25], [sflag:$0x1] =	stream.indirect_vreg.gather [hbm4b:s2+s3], $0x80, v5, vm0, $0xb8;
	[tilespmem:$0x10800] =	vst v63  }
0x1ee: {  	s25 =	simm.s32 $0x3000  }
0x1ef: {  	[tilespmem:s25], [sflag:$0x1] =	stream.indirect_vreg.gather [hbm4b:s9+s3], $0x80, v5, vm0, $0xb8;
	[tilespmem:$0x10800] =	vst v63  }
0x1f0: {  	s7 =	simm.s32 $0x3800  }
0x1f1: {  	[tilespmem:s7], [sflag:$0x1] =	stream.indirect_vreg.gather [hbm4b:s10+s3], $0x80, v5, vm0, $0xb8;
	[tilespmem:$0x10800] =	vst v63  }
0x1f2: {  	s25 =	simm.s32 $0x4000  }
0x1f3: {  	[tilespmem:s25], [sflag:$0x1] =	stream.indirect_vreg.gather [hbm4b:s11+s3], $0x80, v5, vm0, $0xb8;
	[tilespmem:$0x10800] =	vst v63  }
0x1f4: {  	v5 =	vld [tilespmem:$0x650];
	_ =	sdelay $0x4  }
0x1f5: {  	v6 =	vshll.u32 v5, $0x3  }
0x1f6: {  	v5 =	vand.u32 $0x7, v5;
	v6 =	vand.u32 $0xFFFFFFC0, v6  }
0x1f7: {  	v5 =	vor.u32 v5, v6  }
0x1f8: {  	v6 =	vperm.xlane v5, v2;
	_ =	sdelay $0x1  }
0x1f9: {  	v6 =	vadd.s32 v3, v6;
	_ =	sdelay $0x3  }
0x1fa: {  	s13 =	simm.s32 $0x4800  }
0x1fb: {  	[tilespmem:s13], [sflag:$0x1] =	stream.indirect_vreg.gather [hbm4b:s2+s3], $0x80, v6, vm0, $0xb8;
	[tilespmem:$0x10800] =	vst v63  }
0x1fc: {  	s25 =	simm.s32 $0x5000;
	v5 =	vperm.xlane v5, v4  }
0x1fd: {  	[tilespmem:s25], [sflag:$0x1] =	stream.indirect_vreg.gather [hbm4b:s9+s3], $0x80, v6, vm0, $0xb8;
	[tilespmem:$0x10800] =	vst v63  }
0x1fe: {  	s8 =	simm.s32 $0x5800;
	v5 =	vadd.s32 v3, v5  }
0x1ff: {  	[tilespmem:s8], [sflag:$0x1] =	stream.indirect_vreg.gather [hbm4b:s10+s3], $0x80, v6, vm0, $0xb8;
	[tilespmem:$0x10800] =	vst v63  }
0x200: {  	s21 =	simm.s32 $0x6000  }
0x201: {  	[tilespmem:s21], [sflag:$0x1] =	stream.indirect_vreg.gather [hbm4b:s11+s3], $0x80, v6, vm0, $0xb8;
	[tilespmem:$0x10800] =	vst v63  }
0x202: {  	s12 =	simm.s32 $0x6800  }
0x203: {  	[tilespmem:s12], [sflag:$0x1] =	stream.indirect_vreg.gather [hbm4b:s2+s3], $0x80, v5, vm0, $0xb8;
	[tilespmem:$0x10800] =	vst v63  }
0x204: {  	s15 =	simm.s32 $0x7000  }
0x205: {  	[tilespmem:s15], [sflag:$0x1] =	stream.indirect_vreg.gather [hbm4b:s9+s3], $0x80, v5, vm0, $0xb8;
	[tilespmem:$0x10800] =	vst v63  }
0x206: {  	s16 =	simm.s32 $0x7800  }
0x207: {  	[tilespmem:s16], [sflag:$0x1] =	stream.indirect_vreg.gather [hbm4b:s10+s3], $0x80, v5, vm0, $0xb8;
	[tilespmem:$0x10800] =	vst v63  }
0x208: {  	s16 =	simm.s32 $0x8000  }
0x209: {  	[tilespmem:s16], [sflag:$0x1] =	stream.indirect_vreg.gather [hbm4b:s11+s3], $0x80, v5, vm0, $0xb8;
	[tilespmem:$0x10800] =	vst v63  }
0x20a: {  	s25 =	rddreg [dreg:$0x8]  }
0x20b: {  	[hbm4b:s25+s3] =	stream.linear.scatter [tilespmem:s1], [sflag:$0x4], $0x8000, $0x38;
	[tilespmem:$0x10800] =	vst v63  }
0x20c: {  	_ =	swait.ge [sflag:s31], $0x8000  }
0x20d: {  	[sflag:s31] =	ssyncset.done $0x0  }
0x20e: {  	[sflag:s31] =	ssyncadd.s32 $0xFFFF8000  }
0x20f: {  	_ =	swait.ge [sflag:s24], $0x8000  }
0x210: {  	[sflag:s24] =	ssyncset.done $0x0  }
0x211: {  	[sflag:s24] =	ssyncadd.s32 $0xFFFF8000  }
0x212: {  	v5 =	vld [tilespmem:$0x660];
	_ =	sdelay $0x4  }
0x213: {  	v6 =	vshll.u32 v5, $0x3  }
0x214: {  	v5 =	vand.u32 $0x7, v5;
	v6 =	vand.u32 $0xFFFFFFC0, v6  }
0x215: {  	v5 =	vor.u32 v5, v6  }
0x216: {  	v6 =	vperm.xlane v5, v2;
	_ =	sdelay $0x1  }
0x217: {  	v6 =	vadd.s32 v3, v6;
	_ =	sdelay $0x4  }
0x218: {  	[tilespmem:s1], [sflag:$0x2] =	stream.indirect_vreg.gather [hbm4b:s2+s3], $0x80, v6, vm0, $0xb8;
	[tilespmem:$0x10800] =	vst v63  }
0x219: {  	s25 =	simm.s32 $0x9000;
	v5 =	vperm.xlane v5, v4  }
0x21a: {  	[tilespmem:s25], [sflag:$0x2] =	stream.indirect_vreg.gather [hbm4b:s9+s3], $0x80, v6, vm0, $0xb8;
	[tilespmem:$0x10800] =	vst v63  }
0x21b: {  	s29 =	simm.s32 $0x9800;
	v5 =	vadd.s32 v3, v5  }
0x21c: {  	[tilespmem:s29], [sflag:$0x2] =	stream.indirect_vreg.gather [hbm4b:s10+s3], $0x80, v6, vm0, $0xb8;
	[tilespmem:$0x10800] =	vst v63  }
0x21d: {  	s25 =	simm.s32 $0xA000  }
0x21e: {  	[tilespmem:s25], [sflag:$0x2] =	stream.indirect_vreg.gather [hbm4b:s11+s3], $0x80, v6, vm0, $0xb8;
	[tilespmem:$0x10800] =	vst v63  }
0x21f: {  	s28 =	simm.s32 $0xA800  }
0x220: {  	[tilespmem:s28], [sflag:$0x2] =	stream.indirect_vreg.gather [hbm4b:s2+s3], $0x80, v5, vm0, $0xb8;
	[tilespmem:$0x10800] =	vst v63  }
0x221: {  	s14 =	simm.s32 $0xB000  }
0x222: {  	[tilespmem:s14], [sflag:$0x2] =	stream.indirect_vreg.gather [hbm4b:s9+s3], $0x80, v5, vm0, $0xb8;
	[tilespmem:$0x10800] =	vst v63  }
0x223: {  	s19 =	simm.s32 $0xB800  }
0x224: {  	[tilespmem:s19], [sflag:$0x2] =	stream.indirect_vreg.gather [hbm4b:s10+s3], $0x80, v5, vm0, $0xb8;
	[tilespmem:$0x10800] =	vst v63  }
0x225: {  	s30 =	simm.s32 $0xC000  }
0x226: {  	[tilespmem:s30], [sflag:$0x2] =	stream.indirect_vreg.gather [hbm4b:s11+s3], $0x80, v5, vm0, $0xb8;
	[tilespmem:$0x10800] =	vst v63  }
0x227: {  	v5 =	vld [tilespmem:$0x670];
	_ =	sdelay $0x4  }
0x228: {  	v6 =	vshll.u32 v5, $0x3  }
0x229: {  	v5 =	vand.u32 $0x7, v5;
	v6 =	vand.u32 $0xFFFFFFC0, v6  }
0x22a: {  	v5 =	vor.u32 v5, v6  }
0x22b: {  	v6 =	vperm.xlane v5, v2;
	_ =	sdelay $0x1  }
0x22c: {  	v6 =	vadd.s32 v3, v6;
	_ =	sdelay $0x3  }
0x22d: {  	s28 =	simm.s32 $0xC800  }
0x22e: {  	[tilespmem:s28], [sflag:$0x2] =	stream.indirect_vreg.gather [hbm4b:s2+s3], $0x80, v6, vm0, $0xb8;
	[tilespmem:$0x10800] =	vst v63  }
0x22f: {  	s26 =	simm.s32 $0xD000;
	v5 =	vperm.xlane v5, v4  }
0x230: {  	[tilespmem:s26], [sflag:$0x2] =	stream.indirect_vreg.gather [hbm4b:s9+s3], $0x80, v6, vm0, $0xb8;
	[tilespmem:$0x10800] =	vst v63  }
0x231: {  	s6 =	simm.s32 $0xD800;
	v5 =	vadd.s32 v3, v5  }
0x232: {  	[tilespmem:s6], [sflag:$0x2] =	stream.indirect_vreg.gather [hbm4b:s10+s3], $0x80, v6, vm0, $0xb8;
	[tilespmem:$0x10800] =	vst v63  }
0x233: {  	s20 =	simm.s32 $0xE000  }
0x234: {  	[tilespmem:s20], [sflag:$0x2] =	stream.indirect_vreg.gather [hbm4b:s11+s3], $0x80, v6, vm0, $0xb8;
	[tilespmem:$0x10800] =	vst v63  }
0x235: {  	s18 =	simm.s32 $0xE800  }
0x236: {  	[tilespmem:s18], [sflag:$0x2] =	stream.indirect_vreg.gather [hbm4b:s2+s3], $0x80, v5, vm0, $0xb8;
	[tilespmem:$0x10800] =	vst v63  }
0x237: {  	s4 =	simm.s32 $0xF000  }
0x238: {  	[tilespmem:s4], [sflag:$0x2] =	stream.indirect_vreg.gather [hbm4b:s9+s3], $0x80, v5, vm0, $0xb8;
	[tilespmem:$0x10800] =	vst v63  }
0x239: {  	s17 =	simm.s32 $0xF800  }
0x23a: {  	[tilespmem:s17], [sflag:$0x2] =	stream.indirect_vreg.gather [hbm4b:s10+s3], $0x80, v5, vm0, $0xb8;
	[tilespmem:$0x10800] =	vst v63  }
0x23b: {  	s0 =	simm.s32 $0x10000  }
0x23c: {  	[tilespmem:s0], [sflag:$0x2] =	stream.indirect_vreg.gather [hbm4b:s11+s3], $0x80, v5, vm0, $0xb8;
	[tilespmem:$0x10800] =	vst v63  }
0x23d: {  	s20 =	rddreg [dreg:$0x9]  }
0x23e: {  	[hbm4b:s20+s3] =	stream.linear.scatter [tilespmem:s5], [sflag:$0x3], $0x8000, $0x38;
	[tilespmem:$0x10800] =	vst v63  }
0x23f: {  	_ =	swait.ge [sflag:s22], $0x8000  }
0x240: {  	[sflag:s22] =	ssyncset.done $0x0  }
0x241: {  	[sflag:s22] =	ssyncadd.s32 $0xFFFF8000  }
0x242: {  	_ =	swait.ge [sflag:s23], $0x8000  }
0x243: {  	[sflag:s23] =	ssyncset.done $0x0  }
0x244: {  	[sflag:s23] =	ssyncadd.s32 $0xFFFF8000  }
0x245: {  	v5 =	vld [tilespmem:$0x480];
	_ =	sdelay $0x4  }
0x246: {  	v6 =	vshll.u32 v5, $0x3  }
0x247: {  	v5 =	vand.u32 $0x7, v5;
	v6 =	vand.u32 $0xFFFFFFC0, v6  }
0x248: {  	v5 =	vor.u32 v5, v6  }
0x249: {  	v6 =	vperm.xlane v5, v2;
	_ =	sdelay $0x1  }
0x24a: {  	v6 =	vadd.s32 v3, v6;
	_ =	sdelay $0x4  }
0x24b: {  	[tilespmem:s5], [sflag:$0x1] =	stream.indirect_vreg.gather [hbm4b:s2+s3], $0x80, v6, vm0, $0xb8;
	[tilespmem:$0x10800] =	vst v63  }
0x24c: {  	s26 =	simm.s32 $0x1000;
	v5 =	vperm.xlane v5, v4  }
0x24d: {  	[tilespmem:s26], [sflag:$0x1] =	stream.indirect_vreg.gather [hbm4b:s9+s3], $0x80, v6, vm0, $0xb8;
	[tilespmem:$0x10800] =	vst v63  }
0x24e: {  	s25 =	simm.s32 $0x1800;
	v5 =	vadd.s32 v3, v5  }
0x24f: {  	[tilespmem:s25], [sflag:$0x1] =	stream.indirect_vreg.gather [hbm4b:s10+s3], $0x80, v6, vm0, $0xb8;
	[tilespmem:$0x10800] =	vst v63  }
0x250: {  	s26 =	simm.s32 $0x2000  }
0x251: {  	[tilespmem:s26], [sflag:$0x1] =	stream.indirect_vreg.gather [hbm4b:s11+s3], $0x80, v6, vm0, $0xb8;
	[tilespmem:$0x10800] =	vst v63  }
0x252: {  	s25 =	simm.s32 $0x2800  }
0x253: {  	[tilespmem:s25], [sflag:$0x1] =	stream.indirect_vreg.gather [hbm4b:s2+s3], $0x80, v5, vm0, $0xb8;
	[tilespmem:$0x10800] =	vst v63  }
0x254: {  	s26 =	simm.s32 $0x3000  }
0x255: {  	[tilespmem:s26], [sflag:$0x1] =	stream.indirect_vreg.gather [hbm4b:s9+s3], $0x80, v5, vm0, $0xb8;
	[tilespmem:$0x10800] =	vst v63  }
0x256: {  	s7 =	simm.s32 $0x3800  }
0x257: {  	[tilespmem:s7], [sflag:$0x1] =	stream.indirect_vreg.gather [hbm4b:s10+s3], $0x80, v5, vm0, $0xb8;
	[tilespmem:$0x10800] =	vst v63  }
0x258: {  	s25 =	simm.s32 $0x4000  }
0x259: {  	[tilespmem:s25], [sflag:$0x1] =	stream.indirect_vreg.gather [hbm4b:s11+s3], $0x80, v5, vm0, $0xb8;
	[tilespmem:$0x10800] =	vst v63  }
0x25a: {  	v5 =	vld [tilespmem:$0x490];
	_ =	sdelay $0x4  }
0x25b: {  	v6 =	vshll.u32 v5, $0x3  }
0x25c: {  	v5 =	vand.u32 $0x7, v5;
	v6 =	vand.u32 $0xFFFFFFC0, v6  }
0x25d: {  	v5 =	vor.u32 v5, v6  }
0x25e: {  	v6 =	vperm.xlane v5, v2;
	_ =	sdelay $0x1  }
0x25f: {  	v6 =	vadd.s32 v3, v6;
	_ =	sdelay $0x3  }
0x260: {  	s25 =	simm.s32 $0x4800  }
0x261: {  	[tilespmem:s25], [sflag:$0x1] =	stream.indirect_vreg.gather [hbm4b:s2+s3], $0x80, v6, vm0, $0xb8;
	[tilespmem:$0x10800] =	vst v63  }
0x262: {  	v5 =	vperm.xlane v5, v4;
	s25 =	simm.s32 $0x5000  }
0x263: {  	[tilespmem:s25], [sflag:$0x1] =	stream.indirect_vreg.gather [hbm4b:s9+s3], $0x80, v6, vm0, $0xb8;
	[tilespmem:$0x10800] =	vst v63  }
0x264: {  	s8 =	simm.s32 $0x5800;
	v5 =	vadd.s32 v3, v5  }
0x265: {  	[tilespmem:s8], [sflag:$0x1] =	stream.indirect_vreg.gather [hbm4b:s10+s3], $0x80, v6, vm0, $0xb8;
	[tilespmem:$0x10800] =	vst v63  }
0x266: {  	s21 =	simm.s32 $0x6000  }
0x267: {  	[tilespmem:s21], [sflag:$0x1] =	stream.indirect_vreg.gather [hbm4b:s11+s3], $0x80, v6, vm0, $0xb8;
	[tilespmem:$0x10800] =	vst v63  }
0x268: {  	s12 =	simm.s32 $0x6800  }
0x269: {  	[tilespmem:s12], [sflag:$0x1] =	stream.indirect_vreg.gather [hbm4b:s2+s3], $0x80, v5, vm0, $0xb8;
	[tilespmem:$0x10800] =	vst v63  }
0x26a: {  	s13 =	simm.s32 $0x7000  }
0x26b: {  	[tilespmem:s13], [sflag:$0x1] =	stream.indirect_vreg.gather [hbm4b:s9+s3], $0x80, v5, vm0, $0xb8;
	[tilespmem:$0x10800] =	vst v63  }
0x26c: {  	s15 =	simm.s32 $0x7800  }
0x26d: {  	[tilespmem:s15], [sflag:$0x1] =	stream.indirect_vreg.gather [hbm4b:s10+s3], $0x80, v5, vm0, $0xb8;
	[tilespmem:$0x10800] =	vst v63  }
0x26e: {  	s21 =	simm.s32 $0x8000  }
0x26f: {  	[tilespmem:s21], [sflag:$0x1] =	stream.indirect_vreg.gather [hbm4b:s11+s3], $0x80, v5, vm0, $0xb8;
	[tilespmem:$0x10800] =	vst v63  }
0x270: {  	s25 =	rddreg [dreg:$0xa]  }
0x271: {  	[hbm4b:s25+s3] =	stream.linear.scatter [tilespmem:s1], [sflag:$0x4], $0x8000, $0x38;
	[tilespmem:$0x10800] =	vst v63  }
0x272: {  	_ =	swait.ge [sflag:s31], $0x8000  }
0x273: {  	[sflag:s31] =	ssyncset.done $0x0  }
0x274: {  	[sflag:s31] =	ssyncadd.s32 $0xFFFF8000  }
0x275: {  	_ =	swait.ge [sflag:s24], $0x8000  }
0x276: {  	[sflag:s24] =	ssyncset.done $0x0  }
0x277: {  	[sflag:s24] =	ssyncadd.s32 $0xFFFF8000  }
0x278: {  	v5 =	vld [tilespmem:$0x4A0];
	_ =	sdelay $0x4  }
0x279: {  	v6 =	vshll.u32 v5, $0x3  }
0x27a: {  	v5 =	vand.u32 $0x7, v5;
	v6 =	vand.u32 $0xFFFFFFC0, v6  }
0x27b: {  	v5 =	vor.u32 v5, v6  }
0x27c: {  	v6 =	vperm.xlane v5, v2;
	_ =	sdelay $0x1  }
0x27d: {  	v6 =	vadd.s32 v3, v6;
	_ =	sdelay $0x4  }
0x27e: {  	[tilespmem:s1], [sflag:$0x2] =	stream.indirect_vreg.gather [hbm4b:s2+s3], $0x80, v6, vm0, $0xb8;
	[tilespmem:$0x10800] =	vst v63  }
0x27f: {  	s25 =	simm.s32 $0x9000;
	v5 =	vperm.xlane v5, v4  }
0x280: {  	[tilespmem:s25], [sflag:$0x2] =	stream.indirect_vreg.gather [hbm4b:s9+s3], $0x80, v6, vm0, $0xb8;
	[tilespmem:$0x10800] =	vst v63  }
0x281: {  	v5 =	vadd.s32 v3, v5;
	s25 =	simm.s32 $0x9800  }
0x282: {  	[tilespmem:s25], [sflag:$0x2] =	stream.indirect_vreg.gather [hbm4b:s10+s3], $0x80, v6, vm0, $0xb8;
	[tilespmem:$0x10800] =	vst v63  }
0x283: {  	s25 =	simm.s32 $0xA000  }
0x284: {  	[tilespmem:s25], [sflag:$0x2] =	stream.indirect_vreg.gather [hbm4b:s11+s3], $0x80, v6, vm0, $0xb8;
	[tilespmem:$0x10800] =	vst v63  }
0x285: {  	s29 =	simm.s32 $0xA800  }
0x286: {  	[tilespmem:s29], [sflag:$0x2] =	stream.indirect_vreg.gather [hbm4b:s2+s3], $0x80, v5, vm0, $0xb8;
	[tilespmem:$0x10800] =	vst v63  }
0x287: {  	s14 =	simm.s32 $0xB000  }
0x288: {  	[tilespmem:s14], [sflag:$0x2] =	stream.indirect_vreg.gather [hbm4b:s9+s3], $0x80, v5, vm0, $0xb8;
	[tilespmem:$0x10800] =	vst v63  }
0x289: {  	s16 =	simm.s32 $0xB800  }
0x28a: {  	[tilespmem:s16], [sflag:$0x2] =	stream.indirect_vreg.gather [hbm4b:s10+s3], $0x80, v5, vm0, $0xb8;
	[tilespmem:$0x10800] =	vst v63  }
0x28b: {  	s30 =	simm.s32 $0xC000  }
0x28c: {  	[tilespmem:s30], [sflag:$0x2] =	stream.indirect_vreg.gather [hbm4b:s11+s3], $0x80, v5, vm0, $0xb8;
	[tilespmem:$0x10800] =	vst v63  }
0x28d: {  	v5 =	vld [tilespmem:$0x4B0];
	_ =	sdelay $0x4  }
0x28e: {  	v6 =	vshll.u32 v5, $0x3  }
0x28f: {  	v5 =	vand.u32 $0x7, v5;
	v6 =	vand.u32 $0xFFFFFFC0, v6  }
0x290: {  	v5 =	vor.u32 v5, v6  }
0x291: {  	v6 =	vperm.xlane v5, v2;
	_ =	sdelay $0x1  }
0x292: {  	v6 =	vadd.s32 v3, v6;
	_ =	sdelay $0x3  }
0x293: {  	s25 =	simm.s32 $0xC800  }
0x294: {  	[tilespmem:s25], [sflag:$0x2] =	stream.indirect_vreg.gather [hbm4b:s2+s3], $0x80, v6, vm0, $0xb8;
	[tilespmem:$0x10800] =	vst v63  }
0x295: {  	s19 =	simm.s32 $0xD000;
	v5 =	vperm.xlane v5, v4  }
0x296: {  	[tilespmem:s19], [sflag:$0x2] =	stream.indirect_vreg.gather [hbm4b:s9+s3], $0x80, v6, vm0, $0xb8;
	[tilespmem:$0x10800] =	vst v63  }
0x297: {  	s6 =	simm.s32 $0xD800;
	v5 =	vadd.s32 v3, v5  }
0x298: {  	[tilespmem:s6], [sflag:$0x2] =	stream.indirect_vreg.gather [hbm4b:s10+s3], $0x80, v6, vm0, $0xb8;
	[tilespmem:$0x10800] =	vst v63  }
0x299: {  	s28 =	simm.s32 $0xE000  }
0x29a: {  	[tilespmem:s28], [sflag:$0x2] =	stream.indirect_vreg.gather [hbm4b:s11+s3], $0x80, v6, vm0, $0xb8;
	[tilespmem:$0x10800] =	vst v63  }
0x29b: {  	s18 =	simm.s32 $0xE800  }
0x29c: {  	[tilespmem:s18], [sflag:$0x2] =	stream.indirect_vreg.gather [hbm4b:s2+s3], $0x80, v5, vm0, $0xb8;
	[tilespmem:$0x10800] =	vst v63  }
0x29d: {  	s4 =	simm.s32 $0xF000  }
0x29e: {  	[tilespmem:s4], [sflag:$0x2] =	stream.indirect_vreg.gather [hbm4b:s9+s3], $0x80, v5, vm0, $0xb8;
	[tilespmem:$0x10800] =	vst v63  }
0x29f: {  	s17 =	simm.s32 $0xF800  }
0x2a0: {  	[tilespmem:s17], [sflag:$0x2] =	stream.indirect_vreg.gather [hbm4b:s10+s3], $0x80, v5, vm0, $0xb8;
	[tilespmem:$0x10800] =	vst v63  }
0x2a1: {  	s0 =	simm.s32 $0x10000  }
0x2a2: {  	[tilespmem:s0], [sflag:$0x2] =	stream.indirect_vreg.gather [hbm4b:s11+s3], $0x80, v5, vm0, $0xb8;
	[tilespmem:$0x10800] =	vst v63  }
0x2a3: {  	s28 =	rddreg [dreg:$0xb]  }
0x2a4: {  	[hbm4b:s28+s3] =	stream.linear.scatter [tilespmem:s5], [sflag:$0x3], $0x8000, $0x38;
	[tilespmem:$0x10800] =	vst v63  }
0x2a5: {  	_ =	swait.ge [sflag:s22], $0x8000  }
0x2a6: {  	[sflag:s22] =	ssyncset.done $0x0  }
0x2a7: {  	[sflag:s22] =	ssyncadd.s32 $0xFFFF8000  }
0x2a8: {  	_ =	swait.ge [sflag:s23], $0x8000  }
0x2a9: {  	[sflag:s23] =	ssyncset.done $0x0  }
0x2aa: {  	[sflag:s23] =	ssyncadd.s32 $0xFFFF8000  }
0x2ab: {  	v5 =	vld [tilespmem:$0x4C0];
	_ =	sdelay $0x4  }
0x2ac: {  	v6 =	vshll.u32 v5, $0x3  }
0x2ad: {  	v5 =	vand.u32 $0x7, v5;
	v6 =	vand.u32 $0xFFFFFFC0, v6  }
0x2ae: {  	v5 =	vor.u32 v5, v6  }
0x2af: {  	v6 =	vperm.xlane v5, v2;
	_ =	sdelay $0x1  }
0x2b0: {  	v6 =	vadd.s32 v3, v6;
	_ =	sdelay $0x4  }
0x2b1: {  	[tilespmem:s5], [sflag:$0x1] =	stream.indirect_vreg.gather [hbm4b:s2+s3], $0x80, v6, vm0, $0xb8;
	[tilespmem:$0x10800] =	vst v63  }
0x2b2: {  	s28 =	simm.s32 $0x1000;
	v5 =	vperm.xlane v5, v4  }
0x2b3: {  	[tilespmem:s28], [sflag:$0x1] =	stream.indirect_vreg.gather [hbm4b:s9+s3], $0x80, v6, vm0, $0xb8;
	[tilespmem:$0x10800] =	vst v63  }
0x2b4: {  	s25 =	simm.s32 $0x1800;
	v5 =	vadd.s32 v3, v5  }
0x2b5: {  	[tilespmem:s25], [sflag:$0x1] =	stream.indirect_vreg.gather [hbm4b:s10+s3], $0x80, v6, vm0, $0xb8;
	[tilespmem:$0x10800] =	vst v63  }
0x2b6: {  	s28 =	simm.s32 $0x2000  }
0x2b7: {  	[tilespmem:s28], [sflag:$0x1] =	stream.indirect_vreg.gather [hbm4b:s11+s3], $0x80, v6, vm0, $0xb8;
	[tilespmem:$0x10800] =	vst v63  }
0x2b8: {  	s25 =	simm.s32 $0x2800  }
0x2b9: {  	[tilespmem:s25], [sflag:$0x1] =	stream.indirect_vreg.gather [hbm4b:s2+s3], $0x80, v5, vm0, $0xb8;
	[tilespmem:$0x10800] =	vst v63  }
0x2ba: {  	s26 =	simm.s32 $0x3000  }
0x2bb: {  	[tilespmem:s26], [sflag:$0x1] =	stream.indirect_vreg.gather [hbm4b:s9+s3], $0x80, v5, vm0, $0xb8;
	[tilespmem:$0x10800] =	vst v63  }
0x2bc: {  	s7 =	simm.s32 $0x3800  }
0x2bd: {  	[tilespmem:s7], [sflag:$0x1] =	stream.indirect_vreg.gather [hbm4b:s10+s3], $0x80, v5, vm0, $0xb8;
	[tilespmem:$0x10800] =	vst v63  }
0x2be: {  	s28 =	simm.s32 $0x4000  }
0x2bf: {  	[tilespmem:s28], [sflag:$0x1] =	stream.indirect_vreg.gather [hbm4b:s11+s3], $0x80, v5, vm0, $0xb8;
	[tilespmem:$0x10800] =	vst v63  }
0x2c0: {  	v5 =	vld [tilespmem:$0x4D0];
	_ =	sdelay $0x4  }
0x2c1: {  	v6 =	vshll.u32 v5, $0x3  }
0x2c2: {  	v5 =	vand.u32 $0x7, v5;
	v6 =	vand.u32 $0xFFFFFFC0, v6  }
0x2c3: {  	v5 =	vor.u32 v5, v6  }
0x2c4: {  	v6 =	vperm.xlane v5, v2;
	_ =	sdelay $0x1  }
0x2c5: {  	v6 =	vadd.s32 v3, v6;
	_ =	sdelay $0x3  }
0x2c6: {  	s0 =	simm.s32 $0x4800  }
0x2c7: {  	[tilespmem:s0], [sflag:$0x1] =	stream.indirect_vreg.gather [hbm4b:s2+s3], $0x80, v6, vm0, $0xb8;
	[tilespmem:$0x10800] =	vst v63  }
0x2c8: {  	s25 =	simm.s32 $0x5000;
	v5 =	vperm.xlane v5, v4  }
0x2c9: {  	[tilespmem:s25], [sflag:$0x1] =	stream.indirect_vreg.gather [hbm4b:s9+s3], $0x80, v6, vm0, $0xb8;
	[tilespmem:$0x10800] =	vst v63  }
0x2ca: {  	s8 =	simm.s32 $0x5800;
	v5 =	vadd.s32 v3, v5  }
0x2cb: {  	[tilespmem:s8], [sflag:$0x1] =	stream.indirect_vreg.gather [hbm4b:s10+s3], $0x80, v6, vm0, $0xb8;
	[tilespmem:$0x10800] =	vst v63  }
0x2cc: {  	s20 =	simm.s32 $0x6000  }
0x2cd: {  	[tilespmem:s20], [sflag:$0x1] =	stream.indirect_vreg.gather [hbm4b:s11+s3], $0x80, v6, vm0, $0xb8;
	[tilespmem:$0x10800] =	vst v63  }
0x2ce: {  	s12 =	simm.s32 $0x6800  }
0x2cf: {  	[tilespmem:s12], [sflag:$0x1] =	stream.indirect_vreg.gather [hbm4b:s2+s3], $0x80, v5, vm0, $0xb8;
	[tilespmem:$0x10800] =	vst v63  }
0x2d0: {  	s13 =	simm.s32 $0x7000  }
0x2d1: {  	[tilespmem:s13], [sflag:$0x1] =	stream.indirect_vreg.gather [hbm4b:s9+s3], $0x80, v5, vm0, $0xb8;
	[tilespmem:$0x10800] =	vst v63  }
0x2d2: {  	s15 =	simm.s32 $0x7800  }
0x2d3: {  	[tilespmem:s15], [sflag:$0x1] =	stream.indirect_vreg.gather [hbm4b:s10+s3], $0x80, v5, vm0, $0xb8;
	[tilespmem:$0x10800] =	vst v63  }
0x2d4: {  	s0 =	simm.s32 $0x8000  }
0x2d5: {  	[tilespmem:s0], [sflag:$0x1] =	stream.indirect_vreg.gather [hbm4b:s11+s3], $0x80, v5, vm0, $0xb8;
	[tilespmem:$0x10800] =	vst v63  }
0x2d6: {  	s25 =	rddreg [dreg:$0xc]  }
0x2d7: {  	[hbm4b:s25+s3] =	stream.linear.scatter [tilespmem:s1], [sflag:$0x4], $0x8000, $0x38;
	[tilespmem:$0x10800] =	vst v63  }
0x2d8: {  	_ =	swait.ge [sflag:s31], $0x8000  }
0x2d9: {  	[sflag:s31] =	ssyncset.done $0x0  }
0x2da: {  	[sflag:s31] =	ssyncadd.s32 $0xFFFF8000  }
0x2db: {  	_ =	swait.ge [sflag:s24], $0x8000  }
0x2dc: {  	[sflag:s24] =	ssyncset.done $0x0  }
0x2dd: {  	[sflag:s24] =	ssyncadd.s32 $0xFFFF8000  }
0x2de: {  	v5 =	vld [tilespmem:$0x4E0];
	_ =	sdelay $0x4  }
0x2df: {  	v6 =	vshll.u32 v5, $0x3  }
0x2e0: {  	v5 =	vand.u32 $0x7, v5;
	v6 =	vand.u32 $0xFFFFFFC0, v6  }
0x2e1: {  	v5 =	vor.u32 v5, v6  }
0x2e2: {  	v6 =	vperm.xlane v5, v2;
	_ =	sdelay $0x1  }
0x2e3: {  	v6 =	vadd.s32 v3, v6;
	_ =	sdelay $0x4  }
0x2e4: {  	[tilespmem:s1], [sflag:$0x2] =	stream.indirect_vreg.gather [hbm4b:s2+s3], $0x80, v6, vm0, $0xb8;
	[tilespmem:$0x10800] =	vst v63  }
0x2e5: {  	s0 =	simm.s32 $0x9000;
	v5 =	vperm.xlane v5, v4  }
0x2e6: {  	[tilespmem:s0], [sflag:$0x2] =	stream.indirect_vreg.gather [hbm4b:s9+s3], $0x80, v6, vm0, $0xb8;
	[tilespmem:$0x10800] =	vst v63  }
0x2e7: {  	v5 =	vadd.s32 v3, v5;
	s0 =	simm.s32 $0x9800  }
0x2e8: {  	[tilespmem:s0], [sflag:$0x2] =	stream.indirect_vreg.gather [hbm4b:s10+s3], $0x80, v6, vm0, $0xb8;
	[tilespmem:$0x10800] =	vst v63  }
0x2e9: {  	s0 =	simm.s32 $0xA000  }
0x2ea: {  	[tilespmem:s0], [sflag:$0x2] =	stream.indirect_vreg.gather [hbm4b:s11+s3], $0x80, v6, vm0, $0xb8;
	[tilespmem:$0x10800] =	vst v63  }
0x2eb: {  	s29 =	simm.s32 $0xA800  }
0x2ec: {  	[tilespmem:s29], [sflag:$0x2] =	stream.indirect_vreg.gather [hbm4b:s2+s3], $0x80, v5, vm0, $0xb8;
	[tilespmem:$0x10800] =	vst v63  }
0x2ed: {  	s14 =	simm.s32 $0xB000  }
0x2ee: {  	[tilespmem:s14], [sflag:$0x2] =	stream.indirect_vreg.gather [hbm4b:s9+s3], $0x80, v5, vm0, $0xb8;
	[tilespmem:$0x10800] =	vst v63  }
0x2ef: {  	s16 =	simm.s32 $0xB800  }
0x2f0: {  	[tilespmem:s16], [sflag:$0x2] =	stream.indirect_vreg.gather [hbm4b:s10+s3], $0x80, v5, vm0, $0xb8;
	[tilespmem:$0x10800] =	vst v63  }
0x2f1: {  	s30 =	simm.s32 $0xC000  }
0x2f2: {  	[tilespmem:s30], [sflag:$0x2] =	stream.indirect_vreg.gather [hbm4b:s11+s3], $0x80, v5, vm0, $0xb8;
	[tilespmem:$0x10800] =	vst v63  }
0x2f3: {  	v5 =	vld [tilespmem:$0x4F0];
	_ =	sdelay $0x4  }
0x2f4: {  	v6 =	vshll.u32 v5, $0x3  }
0x2f5: {  	v5 =	vand.u32 $0x7, v5;
	v6 =	vand.u32 $0xFFFFFFC0, v6  }
0x2f6: {  	v5 =	vor.u32 v5, v6  }
0x2f7: {  	v6 =	vperm.xlane v5, v2;
	_ =	sdelay $0x1  }
0x2f8: {  	v6 =	vadd.s32 v3, v6;
	_ =	sdelay $0x3  }
0x2f9: {  	s0 =	simm.s32 $0xC800  }
0x2fa: {  	[tilespmem:s0], [sflag:$0x2] =	stream.indirect_vreg.gather [hbm4b:s2+s3], $0x80, v6, vm0, $0xb8;
	[tilespmem:$0x10800] =	vst v63  }
0x2fb: {  	s19 =	simm.s32 $0xD000;
	v5 =	vperm.xlane v5, v4  }
0x2fc: {  	[tilespmem:s19], [sflag:$0x2] =	stream.indirect_vreg.gather [hbm4b:s9+s3], $0x80, v6, vm0, $0xb8;
	[tilespmem:$0x10800] =	vst v63  }
0x2fd: {  	s6 =	simm.s32 $0xD800;
	v5 =	vadd.s32 v3, v5  }
0x2fe: {  	[tilespmem:s6], [sflag:$0x2] =	stream.indirect_vreg.gather [hbm4b:s10+s3], $0x80, v6, vm0, $0xb8;
	[tilespmem:$0x10800] =	vst v63  }
0x2ff: {  	s21 =	simm.s32 $0xE000  }
0x300: {  	[tilespmem:s21], [sflag:$0x2] =	stream.indirect_vreg.gather [hbm4b:s11+s3], $0x80, v6, vm0, $0xb8;
	[tilespmem:$0x10800] =	vst v63  }
0x301: {  	s18 =	simm.s32 $0xE800  }
0x302: {  	[tilespmem:s18], [sflag:$0x2] =	stream.indirect_vreg.gather [hbm4b:s2+s3], $0x80, v5, vm0, $0xb8;
	[tilespmem:$0x10800] =	vst v63  }
0x303: {  	s4 =	simm.s32 $0xF000  }
0x304: {  	[tilespmem:s4], [sflag:$0x2] =	stream.indirect_vreg.gather [hbm4b:s9+s3], $0x80, v5, vm0, $0xb8;
	[tilespmem:$0x10800] =	vst v63  }
0x305: {  	s17 =	simm.s32 $0xF800  }
0x306: {  	[tilespmem:s17], [sflag:$0x2] =	stream.indirect_vreg.gather [hbm4b:s10+s3], $0x80, v5, vm0, $0xb8;
	[tilespmem:$0x10800] =	vst v63  }
0x307: {  	s0 =	simm.s32 $0x10000  }
0x308: {  	[tilespmem:s0], [sflag:$0x2] =	stream.indirect_vreg.gather [hbm4b:s11+s3], $0x80, v5, vm0, $0xb8;
	[tilespmem:$0x10800] =	vst v63  }
0x309: {  	s25 =	rddreg [dreg:$0xd]  }
0x30a: {  	[hbm4b:s25+s3] =	stream.linear.scatter [tilespmem:s5], [sflag:$0x3], $0x8000, $0x38;
	[tilespmem:$0x10800] =	vst v63  }
0x30b: {  	_ =	swait.ge [sflag:s22], $0x8000  }
0x30c: {  	[sflag:s22] =	ssyncset.done $0x0  }
0x30d: {  	[sflag:s22] =	ssyncadd.s32 $0xFFFF8000  }
0x30e: {  	_ =	swait.ge [sflag:s23], $0x8000  }
0x30f: {  	[sflag:s23] =	ssyncset.done $0x0  }
0x310: {  	[sflag:s23] =	ssyncadd.s32 $0xFFFF8000  }
0x311: {  	v5 =	vld [tilespmem:$0x680];
	_ =	sdelay $0x4  }
0x312: {  	v6 =	vshll.u32 v5, $0x3  }
0x313: {  	v5 =	vand.u32 $0x7, v5;
	v6 =	vand.u32 $0xFFFFFFC0, v6  }
0x314: {  	v5 =	vor.u32 v5, v6  }
0x315: {  	v6 =	vperm.xlane v5, v2;
	_ =	sdelay $0x1  }
0x316: {  	v6 =	vadd.s32 v3, v6;
	_ =	sdelay $0x4  }
0x317: {  	[tilespmem:s5], [sflag:$0x1] =	stream.indirect_vreg.gather [hbm4b:s2+s3], $0x80, v6, vm0, $0xb8;
	[tilespmem:$0x10800] =	vst v63  }
0x318: {  	s25 =	simm.s32 $0x1000;
	v5 =	vperm.xlane v5, v4  }
0x319: {  	[tilespmem:s25], [sflag:$0x1] =	stream.indirect_vreg.gather [hbm4b:s9+s3], $0x80, v6, vm0, $0xb8;
	[tilespmem:$0x10800] =	vst v63  }
0x31a: {  	v5 =	vadd.s32 v3, v5;
	s25 =	simm.s32 $0x1800  }
0x31b: {  	[tilespmem:s25], [sflag:$0x1] =	stream.indirect_vreg.gather [hbm4b:s10+s3], $0x80, v6, vm0, $0xb8;
	[tilespmem:$0x10800] =	vst v63  }
0x31c: {  	s25 =	simm.s32 $0x2000  }
0x31d: {  	[tilespmem:s25], [sflag:$0x1] =	stream.indirect_vreg.gather [hbm4b:s11+s3], $0x80, v6, vm0, $0xb8;
	[tilespmem:$0x10800] =	vst v63  }
0x31e: {  	s25 =	simm.s32 $0x2800  }
0x31f: {  	[tilespmem:s25], [sflag:$0x1] =	stream.indirect_vreg.gather [hbm4b:s2+s3], $0x80, v5, vm0, $0xb8;
	[tilespmem:$0x10800] =	vst v63  }
0x320: {  	s26 =	simm.s32 $0x3000  }
0x321: {  	[tilespmem:s26], [sflag:$0x1] =	stream.indirect_vreg.gather [hbm4b:s9+s3], $0x80, v5, vm0, $0xb8;
	[tilespmem:$0x10800] =	vst v63  }
0x322: {  	s7 =	simm.s32 $0x3800  }
0x323: {  	[tilespmem:s7], [sflag:$0x1] =	stream.indirect_vreg.gather [hbm4b:s10+s3], $0x80, v5, vm0, $0xb8;
	[tilespmem:$0x10800] =	vst v63  }
0x324: {  	s25 =	simm.s32 $0x4000  }
0x325: {  	[tilespmem:s25], [sflag:$0x1] =	stream.indirect_vreg.gather [hbm4b:s11+s3], $0x80, v5, vm0, $0xb8;
	[tilespmem:$0x10800] =	vst v63  }
0x326: {  	v5 =	vld [tilespmem:$0x690];
	_ =	sdelay $0x4  }
0x327: {  	v6 =	vshll.u32 v5, $0x3  }
0x328: {  	v5 =	vand.u32 $0x7, v5;
	v6 =	vand.u32 $0xFFFFFFC0, v6  }
0x329: {  	v5 =	vor.u32 v5, v6  }
0x32a: {  	v6 =	vperm.xlane v5, v2;
	_ =	sdelay $0x1  }
0x32b: {  	v6 =	vadd.s32 v3, v6;
	_ =	sdelay $0x3  }
0x32c: {  	s28 =	simm.s32 $0x4800  }
0x32d: {  	[tilespmem:s28], [sflag:$0x1] =	stream.indirect_vreg.gather [hbm4b:s2+s3], $0x80, v6, vm0, $0xb8;
	[tilespmem:$0x10800] =	vst v63  }
0x32e: {  	s25 =	simm.s32 $0x5000;
	v5 =	vperm.xlane v5, v4  }
0x32f: {  	[tilespmem:s25], [sflag:$0x1] =	stream.indirect_vreg.gather [hbm4b:s9+s3], $0x80, v6, vm0, $0xb8;
	[tilespmem:$0x10800] =	vst v63  }
0x330: {  	s8 =	simm.s32 $0x5800;
	v5 =	vadd.s32 v3, v5  }
0x331: {  	[tilespmem:s8], [sflag:$0x1] =	stream.indirect_vreg.gather [hbm4b:s10+s3], $0x80, v6, vm0, $0xb8;
	[tilespmem:$0x10800] =	vst v63  }
0x332: {  	s20 =	simm.s32 $0x6000  }
0x333: {  	[tilespmem:s20], [sflag:$0x1] =	stream.indirect_vreg.gather [hbm4b:s11+s3], $0x80, v6, vm0, $0xb8;
	[tilespmem:$0x10800] =	vst v63  }
0x334: {  	s12 =	simm.s32 $0x6800  }
0x335: {  	[tilespmem:s12], [sflag:$0x1] =	stream.indirect_vreg.gather [hbm4b:s2+s3], $0x80, v5, vm0, $0xb8;
	[tilespmem:$0x10800] =	vst v63  }
0x336: {  	s13 =	simm.s32 $0x7000  }
0x337: {  	[tilespmem:s13], [sflag:$0x1] =	stream.indirect_vreg.gather [hbm4b:s9+s3], $0x80, v5, vm0, $0xb8;
	[tilespmem:$0x10800] =	vst v63  }
0x338: {  	s15 =	simm.s32 $0x7800  }
0x339: {  	[tilespmem:s15], [sflag:$0x1] =	stream.indirect_vreg.gather [hbm4b:s10+s3], $0x80, v5, vm0, $0xb8;
	[tilespmem:$0x10800] =	vst v63  }
0x33a: {  	s0 =	simm.s32 $0x8000  }
0x33b: {  	[tilespmem:s0], [sflag:$0x1] =	stream.indirect_vreg.gather [hbm4b:s11+s3], $0x80, v5, vm0, $0xb8;
	[tilespmem:$0x10800] =	vst v63  }
0x33c: {  	s25 =	rddreg [dreg:$0xe]  }
0x33d: {  	[hbm4b:s25+s3] =	stream.linear.scatter [tilespmem:s1], [sflag:$0x4], $0x8000, $0x38;
	[tilespmem:$0x10800] =	vst v63  }
0x33e: {  	_ =	swait.ge [sflag:s31], $0x8000  }
0x33f: {  	[sflag:s31] =	ssyncset.done $0x0  }
0x340: {  	[sflag:s31] =	ssyncadd.s32 $0xFFFF8000  }
0x341: {  	_ =	swait.ge [sflag:s24], $0x8000  }
0x342: {  	[sflag:s24] =	ssyncset.done $0x0  }
0x343: {  	[sflag:s24] =	ssyncadd.s32 $0xFFFF8000  }
0x344: {  	v5 =	vld [tilespmem:$0x6A0];
	_ =	sdelay $0x4  }
0x345: {  	v6 =	vshll.u32 v5, $0x3  }
0x346: {  	v5 =	vand.u32 $0x7, v5;
	v6 =	vand.u32 $0xFFFFFFC0, v6  }
0x347: {  	v5 =	vor.u32 v5, v6  }
0x348: {  	v6 =	vperm.xlane v5, v2;
	_ =	sdelay $0x1  }
0x349: {  	v6 =	vadd.s32 v3, v6;
	_ =	sdelay $0x4  }
0x34a: {  	[tilespmem:s1], [sflag:$0x2] =	stream.indirect_vreg.gather [hbm4b:s2+s3], $0x80, v6, vm0, $0xb8;
	[tilespmem:$0x10800] =	vst v63  }
0x34b: {  	s0 =	simm.s32 $0x9000;
	v5 =	vperm.xlane v5, v4  }
0x34c: {  	[tilespmem:s0], [sflag:$0x2] =	stream.indirect_vreg.gather [hbm4b:s9+s3], $0x80, v6, vm0, $0xb8;
	[tilespmem:$0x10800] =	vst v63  }
0x34d: {  	v5 =	vadd.s32 v3, v5;
	s0 =	simm.s32 $0x9800  }
0x34e: {  	[tilespmem:s0], [sflag:$0x2] =	stream.indirect_vreg.gather [hbm4b:s10+s3], $0x80, v6, vm0, $0xb8;
	[tilespmem:$0x10800] =	vst v63  }
0x34f: {  	s0 =	simm.s32 $0xA000  }
0x350: {  	[tilespmem:s0], [sflag:$0x2] =	stream.indirect_vreg.gather [hbm4b:s11+s3], $0x80, v6, vm0, $0xb8;
	[tilespmem:$0x10800] =	vst v63  }
0x351: {  	s29 =	simm.s32 $0xA800  }
0x352: {  	[tilespmem:s29], [sflag:$0x2] =	stream.indirect_vreg.gather [hbm4b:s2+s3], $0x80, v5, vm0, $0xb8;
	[tilespmem:$0x10800] =	vst v63  }
0x353: {  	s14 =	simm.s32 $0xB000  }
0x354: {  	[tilespmem:s14], [sflag:$0x2] =	stream.indirect_vreg.gather [hbm4b:s9+s3], $0x80, v5, vm0, $0xb8;
	[tilespmem:$0x10800] =	vst v63  }
0x355: {  	s16 =	simm.s32 $0xB800  }
0x356: {  	[tilespmem:s16], [sflag:$0x2] =	stream.indirect_vreg.gather [hbm4b:s10+s3], $0x80, v5, vm0, $0xb8;
	[tilespmem:$0x10800] =	vst v63  }
0x357: {  	s30 =	simm.s32 $0xC000  }
0x358: {  	[tilespmem:s30], [sflag:$0x2] =	stream.indirect_vreg.gather [hbm4b:s11+s3], $0x80, v5, vm0, $0xb8;
	[tilespmem:$0x10800] =	vst v63  }
0x359: {  	v5 =	vld [tilespmem:$0x6B0];
	_ =	sdelay $0x4  }
0x35a: {  	v6 =	vshll.u32 v5, $0x3  }
0x35b: {  	v5 =	vand.u32 $0x7, v5;
	v6 =	vand.u32 $0xFFFFFFC0, v6  }
0x35c: {  	v5 =	vor.u32 v5, v6  }
0x35d: {  	v6 =	vperm.xlane v5, v2;
	_ =	sdelay $0x1  }
0x35e: {  	v6 =	vadd.s32 v3, v6;
	_ =	sdelay $0x3  }
0x35f: {  	s0 =	simm.s32 $0xC800  }
0x360: {  	[tilespmem:s0], [sflag:$0x2] =	stream.indirect_vreg.gather [hbm4b:s2+s3], $0x80, v6, vm0, $0xb8;
	[tilespmem:$0x10800] =	vst v63  }
0x361: {  	s19 =	simm.s32 $0xD000;
	v5 =	vperm.xlane v5, v4  }
0x362: {  	[tilespmem:s19], [sflag:$0x2] =	stream.indirect_vreg.gather [hbm4b:s9+s3], $0x80, v6, vm0, $0xb8;
	[tilespmem:$0x10800] =	vst v63  }
0x363: {  	s6 =	simm.s32 $0xD800;
	v5 =	vadd.s32 v3, v5  }
0x364: {  	[tilespmem:s6], [sflag:$0x2] =	stream.indirect_vreg.gather [hbm4b:s10+s3], $0x80, v6, vm0, $0xb8;
	[tilespmem:$0x10800] =	vst v63  }
0x365: {  	s21 =	simm.s32 $0xE000  }
0x366: {  	[tilespmem:s21], [sflag:$0x2] =	stream.indirect_vreg.gather [hbm4b:s11+s3], $0x80, v6, vm0, $0xb8;
	[tilespmem:$0x10800] =	vst v63  }
0x367: {  	s18 =	simm.s32 $0xE800  }
0x368: {  	[tilespmem:s18], [sflag:$0x2] =	stream.indirect_vreg.gather [hbm4b:s2+s3], $0x80, v5, vm0, $0xb8;
	[tilespmem:$0x10800] =	vst v63  }
0x369: {  	s4 =	simm.s32 $0xF000  }
0x36a: {  	[tilespmem:s4], [sflag:$0x2] =	stream.indirect_vreg.gather [hbm4b:s9+s3], $0x80, v5, vm0, $0xb8;
	[tilespmem:$0x10800] =	vst v63  }
0x36b: {  	s17 =	simm.s32 $0xF800  }
0x36c: {  	[tilespmem:s17], [sflag:$0x2] =	stream.indirect_vreg.gather [hbm4b:s10+s3], $0x80, v5, vm0, $0xb8;
	[tilespmem:$0x10800] =	vst v63  }
0x36d: {  	s0 =	simm.s32 $0x10000  }
0x36e: {  	[tilespmem:s0], [sflag:$0x2] =	stream.indirect_vreg.gather [hbm4b:s11+s3], $0x80, v5, vm0, $0xb8;
	[tilespmem:$0x10800] =	vst v63  }
0x36f: {  	s25 =	rddreg [dreg:$0xf]  }
0x370: {  	[hbm4b:s25+s3] =	stream.linear.scatter [tilespmem:s5], [sflag:$0x3], $0x8000, $0x38;
	[tilespmem:$0x10800] =	vst v63  }
0x371: {  	_ =	swait.ge [sflag:s22], $0x8000  }
0x372: {  	[sflag:s22] =	ssyncset.done $0x0  }
0x373: {  	[sflag:s22] =	ssyncadd.s32 $0xFFFF8000  }
0x374: {  	_ =	swait.ge [sflag:s23], $0x8000  }
0x375: {  	[sflag:s23] =	ssyncset.done $0x0  }
0x376: {  	[sflag:s23] =	ssyncadd.s32 $0xFFFF8000  }
0x377: {  	v5 =	vld [tilespmem:$0x6C0];
	_ =	sdelay $0x4  }
0x378: {  	v6 =	vshll.u32 v5, $0x3  }
0x379: {  	v5 =	vand.u32 $0x7, v5;
	v6 =	vand.u32 $0xFFFFFFC0, v6  }
0x37a: {  	v5 =	vor.u32 v5, v6  }
0x37b: {  	v6 =	vperm.xlane v5, v2;
	_ =	sdelay $0x1  }
0x37c: {  	v6 =	vadd.s32 v3, v6;
	_ =	sdelay $0x4  }
0x37d: {  	[tilespmem:s5], [sflag:$0x1] =	stream.indirect_vreg.gather [hbm4b:s2+s3], $0x80, v6, vm0, $0xb8;
	[tilespmem:$0x10800] =	vst v63  }
0x37e: {  	s25 =	simm.s32 $0x1000;
	v5 =	vperm.xlane v5, v4  }
0x37f: {  	[tilespmem:s25], [sflag:$0x1] =	stream.indirect_vreg.gather [hbm4b:s9+s3], $0x80, v6, vm0, $0xb8;
	[tilespmem:$0x10800] =	vst v63  }
0x380: {  	v5 =	vadd.s32 v3, v5;
	s25 =	simm.s32 $0x1800  }
0x381: {  	[tilespmem:s25], [sflag:$0x1] =	stream.indirect_vreg.gather [hbm4b:s10+s3], $0x80, v6, vm0, $0xb8;
	[tilespmem:$0x10800] =	vst v63  }
0x382: {  	s25 =	simm.s32 $0x2000  }
0x383: {  	[tilespmem:s25], [sflag:$0x1] =	stream.indirect_vreg.gather [hbm4b:s11+s3], $0x80, v6, vm0, $0xb8;
	[tilespmem:$0x10800] =	vst v63  }
0x384: {  	s25 =	simm.s32 $0x2800  }
0x385: {  	[tilespmem:s25], [sflag:$0x1] =	stream.indirect_vreg.gather [hbm4b:s2+s3], $0x80, v5, vm0, $0xb8;
	[tilespmem:$0x10800] =	vst v63  }
0x386: {  	s26 =	simm.s32 $0x3000  }
0x387: {  	[tilespmem:s26], [sflag:$0x1] =	stream.indirect_vreg.gather [hbm4b:s9+s3], $0x80, v5, vm0, $0xb8;
	[tilespmem:$0x10800] =	vst v63  }
0x388: {  	s7 =	simm.s32 $0x3800  }
0x389: {  	[tilespmem:s7], [sflag:$0x1] =	stream.indirect_vreg.gather [hbm4b:s10+s3], $0x80, v5, vm0, $0xb8;
	[tilespmem:$0x10800] =	vst v63  }
0x38a: {  	s25 =	simm.s32 $0x4000  }
0x38b: {  	[tilespmem:s25], [sflag:$0x1] =	stream.indirect_vreg.gather [hbm4b:s11+s3], $0x80, v5, vm0, $0xb8;
	[tilespmem:$0x10800] =	vst v63  }
0x38c: {  	v5 =	vld [tilespmem:$0x6D0];
	_ =	sdelay $0x4  }
0x38d: {  	v6 =	vshll.u32 v5, $0x3  }
0x38e: {  	v5 =	vand.u32 $0x7, v5;
	v6 =	vand.u32 $0xFFFFFFC0, v6  }
0x38f: {  	v5 =	vor.u32 v5, v6  }
0x390: {  	v6 =	vperm.xlane v5, v2;
	_ =	sdelay $0x1  }
0x391: {  	v6 =	vadd.s32 v3, v6;
	_ =	sdelay $0x3  }
0x392: {  	s28 =	simm.s32 $0x4800  }
0x393: {  	[tilespmem:s28], [sflag:$0x1] =	stream.indirect_vreg.gather [hbm4b:s2+s3], $0x80, v6, vm0, $0xb8;
	[tilespmem:$0x10800] =	vst v63  }
0x394: {  	s25 =	simm.s32 $0x5000;
	v5 =	vperm.xlane v5, v4  }
0x395: {  	[tilespmem:s25], [sflag:$0x1] =	stream.indirect_vreg.gather [hbm4b:s9+s3], $0x80, v6, vm0, $0xb8;
	[tilespmem:$0x10800] =	vst v63  }
0x396: {  	s8 =	simm.s32 $0x5800;
	v5 =	vadd.s32 v3, v5  }
0x397: {  	[tilespmem:s8], [sflag:$0x1] =	stream.indirect_vreg.gather [hbm4b:s10+s3], $0x80, v6, vm0, $0xb8;
	[tilespmem:$0x10800] =	vst v63  }
0x398: {  	s20 =	simm.s32 $0x6000  }
0x399: {  	[tilespmem:s20], [sflag:$0x1] =	stream.indirect_vreg.gather [hbm4b:s11+s3], $0x80, v6, vm0, $0xb8;
	[tilespmem:$0x10800] =	vst v63  }
0x39a: {  	s12 =	simm.s32 $0x6800  }
0x39b: {  	[tilespmem:s12], [sflag:$0x1] =	stream.indirect_vreg.gather [hbm4b:s2+s3], $0x80, v5, vm0, $0xb8;
	[tilespmem:$0x10800] =	vst v63  }
0x39c: {  	s13 =	simm.s32 $0x7000  }
0x39d: {  	[tilespmem:s13], [sflag:$0x1] =	stream.indirect_vreg.gather [hbm4b:s9+s3], $0x80, v5, vm0, $0xb8;
	[tilespmem:$0x10800] =	vst v63  }
0x39e: {  	s15 =	simm.s32 $0x7800  }
0x39f: {  	[tilespmem:s15], [sflag:$0x1] =	stream.indirect_vreg.gather [hbm4b:s10+s3], $0x80, v5, vm0, $0xb8;
	[tilespmem:$0x10800] =	vst v63  }
0x3a0: {  	s0 =	simm.s32 $0x8000  }
0x3a1: {  	[tilespmem:s0], [sflag:$0x1] =	stream.indirect_vreg.gather [hbm4b:s11+s3], $0x80, v5, vm0, $0xb8;
	[tilespmem:$0x10800] =	vst v63  }
0x3a2: {  	s25 =	rddreg [dreg:$0x10]  }
0x3a3: {  	[hbm4b:s25+s3] =	stream.linear.scatter [tilespmem:s1], [sflag:$0x4], $0x8000, $0x38;
	[tilespmem:$0x10800] =	vst v63  }
0x3a4: {  	_ =	swait.ge [sflag:s31], $0x8000  }
0x3a5: {  	[sflag:s31] =	ssyncset.done $0x0  }
0x3a6: {  	[sflag:s31] =	ssyncadd.s32 $0xFFFF8000  }
0x3a7: {  	_ =	swait.ge [sflag:s24], $0x8000  }
0x3a8: {  	[sflag:s24] =	ssyncset.done $0x0  }
0x3a9: {  	[sflag:s24] =	ssyncadd.s32 $0xFFFF8000  }
0x3aa: {  	v5 =	vld [tilespmem:$0x6E0];
	_ =	sdelay $0x4  }
0x3ab: {  	v6 =	vshll.u32 v5, $0x3  }
0x3ac: {  	v5 =	vand.u32 $0x7, v5;
	v6 =	vand.u32 $0xFFFFFFC0, v6  }
0x3ad: {  	v5 =	vor.u32 v5, v6  }
0x3ae: {  	v6 =	vperm.xlane v5, v2;
	_ =	sdelay $0x1  }
0x3af: {  	v6 =	vadd.s32 v3, v6;
	_ =	sdelay $0x4  }
0x3b0: {  	[tilespmem:s1], [sflag:$0x2] =	stream.indirect_vreg.gather [hbm4b:s2+s3], $0x80, v6, vm0, $0xb8;
	[tilespmem:$0x10800] =	vst v63  }
0x3b1: {  	s0 =	simm.s32 $0x9000;
	v5 =	vperm.xlane v5, v4  }
0x3b2: {  	[tilespmem:s0], [sflag:$0x2] =	stream.indirect_vreg.gather [hbm4b:s9+s3], $0x80, v6, vm0, $0xb8;
	[tilespmem:$0x10800] =	vst v63  }
0x3b3: {  	v5 =	vadd.s32 v3, v5;
	s0 =	simm.s32 $0x9800  }
0x3b4: {  	[tilespmem:s0], [sflag:$0x2] =	stream.indirect_vreg.gather [hbm4b:s10+s3], $0x80, v6, vm0, $0xb8;
	[tilespmem:$0x10800] =	vst v63  }
0x3b5: {  	s0 =	simm.s32 $0xA000  }
0x3b6: {  	[tilespmem:s0], [sflag:$0x2] =	stream.indirect_vreg.gather [hbm4b:s11+s3], $0x80, v6, vm0, $0xb8;
	[tilespmem:$0x10800] =	vst v63  }
0x3b7: {  	s29 =	simm.s32 $0xA800  }
0x3b8: {  	[tilespmem:s29], [sflag:$0x2] =	stream.indirect_vreg.gather [hbm4b:s2+s3], $0x80, v5, vm0, $0xb8;
	[tilespmem:$0x10800] =	vst v63  }
0x3b9: {  	s14 =	simm.s32 $0xB000  }
0x3ba: {  	[tilespmem:s14], [sflag:$0x2] =	stream.indirect_vreg.gather [hbm4b:s9+s3], $0x80, v5, vm0, $0xb8;
	[tilespmem:$0x10800] =	vst v63  }
0x3bb: {  	s16 =	simm.s32 $0xB800  }
0x3bc: {  	[tilespmem:s16], [sflag:$0x2] =	stream.indirect_vreg.gather [hbm4b:s10+s3], $0x80, v5, vm0, $0xb8;
	[tilespmem:$0x10800] =	vst v63  }
0x3bd: {  	s30 =	simm.s32 $0xC000  }
0x3be: {  	[tilespmem:s30], [sflag:$0x2] =	stream.indirect_vreg.gather [hbm4b:s11+s3], $0x80, v5, vm0, $0xb8;
	[tilespmem:$0x10800] =	vst v63  }
0x3bf: {  	v5 =	vld [tilespmem:$0x6F0];
	_ =	sdelay $0x4  }
0x3c0: {  	v6 =	vshll.u32 v5, $0x3  }
0x3c1: {  	v5 =	vand.u32 $0x7, v5;
	v6 =	vand.u32 $0xFFFFFFC0, v6  }
0x3c2: {  	v5 =	vor.u32 v5, v6  }
0x3c3: {  	v6 =	vperm.xlane v5, v2;
	_ =	sdelay $0x1  }
0x3c4: {  	v6 =	vadd.s32 v3, v6;
	_ =	sdelay $0x3  }
0x3c5: {  	s0 =	simm.s32 $0xC800  }
0x3c6: {  	[tilespmem:s0], [sflag:$0x2] =	stream.indirect_vreg.gather [hbm4b:s2+s3], $0x80, v6, vm0, $0xb8;
	[tilespmem:$0x10800] =	vst v63  }
0x3c7: {  	s19 =	simm.s32 $0xD000;
	v5 =	vperm.xlane v5, v4  }
0x3c8: {  	[tilespmem:s19], [sflag:$0x2] =	stream.indirect_vreg.gather [hbm4b:s9+s3], $0x80, v6, vm0, $0xb8;
	[tilespmem:$0x10800] =	vst v63  }
0x3c9: {  	s6 =	simm.s32 $0xD800;
	v5 =	vadd.s32 v3, v5  }
0x3ca: {  	[tilespmem:s6], [sflag:$0x2] =	stream.indirect_vreg.gather [hbm4b:s10+s3], $0x80, v6, vm0, $0xb8;
	[tilespmem:$0x10800] =	vst v63  }
0x3cb: {  	s21 =	simm.s32 $0xE000  }
0x3cc: {  	[tilespmem:s21], [sflag:$0x2] =	stream.indirect_vreg.gather [hbm4b:s11+s3], $0x80, v6, vm0, $0xb8;
	[tilespmem:$0x10800] =	vst v63  }
0x3cd: {  	s18 =	simm.s32 $0xE800  }
0x3ce: {  	[tilespmem:s18], [sflag:$0x2] =	stream.indirect_vreg.gather [hbm4b:s2+s3], $0x80, v5, vm0, $0xb8;
	[tilespmem:$0x10800] =	vst v63  }
0x3cf: {  	s4 =	simm.s32 $0xF000  }
0x3d0: {  	[tilespmem:s4], [sflag:$0x2] =	stream.indirect_vreg.gather [hbm4b:s9+s3], $0x80, v5, vm0, $0xb8;
	[tilespmem:$0x10800] =	vst v63  }
0x3d1: {  	s17 =	simm.s32 $0xF800  }
0x3d2: {  	[tilespmem:s17], [sflag:$0x2] =	stream.indirect_vreg.gather [hbm4b:s10+s3], $0x80, v5, vm0, $0xb8;
	[tilespmem:$0x10800] =	vst v63  }
0x3d3: {  	s0 =	simm.s32 $0x10000  }
0x3d4: {  	[tilespmem:s0], [sflag:$0x2] =	stream.indirect_vreg.gather [hbm4b:s11+s3], $0x80, v5, vm0, $0xb8;
	[tilespmem:$0x10800] =	vst v63  }
0x3d5: {  	s25 =	rddreg [dreg:$0x11]  }
0x3d6: {  	[hbm4b:s25+s3] =	stream.linear.scatter [tilespmem:s5], [sflag:$0x3], $0x8000, $0x38;
	[tilespmem:$0x10800] =	vst v63  }
0x3d7: {  	_ =	swait.ge [sflag:s22], $0x8000  }
0x3d8: {  	[sflag:s22] =	ssyncset.done $0x0  }
0x3d9: {  	[sflag:s22] =	ssyncadd.s32 $0xFFFF8000  }
0x3da: {  	_ =	swait.ge [sflag:s23], $0x8000  }
0x3db: {  	[sflag:s23] =	ssyncset.done $0x0  }
0x3dc: {  	[sflag:s23] =	ssyncadd.s32 $0xFFFF8000  }
0x3dd: {  	v5 =	vld [tilespmem:$0x500];
	_ =	sdelay $0x4  }
0x3de: {  	v6 =	vshll.u32 v5, $0x3  }
0x3df: {  	v5 =	vand.u32 $0x7, v5;
	v6 =	vand.u32 $0xFFFFFFC0, v6  }
0x3e0: {  	v5 =	vor.u32 v5, v6  }
0x3e1: {  	v6 =	vperm.xlane v5, v2;
	_ =	sdelay $0x1  }
0x3e2: {  	v6 =	vadd.s32 v3, v6;
	_ =	sdelay $0x4  }
0x3e3: {  	[tilespmem:s5], [sflag:$0x1] =	stream.indirect_vreg.gather [hbm4b:s2+s3], $0x80, v6, vm0, $0xb8;
	[tilespmem:$0x10800] =	vst v63  }
0x3e4: {  	s25 =	simm.s32 $0x1000;
	v5 =	vperm.xlane v5, v4  }
0x3e5: {  	[tilespmem:s25], [sflag:$0x1] =	stream.indirect_vreg.gather [hbm4b:s9+s3], $0x80, v6, vm0, $0xb8;
	[tilespmem:$0x10800] =	vst v63  }
0x3e6: {  	v5 =	vadd.s32 v3, v5;
	s25 =	simm.s32 $0x1800  }
0x3e7: {  	[tilespmem:s25], [sflag:$0x1] =	stream.indirect_vreg.gather [hbm4b:s10+s3], $0x80, v6, vm0, $0xb8;
	[tilespmem:$0x10800] =	vst v63  }
0x3e8: {  	s25 =	simm.s32 $0x2000  }
0x3e9: {  	[tilespmem:s25], [sflag:$0x1] =	stream.indirect_vreg.gather [hbm4b:s11+s3], $0x80, v6, vm0, $0xb8;
	[tilespmem:$0x10800] =	vst v63  }
0x3ea: {  	s25 =	simm.s32 $0x2800  }
0x3eb: {  	[tilespmem:s25], [sflag:$0x1] =	stream.indirect_vreg.gather [hbm4b:s2+s3], $0x80, v5, vm0, $0xb8;
	[tilespmem:$0x10800] =	vst v63  }
0x3ec: {  	s26 =	simm.s32 $0x3000  }
0x3ed: {  	[tilespmem:s26], [sflag:$0x1] =	stream.indirect_vreg.gather [hbm4b:s9+s3], $0x80, v5, vm0, $0xb8;
	[tilespmem:$0x10800] =	vst v63  }
0x3ee: {  	s7 =	simm.s32 $0x3800  }
0x3ef: {  	[tilespmem:s7], [sflag:$0x1] =	stream.indirect_vreg.gather [hbm4b:s10+s3], $0x80, v5, vm0, $0xb8;
	[tilespmem:$0x10800] =	vst v63  }
0x3f0: {  	s25 =	simm.s32 $0x4000  }
0x3f1: {  	[tilespmem:s25], [sflag:$0x1] =	stream.indirect_vreg.gather [hbm4b:s11+s3], $0x80, v5, vm0, $0xb8;
	[tilespmem:$0x10800] =	vst v63  }
0x3f2: {  	v5 =	vld [tilespmem:$0x510];
	_ =	sdelay $0x4  }
0x3f3: {  	v6 =	vshll.u32 v5, $0x3  }
0x3f4: {  	v5 =	vand.u32 $0x7, v5;
	v6 =	vand.u32 $0xFFFFFFC0, v6  }
0x3f5: {  	v5 =	vor.u32 v5, v6  }
0x3f6: {  	v6 =	vperm.xlane v5, v2;
	_ =	sdelay $0x1  }
0x3f7: {  	v6 =	vadd.s32 v3, v6;
	_ =	sdelay $0x3  }
0x3f8: {  	s28 =	simm.s32 $0x4800  }
0x3f9: {  	[tilespmem:s28], [sflag:$0x1] =	stream.indirect_vreg.gather [hbm4b:s2+s3], $0x80, v6, vm0, $0xb8;
	[tilespmem:$0x10800] =	vst v63  }
0x3fa: {  	s25 =	simm.s32 $0x5000;
	v5 =	vperm.xlane v5, v4  }
0x3fb: {  	[tilespmem:s25], [sflag:$0x1] =	stream.indirect_vreg.gather [hbm4b:s9+s3], $0x80, v6, vm0, $0xb8;
	[tilespmem:$0x10800] =	vst v63  }
0x3fc: {  	s8 =	simm.s32 $0x5800;
	v5 =	vadd.s32 v3, v5  }
0x3fd: {  	[tilespmem:s8], [sflag:$0x1] =	stream.indirect_vreg.gather [hbm4b:s10+s3], $0x80, v6, vm0, $0xb8;
	[tilespmem:$0x10800] =	vst v63  }
0x3fe: {  	s20 =	simm.s32 $0x6000  }
0x3ff: {  	[tilespmem:s20], [sflag:$0x1] =	stream.indirect_vreg.gather [hbm4b:s11+s3], $0x80, v6, vm0, $0xb8;
	[tilespmem:$0x10800] =	vst v63  }
0x400: {  	s12 =	simm.s32 $0x6800  }
0x401: {  	[tilespmem:s12], [sflag:$0x1] =	stream.indirect_vreg.gather [hbm4b:s2+s3], $0x80, v5, vm0, $0xb8;
	[tilespmem:$0x10800] =	vst v63  }
0x402: {  	s13 =	simm.s32 $0x7000  }
0x403: {  	[tilespmem:s13], [sflag:$0x1] =	stream.indirect_vreg.gather [hbm4b:s9+s3], $0x80, v5, vm0, $0xb8;
	[tilespmem:$0x10800] =	vst v63  }
0x404: {  	s15 =	simm.s32 $0x7800  }
0x405: {  	[tilespmem:s15], [sflag:$0x1] =	stream.indirect_vreg.gather [hbm4b:s10+s3], $0x80, v5, vm0, $0xb8;
	[tilespmem:$0x10800] =	vst v63  }
0x406: {  	s0 =	simm.s32 $0x8000  }
0x407: {  	[tilespmem:s0], [sflag:$0x1] =	stream.indirect_vreg.gather [hbm4b:s11+s3], $0x80, v5, vm0, $0xb8;
	[tilespmem:$0x10800] =	vst v63  }
0x408: {  	s25 =	rddreg [dreg:$0x12]  }
0x409: {  	[hbm4b:s25+s3] =	stream.linear.scatter [tilespmem:s1], [sflag:$0x4], $0x8000, $0x38;
	[tilespmem:$0x10800] =	vst v63  }
0x40a: {  	_ =	swait.ge [sflag:s31], $0x8000  }
0x40b: {  	[sflag:s31] =	ssyncset.done $0x0  }
0x40c: {  	[sflag:s31] =	ssyncadd.s32 $0xFFFF8000  }
0x40d: {  	_ =	swait.ge [sflag:s24], $0x8000  }
0x40e: {  	[sflag:s24] =	ssyncset.done $0x0  }
0x40f: {  	[sflag:s24] =	ssyncadd.s32 $0xFFFF8000  }
0x410: {  	v5 =	vld [tilespmem:$0x520];
	_ =	sdelay $0x4  }
0x411: {  	v6 =	vshll.u32 v5, $0x3  }
0x412: {  	v5 =	vand.u32 $0x7, v5;
	v6 =	vand.u32 $0xFFFFFFC0, v6  }
0x413: {  	v5 =	vor.u32 v5, v6  }
0x414: {  	v6 =	vperm.xlane v5, v2;
	_ =	sdelay $0x1  }
0x415: {  	v6 =	vadd.s32 v3, v6;
	_ =	sdelay $0x4  }
0x416: {  	[tilespmem:s1], [sflag:$0x2] =	stream.indirect_vreg.gather [hbm4b:s2+s3], $0x80, v6, vm0, $0xb8;
	[tilespmem:$0x10800] =	vst v63  }
0x417: {  	s0 =	simm.s32 $0x9000;
	v5 =	vperm.xlane v5, v4  }
0x418: {  	[tilespmem:s0], [sflag:$0x2] =	stream.indirect_vreg.gather [hbm4b:s9+s3], $0x80, v6, vm0, $0xb8;
	[tilespmem:$0x10800] =	vst v63  }
0x419: {  	v5 =	vadd.s32 v3, v5;
	s0 =	simm.s32 $0x9800  }
0x41a: {  	[tilespmem:s0], [sflag:$0x2] =	stream.indirect_vreg.gather [hbm4b:s10+s3], $0x80, v6, vm0, $0xb8;
	[tilespmem:$0x10800] =	vst v63  }
0x41b: {  	s0 =	simm.s32 $0xA000  }
0x41c: {  	[tilespmem:s0], [sflag:$0x2] =	stream.indirect_vreg.gather [hbm4b:s11+s3], $0x80, v6, vm0, $0xb8;
	[tilespmem:$0x10800] =	vst v63  }
0x41d: {  	s29 =	simm.s32 $0xA800  }
0x41e: {  	[tilespmem:s29], [sflag:$0x2] =	stream.indirect_vreg.gather [hbm4b:s2+s3], $0x80, v5, vm0, $0xb8;
	[tilespmem:$0x10800] =	vst v63  }
0x41f: {  	s14 =	simm.s32 $0xB000  }
0x420: {  	[tilespmem:s14], [sflag:$0x2] =	stream.indirect_vreg.gather [hbm4b:s9+s3], $0x80, v5, vm0, $0xb8;
	[tilespmem:$0x10800] =	vst v63  }
0x421: {  	s16 =	simm.s32 $0xB800  }
0x422: {  	[tilespmem:s16], [sflag:$0x2] =	stream.indirect_vreg.gather [hbm4b:s10+s3], $0x80, v5, vm0, $0xb8;
	[tilespmem:$0x10800] =	vst v63  }
0x423: {  	s30 =	simm.s32 $0xC000  }
0x424: {  	[tilespmem:s30], [sflag:$0x2] =	stream.indirect_vreg.gather [hbm4b:s11+s3], $0x80, v5, vm0, $0xb8;
	[tilespmem:$0x10800] =	vst v63  }
0x425: {  	v5 =	vld [tilespmem:$0x530];
	_ =	sdelay $0x4  }
0x426: {  	v6 =	vshll.u32 v5, $0x3  }
0x427: {  	v5 =	vand.u32 $0x7, v5;
	v6 =	vand.u32 $0xFFFFFFC0, v6  }
0x428: {  	v5 =	vor.u32 v5, v6  }
0x429: {  	v6 =	vperm.xlane v5, v2;
	_ =	sdelay $0x1  }
0x42a: {  	v6 =	vadd.s32 v3, v6;
	_ =	sdelay $0x3  }
0x42b: {  	s0 =	simm.s32 $0xC800  }
0x42c: {  	[tilespmem:s0], [sflag:$0x2] =	stream.indirect_vreg.gather [hbm4b:s2+s3], $0x80, v6, vm0, $0xb8;
	[tilespmem:$0x10800] =	vst v63  }
0x42d: {  	s19 =	simm.s32 $0xD000;
	v5 =	vperm.xlane v5, v4  }
0x42e: {  	[tilespmem:s19], [sflag:$0x2] =	stream.indirect_vreg.gather [hbm4b:s9+s3], $0x80, v6, vm0, $0xb8;
	[tilespmem:$0x10800] =	vst v63  }
0x42f: {  	s6 =	simm.s32 $0xD800;
	v5 =	vadd.s32 v3, v5  }
0x430: {  	[tilespmem:s6], [sflag:$0x2] =	stream.indirect_vreg.gather [hbm4b:s10+s3], $0x80, v6, vm0, $0xb8;
	[tilespmem:$0x10800] =	vst v63  }
0x431: {  	s21 =	simm.s32 $0xE000  }
0x432: {  	[tilespmem:s21], [sflag:$0x2] =	stream.indirect_vreg.gather [hbm4b:s11+s3], $0x80, v6, vm0, $0xb8;
	[tilespmem:$0x10800] =	vst v63  }
0x433: {  	s18 =	simm.s32 $0xE800  }
0x434: {  	[tilespmem:s18], [sflag:$0x2] =	stream.indirect_vreg.gather [hbm4b:s2+s3], $0x80, v5, vm0, $0xb8;
	[tilespmem:$0x10800] =	vst v63  }
0x435: {  	s4 =	simm.s32 $0xF000  }
0x436: {  	[tilespmem:s4], [sflag:$0x2] =	stream.indirect_vreg.gather [hbm4b:s9+s3], $0x80, v5, vm0, $0xb8;
	[tilespmem:$0x10800] =	vst v63  }
0x437: {  	s17 =	simm.s32 $0xF800  }
0x438: {  	[tilespmem:s17], [sflag:$0x2] =	stream.indirect_vreg.gather [hbm4b:s10+s3], $0x80, v5, vm0, $0xb8;
	[tilespmem:$0x10800] =	vst v63  }
0x439: {  	s0 =	simm.s32 $0x10000  }
0x43a: {  	[tilespmem:s0], [sflag:$0x2] =	stream.indirect_vreg.gather [hbm4b:s11+s3], $0x80, v5, vm0, $0xb8;
	[tilespmem:$0x10800] =	vst v63  }
0x43b: {  	s25 =	rddreg [dreg:$0x13]  }
0x43c: {  	[hbm4b:s25+s3] =	stream.linear.scatter [tilespmem:s5], [sflag:$0x3], $0x8000, $0x38;
	[tilespmem:$0x10800] =	vst v63  }
0x43d: {  	_ =	swait.ge [sflag:s22], $0x8000  }
0x43e: {  	[sflag:s22] =	ssyncset.done $0x0  }
0x43f: {  	[sflag:s22] =	ssyncadd.s32 $0xFFFF8000  }
0x440: {  	_ =	swait.ge [sflag:s23], $0x8000  }
0x441: {  	[sflag:s23] =	ssyncset.done $0x0  }
0x442: {  	[sflag:s23] =	ssyncadd.s32 $0xFFFF8000  }
0x443: {  	v5 =	vld [tilespmem:$0x540];
	_ =	sdelay $0x4  }
0x444: {  	v6 =	vshll.u32 v5, $0x3  }
0x445: {  	v5 =	vand.u32 $0x7, v5;
	v6 =	vand.u32 $0xFFFFFFC0, v6  }
0x446: {  	v5 =	vor.u32 v5, v6  }
0x447: {  	v6 =	vperm.xlane v5, v2;
	_ =	sdelay $0x1  }
0x448: {  	v6 =	vadd.s32 v3, v6;
	_ =	sdelay $0x4  }
0x449: {  	[tilespmem:s5], [sflag:$0x1] =	stream.indirect_vreg.gather [hbm4b:s2+s3], $0x80, v6, vm0, $0xb8;
	[tilespmem:$0x10800] =	vst v63  }
0x44a: {  	s25 =	simm.s32 $0x1000;
	v5 =	vperm.xlane v5, v4  }
0x44b: {  	[tilespmem:s25], [sflag:$0x1] =	stream.indirect_vreg.gather [hbm4b:s9+s3], $0x80, v6, vm0, $0xb8;
	[tilespmem:$0x10800] =	vst v63  }
0x44c: {  	v5 =	vadd.s32 v3, v5;
	s25 =	simm.s32 $0x1800  }
0x44d: {  	[tilespmem:s25], [sflag:$0x1] =	stream.indirect_vreg.gather [hbm4b:s10+s3], $0x80, v6, vm0, $0xb8;
	[tilespmem:$0x10800] =	vst v63  }
0x44e: {  	s25 =	simm.s32 $0x2000  }
0x44f: {  	[tilespmem:s25], [sflag:$0x1] =	stream.indirect_vreg.gather [hbm4b:s11+s3], $0x80, v6, vm0, $0xb8;
	[tilespmem:$0x10800] =	vst v63  }
0x450: {  	s25 =	simm.s32 $0x2800  }
0x451: {  	[tilespmem:s25], [sflag:$0x1] =	stream.indirect_vreg.gather [hbm4b:s2+s3], $0x80, v5, vm0, $0xb8;
	[tilespmem:$0x10800] =	vst v63  }
0x452: {  	s26 =	simm.s32 $0x3000  }
0x453: {  	[tilespmem:s26], [sflag:$0x1] =	stream.indirect_vreg.gather [hbm4b:s9+s3], $0x80, v5, vm0, $0xb8;
	[tilespmem:$0x10800] =	vst v63  }
0x454: {  	s7 =	simm.s32 $0x3800  }
0x455: {  	[tilespmem:s7], [sflag:$0x1] =	stream.indirect_vreg.gather [hbm4b:s10+s3], $0x80, v5, vm0, $0xb8;
	[tilespmem:$0x10800] =	vst v63  }
0x456: {  	s25 =	simm.s32 $0x4000  }
0x457: {  	[tilespmem:s25], [sflag:$0x1] =	stream.indirect_vreg.gather [hbm4b:s11+s3], $0x80, v5, vm0, $0xb8;
	[tilespmem:$0x10800] =	vst v63  }
0x458: {  	v5 =	vld [tilespmem:$0x550];
	_ =	sdelay $0x4  }
0x459: {  	v6 =	vshll.u32 v5, $0x3  }
0x45a: {  	v5 =	vand.u32 $0x7, v5;
	v6 =	vand.u32 $0xFFFFFFC0, v6  }
0x45b: {  	v5 =	vor.u32 v5, v6  }
0x45c: {  	v6 =	vperm.xlane v5, v2;
	_ =	sdelay $0x1  }
0x45d: {  	v6 =	vadd.s32 v3, v6;
	_ =	sdelay $0x3  }
0x45e: {  	s28 =	simm.s32 $0x4800  }
0x45f: {  	[tilespmem:s28], [sflag:$0x1] =	stream.indirect_vreg.gather [hbm4b:s2+s3], $0x80, v6, vm0, $0xb8;
	[tilespmem:$0x10800] =	vst v63  }
0x460: {  	s25 =	simm.s32 $0x5000;
	v5 =	vperm.xlane v5, v4  }
0x461: {  	[tilespmem:s25], [sflag:$0x1] =	stream.indirect_vreg.gather [hbm4b:s9+s3], $0x80, v6, vm0, $0xb8;
	[tilespmem:$0x10800] =	vst v63  }
0x462: {  	s8 =	simm.s32 $0x5800;
	v5 =	vadd.s32 v3, v5  }
0x463: {  	[tilespmem:s8], [sflag:$0x1] =	stream.indirect_vreg.gather [hbm4b:s10+s3], $0x80, v6, vm0, $0xb8;
	[tilespmem:$0x10800] =	vst v63  }
0x464: {  	s20 =	simm.s32 $0x6000  }
0x465: {  	[tilespmem:s20], [sflag:$0x1] =	stream.indirect_vreg.gather [hbm4b:s11+s3], $0x80, v6, vm0, $0xb8;
	[tilespmem:$0x10800] =	vst v63  }
0x466: {  	s12 =	simm.s32 $0x6800  }
0x467: {  	[tilespmem:s12], [sflag:$0x1] =	stream.indirect_vreg.gather [hbm4b:s2+s3], $0x80, v5, vm0, $0xb8;
	[tilespmem:$0x10800] =	vst v63  }
0x468: {  	s13 =	simm.s32 $0x7000  }
0x469: {  	[tilespmem:s13], [sflag:$0x1] =	stream.indirect_vreg.gather [hbm4b:s9+s3], $0x80, v5, vm0, $0xb8;
	[tilespmem:$0x10800] =	vst v63  }
0x46a: {  	s15 =	simm.s32 $0x7800  }
0x46b: {  	[tilespmem:s15], [sflag:$0x1] =	stream.indirect_vreg.gather [hbm4b:s10+s3], $0x80, v5, vm0, $0xb8;
	[tilespmem:$0x10800] =	vst v63  }
0x46c: {  	s0 =	simm.s32 $0x8000  }
0x46d: {  	[tilespmem:s0], [sflag:$0x1] =	stream.indirect_vreg.gather [hbm4b:s11+s3], $0x80, v5, vm0, $0xb8;
	[tilespmem:$0x10800] =	vst v63  }
0x46e: {  	s25 =	rddreg [dreg:$0x14]  }
0x46f: {  	[hbm4b:s25+s3] =	stream.linear.scatter [tilespmem:s1], [sflag:$0x4], $0x8000, $0x38;
	[tilespmem:$0x10800] =	vst v63  }
0x470: {  	_ =	swait.ge [sflag:s31], $0x8000  }
0x471: {  	[sflag:s31] =	ssyncset.done $0x0  }
0x472: {  	[sflag:s31] =	ssyncadd.s32 $0xFFFF8000  }
0x473: {  	_ =	swait.ge [sflag:s24], $0x8000  }
0x474: {  	[sflag:s24] =	ssyncset.done $0x0  }
0x475: {  	[sflag:s24] =	ssyncadd.s32 $0xFFFF8000  }
0x476: {  	v5 =	vld [tilespmem:$0x560];
	_ =	sdelay $0x4  }
0x477: {  	v6 =	vshll.u32 v5, $0x3  }
0x478: {  	v5 =	vand.u32 $0x7, v5;
	v6 =	vand.u32 $0xFFFFFFC0, v6  }
0x479: {  	v5 =	vor.u32 v5, v6  }
0x47a: {  	v6 =	vperm.xlane v5, v2;
	_ =	sdelay $0x1  }
0x47b: {  	v6 =	vadd.s32 v3, v6;
	_ =	sdelay $0x4  }
0x47c: {  	[tilespmem:s1], [sflag:$0x2] =	stream.indirect_vreg.gather [hbm4b:s2+s3], $0x80, v6, vm0, $0xb8;
	[tilespmem:$0x10800] =	vst v63  }
0x47d: {  	s0 =	simm.s32 $0x9000;
	v5 =	vperm.xlane v5, v4  }
0x47e: {  	[tilespmem:s0], [sflag:$0x2] =	stream.indirect_vreg.gather [hbm4b:s9+s3], $0x80, v6, vm0, $0xb8;
	[tilespmem:$0x10800] =	vst v63  }
0x47f: {  	v5 =	vadd.s32 v3, v5;
	s0 =	simm.s32 $0x9800  }
0x480: {  	[tilespmem:s0], [sflag:$0x2] =	stream.indirect_vreg.gather [hbm4b:s10+s3], $0x80, v6, vm0, $0xb8;
	[tilespmem:$0x10800] =	vst v63  }
0x481: {  	s0 =	simm.s32 $0xA000  }
0x482: {  	[tilespmem:s0], [sflag:$0x2] =	stream.indirect_vreg.gather [hbm4b:s11+s3], $0x80, v6, vm0, $0xb8;
	[tilespmem:$0x10800] =	vst v63  }
0x483: {  	s29 =	simm.s32 $0xA800  }
0x484: {  	[tilespmem:s29], [sflag:$0x2] =	stream.indirect_vreg.gather [hbm4b:s2+s3], $0x80, v5, vm0, $0xb8;
	[tilespmem:$0x10800] =	vst v63  }
0x485: {  	s14 =	simm.s32 $0xB000  }
0x486: {  	[tilespmem:s14], [sflag:$0x2] =	stream.indirect_vreg.gather [hbm4b:s9+s3], $0x80, v5, vm0, $0xb8;
	[tilespmem:$0x10800] =	vst v63  }
0x487: {  	s16 =	simm.s32 $0xB800  }
0x488: {  	[tilespmem:s16], [sflag:$0x2] =	stream.indirect_vreg.gather [hbm4b:s10+s3], $0x80, v5, vm0, $0xb8;
	[tilespmem:$0x10800] =	vst v63  }
0x489: {  	s30 =	simm.s32 $0xC000  }
0x48a: {  	[tilespmem:s30], [sflag:$0x2] =	stream.indirect_vreg.gather [hbm4b:s11+s3], $0x80, v5, vm0, $0xb8;
	[tilespmem:$0x10800] =	vst v63  }
0x48b: {  	v5 =	vld [tilespmem:$0x570];
	_ =	sdelay $0x4  }
0x48c: {  	v6 =	vshll.u32 v5, $0x3  }
0x48d: {  	v5 =	vand.u32 $0x7, v5;
	v6 =	vand.u32 $0xFFFFFFC0, v6  }
0x48e: {  	v5 =	vor.u32 v5, v6  }
0x48f: {  	v6 =	vperm.xlane v5, v2;
	_ =	sdelay $0x1  }
0x490: {  	v6 =	vadd.s32 v3, v6;
	_ =	sdelay $0x3  }
0x491: {  	s0 =	simm.s32 $0xC800  }
0x492: {  	[tilespmem:s0], [sflag:$0x2] =	stream.indirect_vreg.gather [hbm4b:s2+s3], $0x80, v6, vm0, $0xb8;
	[tilespmem:$0x10800] =	vst v63  }
0x493: {  	s19 =	simm.s32 $0xD000;
	v5 =	vperm.xlane v5, v4  }
0x494: {  	[tilespmem:s19], [sflag:$0x2] =	stream.indirect_vreg.gather [hbm4b:s9+s3], $0x80, v6, vm0, $0xb8;
	[tilespmem:$0x10800] =	vst v63  }
0x495: {  	s6 =	simm.s32 $0xD800;
	v5 =	vadd.s32 v3, v5  }
0x496: {  	[tilespmem:s6], [sflag:$0x2] =	stream.indirect_vreg.gather [hbm4b:s10+s3], $0x80, v6, vm0, $0xb8;
	[tilespmem:$0x10800] =	vst v63  }
0x497: {  	s21 =	simm.s32 $0xE000  }
0x498: {  	[tilespmem:s21], [sflag:$0x2] =	stream.indirect_vreg.gather [hbm4b:s11+s3], $0x80, v6, vm0, $0xb8;
	[tilespmem:$0x10800] =	vst v63  }
0x499: {  	s18 =	simm.s32 $0xE800  }
0x49a: {  	[tilespmem:s18], [sflag:$0x2] =	stream.indirect_vreg.gather [hbm4b:s2+s3], $0x80, v5, vm0, $0xb8;
	[tilespmem:$0x10800] =	vst v63  }
0x49b: {  	s4 =	simm.s32 $0xF000  }
0x49c: {  	[tilespmem:s4], [sflag:$0x2] =	stream.indirect_vreg.gather [hbm4b:s9+s3], $0x80, v5, vm0, $0xb8;
	[tilespmem:$0x10800] =	vst v63  }
0x49d: {  	s17 =	simm.s32 $0xF800  }
0x49e: {  	[tilespmem:s17], [sflag:$0x2] =	stream.indirect_vreg.gather [hbm4b:s10+s3], $0x80, v5, vm0, $0xb8;
	[tilespmem:$0x10800] =	vst v63  }
0x49f: {  	s0 =	simm.s32 $0x10000  }
0x4a0: {  	[tilespmem:s0], [sflag:$0x2] =	stream.indirect_vreg.gather [hbm4b:s11+s3], $0x80, v5, vm0, $0xb8;
	[tilespmem:$0x10800] =	vst v63  }
0x4a1: {  	s25 =	rddreg [dreg:$0x15]  }
0x4a2: {  	[hbm4b:s25+s3] =	stream.linear.scatter [tilespmem:s5], [sflag:$0x3], $0x8000, $0x38;
	[tilespmem:$0x10800] =	vst v63  }
0x4a3: {  	_ =	swait.ge [sflag:s22], $0x8000  }
0x4a4: {  	[sflag:s22] =	ssyncset.done $0x0  }
0x4a5: {  	[sflag:s22] =	ssyncadd.s32 $0xFFFF8000  }
0x4a6: {  	_ =	swait.ge [sflag:s23], $0x8000  }
0x4a7: {  	[sflag:s23] =	ssyncset.done $0x0  }
0x4a8: {  	[sflag:s23] =	ssyncadd.s32 $0xFFFF8000  }
0x4a9: {  	v5 =	vld [tilespmem:$0x700];
	_ =	sdelay $0x4  }
0x4aa: {  	v6 =	vshll.u32 v5, $0x3  }
0x4ab: {  	v5 =	vand.u32 $0x7, v5;
	v6 =	vand.u32 $0xFFFFFFC0, v6  }
0x4ac: {  	v5 =	vor.u32 v5, v6  }
0x4ad: {  	v6 =	vperm.xlane v5, v2;
	_ =	sdelay $0x1  }
0x4ae: {  	v6 =	vadd.s32 v3, v6;
	_ =	sdelay $0x4  }
0x4af: {  	[tilespmem:s5], [sflag:$0x1] =	stream.indirect_vreg.gather [hbm4b:s2+s3], $0x80, v6, vm0, $0xb8;
	[tilespmem:$0x10800] =	vst v63  }
0x4b0: {  	s25 =	simm.s32 $0x1000;
	v5 =	vperm.xlane v5, v4  }
0x4b1: {  	[tilespmem:s25], [sflag:$0x1] =	stream.indirect_vreg.gather [hbm4b:s9+s3], $0x80, v6, vm0, $0xb8;
	[tilespmem:$0x10800] =	vst v63  }
0x4b2: {  	v5 =	vadd.s32 v3, v5;
	s25 =	simm.s32 $0x1800  }
0x4b3: {  	[tilespmem:s25], [sflag:$0x1] =	stream.indirect_vreg.gather [hbm4b:s10+s3], $0x80, v6, vm0, $0xb8;
	[tilespmem:$0x10800] =	vst v63  }
0x4b4: {  	s25 =	simm.s32 $0x2000  }
0x4b5: {  	[tilespmem:s25], [sflag:$0x1] =	stream.indirect_vreg.gather [hbm4b:s11+s3], $0x80, v6, vm0, $0xb8;
	[tilespmem:$0x10800] =	vst v63  }
0x4b6: {  	s25 =	simm.s32 $0x2800  }
0x4b7: {  	[tilespmem:s25], [sflag:$0x1] =	stream.indirect_vreg.gather [hbm4b:s2+s3], $0x80, v5, vm0, $0xb8;
	[tilespmem:$0x10800] =	vst v63  }
0x4b8: {  	s26 =	simm.s32 $0x3000  }
0x4b9: {  	[tilespmem:s26], [sflag:$0x1] =	stream.indirect_vreg.gather [hbm4b:s9+s3], $0x80, v5, vm0, $0xb8;
	[tilespmem:$0x10800] =	vst v63  }
0x4ba: {  	s7 =	simm.s32 $0x3800  }
0x4bb: {  	[tilespmem:s7], [sflag:$0x1] =	stream.indirect_vreg.gather [hbm4b:s10+s3], $0x80, v5, vm0, $0xb8;
	[tilespmem:$0x10800] =	vst v63  }
0x4bc: {  	s25 =	simm.s32 $0x4000  }
0x4bd: {  	[tilespmem:s25], [sflag:$0x1] =	stream.indirect_vreg.gather [hbm4b:s11+s3], $0x80, v5, vm0, $0xb8;
	[tilespmem:$0x10800] =	vst v63  }
0x4be: {  	v5 =	vld [tilespmem:$0x710];
	_ =	sdelay $0x4  }
0x4bf: {  	v6 =	vshll.u32 v5, $0x3  }
0x4c0: {  	v5 =	vand.u32 $0x7, v5;
	v6 =	vand.u32 $0xFFFFFFC0, v6  }
0x4c1: {  	v5 =	vor.u32 v5, v6  }
0x4c2: {  	v6 =	vperm.xlane v5, v2;
	_ =	sdelay $0x1  }
0x4c3: {  	v6 =	vadd.s32 v3, v6;
	_ =	sdelay $0x3  }
0x4c4: {  	s28 =	simm.s32 $0x4800  }
0x4c5: {  	[tilespmem:s28], [sflag:$0x1] =	stream.indirect_vreg.gather [hbm4b:s2+s3], $0x80, v6, vm0, $0xb8;
	[tilespmem:$0x10800] =	vst v63  }
0x4c6: {  	s25 =	simm.s32 $0x5000;
	v5 =	vperm.xlane v5, v4  }
0x4c7: {  	[tilespmem:s25], [sflag:$0x1] =	stream.indirect_vreg.gather [hbm4b:s9+s3], $0x80, v6, vm0, $0xb8;
	[tilespmem:$0x10800] =	vst v63  }
0x4c8: {  	s8 =	simm.s32 $0x5800;
	v5 =	vadd.s32 v3, v5  }
0x4c9: {  	[tilespmem:s8], [sflag:$0x1] =	stream.indirect_vreg.gather [hbm4b:s10+s3], $0x80, v6, vm0, $0xb8;
	[tilespmem:$0x10800] =	vst v63  }
0x4ca: {  	s20 =	simm.s32 $0x6000  }
0x4cb: {  	[tilespmem:s20], [sflag:$0x1] =	stream.indirect_vreg.gather [hbm4b:s11+s3], $0x80, v6, vm0, $0xb8;
	[tilespmem:$0x10800] =	vst v63  }
0x4cc: {  	s12 =	simm.s32 $0x6800  }
0x4cd: {  	[tilespmem:s12], [sflag:$0x1] =	stream.indirect_vreg.gather [hbm4b:s2+s3], $0x80, v5, vm0, $0xb8;
	[tilespmem:$0x10800] =	vst v63  }
0x4ce: {  	s13 =	simm.s32 $0x7000  }
0x4cf: {  	[tilespmem:s13], [sflag:$0x1] =	stream.indirect_vreg.gather [hbm4b:s9+s3], $0x80, v5, vm0, $0xb8;
	[tilespmem:$0x10800] =	vst v63  }
0x4d0: {  	s15 =	simm.s32 $0x7800  }
0x4d1: {  	[tilespmem:s15], [sflag:$0x1] =	stream.indirect_vreg.gather [hbm4b:s10+s3], $0x80, v5, vm0, $0xb8;
	[tilespmem:$0x10800] =	vst v63  }
0x4d2: {  	s0 =	simm.s32 $0x8000  }
0x4d3: {  	[tilespmem:s0], [sflag:$0x1] =	stream.indirect_vreg.gather [hbm4b:s11+s3], $0x80, v5, vm0, $0xb8;
	[tilespmem:$0x10800] =	vst v63  }
0x4d4: {  	s25 =	rddreg [dreg:$0x16]  }
0x4d5: {  	[hbm4b:s25+s3] =	stream.linear.scatter [tilespmem:s1], [sflag:$0x4], $0x8000, $0x38;
	[tilespmem:$0x10800] =	vst v63  }
0x4d6: {  	_ =	swait.ge [sflag:s31], $0x8000  }
0x4d7: {  	[sflag:s31] =	ssyncset.done $0x0  }
0x4d8: {  	[sflag:s31] =	ssyncadd.s32 $0xFFFF8000  }
0x4d9: {  	_ =	swait.ge [sflag:s24], $0x8000  }
0x4da: {  	[sflag:s24] =	ssyncset.done $0x0  }
0x4db: {  	[sflag:s24] =	ssyncadd.s32 $0xFFFF8000  }
0x4dc: {  	v5 =	vld [tilespmem:$0x720];
	_ =	sdelay $0x4  }
0x4dd: {  	v6 =	vshll.u32 v5, $0x3  }
0x4de: {  	v5 =	vand.u32 $0x7, v5;
	v6 =	vand.u32 $0xFFFFFFC0, v6  }
0x4df: {  	v5 =	vor.u32 v5, v6  }
0x4e0: {  	v6 =	vperm.xlane v5, v2;
	_ =	sdelay $0x1  }
0x4e1: {  	v6 =	vadd.s32 v3, v6;
	_ =	sdelay $0x4  }
0x4e2: {  	[tilespmem:s1], [sflag:$0x2] =	stream.indirect_vreg.gather [hbm4b:s2+s3], $0x80, v6, vm0, $0xb8;
	[tilespmem:$0x10800] =	vst v63  }
0x4e3: {  	s0 =	simm.s32 $0x9000;
	v5 =	vperm.xlane v5, v4  }
0x4e4: {  	[tilespmem:s0], [sflag:$0x2] =	stream.indirect_vreg.gather [hbm4b:s9+s3], $0x80, v6, vm0, $0xb8;
	[tilespmem:$0x10800] =	vst v63  }
0x4e5: {  	v5 =	vadd.s32 v3, v5;
	s0 =	simm.s32 $0x9800  }
0x4e6: {  	[tilespmem:s0], [sflag:$0x2] =	stream.indirect_vreg.gather [hbm4b:s10+s3], $0x80, v6, vm0, $0xb8;
	[tilespmem:$0x10800] =	vst v63  }
0x4e7: {  	s0 =	simm.s32 $0xA000  }
0x4e8: {  	[tilespmem:s0], [sflag:$0x2] =	stream.indirect_vreg.gather [hbm4b:s11+s3], $0x80, v6, vm0, $0xb8;
	[tilespmem:$0x10800] =	vst v63  }
0x4e9: {  	s29 =	simm.s32 $0xA800  }
0x4ea: {  	[tilespmem:s29], [sflag:$0x2] =	stream.indirect_vreg.gather [hbm4b:s2+s3], $0x80, v5, vm0, $0xb8;
	[tilespmem:$0x10800] =	vst v63  }
0x4eb: {  	s14 =	simm.s32 $0xB000  }
0x4ec: {  	[tilespmem:s14], [sflag:$0x2] =	stream.indirect_vreg.gather [hbm4b:s9+s3], $0x80, v5, vm0, $0xb8;
	[tilespmem:$0x10800] =	vst v63  }
0x4ed: {  	s16 =	simm.s32 $0xB800  }
0x4ee: {  	[tilespmem:s16], [sflag:$0x2] =	stream.indirect_vreg.gather [hbm4b:s10+s3], $0x80, v5, vm0, $0xb8;
	[tilespmem:$0x10800] =	vst v63  }
0x4ef: {  	s30 =	simm.s32 $0xC000  }
0x4f0: {  	[tilespmem:s30], [sflag:$0x2] =	stream.indirect_vreg.gather [hbm4b:s11+s3], $0x80, v5, vm0, $0xb8;
	[tilespmem:$0x10800] =	vst v63  }
0x4f1: {  	v5 =	vld [tilespmem:$0x730];
	_ =	sdelay $0x4  }
0x4f2: {  	v6 =	vshll.u32 v5, $0x3  }
0x4f3: {  	v5 =	vand.u32 $0x7, v5;
	v6 =	vand.u32 $0xFFFFFFC0, v6  }
0x4f4: {  	v5 =	vor.u32 v5, v6  }
0x4f5: {  	v6 =	vperm.xlane v5, v2;
	_ =	sdelay $0x1  }
0x4f6: {  	v6 =	vadd.s32 v3, v6;
	_ =	sdelay $0x3  }
0x4f7: {  	s0 =	simm.s32 $0xC800  }
0x4f8: {  	[tilespmem:s0], [sflag:$0x2] =	stream.indirect_vreg.gather [hbm4b:s2+s3], $0x80, v6, vm0, $0xb8;
	[tilespmem:$0x10800] =	vst v63  }
0x4f9: {  	s19 =	simm.s32 $0xD000;
	v5 =	vperm.xlane v5, v4  }
0x4fa: {  	[tilespmem:s19], [sflag:$0x2] =	stream.indirect_vreg.gather [hbm4b:s9+s3], $0x80, v6, vm0, $0xb8;
	[tilespmem:$0x10800] =	vst v63  }
0x4fb: {  	s6 =	simm.s32 $0xD800;
	v5 =	vadd.s32 v3, v5  }
0x4fc: {  	[tilespmem:s6], [sflag:$0x2] =	stream.indirect_vreg.gather [hbm4b:s10+s3], $0x80, v6, vm0, $0xb8;
	[tilespmem:$0x10800] =	vst v63  }
0x4fd: {  	s21 =	simm.s32 $0xE000  }
0x4fe: {  	[tilespmem:s21], [sflag:$0x2] =	stream.indirect_vreg.gather [hbm4b:s11+s3], $0x80, v6, vm0, $0xb8;
	[tilespmem:$0x10800] =	vst v63  }
0x4ff: {  	s18 =	simm.s32 $0xE800  }
0x500: {  	[tilespmem:s18], [sflag:$0x2] =	stream.indirect_vreg.gather [hbm4b:s2+s3], $0x80, v5, vm0, $0xb8;
	[tilespmem:$0x10800] =	vst v63  }
0x501: {  	s4 =	simm.s32 $0xF000  }
0x502: {  	[tilespmem:s4], [sflag:$0x2] =	stream.indirect_vreg.gather [hbm4b:s9+s3], $0x80, v5, vm0, $0xb8;
	[tilespmem:$0x10800] =	vst v63  }
0x503: {  	s17 =	simm.s32 $0xF800  }
0x504: {  	[tilespmem:s17], [sflag:$0x2] =	stream.indirect_vreg.gather [hbm4b:s10+s3], $0x80, v5, vm0, $0xb8;
	[tilespmem:$0x10800] =	vst v63  }
0x505: {  	s0 =	simm.s32 $0x10000  }
0x506: {  	[tilespmem:s0], [sflag:$0x2] =	stream.indirect_vreg.gather [hbm4b:s11+s3], $0x80, v5, vm0, $0xb8;
	[tilespmem:$0x10800] =	vst v63  }
0x507: {  	s25 =	rddreg [dreg:$0x17]  }
0x508: {  	[hbm4b:s25+s3] =	stream.linear.scatter [tilespmem:s5], [sflag:$0x3], $0x8000, $0x38;
	[tilespmem:$0x10800] =	vst v63  }
0x509: {  	_ =	swait.ge [sflag:s22], $0x8000  }
0x50a: {  	[sflag:s22] =	ssyncset.done $0x0  }
0x50b: {  	[sflag:s22] =	ssyncadd.s32 $0xFFFF8000  }
0x50c: {  	_ =	swait.ge [sflag:s23], $0x8000  }
0x50d: {  	[sflag:s23] =	ssyncset.done $0x0  }
0x50e: {  	[sflag:s23] =	ssyncadd.s32 $0xFFFF8000  }
0x50f: {  	v5 =	vld [tilespmem:$0x740];
	_ =	sdelay $0x4  }
0x510: {  	v6 =	vshll.u32 v5, $0x3  }
0x511: {  	v5 =	vand.u32 $0x7, v5;
	v6 =	vand.u32 $0xFFFFFFC0, v6  }
0x512: {  	v5 =	vor.u32 v5, v6  }
0x513: {  	v6 =	vperm.xlane v5, v2;
	_ =	sdelay $0x1  }
0x514: {  	v6 =	vadd.s32 v3, v6;
	_ =	sdelay $0x4  }
0x515: {  	[tilespmem:s5], [sflag:$0x1] =	stream.indirect_vreg.gather [hbm4b:s2+s3], $0x80, v6, vm0, $0xb8;
	[tilespmem:$0x10800] =	vst v63  }
0x516: {  	s25 =	simm.s32 $0x1000;
	v5 =	vperm.xlane v5, v4  }
0x517: {  	[tilespmem:s25], [sflag:$0x1] =	stream.indirect_vreg.gather [hbm4b:s9+s3], $0x80, v6, vm0, $0xb8;
	[tilespmem:$0x10800] =	vst v63  }
0x518: {  	v5 =	vadd.s32 v3, v5;
	s25 =	simm.s32 $0x1800  }
0x519: {  	[tilespmem:s25], [sflag:$0x1] =	stream.indirect_vreg.gather [hbm4b:s10+s3], $0x80, v6, vm0, $0xb8;
	[tilespmem:$0x10800] =	vst v63  }
0x51a: {  	s25 =	simm.s32 $0x2000  }
0x51b: {  	[tilespmem:s25], [sflag:$0x1] =	stream.indirect_vreg.gather [hbm4b:s11+s3], $0x80, v6, vm0, $0xb8;
	[tilespmem:$0x10800] =	vst v63  }
0x51c: {  	s25 =	simm.s32 $0x2800  }
0x51d: {  	[tilespmem:s25], [sflag:$0x1] =	stream.indirect_vreg.gather [hbm4b:s2+s3], $0x80, v5, vm0, $0xb8;
	[tilespmem:$0x10800] =	vst v63  }
0x51e: {  	s26 =	simm.s32 $0x3000  }
0x51f: {  	[tilespmem:s26], [sflag:$0x1] =	stream.indirect_vreg.gather [hbm4b:s9+s3], $0x80, v5, vm0, $0xb8;
	[tilespmem:$0x10800] =	vst v63  }
0x520: {  	s7 =	simm.s32 $0x3800  }
0x521: {  	[tilespmem:s7], [sflag:$0x1] =	stream.indirect_vreg.gather [hbm4b:s10+s3], $0x80, v5, vm0, $0xb8;
	[tilespmem:$0x10800] =	vst v63  }
0x522: {  	s25 =	simm.s32 $0x4000  }
0x523: {  	[tilespmem:s25], [sflag:$0x1] =	stream.indirect_vreg.gather [hbm4b:s11+s3], $0x80, v5, vm0, $0xb8;
	[tilespmem:$0x10800] =	vst v63  }
0x524: {  	v5 =	vld [tilespmem:$0x750];
	_ =	sdelay $0x4  }
0x525: {  	v6 =	vshll.u32 v5, $0x3  }
0x526: {  	v5 =	vand.u32 $0x7, v5;
	v6 =	vand.u32 $0xFFFFFFC0, v6  }
0x527: {  	v5 =	vor.u32 v5, v6  }
0x528: {  	v6 =	vperm.xlane v5, v2;
	_ =	sdelay $0x1  }
0x529: {  	v6 =	vadd.s32 v3, v6;
	_ =	sdelay $0x3  }
0x52a: {  	s28 =	simm.s32 $0x4800  }
0x52b: {  	[tilespmem:s28], [sflag:$0x1] =	stream.indirect_vreg.gather [hbm4b:s2+s3], $0x80, v6, vm0, $0xb8;
	[tilespmem:$0x10800] =	vst v63  }
0x52c: {  	s25 =	simm.s32 $0x5000;
	v5 =	vperm.xlane v5, v4  }
0x52d: {  	[tilespmem:s25], [sflag:$0x1] =	stream.indirect_vreg.gather [hbm4b:s9+s3], $0x80, v6, vm0, $0xb8;
	[tilespmem:$0x10800] =	vst v63  }
0x52e: {  	s8 =	simm.s32 $0x5800;
	v5 =	vadd.s32 v3, v5  }
0x52f: {  	[tilespmem:s8], [sflag:$0x1] =	stream.indirect_vreg.gather [hbm4b:s10+s3], $0x80, v6, vm0, $0xb8;
	[tilespmem:$0x10800] =	vst v63  }
0x530: {  	s20 =	simm.s32 $0x6000  }
0x531: {  	[tilespmem:s20], [sflag:$0x1] =	stream.indirect_vreg.gather [hbm4b:s11+s3], $0x80, v6, vm0, $0xb8;
	[tilespmem:$0x10800] =	vst v63  }
0x532: {  	s12 =	simm.s32 $0x6800  }
0x533: {  	[tilespmem:s12], [sflag:$0x1] =	stream.indirect_vreg.gather [hbm4b:s2+s3], $0x80, v5, vm0, $0xb8;
	[tilespmem:$0x10800] =	vst v63  }
0x534: {  	s13 =	simm.s32 $0x7000  }
0x535: {  	[tilespmem:s13], [sflag:$0x1] =	stream.indirect_vreg.gather [hbm4b:s9+s3], $0x80, v5, vm0, $0xb8;
	[tilespmem:$0x10800] =	vst v63  }
0x536: {  	s15 =	simm.s32 $0x7800  }
0x537: {  	[tilespmem:s15], [sflag:$0x1] =	stream.indirect_vreg.gather [hbm4b:s10+s3], $0x80, v5, vm0, $0xb8;
	[tilespmem:$0x10800] =	vst v63  }
0x538: {  	s0 =	simm.s32 $0x8000  }
0x539: {  	[tilespmem:s0], [sflag:$0x1] =	stream.indirect_vreg.gather [hbm4b:s11+s3], $0x80, v5, vm0, $0xb8;
	[tilespmem:$0x10800] =	vst v63  }
0x53a: {  	s25 =	rddreg [dreg:$0x18]  }
0x53b: {  	[hbm4b:s25+s3] =	stream.linear.scatter [tilespmem:s1], [sflag:$0x4], $0x8000, $0x38;
	[tilespmem:$0x10800] =	vst v63  }
0x53c: {  	_ =	swait.ge [sflag:s31], $0x8000  }
0x53d: {  	[sflag:s31] =	ssyncset.done $0x0  }
0x53e: {  	[sflag:s31] =	ssyncadd.s32 $0xFFFF8000  }
0x53f: {  	_ =	swait.ge [sflag:s24], $0x8000  }
0x540: {  	[sflag:s24] =	ssyncset.done $0x0  }
0x541: {  	[sflag:s24] =	ssyncadd.s32 $0xFFFF8000  }
0x542: {  	v5 =	vld [tilespmem:$0x760];
	_ =	sdelay $0x4  }
0x543: {  	v6 =	vshll.u32 v5, $0x3  }
0x544: {  	v5 =	vand.u32 $0x7, v5;
	v6 =	vand.u32 $0xFFFFFFC0, v6  }
0x545: {  	v5 =	vor.u32 v5, v6  }
0x546: {  	v6 =	vperm.xlane v5, v2;
	_ =	sdelay $0x1  }
0x547: {  	v6 =	vadd.s32 v3, v6;
	_ =	sdelay $0x4  }
0x548: {  	[tilespmem:s1], [sflag:$0x2] =	stream.indirect_vreg.gather [hbm4b:s2+s3], $0x80, v6, vm0, $0xb8;
	[tilespmem:$0x10800] =	vst v63  }
0x549: {  	s0 =	simm.s32 $0x9000;
	v5 =	vperm.xlane v5, v4  }
0x54a: {  	[tilespmem:s0], [sflag:$0x2] =	stream.indirect_vreg.gather [hbm4b:s9+s3], $0x80, v6, vm0, $0xb8;
	[tilespmem:$0x10800] =	vst v63  }
0x54b: {  	v5 =	vadd.s32 v3, v5;
	s0 =	simm.s32 $0x9800  }
0x54c: {  	[tilespmem:s0], [sflag:$0x2] =	stream.indirect_vreg.gather [hbm4b:s10+s3], $0x80, v6, vm0, $0xb8;
	[tilespmem:$0x10800] =	vst v63  }
0x54d: {  	s0 =	simm.s32 $0xA000  }
0x54e: {  	[tilespmem:s0], [sflag:$0x2] =	stream.indirect_vreg.gather [hbm4b:s11+s3], $0x80, v6, vm0, $0xb8;
	[tilespmem:$0x10800] =	vst v63  }
0x54f: {  	s29 =	simm.s32 $0xA800  }
0x550: {  	[tilespmem:s29], [sflag:$0x2] =	stream.indirect_vreg.gather [hbm4b:s2+s3], $0x80, v5, vm0, $0xb8;
	[tilespmem:$0x10800] =	vst v63  }
0x551: {  	s14 =	simm.s32 $0xB000  }
0x552: {  	[tilespmem:s14], [sflag:$0x2] =	stream.indirect_vreg.gather [hbm4b:s9+s3], $0x80, v5, vm0, $0xb8;
	[tilespmem:$0x10800] =	vst v63  }
0x553: {  	s16 =	simm.s32 $0xB800  }
0x554: {  	[tilespmem:s16], [sflag:$0x2] =	stream.indirect_vreg.gather [hbm4b:s10+s3], $0x80, v5, vm0, $0xb8;
	[tilespmem:$0x10800] =	vst v63  }
0x555: {  	s30 =	simm.s32 $0xC000  }
0x556: {  	[tilespmem:s30], [sflag:$0x2] =	stream.indirect_vreg.gather [hbm4b:s11+s3], $0x80, v5, vm0, $0xb8;
	[tilespmem:$0x10800] =	vst v63  }
0x557: {  	v5 =	vld [tilespmem:$0x770];
	_ =	sdelay $0x4  }
0x558: {  	v6 =	vshll.u32 v5, $0x3  }
0x559: {  	v5 =	vand.u32 $0x7, v5;
	v6 =	vand.u32 $0xFFFFFFC0, v6  }
0x55a: {  	v5 =	vor.u32 v5, v6  }
0x55b: {  	v6 =	vperm.xlane v5, v2;
	_ =	sdelay $0x1  }
0x55c: {  	v6 =	vadd.s32 v3, v6;
	_ =	sdelay $0x3  }
0x55d: {  	s0 =	simm.s32 $0xC800  }
0x55e: {  	[tilespmem:s0], [sflag:$0x2] =	stream.indirect_vreg.gather [hbm4b:s2+s3], $0x80, v6, vm0, $0xb8;
	[tilespmem:$0x10800] =	vst v63  }
0x55f: {  	s19 =	simm.s32 $0xD000;
	v5 =	vperm.xlane v5, v4  }
0x560: {  	[tilespmem:s19], [sflag:$0x2] =	stream.indirect_vreg.gather [hbm4b:s9+s3], $0x80, v6, vm0, $0xb8;
	[tilespmem:$0x10800] =	vst v63  }
0x561: {  	s6 =	simm.s32 $0xD800;
	v5 =	vadd.s32 v3, v5  }
0x562: {  	[tilespmem:s6], [sflag:$0x2] =	stream.indirect_vreg.gather [hbm4b:s10+s3], $0x80, v6, vm0, $0xb8;
	[tilespmem:$0x10800] =	vst v63  }
0x563: {  	s21 =	simm.s32 $0xE000  }
0x564: {  	[tilespmem:s21], [sflag:$0x2] =	stream.indirect_vreg.gather [hbm4b:s11+s3], $0x80, v6, vm0, $0xb8;
	[tilespmem:$0x10800] =	vst v63  }
0x565: {  	s18 =	simm.s32 $0xE800  }
0x566: {  	[tilespmem:s18], [sflag:$0x2] =	stream.indirect_vreg.gather [hbm4b:s2+s3], $0x80, v5, vm0, $0xb8;
	[tilespmem:$0x10800] =	vst v63  }
0x567: {  	s4 =	simm.s32 $0xF000  }
0x568: {  	[tilespmem:s4], [sflag:$0x2] =	stream.indirect_vreg.gather [hbm4b:s9+s3], $0x80, v5, vm0, $0xb8;
	[tilespmem:$0x10800] =	vst v63  }
0x569: {  	s17 =	simm.s32 $0xF800  }
0x56a: {  	[tilespmem:s17], [sflag:$0x2] =	stream.indirect_vreg.gather [hbm4b:s10+s3], $0x80, v5, vm0, $0xb8;
	[tilespmem:$0x10800] =	vst v63  }
0x56b: {  	s0 =	simm.s32 $0x10000  }
0x56c: {  	[tilespmem:s0], [sflag:$0x2] =	stream.indirect_vreg.gather [hbm4b:s11+s3], $0x80, v5, vm0, $0xb8;
	[tilespmem:$0x10800] =	vst v63  }
0x56d: {  	s25 =	rddreg [dreg:$0x19]  }
0x56e: {  	[hbm4b:s25+s3] =	stream.linear.scatter [tilespmem:s5], [sflag:$0x3], $0x8000, $0x38;
	[tilespmem:$0x10800] =	vst v63  }
0x56f: {  	_ =	swait.ge [sflag:s22], $0x8000  }
0x570: {  	[sflag:s22] =	ssyncset.done $0x0  }
0x571: {  	[sflag:s22] =	ssyncadd.s32 $0xFFFF8000  }
0x572: {  	_ =	swait.ge [sflag:s23], $0x8000  }
0x573: {  	[sflag:s23] =	ssyncset.done $0x0  }
0x574: {  	[sflag:s23] =	ssyncadd.s32 $0xFFFF8000  }
0x575: {  	v5 =	vld [tilespmem:$0x580];
	_ =	sdelay $0x4  }
0x576: {  	v6 =	vshll.u32 v5, $0x3  }
0x577: {  	v5 =	vand.u32 $0x7, v5;
	v6 =	vand.u32 $0xFFFFFFC0, v6  }
0x578: {  	v5 =	vor.u32 v5, v6  }
0x579: {  	v6 =	vperm.xlane v5, v2;
	_ =	sdelay $0x1  }
0x57a: {  	v6 =	vadd.s32 v3, v6;
	_ =	sdelay $0x4  }
0x57b: {  	[tilespmem:s5], [sflag:$0x1] =	stream.indirect_vreg.gather [hbm4b:s2+s3], $0x80, v6, vm0, $0xb8;
	[tilespmem:$0x10800] =	vst v63  }
0x57c: {  	s25 =	simm.s32 $0x1000;
	v5 =	vperm.xlane v5, v4  }
0x57d: {  	[tilespmem:s25], [sflag:$0x1] =	stream.indirect_vreg.gather [hbm4b:s9+s3], $0x80, v6, vm0, $0xb8;
	[tilespmem:$0x10800] =	vst v63  }
0x57e: {  	v5 =	vadd.s32 v3, v5;
	s25 =	simm.s32 $0x1800  }
0x57f: {  	[tilespmem:s25], [sflag:$0x1] =	stream.indirect_vreg.gather [hbm4b:s10+s3], $0x80, v6, vm0, $0xb8;
	[tilespmem:$0x10800] =	vst v63  }
0x580: {  	s25 =	simm.s32 $0x2000  }
0x581: {  	[tilespmem:s25], [sflag:$0x1] =	stream.indirect_vreg.gather [hbm4b:s11+s3], $0x80, v6, vm0, $0xb8;
	[tilespmem:$0x10800] =	vst v63  }
0x582: {  	s25 =	simm.s32 $0x2800  }
0x583: {  	[tilespmem:s25], [sflag:$0x1] =	stream.indirect_vreg.gather [hbm4b:s2+s3], $0x80, v5, vm0, $0xb8;
	[tilespmem:$0x10800] =	vst v63  }
0x584: {  	s26 =	simm.s32 $0x3000  }
0x585: {  	[tilespmem:s26], [sflag:$0x1] =	stream.indirect_vreg.gather [hbm4b:s9+s3], $0x80, v5, vm0, $0xb8;
	[tilespmem:$0x10800] =	vst v63  }
0x586: {  	s7 =	simm.s32 $0x3800  }
0x587: {  	[tilespmem:s7], [sflag:$0x1] =	stream.indirect_vreg.gather [hbm4b:s10+s3], $0x80, v5, vm0, $0xb8;
	[tilespmem:$0x10800] =	vst v63  }
0x588: {  	s25 =	simm.s32 $0x4000  }
0x589: {  	[tilespmem:s25], [sflag:$0x1] =	stream.indirect_vreg.gather [hbm4b:s11+s3], $0x80, v5, vm0, $0xb8;
	[tilespmem:$0x10800] =	vst v63  }
0x58a: {  	v5 =	vld [tilespmem:$0x590];
	_ =	sdelay $0x4  }
0x58b: {  	v6 =	vshll.u32 v5, $0x3  }
0x58c: {  	v5 =	vand.u32 $0x7, v5;
	v6 =	vand.u32 $0xFFFFFFC0, v6  }
0x58d: {  	v5 =	vor.u32 v5, v6  }
0x58e: {  	v6 =	vperm.xlane v5, v2;
	_ =	sdelay $0x1  }
0x58f: {  	v6 =	vadd.s32 v3, v6;
	_ =	sdelay $0x3  }
0x590: {  	s28 =	simm.s32 $0x4800  }
0x591: {  	[tilespmem:s28], [sflag:$0x1] =	stream.indirect_vreg.gather [hbm4b:s2+s3], $0x80, v6, vm0, $0xb8;
	[tilespmem:$0x10800] =	vst v63  }
0x592: {  	s25 =	simm.s32 $0x5000;
	v5 =	vperm.xlane v5, v4  }
0x593: {  	[tilespmem:s25], [sflag:$0x1] =	stream.indirect_vreg.gather [hbm4b:s9+s3], $0x80, v6, vm0, $0xb8;
	[tilespmem:$0x10800] =	vst v63  }
0x594: {  	s8 =	simm.s32 $0x5800;
	v5 =	vadd.s32 v3, v5  }
0x595: {  	[tilespmem:s8], [sflag:$0x1] =	stream.indirect_vreg.gather [hbm4b:s10+s3], $0x80, v6, vm0, $0xb8;
	[tilespmem:$0x10800] =	vst v63  }
0x596: {  	s20 =	simm.s32 $0x6000  }
0x597: {  	[tilespmem:s20], [sflag:$0x1] =	stream.indirect_vreg.gather [hbm4b:s11+s3], $0x80, v6, vm0, $0xb8;
	[tilespmem:$0x10800] =	vst v63  }
0x598: {  	s12 =	simm.s32 $0x6800  }
0x599: {  	[tilespmem:s12], [sflag:$0x1] =	stream.indirect_vreg.gather [hbm4b:s2+s3], $0x80, v5, vm0, $0xb8;
	[tilespmem:$0x10800] =	vst v63  }
0x59a: {  	s13 =	simm.s32 $0x7000  }
0x59b: {  	[tilespmem:s13], [sflag:$0x1] =	stream.indirect_vreg.gather [hbm4b:s9+s3], $0x80, v5, vm0, $0xb8;
	[tilespmem:$0x10800] =	vst v63  }
0x59c: {  	s15 =	simm.s32 $0x7800  }
0x59d: {  	[tilespmem:s15], [sflag:$0x1] =	stream.indirect_vreg.gather [hbm4b:s10+s3], $0x80, v5, vm0, $0xb8;
	[tilespmem:$0x10800] =	vst v63  }
0x59e: {  	s0 =	simm.s32 $0x8000  }
0x59f: {  	[tilespmem:s0], [sflag:$0x1] =	stream.indirect_vreg.gather [hbm4b:s11+s3], $0x80, v5, vm0, $0xb8;
	[tilespmem:$0x10800] =	vst v63  }
0x5a0: {  	s25 =	rddreg [dreg:$0x1a]  }
0x5a1: {  	[hbm4b:s25+s3] =	stream.linear.scatter [tilespmem:s1], [sflag:$0x4], $0x8000, $0x38;
	[tilespmem:$0x10800] =	vst v63  }
0x5a2: {  	_ =	swait.ge [sflag:s31], $0x8000  }
0x5a3: {  	[sflag:s31] =	ssyncset.done $0x0  }
0x5a4: {  	[sflag:s31] =	ssyncadd.s32 $0xFFFF8000  }
0x5a5: {  	_ =	swait.ge [sflag:s24], $0x8000  }
0x5a6: {  	[sflag:s24] =	ssyncset.done $0x0  }
0x5a7: {  	[sflag:s24] =	ssyncadd.s32 $0xFFFF8000  }
0x5a8: {  	v5 =	vld [tilespmem:$0x5A0];
	_ =	sdelay $0x4  }
0x5a9: {  	v6 =	vshll.u32 v5, $0x3  }
0x5aa: {  	v5 =	vand.u32 $0x7, v5;
	v6 =	vand.u32 $0xFFFFFFC0, v6  }
0x5ab: {  	v5 =	vor.u32 v5, v6  }
0x5ac: {  	v6 =	vperm.xlane v5, v2;
	_ =	sdelay $0x1  }
0x5ad: {  	v6 =	vadd.s32 v3, v6;
	_ =	sdelay $0x4  }
0x5ae: {  	[tilespmem:s1], [sflag:$0x2] =	stream.indirect_vreg.gather [hbm4b:s2+s3], $0x80, v6, vm0, $0xb8;
	[tilespmem:$0x10800] =	vst v63  }
0x5af: {  	s0 =	simm.s32 $0x9000;
	v5 =	vperm.xlane v5, v4  }
0x5b0: {  	[tilespmem:s0], [sflag:$0x2] =	stream.indirect_vreg.gather [hbm4b:s9+s3], $0x80, v6, vm0, $0xb8;
	[tilespmem:$0x10800] =	vst v63  }
0x5b1: {  	v5 =	vadd.s32 v3, v5;
	s0 =	simm.s32 $0x9800  }
0x5b2: {  	[tilespmem:s0], [sflag:$0x2] =	stream.indirect_vreg.gather [hbm4b:s10+s3], $0x80, v6, vm0, $0xb8;
	[tilespmem:$0x10800] =	vst v63  }
0x5b3: {  	s0 =	simm.s32 $0xA000  }
0x5b4: {  	[tilespmem:s0], [sflag:$0x2] =	stream.indirect_vreg.gather [hbm4b:s11+s3], $0x80, v6, vm0, $0xb8;
	[tilespmem:$0x10800] =	vst v63  }
0x5b5: {  	s29 =	simm.s32 $0xA800  }
0x5b6: {  	[tilespmem:s29], [sflag:$0x2] =	stream.indirect_vreg.gather [hbm4b:s2+s3], $0x80, v5, vm0, $0xb8;
	[tilespmem:$0x10800] =	vst v63  }
0x5b7: {  	s14 =	simm.s32 $0xB000  }
0x5b8: {  	[tilespmem:s14], [sflag:$0x2] =	stream.indirect_vreg.gather [hbm4b:s9+s3], $0x80, v5, vm0, $0xb8;
	[tilespmem:$0x10800] =	vst v63  }
0x5b9: {  	s16 =	simm.s32 $0xB800  }
0x5ba: {  	[tilespmem:s16], [sflag:$0x2] =	stream.indirect_vreg.gather [hbm4b:s10+s3], $0x80, v5, vm0, $0xb8;
	[tilespmem:$0x10800] =	vst v63  }
0x5bb: {  	s30 =	simm.s32 $0xC000  }
0x5bc: {  	[tilespmem:s30], [sflag:$0x2] =	stream.indirect_vreg.gather [hbm4b:s11+s3], $0x80, v5, vm0, $0xb8;
	[tilespmem:$0x10800] =	vst v63  }
0x5bd: {  	v5 =	vld [tilespmem:$0x5B0];
	_ =	sdelay $0x4  }
0x5be: {  	v6 =	vshll.u32 v5, $0x3  }
0x5bf: {  	v5 =	vand.u32 $0x7, v5;
	v6 =	vand.u32 $0xFFFFFFC0, v6  }
0x5c0: {  	v5 =	vor.u32 v5, v6  }
0x5c1: {  	v6 =	vperm.xlane v5, v2;
	_ =	sdelay $0x1  }
0x5c2: {  	v6 =	vadd.s32 v3, v6;
	_ =	sdelay $0x3  }
0x5c3: {  	s0 =	simm.s32 $0xC800  }
0x5c4: {  	[tilespmem:s0], [sflag:$0x2] =	stream.indirect_vreg.gather [hbm4b:s2+s3], $0x80, v6, vm0, $0xb8;
	[tilespmem:$0x10800] =	vst v63  }
0x5c5: {  	s19 =	simm.s32 $0xD000;
	v5 =	vperm.xlane v5, v4  }
0x5c6: {  	[tilespmem:s19], [sflag:$0x2] =	stream.indirect_vreg.gather [hbm4b:s9+s3], $0x80, v6, vm0, $0xb8;
	[tilespmem:$0x10800] =	vst v63  }
0x5c7: {  	s6 =	simm.s32 $0xD800;
	v5 =	vadd.s32 v3, v5  }
0x5c8: {  	[tilespmem:s6], [sflag:$0x2] =	stream.indirect_vreg.gather [hbm4b:s10+s3], $0x80, v6, vm0, $0xb8;
	[tilespmem:$0x10800] =	vst v63  }
0x5c9: {  	s21 =	simm.s32 $0xE000  }
0x5ca: {  	[tilespmem:s21], [sflag:$0x2] =	stream.indirect_vreg.gather [hbm4b:s11+s3], $0x80, v6, vm0, $0xb8;
	[tilespmem:$0x10800] =	vst v63  }
0x5cb: {  	s18 =	simm.s32 $0xE800  }
0x5cc: {  	[tilespmem:s18], [sflag:$0x2] =	stream.indirect_vreg.gather [hbm4b:s2+s3], $0x80, v5, vm0, $0xb8;
	[tilespmem:$0x10800] =	vst v63  }
0x5cd: {  	s4 =	simm.s32 $0xF000  }
0x5ce: {  	[tilespmem:s4], [sflag:$0x2] =	stream.indirect_vreg.gather [hbm4b:s9+s3], $0x80, v5, vm0, $0xb8;
	[tilespmem:$0x10800] =	vst v63  }
0x5cf: {  	s17 =	simm.s32 $0xF800  }
0x5d0: {  	[tilespmem:s17], [sflag:$0x2] =	stream.indirect_vreg.gather [hbm4b:s10+s3], $0x80, v5, vm0, $0xb8;
	[tilespmem:$0x10800] =	vst v63  }
0x5d1: {  	s0 =	simm.s32 $0x10000  }
0x5d2: {  	[tilespmem:s0], [sflag:$0x2] =	stream.indirect_vreg.gather [hbm4b:s11+s3], $0x80, v5, vm0, $0xb8;
	[tilespmem:$0x10800] =	vst v63  }
0x5d3: {  	s25 =	rddreg [dreg:$0x1b]  }
0x5d4: {  	[hbm4b:s25+s3] =	stream.linear.scatter [tilespmem:s5], [sflag:$0x3], $0x8000, $0x38;
	[tilespmem:$0x10800] =	vst v63  }
0x5d5: {  	_ =	swait.ge [sflag:s22], $0x8000  }
0x5d6: {  	[sflag:s22] =	ssyncset.done $0x0  }
0x5d7: {  	[sflag:s22] =	ssyncadd.s32 $0xFFFF8000  }
0x5d8: {  	_ =	swait.ge [sflag:s23], $0x8000  }
0x5d9: {  	[sflag:s23] =	ssyncset.done $0x0  }
0x5da: {  	[sflag:s23] =	ssyncadd.s32 $0xFFFF8000  }
0x5db: {  	v5 =	vld [tilespmem:$0x5C0];
	_ =	sdelay $0x4  }
0x5dc: {  	v6 =	vshll.u32 v5, $0x3  }
0x5dd: {  	v5 =	vand.u32 $0x7, v5;
	v6 =	vand.u32 $0xFFFFFFC0, v6  }
0x5de: {  	v5 =	vor.u32 v5, v6  }
0x5df: {  	v6 =	vperm.xlane v5, v2;
	_ =	sdelay $0x1  }
0x5e0: {  	v6 =	vadd.s32 v3, v6;
	_ =	sdelay $0x4  }
0x5e1: {  	[tilespmem:s5], [sflag:$0x1] =	stream.indirect_vreg.gather [hbm4b:s2+s3], $0x80, v6, vm0, $0xb8;
	[tilespmem:$0x10800] =	vst v63  }
0x5e2: {  	s25 =	simm.s32 $0x1000;
	v5 =	vperm.xlane v5, v4  }
0x5e3: {  	[tilespmem:s25], [sflag:$0x1] =	stream.indirect_vreg.gather [hbm4b:s9+s3], $0x80, v6, vm0, $0xb8;
	[tilespmem:$0x10800] =	vst v63  }
0x5e4: {  	v5 =	vadd.s32 v3, v5;
	s25 =	simm.s32 $0x1800  }
0x5e5: {  	[tilespmem:s25], [sflag:$0x1] =	stream.indirect_vreg.gather [hbm4b:s10+s3], $0x80, v6, vm0, $0xb8;
	[tilespmem:$0x10800] =	vst v63  }
0x5e6: {  	s25 =	simm.s32 $0x2000  }
0x5e7: {  	[tilespmem:s25], [sflag:$0x1] =	stream.indirect_vreg.gather [hbm4b:s11+s3], $0x80, v6, vm0, $0xb8;
	[tilespmem:$0x10800] =	vst v63  }
0x5e8: {  	s25 =	simm.s32 $0x2800  }
0x5e9: {  	[tilespmem:s25], [sflag:$0x1] =	stream.indirect_vreg.gather [hbm4b:s2+s3], $0x80, v5, vm0, $0xb8;
	[tilespmem:$0x10800] =	vst v63  }
0x5ea: {  	s26 =	simm.s32 $0x3000  }
0x5eb: {  	[tilespmem:s26], [sflag:$0x1] =	stream.indirect_vreg.gather [hbm4b:s9+s3], $0x80, v5, vm0, $0xb8;
	[tilespmem:$0x10800] =	vst v63  }
0x5ec: {  	s7 =	simm.s32 $0x3800  }
0x5ed: {  	[tilespmem:s7], [sflag:$0x1] =	stream.indirect_vreg.gather [hbm4b:s10+s3], $0x80, v5, vm0, $0xb8;
	[tilespmem:$0x10800] =	vst v63  }
0x5ee: {  	s25 =	simm.s32 $0x4000  }
0x5ef: {  	[tilespmem:s25], [sflag:$0x1] =	stream.indirect_vreg.gather [hbm4b:s11+s3], $0x80, v5, vm0, $0xb8;
	[tilespmem:$0x10800] =	vst v63  }
0x5f0: {  	v5 =	vld [tilespmem:$0x5D0];
	_ =	sdelay $0x4  }
0x5f1: {  	v6 =	vshll.u32 v5, $0x3  }
0x5f2: {  	v5 =	vand.u32 $0x7, v5;
	v6 =	vand.u32 $0xFFFFFFC0, v6  }
0x5f3: {  	v5 =	vor.u32 v5, v6  }
0x5f4: {  	v6 =	vperm.xlane v5, v2;
	_ =	sdelay $0x1  }
0x5f5: {  	v6 =	vadd.s32 v3, v6;
	_ =	sdelay $0x3  }
0x5f6: {  	s28 =	simm.s32 $0x4800  }
0x5f7: {  	[tilespmem:s28], [sflag:$0x1] =	stream.indirect_vreg.gather [hbm4b:s2+s3], $0x80, v6, vm0, $0xb8;
	[tilespmem:$0x10800] =	vst v63  }
0x5f8: {  	s25 =	simm.s32 $0x5000;
	v5 =	vperm.xlane v5, v4  }
0x5f9: {  	[tilespmem:s25], [sflag:$0x1] =	stream.indirect_vreg.gather [hbm4b:s9+s3], $0x80, v6, vm0, $0xb8;
	[tilespmem:$0x10800] =	vst v63  }
0x5fa: {  	s8 =	simm.s32 $0x5800;
	v5 =	vadd.s32 v3, v5  }
0x5fb: {  	[tilespmem:s8], [sflag:$0x1] =	stream.indirect_vreg.gather [hbm4b:s10+s3], $0x80, v6, vm0, $0xb8;
	[tilespmem:$0x10800] =	vst v63  }
0x5fc: {  	s20 =	simm.s32 $0x6000  }
0x5fd: {  	[tilespmem:s20], [sflag:$0x1] =	stream.indirect_vreg.gather [hbm4b:s11+s3], $0x80, v6, vm0, $0xb8;
	[tilespmem:$0x10800] =	vst v63  }
0x5fe: {  	s12 =	simm.s32 $0x6800  }
0x5ff: {  	[tilespmem:s12], [sflag:$0x1] =	stream.indirect_vreg.gather [hbm4b:s2+s3], $0x80, v5, vm0, $0xb8;
	[tilespmem:$0x10800] =	vst v63  }
0x600: {  	s13 =	simm.s32 $0x7000  }
0x601: {  	[tilespmem:s13], [sflag:$0x1] =	stream.indirect_vreg.gather [hbm4b:s9+s3], $0x80, v5, vm0, $0xb8;
	[tilespmem:$0x10800] =	vst v63  }
0x602: {  	s15 =	simm.s32 $0x7800  }
0x603: {  	[tilespmem:s15], [sflag:$0x1] =	stream.indirect_vreg.gather [hbm4b:s10+s3], $0x80, v5, vm0, $0xb8;
	[tilespmem:$0x10800] =	vst v63  }
0x604: {  	s0 =	simm.s32 $0x8000  }
0x605: {  	[tilespmem:s0], [sflag:$0x1] =	stream.indirect_vreg.gather [hbm4b:s11+s3], $0x80, v5, vm0, $0xb8;
	[tilespmem:$0x10800] =	vst v63  }
0x606: {  	s25 =	rddreg [dreg:$0x1c]  }
0x607: {  	[hbm4b:s25+s3] =	stream.linear.scatter [tilespmem:s1], [sflag:$0x4], $0x8000, $0x38;
	[tilespmem:$0x10800] =	vst v63  }
0x608: {  	_ =	swait.ge [sflag:s31], $0x8000  }
0x609: {  	[sflag:s31] =	ssyncset.done $0x0  }
0x60a: {  	[sflag:s31] =	ssyncadd.s32 $0xFFFF8000  }
0x60b: {  	_ =	swait.ge [sflag:s24], $0x8000  }
0x60c: {  	[sflag:s24] =	ssyncset.done $0x0  }
0x60d: {  	[sflag:s24] =	ssyncadd.s32 $0xFFFF8000  }
0x60e: {  	v5 =	vld [tilespmem:$0x5E0];
	_ =	sdelay $0x4  }
0x60f: {  	v6 =	vshll.u32 v5, $0x3  }
0x610: {  	v5 =	vand.u32 $0x7, v5;
	v6 =	vand.u32 $0xFFFFFFC0, v6  }
0x611: {  	v5 =	vor.u32 v5, v6  }
0x612: {  	v6 =	vperm.xlane v5, v2;
	_ =	sdelay $0x1  }
0x613: {  	v6 =	vadd.s32 v3, v6;
	_ =	sdelay $0x4  }
0x614: {  	[tilespmem:s1], [sflag:$0x2] =	stream.indirect_vreg.gather [hbm4b:s2+s3], $0x80, v6, vm0, $0xb8;
	[tilespmem:$0x10800] =	vst v63  }
0x615: {  	s0 =	simm.s32 $0x9000;
	v5 =	vperm.xlane v5, v4  }
0x616: {  	[tilespmem:s0], [sflag:$0x2] =	stream.indirect_vreg.gather [hbm4b:s9+s3], $0x80, v6, vm0, $0xb8;
	[tilespmem:$0x10800] =	vst v63  }
0x617: {  	v5 =	vadd.s32 v3, v5;
	s0 =	simm.s32 $0x9800  }
0x618: {  	[tilespmem:s0], [sflag:$0x2] =	stream.indirect_vreg.gather [hbm4b:s10+s3], $0x80, v6, vm0, $0xb8;
	[tilespmem:$0x10800] =	vst v63  }
0x619: {  	s0 =	simm.s32 $0xA000  }
0x61a: {  	[tilespmem:s0], [sflag:$0x2] =	stream.indirect_vreg.gather [hbm4b:s11+s3], $0x80, v6, vm0, $0xb8;
	[tilespmem:$0x10800] =	vst v63  }
0x61b: {  	s29 =	simm.s32 $0xA800  }
0x61c: {  	[tilespmem:s29], [sflag:$0x2] =	stream.indirect_vreg.gather [hbm4b:s2+s3], $0x80, v5, vm0, $0xb8;
	[tilespmem:$0x10800] =	vst v63  }
0x61d: {  	s14 =	simm.s32 $0xB000  }
0x61e: {  	[tilespmem:s14], [sflag:$0x2] =	stream.indirect_vreg.gather [hbm4b:s9+s3], $0x80, v5, vm0, $0xb8;
	[tilespmem:$0x10800] =	vst v63  }
0x61f: {  	s16 =	simm.s32 $0xB800  }
0x620: {  	[tilespmem:s16], [sflag:$0x2] =	stream.indirect_vreg.gather [hbm4b:s10+s3], $0x80, v5, vm0, $0xb8;
	[tilespmem:$0x10800] =	vst v63  }
0x621: {  	s30 =	simm.s32 $0xC000  }
0x622: {  	[tilespmem:s30], [sflag:$0x2] =	stream.indirect_vreg.gather [hbm4b:s11+s3], $0x80, v5, vm0, $0xb8;
	[tilespmem:$0x10800] =	vst v63  }
0x623: {  	v5 =	vld [tilespmem:$0x5F0];
	_ =	sdelay $0x4  }
0x624: {  	v6 =	vshll.u32 v5, $0x3  }
0x625: {  	v5 =	vand.u32 $0x7, v5;
	v6 =	vand.u32 $0xFFFFFFC0, v6  }
0x626: {  	v5 =	vor.u32 v5, v6  }
0x627: {  	v6 =	vperm.xlane v5, v2;
	_ =	sdelay $0x1  }
0x628: {  	v6 =	vadd.s32 v3, v6;
	_ =	sdelay $0x3  }
0x629: {  	s0 =	simm.s32 $0xC800  }
0x62a: {  	[tilespmem:s0], [sflag:$0x2] =	stream.indirect_vreg.gather [hbm4b:s2+s3], $0x80, v6, vm0, $0xb8;
	[tilespmem:$0x10800] =	vst v63  }
0x62b: {  	s19 =	simm.s32 $0xD000;
	v5 =	vperm.xlane v5, v4  }
0x62c: {  	[tilespmem:s19], [sflag:$0x2] =	stream.indirect_vreg.gather [hbm4b:s9+s3], $0x80, v6, vm0, $0xb8;
	[tilespmem:$0x10800] =	vst v63  }
0x62d: {  	s6 =	simm.s32 $0xD800;
	v5 =	vadd.s32 v3, v5  }
0x62e: {  	[tilespmem:s6], [sflag:$0x2] =	stream.indirect_vreg.gather [hbm4b:s10+s3], $0x80, v6, vm0, $0xb8;
	[tilespmem:$0x10800] =	vst v63  }
0x62f: {  	s21 =	simm.s32 $0xE000  }
0x630: {  	[tilespmem:s21], [sflag:$0x2] =	stream.indirect_vreg.gather [hbm4b:s11+s3], $0x80, v6, vm0, $0xb8;
	[tilespmem:$0x10800] =	vst v63  }
0x631: {  	s18 =	simm.s32 $0xE800  }
0x632: {  	[tilespmem:s18], [sflag:$0x2] =	stream.indirect_vreg.gather [hbm4b:s2+s3], $0x80, v5, vm0, $0xb8;
	[tilespmem:$0x10800] =	vst v63  }
0x633: {  	s4 =	simm.s32 $0xF000  }
0x634: {  	[tilespmem:s4], [sflag:$0x2] =	stream.indirect_vreg.gather [hbm4b:s9+s3], $0x80, v5, vm0, $0xb8;
	[tilespmem:$0x10800] =	vst v63  }
0x635: {  	s17 =	simm.s32 $0xF800  }
0x636: {  	[tilespmem:s17], [sflag:$0x2] =	stream.indirect_vreg.gather [hbm4b:s10+s3], $0x80, v5, vm0, $0xb8;
	[tilespmem:$0x10800] =	vst v63  }
0x637: {  	s21 =	simm.s32 $0x10000  }
0x638: {  	[tilespmem:s21], [sflag:$0x2] =	stream.indirect_vreg.gather [hbm4b:s11+s3], $0x80, v5, vm0, $0xb8;
	[tilespmem:$0x10800] =	vst v63  }
0x639: {  	s17 =	rddreg [dreg:$0x1d]  }
0x63a: {  	[hbm4b:s17+s3] =	stream.linear.scatter [tilespmem:s5], [sflag:$0x3], $0x8000, $0x38;
	[tilespmem:$0x10800] =	vst v63  }
0x63b: {  	_ =	swait.ge [sflag:s22], $0x8000  }
0x63c: {  	[sflag:s22] =	ssyncset.done $0x0  }
0x63d: {  	[sflag:s22] =	ssyncadd.s32 $0xFFFF8000  }
0x63e: {  	_ =	swait.ge [sflag:s23], $0x8000  }
0x63f: {  	[sflag:s23] =	ssyncset.done $0x0  }
0x640: {  	[sflag:s23] =	ssyncadd.s32 $0xFFFF8000  }
0x641: {  	v5 =	vld [tilespmem:$0x780];
	_ =	sdelay $0x4  }
0x642: {  	v6 =	vshll.u32 v5, $0x3  }
0x643: {  	v5 =	vand.u32 $0x7, v5;
	v6 =	vand.u32 $0xFFFFFFC0, v6  }
0x644: {  	v5 =	vor.u32 v5, v6  }
0x645: {  	v6 =	vperm.xlane v5, v2;
	_ =	sdelay $0x1  }
0x646: {  	v6 =	vadd.s32 v3, v6;
	_ =	sdelay $0x4  }
0x647: {  	[tilespmem:s5], [sflag:$0x1] =	stream.indirect_vreg.gather [hbm4b:s2+s3], $0x80, v6, vm0, $0xb8;
	[tilespmem:$0x10800] =	vst v63  }
0x648: {  	s25 =	simm.s32 $0x1000;
	v5 =	vperm.xlane v5, v4  }
0x649: {  	[tilespmem:s25], [sflag:$0x1] =	stream.indirect_vreg.gather [hbm4b:s9+s3], $0x80, v6, vm0, $0xb8;
	[tilespmem:$0x10800] =	vst v63  }
0x64a: {  	s30 =	simm.s32 $0x1800;
	v5 =	vadd.s32 v3, v5  }
0x64b: {  	[tilespmem:s30], [sflag:$0x1] =	stream.indirect_vreg.gather [hbm4b:s10+s3], $0x80, v6, vm0, $0xb8;
	[tilespmem:$0x10800] =	vst v63  }
0x64c: {  	s17 =	simm.s32 $0x2000  }
0x64d: {  	[tilespmem:s17], [sflag:$0x1] =	stream.indirect_vreg.gather [hbm4b:s11+s3], $0x80, v6, vm0, $0xb8;
	[tilespmem:$0x10800] =	vst v63  }
0x64e: {  	s25 =	simm.s32 $0x2800  }
0x64f: {  	[tilespmem:s25], [sflag:$0x1] =	stream.indirect_vreg.gather [hbm4b:s2+s3], $0x80, v5, vm0, $0xb8;
	[tilespmem:$0x10800] =	vst v63  }
0x650: {  	s26 =	simm.s32 $0x3000  }
0x651: {  	[tilespmem:s26], [sflag:$0x1] =	stream.indirect_vreg.gather [hbm4b:s9+s3], $0x80, v5, vm0, $0xb8;
	[tilespmem:$0x10800] =	vst v63  }
0x652: {  	s7 =	simm.s32 $0x3800  }
0x653: {  	[tilespmem:s7], [sflag:$0x1] =	stream.indirect_vreg.gather [hbm4b:s10+s3], $0x80, v5, vm0, $0xb8;
	[tilespmem:$0x10800] =	vst v63  }
0x654: {  	s26 =	simm.s32 $0x4000  }
0x655: {  	[tilespmem:s26], [sflag:$0x1] =	stream.indirect_vreg.gather [hbm4b:s11+s3], $0x80, v5, vm0, $0xb8;
	[tilespmem:$0x10800] =	vst v63  }
0x656: {  	v5 =	vld [tilespmem:$0x790];
	_ =	sdelay $0x4  }
0x657: {  	v6 =	vshll.u32 v5, $0x3  }
0x658: {  	v5 =	vand.u32 $0x7, v5;
	v6 =	vand.u32 $0xFFFFFFC0, v6  }
0x659: {  	v5 =	vor.u32 v5, v6  }
0x65a: {  	v6 =	vperm.xlane v5, v2;
	_ =	sdelay $0x1  }
0x65b: {  	v6 =	vadd.s32 v3, v6;
	_ =	sdelay $0x3  }
0x65c: {  	s28 =	simm.s32 $0x4800  }
0x65d: {  	[tilespmem:s28], [sflag:$0x1] =	stream.indirect_vreg.gather [hbm4b:s2+s3], $0x80, v6, vm0, $0xb8;
	[tilespmem:$0x10800] =	vst v63  }
0x65e: {  	v5 =	vperm.xlane v5, v4;
	s28 =	simm.s32 $0x5000  }
0x65f: {  	[tilespmem:s28], [sflag:$0x1] =	stream.indirect_vreg.gather [hbm4b:s9+s3], $0x80, v6, vm0, $0xb8;
	[tilespmem:$0x10800] =	vst v63  }
0x660: {  	s8 =	simm.s32 $0x5800;
	v5 =	vadd.s32 v3, v5  }
0x661: {  	[tilespmem:s8], [sflag:$0x1] =	stream.indirect_vreg.gather [hbm4b:s10+s3], $0x80, v6, vm0, $0xb8;
	[tilespmem:$0x10800] =	vst v63  }
0x662: {  	s20 =	simm.s32 $0x6000  }
0x663: {  	[tilespmem:s20], [sflag:$0x1] =	stream.indirect_vreg.gather [hbm4b:s11+s3], $0x80, v6, vm0, $0xb8;
	[tilespmem:$0x10800] =	vst v63  }
0x664: {  	s12 =	simm.s32 $0x6800  }
0x665: {  	[tilespmem:s12], [sflag:$0x1] =	stream.indirect_vreg.gather [hbm4b:s2+s3], $0x80, v5, vm0, $0xb8;
	[tilespmem:$0x10800] =	vst v63  }
0x666: {  	s13 =	simm.s32 $0x7000  }
0x667: {  	[tilespmem:s13], [sflag:$0x1] =	stream.indirect_vreg.gather [hbm4b:s9+s3], $0x80, v5, vm0, $0xb8;
	[tilespmem:$0x10800] =	vst v63  }
0x668: {  	s15 =	simm.s32 $0x7800  }
0x669: {  	[tilespmem:s15], [sflag:$0x1] =	stream.indirect_vreg.gather [hbm4b:s10+s3], $0x80, v5, vm0, $0xb8;
	[tilespmem:$0x10800] =	vst v63  }
0x66a: {  	s20 =	simm.s32 $0x8000  }
0x66b: {  	[tilespmem:s20], [sflag:$0x1] =	stream.indirect_vreg.gather [hbm4b:s11+s3], $0x80, v5, vm0, $0xb8;
	[tilespmem:$0x10800] =	vst v63  }
0x66c: {  	s30 =	rddreg [dreg:$0x1e]  }
0x66d: {  	[hbm4b:s30+s3] =	stream.linear.scatter [tilespmem:s1], [sflag:$0x4], $0x8000, $0x38;
	[tilespmem:$0x10800] =	vst v63  }
0x66e: {  	_ =	swait.ge [sflag:s31], $0x8000  }
0x66f: {  	[sflag:s31] =	ssyncset.done $0x0  }
0x670: {  	[sflag:s31] =	ssyncadd.s32 $0xFFFF8000  }
0x671: {  	_ =	swait.ge [sflag:s24], $0x8000  }
0x672: {  	[sflag:s24] =	ssyncset.done $0x0  }
0x673: {  	[sflag:s24] =	ssyncadd.s32 $0xFFFF8000  }
0x674: {  	v5 =	vld [tilespmem:$0x7A0];
	_ =	sdelay $0x4  }
0x675: {  	v6 =	vshll.u32 v5, $0x3  }
0x676: {  	v5 =	vand.u32 $0x7, v5;
	v6 =	vand.u32 $0xFFFFFFC0, v6  }
0x677: {  	v5 =	vor.u32 v5, v6  }
0x678: {  	v6 =	vperm.xlane v5, v2;
	_ =	sdelay $0x1  }
0x679: {  	v6 =	vadd.s32 v3, v6;
	_ =	sdelay $0x4  }
0x67a: {  	[tilespmem:s1], [sflag:$0x2] =	stream.indirect_vreg.gather [hbm4b:s2+s3], $0x80, v6, vm0, $0xb8;
	[tilespmem:$0x10800] =	vst v63  }
0x67b: {  	s30 =	simm.s32 $0x9000;
	v5 =	vperm.xlane v5, v4  }
0x67c: {  	[tilespmem:s30], [sflag:$0x2] =	stream.indirect_vreg.gather [hbm4b:s9+s3], $0x80, v6, vm0, $0xb8;
	[tilespmem:$0x10800] =	vst v63  }
0x67d: {  	s20 =	simm.s32 $0x9800;
	v5 =	vadd.s32 v3, v5  }
0x67e: {  	[tilespmem:s20], [sflag:$0x2] =	stream.indirect_vreg.gather [hbm4b:s10+s3], $0x80, v6, vm0, $0xb8;
	[tilespmem:$0x10800] =	vst v63  }
0x67f: {  	s25 =	simm.s32 $0xA000  }
0x680: {  	[tilespmem:s25], [sflag:$0x2] =	stream.indirect_vreg.gather [hbm4b:s11+s3], $0x80, v6, vm0, $0xb8;
	[tilespmem:$0x10800] =	vst v63  }
0x681: {  	s30 =	simm.s32 $0xA800  }
0x682: {  	[tilespmem:s30], [sflag:$0x2] =	stream.indirect_vreg.gather [hbm4b:s2+s3], $0x80, v5, vm0, $0xb8;
	[tilespmem:$0x10800] =	vst v63  }
0x683: {  	s14 =	simm.s32 $0xB000  }
0x684: {  	[tilespmem:s14], [sflag:$0x2] =	stream.indirect_vreg.gather [hbm4b:s9+s3], $0x80, v5, vm0, $0xb8;
	[tilespmem:$0x10800] =	vst v63  }
0x685: {  	s16 =	simm.s32 $0xB800  }
0x686: {  	[tilespmem:s16], [sflag:$0x2] =	stream.indirect_vreg.gather [hbm4b:s10+s3], $0x80, v5, vm0, $0xb8;
	[tilespmem:$0x10800] =	vst v63  }
0x687: {  	s20 =	simm.s32 $0xC000  }
0x688: {  	[tilespmem:s20], [sflag:$0x2] =	stream.indirect_vreg.gather [hbm4b:s11+s3], $0x80, v5, vm0, $0xb8;
	[tilespmem:$0x10800] =	vst v63  }
0x689: {  	v5 =	vld [tilespmem:$0x7B0];
	_ =	sdelay $0x4  }
0x68a: {  	v6 =	vshll.u32 v5, $0x3  }
0x68b: {  	v5 =	vand.u32 $0x7, v5;
	v6 =	vand.u32 $0xFFFFFFC0, v6  }
0x68c: {  	v5 =	vor.u32 v5, v6  }
0x68d: {  	v6 =	vperm.xlane v5, v2;
	_ =	sdelay $0x1  }
0x68e: {  	v6 =	vadd.s32 v3, v6;
	_ =	sdelay $0x3  }
0x68f: {  	s25 =	simm.s32 $0xC800  }
0x690: {  	[tilespmem:s25], [sflag:$0x2] =	stream.indirect_vreg.gather [hbm4b:s2+s3], $0x80, v6, vm0, $0xb8;
	[tilespmem:$0x10800] =	vst v63  }
0x691: {  	s19 =	simm.s32 $0xD000;
	v5 =	vperm.xlane v5, v4  }
0x692: {  	[tilespmem:s19], [sflag:$0x2] =	stream.indirect_vreg.gather [hbm4b:s9+s3], $0x80, v6, vm0, $0xb8;
	[tilespmem:$0x10800] =	vst v63  }
0x693: {  	s6 =	simm.s32 $0xD800;
	v5 =	vadd.s32 v3, v5  }
0x694: {  	[tilespmem:s6], [sflag:$0x2] =	stream.indirect_vreg.gather [hbm4b:s10+s3], $0x80, v6, vm0, $0xb8;
	[tilespmem:$0x10800] =	vst v63  }
0x695: {  	s29 =	simm.s32 $0xE000  }
0x696: {  	[tilespmem:s29], [sflag:$0x2] =	stream.indirect_vreg.gather [hbm4b:s11+s3], $0x80, v6, vm0, $0xb8;
	[tilespmem:$0x10800] =	vst v63  }
0x697: {  	s18 =	simm.s32 $0xE800  }
0x698: {  	[tilespmem:s18], [sflag:$0x2] =	stream.indirect_vreg.gather [hbm4b:s2+s3], $0x80, v5, vm0, $0xb8;
	[tilespmem:$0x10800] =	vst v63  }
0x699: {  	s4 =	simm.s32 $0xF000  }
0x69a: {  	[tilespmem:s4], [sflag:$0x2] =	stream.indirect_vreg.gather [hbm4b:s9+s3], $0x80, v5, vm0, $0xb8;
	[tilespmem:$0x10800] =	vst v63  }
0x69b: {  	s29 =	simm.s32 $0xF800  }
0x69c: {  	[tilespmem:s29], [sflag:$0x2] =	stream.indirect_vreg.gather [hbm4b:s10+s3], $0x80, v5, vm0, $0xb8;
	[tilespmem:$0x10800] =	vst v63  }
0x69d: {  	s21 =	simm.s32 $0x10000  }
0x69e: {  	[tilespmem:s21], [sflag:$0x2] =	stream.indirect_vreg.gather [hbm4b:s11+s3], $0x80, v5, vm0, $0xb8;
	[tilespmem:$0x10800] =	vst v63  }
0x69f: {  	s25 =	rddreg [dreg:$0x1f]  }
0x6a0: {  	[hbm4b:s25+s3] =	stream.linear.scatter [tilespmem:s5], [sflag:$0x3], $0x8000, $0x38;
	[tilespmem:$0x10800] =	vst v63  }
0x6a1: {  	_ =	swait.ge [sflag:s22], $0x8000  }
0x6a2: {  	[sflag:s22] =	ssyncset.done $0x0  }
0x6a3: {  	[sflag:s22] =	ssyncadd.s32 $0xFFFF8000  }
0x6a4: {  	_ =	swait.ge [sflag:s23], $0x8000  }
0x6a5: {  	[sflag:s23] =	ssyncset.done $0x0  }
0x6a6: {  	[sflag:s23] =	ssyncadd.s32 $0xFFFF8000  }
0x6a7: {  	v5 =	vld [tilespmem:$0x7C0];
	_ =	sdelay $0x4  }
0x6a8: {  	v6 =	vshll.u32 v5, $0x3  }
0x6a9: {  	v5 =	vand.u32 $0x7, v5;
	v6 =	vand.u32 $0xFFFFFFC0, v6  }
0x6aa: {  	v5 =	vor.u32 v5, v6  }
0x6ab: {  	v6 =	vperm.xlane v5, v2;
	_ =	sdelay $0x1  }
0x6ac: {  	v6 =	vadd.s32 v3, v6;
	_ =	sdelay $0x4  }
0x6ad: {  	[tilespmem:s5], [sflag:$0x1] =	stream.indirect_vreg.gather [hbm4b:s2+s3], $0x80, v6, vm0, $0xb8;
	[tilespmem:$0x10800] =	vst v63  }
0x6ae: {  	s25 =	simm.s32 $0x1000;
	v5 =	vperm.xlane v5, v4  }
0x6af: {  	[tilespmem:s25], [sflag:$0x1] =	stream.indirect_vreg.gather [hbm4b:s9+s3], $0x80, v6, vm0, $0xb8;
	[tilespmem:$0x10800] =	vst v63  }
0x6b0: {  	v5 =	vadd.s32 v3, v5;
	s25 =	simm.s32 $0x1800  }
0x6b1: {  	[tilespmem:s25], [sflag:$0x1] =	stream.indirect_vreg.gather [hbm4b:s10+s3], $0x80, v6, vm0, $0xb8;
	[tilespmem:$0x10800] =	vst v63  }
0x6b2: {  	s25 =	simm.s32 $0x2000  }
0x6b3: {  	[tilespmem:s25], [sflag:$0x1] =	stream.indirect_vreg.gather [hbm4b:s11+s3], $0x80, v6, vm0, $0xb8;
	[tilespmem:$0x10800] =	vst v63  }
0x6b4: {  	s25 =	simm.s32 $0x2800  }
0x6b5: {  	[tilespmem:s25], [sflag:$0x1] =	stream.indirect_vreg.gather [hbm4b:s2+s3], $0x80, v5, vm0, $0xb8;
	[tilespmem:$0x10800] =	vst v63  }
0x6b6: {  	s17 =	simm.s32 $0x3000  }
0x6b7: {  	[tilespmem:s17], [sflag:$0x1] =	stream.indirect_vreg.gather [hbm4b:s9+s3], $0x80, v5, vm0, $0xb8;
	[tilespmem:$0x10800] =	vst v63  }
0x6b8: {  	s0 =	simm.s32 $0x3800  }
0x6b9: {  	[tilespmem:s0], [sflag:$0x1] =	stream.indirect_vreg.gather [hbm4b:s10+s3], $0x80, v5, vm0, $0xb8;
	[tilespmem:$0x10800] =	vst v63  }
0x6ba: {  	s25 =	simm.s32 $0x4000  }
0x6bb: {  	[tilespmem:s25], [sflag:$0x1] =	stream.indirect_vreg.gather [hbm4b:s11+s3], $0x80, v5, vm0, $0xb8;
	[tilespmem:$0x10800] =	vst v63  }
0x6bc: {  	v5 =	vld [tilespmem:$0x7D0];
	_ =	sdelay $0x4  }
0x6bd: {  	v6 =	vshll.u32 v5, $0x3  }
0x6be: {  	v5 =	vand.u32 $0x7, v5;
	v6 =	vand.u32 $0xFFFFFFC0, v6  }
0x6bf: {  	v5 =	vor.u32 v5, v6  }
0x6c0: {  	v6 =	vperm.xlane v5, v2;
	_ =	sdelay $0x1  }
0x6c1: {  	v6 =	vadd.s32 v3, v6;
	_ =	sdelay $0x3  }
0x6c2: {  	s26 =	simm.s32 $0x4800  }
0x6c3: {  	[tilespmem:s26], [sflag:$0x1] =	stream.indirect_vreg.gather [hbm4b:s2+s3], $0x80, v6, vm0, $0xb8;
	[tilespmem:$0x10800] =	vst v63  }
0x6c4: {  	v5 =	vperm.xlane v5, v4;
	s26 =	simm.s32 $0x5000  }
0x6c5: {  	[tilespmem:s26], [sflag:$0x1] =	stream.indirect_vreg.gather [hbm4b:s9+s3], $0x80, v6, vm0, $0xb8;
	[tilespmem:$0x10800] =	vst v63  }
0x6c6: {  	s7 =	simm.s32 $0x5800;
	v5 =	vadd.s32 v3, v5  }
0x6c7: {  	[tilespmem:s7], [sflag:$0x1] =	stream.indirect_vreg.gather [hbm4b:s10+s3], $0x80, v6, vm0, $0xb8;
	[tilespmem:$0x10800] =	vst v63  }
0x6c8: {  	s28 =	simm.s32 $0x6000  }
0x6c9: {  	[tilespmem:s28], [sflag:$0x1] =	stream.indirect_vreg.gather [hbm4b:s11+s3], $0x80, v6, vm0, $0xb8;
	[tilespmem:$0x10800] =	vst v63  }
0x6ca: {  	s8 =	simm.s32 $0x6800  }
0x6cb: {  	[tilespmem:s8], [sflag:$0x1] =	stream.indirect_vreg.gather [hbm4b:s2+s3], $0x80, v5, vm0, $0xb8;
	[tilespmem:$0x10800] =	vst v63  }
0x6cc: {  	s12 =	simm.s32 $0x7000  }
0x6cd: {  	[tilespmem:s12], [sflag:$0x1] =	stream.indirect_vreg.gather [hbm4b:s9+s3], $0x80, v5, vm0, $0xb8;
	[tilespmem:$0x10800] =	vst v63  }
0x6ce: {  	s13 =	simm.s32 $0x7800  }
0x6cf: {  	[tilespmem:s13], [sflag:$0x1] =	stream.indirect_vreg.gather [hbm4b:s10+s3], $0x80, v5, vm0, $0xb8;
	[tilespmem:$0x10800] =	vst v63  }
0x6d0: {  	s8 =	sld [smem:$0x7EE];
	s12 =	simm.s32 $0x8000  }
0x6d1: {  	[tilespmem:s12], [sflag:$0x1] =	stream.indirect_vreg.gather [hbm4b:s11+s3], $0x80, v5, vm0, $0xb8;
	[tilespmem:$0x10800] =	vst v63  }
0x6d2: {  	_ = 	snop  }
0x6d3: {  	[hbm4b:s8+s3] =	stream.linear.scatter [tilespmem:s1], [sflag:$0x4], $0x8000, $0x38;
	[tilespmem:$0x10800] =	vst v63  }
0x6d4: {  	_ =	swait.ge [sflag:s31], $0x8000  }
0x6d5: {  	[sflag:s31] =	ssyncset.done $0x0  }
0x6d6: {  	[sflag:s31] =	ssyncadd.s32 $0xFFFF8000  }
0x6d7: {  	_ =	swait.ge [sflag:s24], $0x8000  }
0x6d8: {  	[sflag:s24] =	ssyncset.done $0x0  }
0x6d9: {  	[sflag:s24] =	ssyncadd.s32 $0xFFFF8000  }
0x6da: {  	v5 =	vld [tilespmem:$0x7E0];
	_ =	sdelay $0x4  }
0x6db: {  	v6 =	vshll.u32 v5, $0x3  }
0x6dc: {  	v5 =	vand.u32 $0x7, v5;
	v6 =	vand.u32 $0xFFFFFFC0, v6  }
0x6dd: {  	v5 =	vor.u32 v5, v6  }
0x6de: {  	v6 =	vperm.xlane v5, v2;
	_ =	sdelay $0x1  }
0x6df: {  	v6 =	vadd.s32 v3, v6;
	_ =	sdelay $0x4  }
0x6e0: {  	[tilespmem:s1], [sflag:$0x2] =	stream.indirect_vreg.gather [hbm4b:s2+s3], $0x80, v6, vm0, $0xb8;
	[tilespmem:$0x10800] =	vst v63  }
0x6e1: {  	s13 =	simm.s32 $0x9000;
	v5 =	vperm.xlane v5, v4  }
0x6e2: {  	[tilespmem:s13], [sflag:$0x2] =	stream.indirect_vreg.gather [hbm4b:s9+s3], $0x80, v6, vm0, $0xb8;
	[tilespmem:$0x10800] =	vst v63  }
0x6e3: {  	s17 =	simm.s32 $0x9800;
	v5 =	vadd.s32 v3, v5  }
0x6e4: {  	[tilespmem:s17], [sflag:$0x2] =	stream.indirect_vreg.gather [hbm4b:s10+s3], $0x80, v6, vm0, $0xb8;
	[tilespmem:$0x10800] =	vst v63  }
0x6e5: {  	s21 =	simm.s32 $0xA000  }
0x6e6: {  	[tilespmem:s21], [sflag:$0x2] =	stream.indirect_vreg.gather [hbm4b:s11+s3], $0x80, v6, vm0, $0xb8;
	[tilespmem:$0x10800] =	vst v63  }
0x6e7: {  	s30 =	simm.s32 $0xA800  }
0x6e8: {  	[tilespmem:s30], [sflag:$0x2] =	stream.indirect_vreg.gather [hbm4b:s2+s3], $0x80, v5, vm0, $0xb8;
	[tilespmem:$0x10800] =	vst v63  }
0x6e9: {  	s15 =	simm.s32 $0xB000  }
0x6ea: {  	[tilespmem:s15], [sflag:$0x2] =	stream.indirect_vreg.gather [hbm4b:s9+s3], $0x80, v5, vm0, $0xb8;
	[tilespmem:$0x10800] =	vst v63  }
0x6eb: {  	s14 =	simm.s32 $0xB800  }
0x6ec: {  	[tilespmem:s14], [sflag:$0x2] =	stream.indirect_vreg.gather [hbm4b:s10+s3], $0x80, v5, vm0, $0xb8;
	[tilespmem:$0x10800] =	vst v63  }
0x6ed: {  	s25 =	simm.s32 $0xC000  }
0x6ee: {  	[tilespmem:s25], [sflag:$0x2] =	stream.indirect_vreg.gather [hbm4b:s11+s3], $0x80, v5, vm0, $0xb8;
	[tilespmem:$0x10800] =	vst v63  }
0x6ef: {  	v5 =	vld [tilespmem:$0x7F0];
	_ =	sdelay $0x4  }
0x6f0: {  	v6 =	vshll.u32 v5, $0x3  }
0x6f1: {  	v5 =	vand.u32 $0x7, v5;
	v6 =	vand.u32 $0xFFFFFFC0, v6  }
0x6f2: {  	v5 =	vor.u32 v5, v6  }
0x6f3: {  	v6 =	vperm.xlane v5, v2;
	_ =	sdelay $0x1  }
0x6f4: {  	v6 =	vadd.s32 v3, v6;
	_ =	sdelay $0x3  }
0x6f5: {  	s26 =	simm.s32 $0xC800  }
0x6f6: {  	[tilespmem:s26], [sflag:$0x2] =	stream.indirect_vreg.gather [hbm4b:s2+s3], $0x80, v6, vm0, $0xb8;
	[tilespmem:$0x10800] =	vst v63  }
0x6f7: {  	s20 =	simm.s32 $0xD000;
	v5 =	vperm.xlane v5, v4  }
0x6f8: {  	[tilespmem:s20], [sflag:$0x2] =	stream.indirect_vreg.gather [hbm4b:s9+s3], $0x80, v6, vm0, $0xb8;
	[tilespmem:$0x10800] =	vst v63  }
0x6f9: {  	s16 =	simm.s32 $0xD800;
	v5 =	vadd.s32 v3, v5  }
0x6fa: {  	[tilespmem:s16], [sflag:$0x2] =	stream.indirect_vreg.gather [hbm4b:s10+s3], $0x80, v6, vm0, $0xb8;
	[tilespmem:$0x10800] =	vst v63  }
0x6fb: {  	s19 =	simm.s32 $0xE000  }
0x6fc: {  	[tilespmem:s19], [sflag:$0x2] =	stream.indirect_vreg.gather [hbm4b:s11+s3], $0x80, v6, vm0, $0xb8;
	[tilespmem:$0x10800] =	vst v63  }
0x6fd: {  	s6 =	simm.s32 $0xE800  }
0x6fe: {  	[tilespmem:s6], [sflag:$0x2] =	stream.indirect_vreg.gather [hbm4b:s2+s3], $0x80, v5, vm0, $0xb8;
	[tilespmem:$0x10800] =	vst v63  }
0x6ff: {  	s18 =	simm.s32 $0xF000  }
0x700: {  	[tilespmem:s18], [sflag:$0x2] =	stream.indirect_vreg.gather [hbm4b:s9+s3], $0x80, v5, vm0, $0xb8;
	[tilespmem:$0x10800] =	vst v63  }
0x701: {  	s29 =	simm.s32 $0xF800  }
0x702: {  	[tilespmem:s29], [sflag:$0x2] =	stream.indirect_vreg.gather [hbm4b:s10+s3], $0x80, v5, vm0, $0xb8;
	[tilespmem:$0x10800] =	vst v63  }
0x703: {  	s4 =	simm.s32 $0x10000;
	s28 =	sld [smem:$0x7EF]  }
0x704: {  	[tilespmem:s4], [sflag:$0x2] =	stream.indirect_vreg.gather [hbm4b:s11+s3], $0x80, v5, vm0, $0xb8;
	[tilespmem:$0x10800] =	vst v63  }
0x705: {  	_ = 	snop  }
0x706: {  	[hbm4b:s28+s3] =	stream.linear.scatter [tilespmem:s5], [sflag:$0x3], $0x8000, $0x38;
	[tilespmem:$0x10800] =	vst v63  }
0x707: {  	_ =	swait.ge [sflag:s22], $0x8000  }
0x708: {  	s29 =	sld [smem:$0x7F1]  }
0x709: {  	[sflag:s22] =	ssyncset.done $0x0;
	s30 =	sld [smem:$0x7ED]  }
0x70a: {  	[sflag:s22] =	ssyncadd.s32 $0xFFFF8000  }
0x70b: {  	[hbm4b:s29+s3] =	stream.linear.scatter [tilespmem:s1], [sflag:$0x4], $0x8000, $0x38;
	[tilespmem:$0x10800] =	vst v63  }
0x70c: {  	p0 =	sne.s32 s30, $0x1;
	_ =	swait.ge [sflag:s23], $0x8000  }
.Ltmp0:
0x70d: {  	[sflag:s23] =	ssyncset.done $0x0;
	(pc) =	sbr.rel @p0 .LBB2_1-.Ltmp0, $4  }
0x70e: {  	[sflag:s23] =	ssyncadd.s32 $0xFFFF8000  }
0x70f: {  	_ =	swait.ge [sflag:s24], $0x8000  }
0x710: {  	[sflag:s24] =	ssyncset.done $0x0  }
0x711: {  	s25 =	sadd.s32 $0xFFFFFFFF, s30;
	[sflag:s24] =	ssyncadd.s32 $0xFFFF8000  }
0x712: {  	_ =	sfence.sel $0x180000  }
0x713: {  	[bflag:$0x0] =	sbarrier.arrive $0xFFFF  }
0x714: {  	_ =	strace $0x90000047  }
0x715: {  	s0 =	stileid.u32;
	[bflag:$0x2] =	sbarrier.arrive $0xFFFF  }
0x716: {  	p0 =	sne.s32 s0, $0x0;
	s0 =	rddreg [dreg:$0x3]  }
0x717: {  	s0 =	sadd.s32 @!p0 $0x100000, s0  }
0x718: {  	[sflag:s0] =	ssyncadd.tile.s32 @!p0 $0x1;
	_ =	shalt  }
.Lfunc_end2:
_tile_overlayer_lowered:
.L_overlay_start_2:
0x719: {  	(tag) =	ssettag $0x2  }
0x71a: {  	s0 =	rddreg [dreg:$0x0];
	s2 =	stileid.u32  }
0x71b: {  	s1 =	rddreg [dreg:$0x1];
	p0 =	sne.s32 s2, $0x0  }
0x71c: {  	s3 =	rddreg [dreg:$0x2];
	[bflag:$0x3] =	sbarrier.arrive $0xFFFF;
	s2 =	simm.s32 @!p0 $0x1C05  }
0x71d: {  	[timem:s3], [sflag:s2] =	dma.local @!p0 [hbm:s0], s1  }
0x71e: {  	s0 =	simm.s32 @!p0 $0x5  }
0x71f: {  	_ =	swait.ge @!p0 [sflag:s0], s1  }
0x720: {  	s1 =	ssub.s32 @!p0 $0x0, s1;
	[sflag:s0] =	ssyncset.done @!p0 $0x0  }
0x721: {  	[sflag:s0] =	ssyncadd.s32 @!p0 s1  }
0x722: {  	[bflag:$0x3] =	sbarrier.arrive $0xFFFF  }
0x723: {  	_ =	shalt  }

</sc_bundles>
